<compile_context>
chip_gen: v7x
topology: tpu7x:2x2x1
jax: 0.10.2.dev20260603
libtpu: 0.0.44.dev20260713+nightly
codegen_flags: <defaults>
</compile_context>

<pallas_src>
import jax
import jax.numpy as jnp
from jax import lax
from jax.experimental import pallas as pl
from jax.experimental.pallas import tpu as pltpu
from jax.experimental.pallas import tpu_sc as plsc

N = 10000
E = 160000
DB = 2048
DF = 512
NC, NS = 2, 16
NW = NC * NS
NPAD = 10016
EPT = 5120
E_PAD = NW * EPT
ROWS_PT = EPT // 128
NB = EPT // 16
ZR = NPAD // NS
DQ = 512


def _mlp_body(x_ref, w1_ref, b1_ref, g_ref, bt_ref, pa_ref, w2_ref, b2_ref,
              wbp_ref, cb_ref, wfp_ref, cf_ref, qb_ref, qf_ref):
    x = x_ref[...]
    h = x[:, 0:1] * w1_ref[0:1, :] + x[:, 1:2] * w1_ref[1:2, :] + b1_ref[...]
    mu = jnp.mean(h, axis=0, keepdims=True)
    var = jnp.mean((h - mu) * (h - mu), axis=0, keepdims=True)
    h = (h - mu) / jnp.sqrt(var + 1e-5) * g_ref[...] + bt_ref[...]
    a = pa_ref[0, 0]
    h = jnp.where(h >= 0, h, a * h)
    hp = jax.lax.Precision.HIGHEST
    h = jnp.dot(h, w2_ref[...], precision=hp,
                preferred_element_type=jnp.float32) + b2_ref[...]
    qb_ref[...] = jnp.dot(h, wbp_ref[...], precision=hp,
                          preferred_element_type=jnp.float32) + cb_ref[0, 0]
    qf_ref[...] = jnp.dot(h, wfp_ref[...], precision=hp,
                          preferred_element_type=jnp.float32) + cf_ref[0, 0]


def _scale_body(vb_ref, vf_ref, qb_ref, qf_ref,
                vsb_ref, vdb_ref, vsf_ref, vdf_ref):
    vb = vb_ref[...]
    vf = vf_ref[...]
    rb = 1.0 / (jnp.sqrt(jnp.sum(vb * vb, axis=1, keepdims=True)) + 1e-8)
    rf = 1.0 / (jnp.sqrt(jnp.sum(vf * vf, axis=1, keepdims=True)) + 1e-8)
    vdb_ref[...] = vb * rb
    vdf_ref[...] = vf * rf
    vsb_ref[...] = vb * (rb * qb_ref[...])
    vsf_ref[...] = vf * (rf * qf_ref[...])


def _sc_body(vsb, vdb, vsf, vdf, srcb, dstb, srcf, dstf, out,
             s2, d2, sbufa, sbufb, dbufa, dbufb, pvbufa, pvbufb, zbuf,
             acc_sh, ssema, ssemb, dsema, dsemb, wsema, wsemb):
    sbufs = (sbufa, sbufb)
    dbufs = (dbufa, dbufb)
    pvbufs = (pvbufa, pvbufb)
    wsems = (wsema, wsemb)
    ssems = (ssema, ssemb)
    dsems = (dsema, dsemb)
    cid = lax.axis_index("c")
    sid = lax.axis_index("s")
    wid = sid * NC + cid
    zeros16 = jnp.zeros((16,), jnp.float32)

    def _z(i, _):
        zbuf[i, pl.ds(0, 16)] = zeros16
        return 0
    lax.fori_loop(0, ZR, _z, 0)
    pltpu.sync_copy(zbuf, acc_sh.at[pl.ds(sid * ZR, ZR)])
    plsc.subcore_barrier()

    for (vs, vd, src_h, dst_h, npass) in (
        (vsb, vdb, srcb, dstb, DB // DQ),
        (vsf, vdf, srcf, dstf, DF // DQ),
    ):
        nseg = NB * npass
        pltpu.sync_copy(src_h.at[pl.ds(wid * ROWS_PT, ROWS_PT)], s2)
        pltpu.sync_copy(dst_h.at[pl.ds(wid * ROWS_PT, ROWS_PT)], d2)

        def _sidx(t, npass=npass):
            j = t // npass
            k = t % npass
            r = j // 8
            o = (j % 8) * 16
            return (s2[r, pl.ds(o, 16)] * npass + k,
                    d2[r, pl.ds(o, 16)] * npass + k,
                    d2[r, pl.ds(o, 16)])

        s16, dd16, _ = _sidx(0)
        pltpu.async_copy(vs.at[s16], sbufs[0], ssems[0])
        pltpu.async_copy(vd.at[dd16], dbufs[0], dsems[0])

        def _pair(g, _, vs=vs, vd=vd, npass=npass, nseg=nseg, _sidx=_sidx):
            for b in range(2):
                t = g * 2 + b
                tn = jnp.minimum(t + 1, nseg - 1)
                s16n, d16n, _ = _sidx(tn)
                pltpu.async_copy(vs.at[s16n], sbufs[1 - b], ssems[1 - b])
                pltpu.async_copy(vd.at[d16n], dbufs[1 - b], dsems[1 - b])
                pltpu.make_async_copy(vs.at[s16n], sbufs[b], ssems[b]).wait()
                pltpu.make_async_copy(vd.at[d16n], dbufs[b], dsems[b]).wait()
                sbuf = sbufs[b]
                dbuf = dbufs[b]
                pvbuf = pvbufs[b]
                pltpu.make_async_copy(pvbuf, acc_sh.at[_sidx(t)[2]], wsems[b]).wait()
                def _edge(h, _, sbuf=sbuf, dbuf=dbuf):
                    for q in range(2):
                        e = h * 2 + q
                        accs = [zeros16] * 4
                        for c in range(DQ // 16):
                            accs[c % 4] = accs[c % 4] + (
                                sbuf[e, pl.ds(c * 16, 16)] *
                                dbuf[e, pl.ds(c * 16, 16)])
                        pvbuf[e, pl.ds(0, 16)] = ((accs[0] + accs[1]) +
                                                  (accs[2] + accs[3]))
                    return 0
                lax.fori_loop(0, 8, _edge, 0)
                _, _, d16 = _sidx(t)
                pltpu.async_copy(pvbuf, acc_sh.at[d16], wsems[b], add=True)
            return 0
        trash16 = lax.iota(jnp.int32, 16) + N
        pltpu.async_copy(pvbufa, acc_sh.at[trash16], wsema, add=True)
        pltpu.async_copy(pvbufb, acc_sh.at[trash16], wsemb, add=True)
        lax.fori_loop(0, nseg // 2, _pair, 0)
        pltpu.make_async_copy(pvbufa, acc_sh.at[trash16], wsema).wait()
        pltpu.make_async_copy(pvbufb, acc_sh.at[trash16], wsemb).wait()

        s16, dd16, _ = _sidx(nseg - 1)
        pltpu.make_async_copy(vs.at[s16], sbufs[0], ssems[0]).wait()
        pltpu.make_async_copy(vd.at[dd16], dbufs[0], dsems[0]).wait()

    plsc.subcore_barrier()
    @pl.when(sid == 0)
    def _():
        pltpu.sync_copy(acc_sh, out.at[cid])


def _reduce_body(part_ref, pb_ref, pf_ref, out_ref):
    s = jnp.sum(part_ref[...], axis=(0, 2)) + pb_ref[0, 0] + pf_ref[0, 0]
    out_ref[...] = s[None, :]


def kernel(x, edge_index_body, edge_index_face, visual_body, visual_face,
           W1, b1, bn_gamma, bn_beta, prelu_a, W2, b2,
           Wb, bb, Wf, bf, Pb, pb, Pf, pf):
    f32 = jnp.float32

    qb, qf = pl.pallas_call(
        _mlp_body,
        out_shape=(jax.ShapeDtypeStruct((N, 1), f32),
                   jax.ShapeDtypeStruct((N, 1), f32)),
    )(x, W1, b1.reshape(1, -1), bn_gamma.reshape(1, -1), bn_beta.reshape(1, -1),
      prelu_a.reshape(1, 1), W2, b2.reshape(1, -1),
      jnp.dot(Wb, Pb, precision=jax.lax.Precision.HIGHEST),
      (bb @ Pb).reshape(1, 1),
      jnp.dot(Wf, Pf, precision=jax.lax.Precision.HIGHEST),
      (bf @ Pf).reshape(1, 1))

    R = 400
    vsb, vdb, vsf, vdf = pl.pallas_call(
        _scale_body,
        grid=(N // R,),
        in_specs=[pl.BlockSpec((R, DB), lambda i: (i, 0)),
                  pl.BlockSpec((R, DF), lambda i: (i, 0)),
                  pl.BlockSpec((R, 1), lambda i: (i, 0)),
                  pl.BlockSpec((R, 1), lambda i: (i, 0))],
        out_specs=[pl.BlockSpec((R, DB), lambda i: (i, 0)),
                   pl.BlockSpec((R, DB), lambda i: (i, 0)),
                   pl.BlockSpec((R, DF), lambda i: (i, 0)),
                   pl.BlockSpec((R, DF), lambda i: (i, 0))],
        out_shape=(jax.ShapeDtypeStruct((N, DB), f32),
                   jax.ShapeDtypeStruct((N, DB), f32),
                   jax.ShapeDtypeStruct((N, DF), f32),
                   jax.ShapeDtypeStruct((N, DF), f32)),
    )(visual_body, visual_face, qb, qf)

    def _pad_edges(ei):
        s = jnp.concatenate([ei[0], jnp.zeros((E_PAD - E,), jnp.int32)])
        d = jnp.concatenate([ei[1], jnp.full((E_PAD - E,), N, jnp.int32)])
        return s.reshape(E_PAD // 128, 128), d.reshape(E_PAD // 128, 128)

    srcb, dstb = _pad_edges(edge_index_body)
    srcf, dstf = _pad_edges(edge_index_face)

    sc_fn = pl.kernel(
        _sc_body,
        out_type=jax.ShapeDtypeStruct((NC, NPAD, 16), f32),
        mesh=plsc.VectorSubcoreMesh(core_axis_name="c", subcore_axis_name="s"),
        compiler_params=pltpu.CompilerParams(use_tc_tiling_on_sc=False),
        scratch_types=[
            pltpu.VMEM((ROWS_PT, 128), jnp.int32),
            pltpu.VMEM((ROWS_PT, 128), jnp.int32),
            pltpu.VMEM((16, DQ), f32),
            pltpu.VMEM((16, DQ), f32),
            pltpu.VMEM((16, DQ), f32),
            pltpu.VMEM((16, DQ), f32),
            pltpu.VMEM((16, 16), f32),
            pltpu.VMEM((16, 16), f32),
            pltpu.VMEM((ZR, 16), f32),
            pltpu.VMEM_SHARED((NPAD, 16), f32),
            pltpu.SemaphoreType.DMA,
            pltpu.SemaphoreType.DMA,
            pltpu.SemaphoreType.DMA,
            pltpu.SemaphoreType.DMA,
            pltpu.SemaphoreType.DMA,
            pltpu.SemaphoreType.DMA,
        ],
    )
    partial = sc_fn(vsb.reshape(N * (DB // DQ), DQ), vdb.reshape(N * (DB // DQ), DQ),
                    vsf, vdf, srcb, dstb, srcf, dstf)

    out2 = pl.pallas_call(
        _reduce_body,
        out_shape=jax.ShapeDtypeStruct((1, NPAD), f32),
    )(partial, pb.reshape(1, 1), pf.reshape(1, 1))

    return out2[0, :N]

# --- scband reference (transcript-rebuilt; emitter-appended) ---
"""Pipeline reference for scband-body-face-20023137534018 (READ-ONLY COPY).

The authoritative reference and input builder live on the scoring server;
editing this copy changes nothing except your own understanding.
"""

import jax, jax.numpy as jnp
import numpy as np

N = 10000
E = 160000
D_VIS_BODY = 2048
D_VIS_FACE = 512
H = 32
N_CHUNKS = 10


def _cos_conv(h, vis, src, dst, W, b):
    # cosine similarity between visual features of src/dst nodes as edge weights
    vn = vis / (jnp.linalg.norm(vis, axis=1, keepdims=True) + 1e-8)
    src2 = src.reshape(N_CHUNKS, -1)
    dst2 = dst.reshape(N_CHUNKS, -1)

    def _chunk(pair):
        s, d = pair
        return jnp.sum(vn[s] * vn[d], axis=1)

    sim = jax.lax.map(_chunk, (src2, dst2)).reshape(-1)
    m = h @ W + b
    msg = m[src] * sim[:, None]
    return jax.ops.segment_sum(msg, dst, num_segments=h.shape[0])


def _forward(x, eib, eif, vb, vf, W1, b1, bn_gamma, bn_beta, prelu_a, W2, b2,
             Wb, bb, Wf, bf, Pb, pb, Pf, pf):
    # input_mlp: Linear(2,32) -> BatchNorm1d(32) (training-mode batch stats) -> PReLU -> Dropout(p=0) -> Linear(32,32)
    h = x @ W1 + b1
    mu = jnp.mean(h, axis=0)
    var = jnp.var(h, axis=0)
    h = (h - mu) / jnp.sqrt(var + 1e-5) * bn_gamma + bn_beta
    h = jnp.where(h >= 0, h, prelu_a * h)
    h = h @ W2 + b2
    # shared features fed into body and face CMCosConv branches
    hb = _cos_conv(h, vb, eib[0], eib[1], Wb, bb)
    hf = _cos_conv(h, vf, eif[0], eif[1], Wf, bf)
    sb = jnp.squeeze(hb @ Pb + pb, axis=-1)
    sf = jnp.squeeze(hf @ Pf + pf, axis=-1)
    return sb + sf


def setup_inputs(seed: int = 0):
    key = jax.random.key(seed)
    ks = jax.random.split(key, 16)
    inp = {}
    inp["x"] = jax.random.normal(ks[0], (N, 2), dtype=jnp.float32)
    inp["edge_index_body"] = jax.random.randint(ks[1], (2, E), 0, N, dtype=jnp.int32)
    inp["edge_index_face"] = jax.random.randint(ks[2], (2, E), 0, N, dtype=jnp.int32)
    inp["visual_body"] = jax.random.normal(ks[3], (N, D_VIS_BODY), dtype=jnp.float32)
    inp["visual_face"] = jax.random.normal(ks[4], (N, D_VIS_FACE), dtype=jnp.float32)
    inp["W1"] = jax.random.normal(ks[5], (2, H), dtype=jnp.float32) / np.sqrt(2.0)
    inp["b1"] = jnp.zeros((H,), dtype=jnp.float32)
    inp["bn_gamma"] = jnp.ones((H,), dtype=jnp.float32)
    inp["bn_beta"] = jnp.zeros((H,), dtype=jnp.float32)
    inp["prelu_a"] = jnp.float32(0.25)
    inp["W2"] = jax.random.normal(ks[6], (H, H), dtype=jnp.float32) / np.sqrt(float(H))
    inp["b2"] = jnp.zeros((H,), dtype=jnp.float32)
    inp["Wb"] = jax.random.normal(ks[7], (H, H), dtype=jnp.float32) / np.sqrt(float(H))
    inp["bb"] = jnp.zeros((H,), dtype=jnp.float32)
    inp["Wf"] = jax.random.normal(ks[8], (H, H), dtype=jnp.float32) / np.sqrt(float(H))
    inp["bf"] = jnp.zeros((H,), dtype=jnp.float32)
    inp["Pb"] = jax.random.normal(ks[9], (H, 1), dtype=jnp.float32) / np.sqrt(float(H))
    inp["pb"] = jnp.zeros((1,), dtype=jnp.float32)
    inp["Pf"] = jax.random.normal(ks[10], (H, 1), dtype=jnp.float32) / np.sqrt(float(H))
    inp["pf"] = jnp.zeros((1,), dtype=jnp.float32)
    return inp


def reference(x, edge_index_body, edge_index_face, visual_body, visual_face,
              W1, b1, bn_gamma, bn_beta, prelu_a, W2, b2,
              Wb, bb, Wf, bf, Pb, pb, Pf, pf):
    return _forward(x, edge_index_body, edge_index_face, visual_body, visual_face,
                    W1, b1, bn_gamma, bn_beta, prelu_a, W2, b2,
                    Wb, bb, Wf, bf, Pb, pb, Pf, pf)

if __name__ == "__main__":
    import jax
    _d = setup_inputs()
    print(jax.jit(kernel)(*tuple(_d.values())))

</pallas_src>

<mosaic_0001>
#map = affine_map<(d0, d1) -> (0, 0)>
#map1 = affine_map<(d0, d1) -> (0, 0, 0)>
module attributes {stable_mosaic.version = 14 : i64} {
  func.func @_sc_body(%arg0: i32, %arg1: i32, %arg2: memref<40000x512xf32, #tpu.memory_space<hbm>>, %arg3: memref<40000x512xf32, #tpu.memory_space<hbm>>, %arg4: memref<10000x512xf32, #tpu.memory_space<hbm>>, %arg5: memref<10000x512xf32, #tpu.memory_space<hbm>>, %arg6: memref<1280x128xi32, #tpu.memory_space<hbm>>, %arg7: memref<1280x128xi32, #tpu.memory_space<hbm>>, %arg8: memref<1280x128xi32, #tpu.memory_space<hbm>>, %arg9: memref<1280x128xi32, #tpu.memory_space<hbm>>, %arg10: memref<2x10016x16xf32, #tpu.memory_space<hbm>>, %arg11: memref<40x128xi32, #tpu.memory_space<vmem>>, %arg12: memref<40x128xi32, #tpu.memory_space<vmem>>, %arg13: memref<16x512xf32, #tpu.memory_space<vmem>>, %arg14: memref<16x512xf32, #tpu.memory_space<vmem>>, %arg15: memref<16x512xf32, #tpu.memory_space<vmem>>, %arg16: memref<16x512xf32, #tpu.memory_space<vmem>>, %arg17: memref<16x16xf32, #tpu.memory_space<vmem>>, %arg18: memref<16x16xf32, #tpu.memory_space<vmem>>, %arg19: memref<626x16xf32, #tpu.memory_space<vmem>>, %arg20: memref<10016x16xf32, #tpu.memory_space<vmem_shared>>, %arg21: memref<!tpu.dma_semaphore, #tpu.memory_space<semaphore_mem>>, %arg22: memref<!tpu.dma_semaphore, #tpu.memory_space<semaphore_mem>>, %arg23: memref<!tpu.dma_semaphore, #tpu.memory_space<semaphore_mem>>, %arg24: memref<!tpu.dma_semaphore, #tpu.memory_space<semaphore_mem>>, %arg25: memref<!tpu.dma_semaphore, #tpu.memory_space<semaphore_mem>>, %arg26: memref<!tpu.dma_semaphore, #tpu.memory_space<semaphore_mem>>) attributes {dimension_semantics = [#tpu.dimension_semantics<core_parallel>, #tpu.dimension_semantics<subcore_parallel>], iteration_bounds = array<i64: 2, 16>, scalar_prefetch = 0 : i64, scratch_operands = 16 : i64, tpu.core_type = #tpu.core_type<sc_vector_subcore>, window_params = [{transform_indices = #map}, {transform_indices = #map}, {transform_indices = #map}, {transform_indices = #map}, {transform_indices = #map}, {transform_indices = #map}, {transform_indices = #map}, {transform_indices = #map}, {transform_indices = #map1}]} {
    %mul3A = arith.constant 2 : i32
    %mul3A_0 = arith.muli %arg1, %mul3A : i32
    %add3A = arith.addi %mul3A_0, %arg0 : i32
    %broadcast_in_dim3A = arith.constant 0.000000e+00 : f32
    %broadcast_in_dim3A_1 = vector.broadcast %broadcast_in_dim3A : f32 to vector<16xf32>
    %scan3A = arith.constant 0 : i32
    %scan3A_2 = arith.constant 0 : i32
    %scan3A_3 = arith.constant 626 : i32
    %scan3A_4 = arith.addi %scan3A_2, %scan3A_3 : i32
    %scan3A_5 = arith.constant 1 : i32
    %scan3A_6 = scf.for %scan3A_195 = %scan3A_2 to %scan3A_4 step %scan3A_5 iter_args(%scan3A_196 = %scan3A) -> (i32)  : i32 {
      %swap3A = arith.index_cast %scan3A_195 : i32 to index
      %swap3A_197 = arith.constant 0 : index
      %swap3A_198 = tpu.vector_load %arg19[%swap3A, %swap3A_197] {strides = array<i32>} : memref<626x16xf32, #tpu.memory_space<vmem>>, vector<1x16xf32>,
      %swap3A_199 = vector.shape_cast %swap3A_198 : vector<1x16xf32> to vector<16xf32>
      %swap3A_200 = vector.shape_cast %broadcast_in_dim3A_1 : vector<16xf32> to vector<1x16xf32>
      tpu.vector_store %arg19[%swap3A, %swap3A_197], %swap3A_200 {strides = array<i32>} : memref<626x16xf32, #tpu.memory_space<vmem>>, vector<1x16xf32>,
      %scan3A_201 = arith.constant 0 : i32
      scf.yield %scan3A_201 : i32
    }
    %scan3A_7 = arith.constant 626 : i32
    %mul3A_8 = arith.constant 626 : i32
    %mul3A_9 = arith.muli %arg1, %mul3A_8 : i32
    "tpu.region"() ({
      %run_scoped3A = tpu.sem_alloc : memref<!tpu.dma_semaphore, #tpu.memory_space<semaphore_mem>>
      %dma_start3A_195 = arith.constant 0 : i32
      %dma_start3A_196 = tpu.memref_slice %arg20[%mul3A_9, %dma_start3A_195] : memref<10016x16xf32, #tpu.memory_space<vmem_shared>> -> memref<626x16xf32, #tpu.memory_space<vmem_shared>>
      %dma_start3A_197 = arith.constant 0 : i32
      %dma_start3A_198 = tpu.memref_slice %arg20[%mul3A_9, %dma_start3A_197] : memref<10016x16xf32, #tpu.memory_space<vmem_shared>> -> memref<626x16xf32, #tpu.memory_space<vmem_shared>>
      tpu.enqueue_dma source(%arg19 : memref<626x16xf32, #tpu.memory_space<vmem>>) target(%dma_start3A_198 : memref<626x16xf32, #tpu.memory_space<vmem_shared>>) target_semaphore(%run_scoped3A : memref<!tpu.dma_semaphore, #tpu.memory_space<semaphore_mem>>)
      %dma_wait3A_199 = arith.constant 0 : i32
      %dma_wait3A_200 = tpu.memref_slice %arg20[%mul3A_9, %dma_wait3A_199] : memref<10016x16xf32, #tpu.memory_space<vmem_shared>> -> memref<626x16xf32, #tpu.memory_space<vmem_shared>>
      %dma_wait3A_201 = arith.constant 0 : i32
      %dma_wait3A_202 = tpu.memref_slice %arg20[%mul3A_9, %dma_wait3A_201] : memref<10016x16xf32, #tpu.memory_space<vmem_shared>> -> memref<626x16xf32, #tpu.memory_space<vmem_shared>>
      tpu.wait_dma2 semaphore(%run_scoped3A : memref<!tpu.dma_semaphore, #tpu.memory_space<semaphore_mem>>) src(%arg19 : memref<626x16xf32, #tpu.memory_space<vmem>>) dst(%dma_wait3A_202 : memref<626x16xf32, #tpu.memory_space<vmem_shared>>)
      tpu.yield
    }) : () -> ()
    %barrier3A = arith.constant 0 : index
    tpu.barrier barrier_id(%barrier3A)
    %mul3A_10 = arith.constant 40 : i32
    %mul3A_11 = arith.muli %add3A, %mul3A_10 : i32
    "tpu.region"() ({
      %run_scoped3A = tpu.sem_alloc : memref<!tpu.dma_semaphore, #tpu.memory_space<semaphore_mem>>
      %dma_start3A_195 = arith.constant 0 : i32
      %dma_start3A_196 = tpu.memref_slice %arg6[%mul3A_11, %dma_start3A_195] : memref<1280x128xi32, #tpu.memory_space<hbm>> -> memref<40x128xi32, #tpu.memory_space<hbm>>
      %dma_start3A_197 = arith.constant 0 : i32
      %dma_start3A_198 = tpu.memref_slice %arg6[%mul3A_11, %dma_start3A_197] : memref<1280x128xi32, #tpu.memory_space<hbm>> -> memref<40x128xi32, #tpu.memory_space<hbm>>
      tpu.enqueue_dma source(%dma_start3A_198 : memref<40x128xi32, #tpu.memory_space<hbm>>) target(%arg11 : memref<40x128xi32, #tpu.memory_space<vmem>>) target_semaphore(%run_scoped3A : memref<!tpu.dma_semaphore, #tpu.memory_space<semaphore_mem>>)
      %dma_wait3A_199 = arith.constant 0 : i32
      %dma_wait3A_200 = tpu.memref_slice %arg6[%mul3A_11, %dma_wait3A_199] : memref<1280x128xi32, #tpu.memory_space<hbm>> -> memref<40x128xi32, #tpu.memory_space<hbm>>
      %dma_wait3A_201 = arith.constant 0 : i32
      %dma_wait3A_202 = tpu.memref_slice %arg6[%mul3A_11, %dma_wait3A_201] : memref<1280x128xi32, #tpu.memory_space<hbm>> -> memref<40x128xi32, #tpu.memory_space<hbm>>
      tpu.wait_dma2 semaphore(%run_scoped3A : memref<!tpu.dma_semaphore, #tpu.memory_space<semaphore_mem>>) src(%dma_wait3A_202 : memref<40x128xi32, #tpu.memory_space<hbm>>) dst(%arg11 : memref<40x128xi32, #tpu.memory_space<vmem>>)
      tpu.yield
    }) : () -> ()
    %mul3A_12 = arith.constant 40 : i32
    %mul3A_13 = arith.muli %add3A, %mul3A_12 : i32
    "tpu.region"() ({
      %run_scoped3A = tpu.sem_alloc : memref<!tpu.dma_semaphore, #tpu.memory_space<semaphore_mem>>
      %dma_start3A_195 = arith.constant 0 : i32
      %dma_start3A_196 = tpu.memref_slice %arg7[%mul3A_13, %dma_start3A_195] : memref<1280x128xi32, #tpu.memory_space<hbm>> -> memref<40x128xi32, #tpu.memory_space<hbm>>
      %dma_start3A_197 = arith.constant 0 : i32
      %dma_start3A_198 = tpu.memref_slice %arg7[%mul3A_13, %dma_start3A_197] : memref<1280x128xi32, #tpu.memory_space<hbm>> -> memref<40x128xi32, #tpu.memory_space<hbm>>
      tpu.enqueue_dma source(%dma_start3A_198 : memref<40x128xi32, #tpu.memory_space<hbm>>) target(%arg12 : memref<40x128xi32, #tpu.memory_space<vmem>>) target_semaphore(%run_scoped3A : memref<!tpu.dma_semaphore, #tpu.memory_space<semaphore_mem>>)
      %dma_wait3A_199 = arith.constant 0 : i32
      %dma_wait3A_200 = tpu.memref_slice %arg7[%mul3A_13, %dma_wait3A_199] : memref<1280x128xi32, #tpu.memory_space<hbm>> -> memref<40x128xi32, #tpu.memory_space<hbm>>
      %dma_wait3A_201 = arith.constant 0 : i32
      %dma_wait3A_202 = tpu.memref_slice %arg7[%mul3A_13, %dma_wait3A_201] : memref<1280x128xi32, #tpu.memory_space<hbm>> -> memref<40x128xi32, #tpu.memory_space<hbm>>
      tpu.wait_dma2 semaphore(%run_scoped3A : memref<!tpu.dma_semaphore, #tpu.memory_space<semaphore_mem>>) src(%dma_wait3A_202 : memref<40x128xi32, #tpu.memory_space<hbm>>) dst(%arg12 : memref<40x128xi32, #tpu.memory_space<vmem>>)
      tpu.yield
    }) : () -> ()
    %get3A = arith.constant 0 : i32
    %get3A_14 = arith.index_cast %get3A : i32 to index
    %get3A_15 = arith.constant 0 : index
    %get3A_16 = tpu.vector_load %arg11[%get3A_14, %get3A_15] {strides = array<i32>} : memref<40x128xi32, #tpu.memory_space<vmem>>, vector<1x16xi32>,
    %get3A_17 = vector.shape_cast %get3A_16 : vector<1x16xi32> to vector<16xi32>
    %mul3A_18 = arith.constant 4 : i32
    %mul3A_19 = vector.broadcast %mul3A_18 : i32 to vector<16xi32>
    %mul3A_20 = arith.muli %get3A_17, %mul3A_19 : vector<16xi32>
    %add3A_21 = arith.constant 0 : i32
    %add3A_22 = vector.broadcast %add3A_21 : i32 to vector<16xi32>
    %add3A_23 = arith.addi %mul3A_20, %add3A_22 : vector<16xi32>
    %get3A_24 = arith.constant 0 : i32
    %get3A_25 = arith.index_cast %get3A_24 : i32 to index
    %get3A_26 = arith.constant 0 : index
    %get3A_27 = tpu.vector_load %arg12[%get3A_25, %get3A_26] {strides = array<i32>} : memref<40x128xi32, #tpu.memory_space<vmem>>, vector<1x16xi32>,
    %get3A_28 = vector.shape_cast %get3A_27 : vector<1x16xi32> to vector<16xi32>
    %mul3A_29 = arith.constant 4 : i32
    %mul3A_30 = vector.broadcast %mul3A_29 : i32 to vector<16xi32>
    %mul3A_31 = arith.muli %get3A_28, %mul3A_30 : vector<16xi32>
    %add3A_32 = arith.constant 0 : i32
    %add3A_33 = vector.broadcast %add3A_32 : i32 to vector<16xi32>
    %add3A_34 = arith.addi %mul3A_31, %add3A_33 : vector<16xi32>
    %get3A_35 = arith.constant 0 : i32
    %get3A_36 = arith.index_cast %get3A_35 : i32 to index
    %get3A_37 = arith.constant 0 : index
    %get3A_38 = tpu.vector_load %arg12[%get3A_36, %get3A_37] {strides = array<i32>} : memref<40x128xi32, #tpu.memory_space<vmem>>, vector<1x16xi32>,
    %get3A_39 = vector.shape_cast %get3A_38 : vector<1x16xi32> to vector<16xi32>
    %dma_start3A = arith.constant 0 : i32
    %dma_start3A_40 = arith.constant 0 : i32
    %dma_start3A_41 = tpu.memref_slice %arg2[%dma_start3A, %dma_start3A_40] : memref<40000x512xf32, #tpu.memory_space<hbm>> -> memref<40000x512xf32, #tpu.memory_space<hbm>>
    tpu.enqueue_indirect_dma source(%dma_start3A_41 : memref<40000x512xf32, #tpu.memory_space<hbm>>) target(%arg13 : memref<16x512xf32, #tpu.memory_space<vmem>>) offsets(%add3A_23 : vector<16xi32>) semaphore(%arg21 : memref<!tpu.dma_semaphore, #tpu.memory_space<semaphore_mem>>)
    %dma_start3A_42 = arith.constant 0 : i32
    %dma_start3A_43 = arith.constant 0 : i32
    %dma_start3A_44 = tpu.memref_slice %arg3[%dma_start3A_42, %dma_start3A_43] : memref<40000x512xf32, #tpu.memory_space<hbm>> -> memref<40000x512xf32, #tpu.memory_space<hbm>>
    tpu.enqueue_indirect_dma source(%dma_start3A_44 : memref<40000x512xf32, #tpu.memory_space<hbm>>) target(%arg15 : memref<16x512xf32, #tpu.memory_space<vmem>>) offsets(%add3A_34 : vector<16xi32>) semaphore(%arg23 : memref<!tpu.dma_semaphore, #tpu.memory_space<semaphore_mem>>)
    %iota3A = tpu.iota {dimensions = array<i32: 0>} : vector<16xi32>
    %add3A_45 = arith.constant 10000 : i32
    %add3A_46 = vector.broadcast %add3A_45 : i32 to vector<16xi32>
    %add3A_47 = arith.addi %iota3A, %add3A_46 : vector<16xi32>
    %dma_start3A_48 = arith.constant 0 : i32
    %dma_start3A_49 = arith.constant 0 : i32
    %dma_start3A_50 = tpu.memref_slice %arg20[%dma_start3A_48, %dma_start3A_49] : memref<10016x16xf32, #tpu.memory_space<vmem_shared>> -> memref<10016x16xf32, #tpu.memory_space<vmem_shared>>
    tpu.enqueue_indirect_dma source(%arg17 : memref<16x16xf32, #tpu.memory_space<vmem>>) target(%dma_start3A_50 : memref<10016x16xf32, #tpu.memory_space<vmem_shared>>) offsets(%add3A_47 : vector<16xi32>) semaphore(%arg25 : memref<!tpu.dma_semaphore, #tpu.memory_space<semaphore_mem>>) {add = true}
    %dma_start3A_51 = arith.constant 0 : i32
    %dma_start3A_52 = arith.constant 0 : i32
    %dma_start3A_53 = tpu.memref_slice %arg20[%dma_start3A_51, %dma_start3A_52] : memref<10016x16xf32, #tpu.memory_space<vmem_shared>> -> memref<10016x16xf32, #tpu.memory_space<vmem_shared>>
    tpu.enqueue_indirect_dma source(%arg18 : memref<16x16xf32, #tpu.memory_space<vmem>>) target(%dma_start3A_53 : memref<10016x16xf32, #tpu.memory_space<vmem_shared>>) offsets(%add3A_47 : vector<16xi32>) semaphore(%arg26 : memref<!tpu.dma_semaphore, #tpu.memory_space<semaphore_mem>>) {add = true}
    %scan3A_54 = arith.constant 0 : i32
    %scan3A_55 = arith.constant 0 : i32
    %scan3A_56 = arith.constant 640 : i32
    %scan3A_57 = arith.addi %scan3A_55, %scan3A_56 : i32
    %scan3A_58 = arith.constant 1 : i32
    %scan3A_59 = scf.for %scan3A_195 = %scan3A_55 to %scan3A_57 step %scan3A_58 iter_args(%scan3A_196 = %scan3A_54) -> (i32)  : i32 {
      %mul3A_197 = arith.constant 2 : i32
      %mul3A_198 = arith.muli %scan3A_195, %mul3A_197 : i32
      %add3A_199 = arith.constant 0 : i32
      %add3A_200 = arith.addi %mul3A_198, %add3A_199 : i32
      %add3A_201 = arith.constant 1 : i32
      %add3A_202 = arith.addi %add3A_200, %add3A_201 : i32
      %min3A = arith.constant 1279 : i32
      %min3A_203 = arith.minsi %add3A_202, %min3A : i32
      %jit3A = arith.constant 4 : i32
      %div3A = arith.divsi %min3A_203, %jit3A : i32
      %sign3A = arith.constant 0 : i32
      %sign3A_204 = arith.cmpi sgt, %min3A_203, %sign3A : i32
      %sign3A_205 = arith.extui %sign3A_204 : i1 to i32
      %sign3A_206 = arith.constant 0 : i32
      %sign3A_207 = arith.cmpi slt, %min3A_203, %sign3A_206 : i32
      %sign3A_208 = arith.extui %sign3A_207 : i1 to i32
      %sign3A_209 = arith.subi %sign3A_205, %sign3A_208 : i32
      %sign3A_210 = arith.constant 0 : i32
      %sign3A_211 = arith.cmpi sgt, %jit3A, %sign3A_210 : i32
      %sign3A_212 = arith.extui %sign3A_211 : i1 to i32
      %sign3A_213 = arith.constant 0 : i32
      %sign3A_214 = arith.cmpi slt, %jit3A, %sign3A_213 : i32
      %sign3A_215 = arith.extui %sign3A_214 : i1 to i32
      %sign3A_216 = arith.subi %sign3A_212, %sign3A_215 : i32
      %ne3A = arith.cmpi ne, %sign3A_209, %sign3A_216 : i32
      %rem3A = arith.remsi %min3A_203, %jit3A : i32
      %ne3A_217 = arith.constant 0 : i32
      %ne3A_218 = arith.cmpi ne, %rem3A, %ne3A_217 : i32
      %and3A = arith.andi %ne3A, %ne3A_218 : i1
      %sub3A = arith.constant 1 : i32
      %sub3A_219 = arith.subi %div3A, %sub3A : i32
      %select_n3A = arith.select %and3A, %sub3A_219, %div3A : i32
      %jit3A_220 = arith.constant 4 : i32
      %eq3A_221 = arith.constant 0 : i32
      %eq3A_222 = arith.cmpi eq, %jit3A_220, %eq3A_221 : i32
      %jit3A_223 = arith.constant 1 : i32
      %select_n3A_224 = arith.select %eq3A_222, %jit3A_223, %jit3A_220 : i32
      %rem3A_225 = arith.remsi %min3A_203, %select_n3A_224 : i32
      %ne3A_226 = arith.constant 0 : i32
      %ne3A_227 = arith.cmpi ne, %rem3A_225, %ne3A_226 : i32
      %lt3A = arith.constant 0 : i32
      %lt3A_228 = arith.cmpi slt, %rem3A_225, %lt3A : i32
      %lt3A_229 = arith.constant 0 : i32
      %lt3A_230 = arith.cmpi slt, %select_n3A_224, %lt3A_229 : i32
      %ne3A_231 = arith.xori %lt3A_228, %lt3A_230 : i1
      %and3A_232 = arith.andi %ne3A_231, %ne3A_227 : i1
      %add3A_233 = arith.addi %rem3A_225, %select_n3A_224 : i32
      %select_n3A_234 = arith.select %and3A_232, %add3A_233, %rem3A_225 : i32
      %jit3A_235 = arith.constant 8 : i32
      %div3A_236 = arith.divsi %select_n3A, %jit3A_235 : i32
      %sign3A_237 = arith.constant 0 : i32
      %sign3A_238 = arith.cmpi sgt, %select_n3A, %sign3A_237 : i32
      %sign3A_239 = arith.extui %sign3A_238 : i1 to i32
      %sign3A_240 = arith.constant 0 : i32
      %sign3A_241 = arith.cmpi slt, %select_n3A, %sign3A_240 : i32
      %sign3A_242 = arith.extui %sign3A_241 : i1 to i32
      %sign3A_243 = arith.subi %sign3A_239, %sign3A_242 : i32
      %sign3A_244 = arith.constant 0 : i32
      %sign3A_245 = arith.cmpi sgt, %jit3A_235, %sign3A_244 : i32
      %sign3A_246 = arith.extui %sign3A_245 : i1 to i32
      %sign3A_247 = arith.constant 0 : i32
      %sign3A_248 = arith.cmpi slt, %jit3A_235, %sign3A_247 : i32
      %sign3A_249 = arith.extui %sign3A_248 : i1 to i32
      %sign3A_250 = arith.subi %sign3A_246, %sign3A_249 : i32
      %ne3A_251 = arith.cmpi ne, %sign3A_243, %sign3A_250 : i32
      %rem3A_252 = arith.remsi %select_n3A, %jit3A_235 : i32
      %ne3A_253 = arith.constant 0 : i32
      %ne3A_254 = arith.cmpi ne, %rem3A_252, %ne3A_253 : i32
      %and3A_255 = arith.andi %ne3A_251, %ne3A_254 : i1
      %sub3A_256 = arith.constant 1 : i32
      %sub3A_257 = arith.subi %div3A_236, %sub3A_256 : i32
      %select_n3A_258 = arith.select %and3A_255, %sub3A_257, %div3A_236 : i32
      %jit3A_259 = arith.constant 8 : i32
      %eq3A_260 = arith.constant 0 : i32
      %eq3A_261 = arith.cmpi eq, %jit3A_259, %eq3A_260 : i32
      %jit3A_262 = arith.constant 1 : i32
      %select_n3A_263 = arith.select %eq3A_261, %jit3A_262, %jit3A_259 : i32
      %rem3A_264 = arith.remsi %select_n3A, %select_n3A_263 : i32
      %ne3A_265 = arith.constant 0 : i32
      %ne3A_266 = arith.cmpi ne, %rem3A_264, %ne3A_265 : i32
      %lt3A_267 = arith.constant 0 : i32
      %lt3A_268 = arith.cmpi slt, %rem3A_264, %lt3A_267 : i32
      %lt3A_269 = arith.constant 0 : i32
      %lt3A_270 = arith.cmpi slt, %select_n3A_263, %lt3A_269 : i32
      %ne3A_271 = arith.xori %lt3A_268, %lt3A_270 : i1
      %and3A_272 = arith.andi %ne3A_271, %ne3A_266 : i1
      %add3A_273 = arith.addi %rem3A_264, %select_n3A_263 : i32
      %select_n3A_274 = arith.select %and3A_272, %add3A_273, %rem3A_264 : i32
      %mul3A_275 = arith.constant 16 : i32
      %mul3A_276 = arith.muli %select_n3A_274, %mul3A_275 : i32
      %get3A_277 = arith.index_cast %select_n3A_258 : i32 to index
      %get3A_278 = arith.index_cast %mul3A_276 : i32 to index
      %get3A_279 = tpu.vector_load %arg11[%get3A_277, %get3A_278] {strides = array<i32>} : memref<40x128xi32, #tpu.memory_space<vmem>>, vector<1x16xi32>,
      %get3A_280 = vector.shape_cast %get3A_279 : vector<1x16xi32> to vector<16xi32>
      %mul3A_281 = arith.constant 4 : i32
      %mul3A_282 = vector.broadcast %mul3A_281 : i32 to vector<16xi32>
      %mul3A_283 = arith.muli %get3A_280, %mul3A_282 : vector<16xi32>
      %add3A_284 = vector.broadcast %select_n3A_234 : i32 to vector<16xi32>
      %add3A_285 = arith.addi %mul3A_283, %add3A_284 : vector<16xi32>
      %get3A_286 = arith.index_cast %select_n3A_258 : i32 to index
      %get3A_287 = arith.index_cast %mul3A_276 : i32 to index
      %get3A_288 = tpu.vector_load %arg12[%get3A_286, %get3A_287] {strides = array<i32>} : memref<40x128xi32, #tpu.memory_space<vmem>>, vector<1x16xi32>,
      %get3A_289 = vector.shape_cast %get3A_288 : vector<1x16xi32> to vector<16xi32>
      %mul3A_290 = arith.constant 4 : i32
      %mul3A_291 = vector.broadcast %mul3A_290 : i32 to vector<16xi32>
      %mul3A_292 = arith.muli %get3A_289, %mul3A_291 : vector<16xi32>
      %add3A_293 = vector.broadcast %select_n3A_234 : i32 to vector<16xi32>
      %add3A_294 = arith.addi %mul3A_292, %add3A_293 : vector<16xi32>
      %get3A_295 = arith.index_cast %select_n3A_258 : i32 to index
      %get3A_296 = arith.index_cast %mul3A_276 : i32 to index
      %get3A_297 = tpu.vector_load %arg12[%get3A_295, %get3A_296] {strides = array<i32>} : memref<40x128xi32, #tpu.memory_space<vmem>>, vector<1x16xi32>,
      %get3A_298 = vector.shape_cast %get3A_297 : vector<1x16xi32> to vector<16xi32>
      %dma_start3A_299 = arith.constant 0 : i32
      %dma_start3A_300 = arith.constant 0 : i32
      %dma_start3A_301 = tpu.memref_slice %arg2[%dma_start3A_299, %dma_start3A_300] : memref<40000x512xf32, #tpu.memory_space<hbm>> -> memref<40000x512xf32, #tpu.memory_space<hbm>>
      tpu.enqueue_indirect_dma source(%dma_start3A_301 : memref<40000x512xf32, #tpu.memory_space<hbm>>) target(%arg14 : memref<16x512xf32, #tpu.memory_space<vmem>>) offsets(%add3A_285 : vector<16xi32>) semaphore(%arg22 : memref<!tpu.dma_semaphore, #tpu.memory_space<semaphore_mem>>)
      %dma_start3A_302 = arith.constant 0 : i32
      %dma_start3A_303 = arith.constant 0 : i32
      %dma_start3A_304 = tpu.memref_slice %arg3[%dma_start3A_302, %dma_start3A_303] : memref<40000x512xf32, #tpu.memory_space<hbm>> -> memref<40000x512xf32, #tpu.memory_space<hbm>>
      tpu.enqueue_indirect_dma source(%dma_start3A_304 : memref<40000x512xf32, #tpu.memory_space<hbm>>) target(%arg16 : memref<16x512xf32, #tpu.memory_space<vmem>>) offsets(%add3A_294 : vector<16xi32>) semaphore(%arg24 : memref<!tpu.dma_semaphore, #tpu.memory_space<semaphore_mem>>)
      %dma_wait3A_305 = arith.constant 0 : i32
      %dma_wait3A_306 = arith.constant 0 : i32
      %dma_wait3A_307 = tpu.memref_slice %arg2[%dma_wait3A_305, %dma_wait3A_306] : memref<40000x512xf32, #tpu.memory_space<hbm>> -> memref<40000x512xf32, #tpu.memory_space<hbm>>
      tpu.wait_indirect_dma semaphore(%arg21 : memref<!tpu.dma_semaphore, #tpu.memory_space<semaphore_mem>>) src(%dma_wait3A_307 : memref<40000x512xf32, #tpu.memory_space<hbm>>) dst(%arg13 : memref<16x512xf32, #tpu.memory_space<vmem>>)
      %dma_wait3A_308 = arith.constant 0 : i32
      %dma_wait3A_309 = arith.constant 0 : i32
      %dma_wait3A_310 = tpu.memref_slice %arg3[%dma_wait3A_308, %dma_wait3A_309] : memref<40000x512xf32, #tpu.memory_space<hbm>> -> memref<40000x512xf32, #tpu.memory_space<hbm>>
      tpu.wait_indirect_dma semaphore(%arg23 : memref<!tpu.dma_semaphore, #tpu.memory_space<semaphore_mem>>) src(%dma_wait3A_310 : memref<40000x512xf32, #tpu.memory_space<hbm>>) dst(%arg15 : memref<16x512xf32, #tpu.memory_space<vmem>>)
      %jit3A_311 = arith.constant 4 : i32
      %div3A_312 = arith.divsi %add3A_200, %jit3A_311 : i32
      %sign3A_313 = arith.constant 0 : i32
      %sign3A_314 = arith.cmpi sgt, %add3A_200, %sign3A_313 : i32
      %sign3A_315 = arith.extui %sign3A_314 : i1 to i32
      %sign3A_316 = arith.constant 0 : i32
      %sign3A_317 = arith.cmpi slt, %add3A_200, %sign3A_316 : i32
      %sign3A_318 = arith.extui %sign3A_317 : i1 to i32
      %sign3A_319 = arith.subi %sign3A_315, %sign3A_318 : i32
      %sign3A_320 = arith.constant 0 : i32
      %sign3A_321 = arith.cmpi sgt, %jit3A_311, %sign3A_320 : i32
      %sign3A_322 = arith.extui %sign3A_321 : i1 to i32
      %sign3A_323 = arith.constant 0 : i32
      %sign3A_324 = arith.cmpi slt, %jit3A_311, %sign3A_323 : i32
      %sign3A_325 = arith.extui %sign3A_324 : i1 to i32
      %sign3A_326 = arith.subi %sign3A_322, %sign3A_325 : i32
      %ne3A_327 = arith.cmpi ne, %sign3A_319, %sign3A_326 : i32
      %rem3A_328 = arith.remsi %add3A_200, %jit3A_311 : i32
      %ne3A_329 = arith.constant 0 : i32
      %ne3A_330 = arith.cmpi ne, %rem3A_328, %ne3A_329 : i32
      %and3A_331 = arith.andi %ne3A_327, %ne3A_330 : i1
      %sub3A_332 = arith.constant 1 : i32
      %sub3A_333 = arith.subi %div3A_312, %sub3A_332 : i32
      %select_n3A_334 = arith.select %and3A_331, %sub3A_333, %div3A_312 : i32
      %jit3A_335 = arith.constant 4 : i32
      %eq3A_336 = arith.constant 0 : i32
      %eq3A_337 = arith.cmpi eq, %jit3A_335, %eq3A_336 : i32
      %jit3A_338 = arith.constant 1 : i32
      %select_n3A_339 = arith.select %eq3A_337, %jit3A_338, %jit3A_335 : i32
      %rem3A_340 = arith.remsi %add3A_200, %select_n3A_339 : i32
      %ne3A_341 = arith.constant 0 : i32
      %ne3A_342 = arith.cmpi ne, %rem3A_340, %ne3A_341 : i32
      %lt3A_343 = arith.constant 0 : i32
      %lt3A_344 = arith.cmpi slt, %rem3A_340, %lt3A_343 : i32
      %lt3A_345 = arith.constant 0 : i32
      %lt3A_346 = arith.cmpi slt, %select_n3A_339, %lt3A_345 : i32
      %ne3A_347 = arith.xori %lt3A_344, %lt3A_346 : i1
      %and3A_348 = arith.andi %ne3A_347, %ne3A_342 : i1
      %add3A_349 = arith.addi %rem3A_340, %select_n3A_339 : i32
      %select_n3A_350 = arith.select %and3A_348, %add3A_349, %rem3A_340 : i32
      %jit3A_351 = arith.constant 8 : i32
      %div3A_352 = arith.divsi %select_n3A_334, %jit3A_351 : i32
      %sign3A_353 = arith.constant 0 : i32
      %sign3A_354 = arith.cmpi sgt, %select_n3A_334, %sign3A_353 : i32
      %sign3A_355 = arith.extui %sign3A_354 : i1 to i32
      %sign3A_356 = arith.constant 0 : i32
      %sign3A_357 = arith.cmpi slt, %select_n3A_334, %sign3A_356 : i32
      %sign3A_358 = arith.extui %sign3A_357 : i1 to i32
      %sign3A_359 = arith.subi %sign3A_355, %sign3A_358 : i32
      %sign3A_360 = arith.constant 0 : i32
      %sign3A_361 = arith.cmpi sgt, %jit3A_351, %sign3A_360 : i32
      %sign3A_362 = arith.extui %sign3A_361 : i1 to i32
      %sign3A_363 = arith.constant 0 : i32
      %sign3A_364 = arith.cmpi slt, %jit3A_351, %sign3A_363 : i32
      %sign3A_365 = arith.extui %sign3A_364 : i1 to i32
      %sign3A_366 = arith.subi %sign3A_362, %sign3A_365 : i32
      %ne3A_367 = arith.cmpi ne, %sign3A_359, %sign3A_366 : i32
      %rem3A_368 = arith.remsi %select_n3A_334, %jit3A_351 : i32
      %ne3A_369 = arith.constant 0 : i32
      %ne3A_370 = arith.cmpi ne, %rem3A_368, %ne3A_369 : i32
      %and3A_371 = arith.andi %ne3A_367, %ne3A_370 : i1
      %sub3A_372 = arith.constant 1 : i32
      %sub3A_373 = arith.subi %div3A_352, %sub3A_372 : i32
      %select_n3A_374 = arith.select %and3A_371, %sub3A_373, %div3A_352 : i32
      %jit3A_375 = arith.constant 8 : i32
      %eq3A_376 = arith.constant 0 : i32
      %eq3A_377 = arith.cmpi eq, %jit3A_375, %eq3A_376 : i32
      %jit3A_378 = arith.constant 1 : i32
      %select_n3A_379 = arith.select %eq3A_377, %jit3A_378, %jit3A_375 : i32
      %rem3A_380 = arith.remsi %select_n3A_334, %select_n3A_379 : i32
      %ne3A_381 = arith.constant 0 : i32
      %ne3A_382 = arith.cmpi ne, %rem3A_380, %ne3A_381 : i32
      %lt3A_383 = arith.constant 0 : i32
      %lt3A_384 = arith.cmpi slt, %rem3A_380, %lt3A_383 : i32
      %lt3A_385 = arith.constant 0 : i32
      %lt3A_386 = arith.cmpi slt, %select_n3A_379, %lt3A_385 : i32
      %ne3A_387 = arith.xori %lt3A_384, %lt3A_386 : i1
      %and3A_388 = arith.andi %ne3A_387, %ne3A_382 : i1
      %add3A_389 = arith.addi %rem3A_380, %select_n3A_379 : i32
      %select_n3A_390 = arith.select %and3A_388, %add3A_389, %rem3A_380 : i32
      %mul3A_391 = arith.constant 16 : i32
      %mul3A_392 = arith.muli %select_n3A_390, %mul3A_391 : i32
      %get3A_393 = arith.index_cast %select_n3A_374 : i32 to index
      %get3A_394 = arith.index_cast %mul3A_392 : i32 to index
      %get3A_395 = tpu.vector_load %arg11[%get3A_393, %get3A_394] {strides = array<i32>} : memref<40x128xi32, #tpu.memory_space<vmem>>, vector<1x16xi32>,
      %get3A_396 = vector.shape_cast %get3A_395 : vector<1x16xi32> to vector<16xi32>
      %mul3A_397 = arith.constant 4 : i32
      %mul3A_398 = vector.broadcast %mul3A_397 : i32 to vector<16xi32>
      %mul3A_399 = arith.muli %get3A_396, %mul3A_398 : vector<16xi32>
      %add3A_400 = vector.broadcast %select_n3A_350 : i32 to vector<16xi32>
      %add3A_401 = arith.addi %mul3A_399, %add3A_400 : vector<16xi32>
      %get3A_402 = arith.index_cast %select_n3A_374 : i32 to index
      %get3A_403 = arith.index_cast %mul3A_392 : i32 to index
      %get3A_404 = tpu.vector_load %arg12[%get3A_402, %get3A_403] {strides = array<i32>} : memref<40x128xi32, #tpu.memory_space<vmem>>, vector<1x16xi32>,
      %get3A_405 = vector.shape_cast %get3A_404 : vector<1x16xi32> to vector<16xi32>
      %mul3A_406 = arith.constant 4 : i32
      %mul3A_407 = vector.broadcast %mul3A_406 : i32 to vector<16xi32>
      %mul3A_408 = arith.muli %get3A_405, %mul3A_407 : vector<16xi32>
      %add3A_409 = vector.broadcast %select_n3A_350 : i32 to vector<16xi32>
      %add3A_410 = arith.addi %mul3A_408, %add3A_409 : vector<16xi32>
      %get3A_411 = arith.index_cast %select_n3A_374 : i32 to index
      %get3A_412 = arith.index_cast %mul3A_392 : i32 to index
      %get3A_413 = tpu.vector_load %arg12[%get3A_411, %get3A_412] {strides = array<i32>} : memref<40x128xi32, #tpu.memory_space<vmem>>, vector<1x16xi32>,
      %get3A_414 = vector.shape_cast %get3A_413 : vector<1x16xi32> to vector<16xi32>
      %dma_wait3A_415 = arith.constant 0 : i32
      %dma_wait3A_416 = arith.constant 0 : i32
      %dma_wait3A_417 = tpu.memref_slice %arg20[%dma_wait3A_415, %dma_wait3A_416] : memref<10016x16xf32, #tpu.memory_space<vmem_shared>> -> memref<10016x16xf32, #tpu.memory_space<vmem_shared>>
      tpu.wait_indirect_dma semaphore(%arg25 : memref<!tpu.dma_semaphore, #tpu.memory_space<semaphore_mem>>) src(%arg17 : memref<16x16xf32, #tpu.memory_space<vmem>>) dst(%dma_wait3A_417 : memref<10016x16xf32, #tpu.memory_space<vmem_shared>>)
      %scan3A_418 = arith.constant 0 : i32
      %scan3A_419 = arith.constant 0 : i32
      %scan3A_420 = arith.constant 8 : i32
      %scan3A_421 = arith.addi %scan3A_419, %scan3A_420 : i32
      %scan3A_422 = arith.constant 1 : i32
      %scan3A_423 = scf.for %scan3A_878 = %scan3A_419 to %scan3A_421 step %scan3A_422 iter_args(%scan3A_879 = %scan3A_418) -> (i32)  : i32 {
        %mul3A_880 = arith.constant 2 : i32
        %mul3A_881 = arith.muli %scan3A_878, %mul3A_880 : i32
        %add3A_882 = arith.constant 0 : i32
        %add3A_883 = arith.addi %mul3A_881, %add3A_882 : i32
        %get3A_884 = arith.index_cast %add3A_883 : i32 to index
        %get3A_885 = arith.constant 0 : index
        %get3A_886 = tpu.vector_load %arg13[%get3A_884, %get3A_885] {strides = array<i32>} : memref<16x512xf32, #tpu.memory_space<vmem>>, vector<1x16xf32>,
        %get3A_887 = vector.shape_cast %get3A_886 : vector<1x16xf32> to vector<16xf32>
        %get3A_888 = arith.index_cast %add3A_883 : i32 to index
        %get3A_889 = arith.constant 0 : index
        %get3A_890 = tpu.vector_load %arg15[%get3A_888, %get3A_889] {strides = array<i32>} : memref<16x512xf32, #tpu.memory_space<vmem>>, vector<1x16xf32>,
        %get3A_891 = vector.shape_cast %get3A_890 : vector<1x16xf32> to vector<16xf32>
        %mul3A_892 = arith.mulf %get3A_887, %get3A_891 : vector<16xf32>
        %add3A_893 = arith.addf %broadcast_in_dim3A_1, %mul3A_892 : vector<16xf32>
        %get3A_894 = arith.index_cast %add3A_883 : i32 to index
        %get3A_895 = arith.constant 16 : index
        %get3A_896 = tpu.vector_load %arg13[%get3A_894, %get3A_895] {strides = array<i32>} : memref<16x512xf32, #tpu.memory_space<vmem>>, vector<1x16xf32>,
        %get3A_897 = vector.shape_cast %get3A_896 : vector<1x16xf32> to vector<16xf32>
        %get3A_898 = arith.index_cast %add3A_883 : i32 to index
        %get3A_899 = arith.constant 16 : index
        %get3A_900 = tpu.vector_load %arg15[%get3A_898, %get3A_899] {strides = array<i32>} : memref<16x512xf32, #tpu.memory_space<vmem>>, vector<1x16xf32>,
        %get3A_901 = vector.shape_cast %get3A_900 : vector<1x16xf32> to vector<16xf32>
        %mul3A_902 = arith.mulf %get3A_897, %get3A_901 : vector<16xf32>
        %add3A_903 = arith.addf %broadcast_in_dim3A_1, %mul3A_902 : vector<16xf32>
        %get3A_904 = arith.index_cast %add3A_883 : i32 to index
        %get3A_905 = arith.constant 32 : index
        %get3A_906 = tpu.vector_load %arg13[%get3A_904, %get3A_905] {strides = array<i32>} : memref<16x512xf32, #tpu.memory_space<vmem>>, vector<1x16xf32>,
        %get3A_907 = vector.shape_cast %get3A_906 : vector<1x16xf32> to vector<16xf32>
        %get3A_908 = arith.index_cast %add3A_883 : i32 to index
        %get3A_909 = arith.constant 32 : index
        %get3A_910 = tpu.vector_load %arg15[%get3A_908, %get3A_909] {strides = array<i32>} : memref<16x512xf32, #tpu.memory_space<vmem>>, vector<1x16xf32>,
        %get3A_911 = vector.shape_cast %get3A_910 : vector<1x16xf32> to vector<16xf32>
        %mul3A_912 = arith.mulf %get3A_907, %get3A_911 : vector<16xf32>
        %add3A_913 = arith.addf %broadcast_in_dim3A_1, %mul3A_912 : vector<16xf32>
        %get3A_914 = arith.index_cast %add3A_883 : i32 to index
        %get3A_915 = arith.constant 48 : index
        %get3A_916 = tpu.vector_load %arg13[%get3A_914, %get3A_915] {strides = array<i32>} : memref<16x512xf32, #tpu.memory_space<vmem>>, vector<1x16xf32>,
        %get3A_917 = vector.shape_cast %get3A_916 : vector<1x16xf32> to vector<16xf32>
        %get3A_918 = arith.index_cast %add3A_883 : i32 to index
        %get3A_919 = arith.constant 48 : index
        %get3A_920 = tpu.vector_load %arg15[%get3A_918, %get3A_919] {strides = array<i32>} : memref<16x512xf32, #tpu.memory_space<vmem>>, vector<1x16xf32>,
        %get3A_921 = vector.shape_cast %get3A_920 : vector<1x16xf32> to vector<16xf32>
        %mul3A_922 = arith.mulf %get3A_917, %get3A_921 : vector<16xf32>
        %add3A_923 = arith.addf %broadcast_in_dim3A_1, %mul3A_922 : vector<16xf32>
        %get3A_924 = arith.index_cast %add3A_883 : i32 to index
        %get3A_925 = arith.constant 64 : index
        %get3A_926 = tpu.vector_load %arg13[%get3A_924, %get3A_925] {strides = array<i32>} : memref<16x512xf32, #tpu.memory_space<vmem>>, vector<1x16xf32>,
        %get3A_927 = vector.shape_cast %get3A_926 : vector<1x16xf32> to vector<16xf32>
        %get3A_928 = arith.index_cast %add3A_883 : i32 to index
        %get3A_929 = arith.constant 64 : index
        %get3A_930 = tpu.vector_load %arg15[%get3A_928, %get3A_929] {strides = array<i32>} : memref<16x512xf32, #tpu.memory_space<vmem>>, vector<1x16xf32>,
        %get3A_931 = vector.shape_cast %get3A_930 : vector<1x16xf32> to vector<16xf32>
        %mul3A_932 = arith.mulf %get3A_927, %get3A_931 : vector<16xf32>
        %add3A_933 = arith.addf %add3A_893, %mul3A_932 : vector<16xf32>
        %get3A_934 = arith.index_cast %add3A_883 : i32 to index
        %get3A_935 = arith.constant 80 : index
        %get3A_936 = tpu.vector_load %arg13[%get3A_934, %get3A_935] {strides = array<i32>} : memref<16x512xf32, #tpu.memory_space<vmem>>, vector<1x16xf32>,
        %get3A_937 = vector.shape_cast %get3A_936 : vector<1x16xf32> to vector<16xf32>
        %get3A_938 = arith.index_cast %add3A_883 : i32 to index
        %get3A_939 = arith.constant 80 : index
        %get3A_940 = tpu.vector_load %arg15[%get3A_938, %get3A_939] {strides = array<i32>} : memref<16x512xf32, #tpu.memory_space<vmem>>, vector<1x16xf32>,
        %get3A_941 = vector.shape_cast %get3A_940 : vector<1x16xf32> to vector<16xf32>
        %mul3A_942 = arith.mulf %get3A_937, %get3A_941 : vector<16xf32>
        %add3A_943 = arith.addf %add3A_903, %mul3A_942 : vector<16xf32>
        %get3A_944 = arith.index_cast %add3A_883 : i32 to index
        %get3A_945 = arith.constant 96 : index
        %get3A_946 = tpu.vector_load %arg13[%get3A_944, %get3A_945] {strides = array<i32>} : memref<16x512xf32, #tpu.memory_space<vmem>>, vector<1x16xf32>,
        %get3A_947 = vector.shape_cast %get3A_946 : vector<1x16xf32> to vector<16xf32>
        %get3A_948 = arith.index_cast %add3A_883 : i32 to index
        %get3A_949 = arith.constant 96 : index
        %get3A_950 = tpu.vector_load %arg15[%get3A_948, %get3A_949] {strides = array<i32>} : memref<16x512xf32, #tpu.memory_space<vmem>>, vector<1x16xf32>,
        %get3A_951 = vector.shape_cast %get3A_950 : vector<1x16xf32> to vector<16xf32>
        %mul3A_952 = arith.mulf %get3A_947, %get3A_951 : vector<16xf32>
        %add3A_953 = arith.addf %add3A_913, %mul3A_952 : vector<16xf32>
        %get3A_954 = arith.index_cast %add3A_883 : i32 to index
        %get3A_955 = arith.constant 112 : index
        %get3A_956 = tpu.vector_load %arg13[%get3A_954, %get3A_955] {strides = array<i32>} : memref<16x512xf32, #tpu.memory_space<vmem>>, vector<1x16xf32>,
        %get3A_957 = vector.shape_cast %get3A_956 : vector<1x16xf32> to vector<16xf32>
        %get3A_958 = arith.index_cast %add3A_883 : i32 to index
        %get3A_959 = arith.constant 112 : index
        %get3A_960 = tpu.vector_load %arg15[%get3A_958, %get3A_959] {strides = array<i32>} : memref<16x512xf32, #tpu.memory_space<vmem>>, vector<1x16xf32>,
        %get3A_961 = vector.shape_cast %get3A_960 : vector<1x16xf32> to vector<16xf32>
        %mul3A_962 = arith.mulf %get3A_957, %get3A_961 : vector<16xf32>
        %add3A_963 = arith.addf %add3A_923, %mul3A_962 : vector<16xf32>
        %get3A_964 = arith.index_cast %add3A_883 : i32 to index
        %get3A_965 = arith.constant 128 : index
        %get3A_966 = tpu.vector_load %arg13[%get3A_964, %get3A_965] {strides = array<i32>} : memref<16x512xf32, #tpu.memory_space<vmem>>, vector<1x16xf32>,
        %get3A_967 = vector.shape_cast %get3A_966 : vector<1x16xf32> to vector<16xf32>
        %get3A_968 = arith.index_cast %add3A_883 : i32 to index
        %get3A_969 = arith.constant 128 : index
        %get3A_970 = tpu.vector_load %arg15[%get3A_968, %get3A_969] {strides = array<i32>} : memref<16x512xf32, #tpu.memory_space<vmem>>, vector<1x16xf32>,
        %get3A_971 = vector.shape_cast %get3A_970 : vector<1x16xf32> to vector<16xf32>
        %mul3A_972 = arith.mulf %get3A_967, %get3A_971 : vector<16xf32>
        %add3A_973 = arith.addf %add3A_933, %mul3A_972 : vector<16xf32>
        %get3A_974 = arith.index_cast %add3A_883 : i32 to index
        %get3A_975 = arith.constant 144 : index
        %get3A_976 = tpu.vector_load %arg13[%get3A_974, %get3A_975] {strides = array<i32>} : memref<16x512xf32, #tpu.memory_space<vmem>>, vector<1x16xf32>,
        %get3A_977 = vector.shape_cast %get3A_976 : vector<1x16xf32> to vector<16xf32>
        %get3A_978 = arith.index_cast %add3A_883 : i32 to index
        %get3A_979 = arith.constant 144 : index
        %get3A_980 = tpu.vector_load %arg15[%get3A_978, %get3A_979] {strides = array<i32>} : memref<16x512xf32, #tpu.memory_space<vmem>>, vector<1x16xf32>,
        %get3A_981 = vector.shape_cast %get3A_980 : vector<1x16xf32> to vector<16xf32>
        %mul3A_982 = arith.mulf %get3A_977, %get3A_981 : vector<16xf32>
        %add3A_983 = arith.addf %add3A_943, %mul3A_982 : vector<16xf32>
        %get3A_984 = arith.index_cast %add3A_883 : i32 to index
        %get3A_985 = arith.constant 160 : index
        %get3A_986 = tpu.vector_load %arg13[%get3A_984, %get3A_985] {strides = array<i32>} : memref<16x512xf32, #tpu.memory_space<vmem>>, vector<1x16xf32>,
        %get3A_987 = vector.shape_cast %get3A_986 : vector<1x16xf32> to vector<16xf32>
        %get3A_988 = arith.index_cast %add3A_883 : i32 to index
        %get3A_989 = arith.constant 160 : index
        %get3A_990 = tpu.vector_load %arg15[%get3A_988, %get3A_989] {strides = array<i32>} : memref<16x512xf32, #tpu.memory_space<vmem>>, vector<1x16xf32>,
        %get3A_991 = vector.shape_cast %get3A_990 : vector<1x16xf32> to vector<16xf32>
        %mul3A_992 = arith.mulf %get3A_987, %get3A_991 : vector<16xf32>
        %add3A_993 = arith.addf %add3A_953, %mul3A_992 : vector<16xf32>
        %get3A_994 = arith.index_cast %add3A_883 : i32 to index
        %get3A_995 = arith.constant 176 : index
        %get3A_996 = tpu.vector_load %arg13[%get3A_994, %get3A_995] {strides = array<i32>} : memref<16x512xf32, #tpu.memory_space<vmem>>, vector<1x16xf32>,
        %get3A_997 = vector.shape_cast %get3A_996 : vector<1x16xf32> to vector<16xf32>
        %get3A_998 = arith.index_cast %add3A_883 : i32 to index
        %get3A_999 = arith.constant 176 : index
        %get3A_1000 = tpu.vector_load %arg15[%get3A_998, %get3A_999] {strides = array<i32>} : memref<16x512xf32, #tpu.memory_space<vmem>>, vector<1x16xf32>,
        %get3A_1001 = vector.shape_cast %get3A_1000 : vector<1x16xf32> to vector<16xf32>
        %mul3A_1002 = arith.mulf %get3A_997, %get3A_1001 : vector<16xf32>
        %add3A_1003 = arith.addf %add3A_963, %mul3A_1002 : vector<16xf32>
        %get3A_1004 = arith.index_cast %add3A_883 : i32 to index
        %get3A_1005 = arith.constant 192 : index
        %get3A_1006 = tpu.vector_load %arg13[%get3A_1004, %get3A_1005] {strides = array<i32>} : memref<16x512xf32, #tpu.memory_space<vmem>>, vector<1x16xf32>,
        %get3A_1007 = vector.shape_cast %get3A_1006 : vector<1x16xf32> to vector<16xf32>
        %get3A_1008 = arith.index_cast %add3A_883 : i32 to index
        %get3A_1009 = arith.constant 192 : index
        %get3A_1010 = tpu.vector_load %arg15[%get3A_1008, %get3A_1009] {strides = array<i32>} : memref<16x512xf32, #tpu.memory_space<vmem>>, vector<1x16xf32>,
        %get3A_1011 = vector.shape_cast %get3A_1010 : vector<1x16xf32> to vector<16xf32>
        %mul3A_1012 = arith.mulf %get3A_1007, %get3A_1011 : vector<16xf32>
        %add3A_1013 = arith.addf %add3A_973, %mul3A_1012 : vector<16xf32>
        %get3A_1014 = arith.index_cast %add3A_883 : i32 to index
        %get3A_1015 = arith.constant 208 : index
        %get3A_1016 = tpu.vector_load %arg13[%get3A_1014, %get3A_1015] {strides = array<i32>} : memref<16x512xf32, #tpu.memory_space<vmem>>, vector<1x16xf32>,
        %get3A_1017 = vector.shape_cast %get3A_1016 : vector<1x16xf32> to vector<16xf32>
        %get3A_1018 = arith.index_cast %add3A_883 : i32 to index
        %get3A_1019 = arith.constant 208 : index
        %get3A_1020 = tpu.vector_load %arg15[%get3A_1018, %get3A_1019] {strides = array<i32>} : memref<16x512xf32, #tpu.memory_space<vmem>>, vector<1x16xf32>,
        %get3A_1021 = vector.shape_cast %get3A_1020 : vector<1x16xf32> to vector<16xf32>
        %mul3A_1022 = arith.mulf %get3A_1017, %get3A_1021 : vector<16xf32>
        %add3A_1023 = arith.addf %add3A_983, %mul3A_1022 : vector<16xf32>
        %get3A_1024 = arith.index_cast %add3A_883 : i32 to index
        %get3A_1025 = arith.constant 224 : index
        %get3A_1026 = tpu.vector_load %arg13[%get3A_1024, %get3A_1025] {strides = array<i32>} : memref<16x512xf32, #tpu.memory_space<vmem>>, vector<1x16xf32>,
        %get3A_1027 = vector.shape_cast %get3A_1026 : vector<1x16xf32> to vector<16xf32>
        %get3A_1028 = arith.index_cast %add3A_883 : i32 to index
        %get3A_1029 = arith.constant 224 : index
        %get3A_1030 = tpu.vector_load %arg15[%get3A_1028, %get3A_1029] {strides = array<i32>} : memref<16x512xf32, #tpu.memory_space<vmem>>, vector<1x16xf32>,
        %get3A_1031 = vector.shape_cast %get3A_1030 : vector<1x16xf32> to vector<16xf32>
        %mul3A_1032 = arith.mulf %get3A_1027, %get3A_1031 : vector<16xf32>
        %add3A_1033 = arith.addf %add3A_993, %mul3A_1032 : vector<16xf32>
        %get3A_1034 = arith.index_cast %add3A_883 : i32 to index
        %get3A_1035 = arith.constant 240 : index
        %get3A_1036 = tpu.vector_load %arg13[%get3A_1034, %get3A_1035] {strides = array<i32>} : memref<16x512xf32, #tpu.memory_space<vmem>>, vector<1x16xf32>,
        %get3A_1037 = vector.shape_cast %get3A_1036 : vector<1x16xf32> to vector<16xf32>
        %get3A_1038 = arith.index_cast %add3A_883 : i32 to index
        %get3A_1039 = arith.constant 240 : index
        %get3A_1040 = tpu.vector_load %arg15[%get3A_1038, %get3A_1039] {strides = array<i32>} : memref<16x512xf32, #tpu.memory_space<vmem>>, vector<1x16xf32>,
        %get3A_1041 = vector.shape_cast %get3A_1040 : vector<1x16xf32> to vector<16xf32>
        %mul3A_1042 = arith.mulf %get3A_1037, %get3A_1041 : vector<16xf32>
        %add3A_1043 = arith.addf %add3A_1003, %mul3A_1042 : vector<16xf32>
        %get3A_1044 = arith.index_cast %add3A_883 : i32 to index
        %get3A_1045 = arith.constant 256 : index
        %get3A_1046 = tpu.vector_load %arg13[%get3A_1044, %get3A_1045] {strides = array<i32>} : memref<16x512xf32, #tpu.memory_space<vmem>>, vector<1x16xf32>,
        %get3A_1047 = vector.shape_cast %get3A_1046 : vector<1x16xf32> to vector<16xf32>
        %get3A_1048 = arith.index_cast %add3A_883 : i32 to index
        %get3A_1049 = arith.constant 256 : index
        %get3A_1050 = tpu.vector_load %arg15[%get3A_1048, %get3A_1049] {strides = array<i32>} : memref<16x512xf32, #tpu.memory_space<vmem>>, vector<1x16xf32>,
        %get3A_1051 = vector.shape_cast %get3A_1050 : vector<1x16xf32> to vector<16xf32>
        %mul3A_1052 = arith.mulf %get3A_1047, %get3A_1051 : vector<16xf32>
        %add3A_1053 = arith.addf %add3A_1013, %mul3A_1052 : vector<16xf32>
        %get3A_1054 = arith.index_cast %add3A_883 : i32 to index
        %get3A_1055 = arith.constant 272 : index
        %get3A_1056 = tpu.vector_load %arg13[%get3A_1054, %get3A_1055] {strides = array<i32>} : memref<16x512xf32, #tpu.memory_space<vmem>>, vector<1x16xf32>,
        %get3A_1057 = vector.shape_cast %get3A_1056 : vector<1x16xf32> to vector<16xf32>
        %get3A_1058 = arith.index_cast %add3A_883 : i32 to index
        %get3A_1059 = arith.constant 272 : index
        %get3A_1060 = tpu.vector_load %arg15[%get3A_1058, %get3A_1059] {strides = array<i32>} : memref<16x512xf32, #tpu.memory_space<vmem>>, vector<1x16xf32>,
        %get3A_1061 = vector.shape_cast %get3A_1060 : vector<1x16xf32> to vector<16xf32>
        %mul3A_1062 = arith.mulf %get3A_1057, %get3A_1061 : vector<16xf32>
        %add3A_1063 = arith.addf %add3A_1023, %mul3A_1062 : vector<16xf32>
        %get3A_1064 = arith.index_cast %add3A_883 : i32 to index
        %get3A_1065 = arith.constant 288 : index
        %get3A_1066 = tpu.vector_load %arg13[%get3A_1064, %get3A_1065] {strides = array<i32>} : memref<16x512xf32, #tpu.memory_space<vmem>>, vector<1x16xf32>,
        %get3A_1067 = vector.shape_cast %get3A_1066 : vector<1x16xf32> to vector<16xf32>
        %get3A_1068 = arith.index_cast %add3A_883 : i32 to index
        %get3A_1069 = arith.constant 288 : index
        %get3A_1070 = tpu.vector_load %arg15[%get3A_1068, %get3A_1069] {strides = array<i32>} : memref<16x512xf32, #tpu.memory_space<vmem>>, vector<1x16xf32>,
        %get3A_1071 = vector.shape_cast %get3A_1070 : vector<1x16xf32> to vector<16xf32>
        %mul3A_1072 = arith.mulf %get3A_1067, %get3A_1071 : vector<16xf32>
        %add3A_1073 = arith.addf %add3A_1033, %mul3A_1072 : vector<16xf32>
        %get3A_1074 = arith.index_cast %add3A_883 : i32 to index
        %get3A_1075 = arith.constant 304 : index
        %get3A_1076 = tpu.vector_load %arg13[%get3A_1074, %get3A_1075] {strides = array<i32>} : memref<16x512xf32, #tpu.memory_space<vmem>>, vector<1x16xf32>,
        %get3A_1077 = vector.shape_cast %get3A_1076 : vector<1x16xf32> to vector<16xf32>
        %get3A_1078 = arith.index_cast %add3A_883 : i32 to index
        %get3A_1079 = arith.constant 304 : index
        %get3A_1080 = tpu.vector_load %arg15[%get3A_1078, %get3A_1079] {strides = array<i32>} : memref<16x512xf32, #tpu.memory_space<vmem>>, vector<1x16xf32>,
        %get3A_1081 = vector.shape_cast %get3A_1080 : vector<1x16xf32> to vector<16xf32>
        %mul3A_1082 = arith.mulf %get3A_1077, %get3A_1081 : vector<16xf32>
        %add3A_1083 = arith.addf %add3A_1043, %mul3A_1082 : vector<16xf32>
        %get3A_1084 = arith.index_cast %add3A_883 : i32 to index
        %get3A_1085 = arith.constant 320 : index
        %get3A_1086 = tpu.vector_load %arg13[%get3A_1084, %get3A_1085] {strides = array<i32>} : memref<16x512xf32, #tpu.memory_space<vmem>>, vector<1x16xf32>,
        %get3A_1087 = vector.shape_cast %get3A_1086 : vector<1x16xf32> to vector<16xf32>
        %get3A_1088 = arith.index_cast %add3A_883 : i32 to index
        %get3A_1089 = arith.constant 320 : index
        %get3A_1090 = tpu.vector_load %arg15[%get3A_1088, %get3A_1089] {strides = array<i32>} : memref<16x512xf32, #tpu.memory_space<vmem>>, vector<1x16xf32>,
        %get3A_1091 = vector.shape_cast %get3A_1090 : vector<1x16xf32> to vector<16xf32>
        %mul3A_1092 = arith.mulf %get3A_1087, %get3A_1091 : vector<16xf32>
        %add3A_1093 = arith.addf %add3A_1053, %mul3A_1092 : vector<16xf32>
        %get3A_1094 = arith.index_cast %add3A_883 : i32 to index
        %get3A_1095 = arith.constant 336 : index
        %get3A_1096 = tpu.vector_load %arg13[%get3A_1094, %get3A_1095] {strides = array<i32>} : memref<16x512xf32, #tpu.memory_space<vmem>>, vector<1x16xf32>,
        %get3A_1097 = vector.shape_cast %get3A_1096 : vector<1x16xf32> to vector<16xf32>
        %get3A_1098 = arith.index_cast %add3A_883 : i32 to index
        %get3A_1099 = arith.constant 336 : index
        %get3A_1100 = tpu.vector_load %arg15[%get3A_1098, %get3A_1099] {strides = array<i32>} : memref<16x512xf32, #tpu.memory_space<vmem>>, vector<1x16xf32>,
        %get3A_1101 = vector.shape_cast %get3A_1100 : vector<1x16xf32> to vector<16xf32>
        %mul3A_1102 = arith.mulf %get3A_1097, %get3A_1101 : vector<16xf32>
        %add3A_1103 = arith.addf %add3A_1063, %mul3A_1102 : vector<16xf32>
        %get3A_1104 = arith.index_cast %add3A_883 : i32 to index
        %get3A_1105 = arith.constant 352 : index
        %get3A_1106 = tpu.vector_load %arg13[%get3A_1104, %get3A_1105] {strides = array<i32>} : memref<16x512xf32, #tpu.memory_space<vmem>>, vector<1x16xf32>,
        %get3A_1107 = vector.shape_cast %get3A_1106 : vector<1x16xf32> to vector<16xf32>
        %get3A_1108 = arith.index_cast %add3A_883 : i32 to index
        %get3A_1109 = arith.constant 352 : index
        %get3A_1110 = tpu.vector_load %arg15[%get3A_1108, %get3A_1109] {strides = array<i32>} : memref<16x512xf32, #tpu.memory_space<vmem>>, vector<1x16xf32>,
        %get3A_1111 = vector.shape_cast %get3A_1110 : vector<1x16xf32> to vector<16xf32>
        %mul3A_1112 = arith.mulf %get3A_1107, %get3A_1111 : vector<16xf32>
        %add3A_1113 = arith.addf %add3A_1073, %mul3A_1112 : vector<16xf32>
        %get3A_1114 = arith.index_cast %add3A_883 : i32 to index
        %get3A_1115 = arith.constant 368 : index
        %get3A_1116 = tpu.vector_load %arg13[%get3A_1114, %get3A_1115] {strides = array<i32>} : memref<16x512xf32, #tpu.memory_space<vmem>>, vector<1x16xf32>,
        %get3A_1117 = vector.shape_cast %get3A_1116 : vector<1x16xf32> to vector<16xf32>
        %get3A_1118 = arith.index_cast %add3A_883 : i32 to index
        %get3A_1119 = arith.constant 368 : index
        %get3A_1120 = tpu.vector_load %arg15[%get3A_1118, %get3A_1119] {strides = array<i32>} : memref<16x512xf32, #tpu.memory_space<vmem>>, vector<1x16xf32>,
        %get3A_1121 = vector.shape_cast %get3A_1120 : vector<1x16xf32> to vector<16xf32>
        %mul3A_1122 = arith.mulf %get3A_1117, %get3A_1121 : vector<16xf32>
        %add3A_1123 = arith.addf %add3A_1083, %mul3A_1122 : vector<16xf32>
        %get3A_1124 = arith.index_cast %add3A_883 : i32 to index
        %get3A_1125 = arith.constant 384 : index
        %get3A_1126 = tpu.vector_load %arg13[%get3A_1124, %get3A_1125] {strides = array<i32>} : memref<16x512xf32, #tpu.memory_space<vmem>>, vector<1x16xf32>,
        %get3A_1127 = vector.shape_cast %get3A_1126 : vector<1x16xf32> to vector<16xf32>
        %get3A_1128 = arith.index_cast %add3A_883 : i32 to index
        %get3A_1129 = arith.constant 384 : index
        %get3A_1130 = tpu.vector_load %arg15[%get3A_1128, %get3A_1129] {strides = array<i32>} : memref<16x512xf32, #tpu.memory_space<vmem>>, vector<1x16xf32>,
        %get3A_1131 = vector.shape_cast %get3A_1130 : vector<1x16xf32> to vector<16xf32>
        %mul3A_1132 = arith.mulf %get3A_1127, %get3A_1131 : vector<16xf32>
        %add3A_1133 = arith.addf %add3A_1093, %mul3A_1132 : vector<16xf32>
        %get3A_1134 = arith.index_cast %add3A_883 : i32 to index
        %get3A_1135 = arith.constant 400 : index
        %get3A_1136 = tpu.vector_load %arg13[%get3A_1134, %get3A_1135] {strides = array<i32>} : memref<16x512xf32, #tpu.memory_space<vmem>>, vector<1x16xf32>,
        %get3A_1137 = vector.shape_cast %get3A_1136 : vector<1x16xf32> to vector<16xf32>
        %get3A_1138 = arith.index_cast %add3A_883 : i32 to index
        %get3A_1139 = arith.constant 400 : index
        %get3A_1140 = tpu.vector_load %arg15[%get3A_1138, %get3A_1139] {strides = array<i32>} : memref<16x512xf32, #tpu.memory_space<vmem>>, vector<1x16xf32>,
        %get3A_1141 = vector.shape_cast %get3A_1140 : vector<1x16xf32> to vector<16xf32>
        %mul3A_1142 = arith.mulf %get3A_1137, %get3A_1141 : vector<16xf32>
        %add3A_1143 = arith.addf %add3A_1103, %mul3A_1142 : vector<16xf32>
        %get3A_1144 = arith.index_cast %add3A_883 : i32 to index
        %get3A_1145 = arith.constant 416 : index
        %get3A_1146 = tpu.vector_load %arg13[%get3A_1144, %get3A_1145] {strides = array<i32>} : memref<16x512xf32, #tpu.memory_space<vmem>>, vector<1x16xf32>,
        %get3A_1147 = vector.shape_cast %get3A_1146 : vector<1x16xf32> to vector<16xf32>
        %get3A_1148 = arith.index_cast %add3A_883 : i32 to index
        %get3A_1149 = arith.constant 416 : index
        %get3A_1150 = tpu.vector_load %arg15[%get3A_1148, %get3A_1149] {strides = array<i32>} : memref<16x512xf32, #tpu.memory_space<vmem>>, vector<1x16xf32>,
        %get3A_1151 = vector.shape_cast %get3A_1150 : vector<1x16xf32> to vector<16xf32>
        %mul3A_1152 = arith.mulf %get3A_1147, %get3A_1151 : vector<16xf32>
        %add3A_1153 = arith.addf %add3A_1113, %mul3A_1152 : vector<16xf32>
        %get3A_1154 = arith.index_cast %add3A_883 : i32 to index
        %get3A_1155 = arith.constant 432 : index
        %get3A_1156 = tpu.vector_load %arg13[%get3A_1154, %get3A_1155] {strides = array<i32>} : memref<16x512xf32, #tpu.memory_space<vmem>>, vector<1x16xf32>,
        %get3A_1157 = vector.shape_cast %get3A_1156 : vector<1x16xf32> to vector<16xf32>
        %get3A_1158 = arith.index_cast %add3A_883 : i32 to index
        %get3A_1159 = arith.constant 432 : index
        %get3A_1160 = tpu.vector_load %arg15[%get3A_1158, %get3A_1159] {strides = array<i32>} : memref<16x512xf32, #tpu.memory_space<vmem>>, vector<1x16xf32>,
        %get3A_1161 = vector.shape_cast %get3A_1160 : vector<1x16xf32> to vector<16xf32>
        %mul3A_1162 = arith.mulf %get3A_1157, %get3A_1161 : vector<16xf32>
        %add3A_1163 = arith.addf %add3A_1123, %mul3A_1162 : vector<16xf32>
        %get3A_1164 = arith.index_cast %add3A_883 : i32 to index
        %get3A_1165 = arith.constant 448 : index
        %get3A_1166 = tpu.vector_load %arg13[%get3A_1164, %get3A_1165] {strides = array<i32>} : memref<16x512xf32, #tpu.memory_space<vmem>>, vector<1x16xf32>,
        %get3A_1167 = vector.shape_cast %get3A_1166 : vector<1x16xf32> to vector<16xf32>
        %get3A_1168 = arith.index_cast %add3A_883 : i32 to index
        %get3A_1169 = arith.constant 448 : index
        %get3A_1170 = tpu.vector_load %arg15[%get3A_1168, %get3A_1169] {strides = array<i32>} : memref<16x512xf32, #tpu.memory_space<vmem>>, vector<1x16xf32>,
        %get3A_1171 = vector.shape_cast %get3A_1170 : vector<1x16xf32> to vector<16xf32>
        %mul3A_1172 = arith.mulf %get3A_1167, %get3A_1171 : vector<16xf32>
        %add3A_1173 = arith.addf %add3A_1133, %mul3A_1172 : vector<16xf32>
        %get3A_1174 = arith.index_cast %add3A_883 : i32 to index
        %get3A_1175 = arith.constant 464 : index
        %get3A_1176 = tpu.vector_load %arg13[%get3A_1174, %get3A_1175] {strides = array<i32>} : memref<16x512xf32, #tpu.memory_space<vmem>>, vector<1x16xf32>,
        %get3A_1177 = vector.shape_cast %get3A_1176 : vector<1x16xf32> to vector<16xf32>
        %get3A_1178 = arith.index_cast %add3A_883 : i32 to index
        %get3A_1179 = arith.constant 464 : index
        %get3A_1180 = tpu.vector_load %arg15[%get3A_1178, %get3A_1179] {strides = array<i32>} : memref<16x512xf32, #tpu.memory_space<vmem>>, vector<1x16xf32>,
        %get3A_1181 = vector.shape_cast %get3A_1180 : vector<1x16xf32> to vector<16xf32>
        %mul3A_1182 = arith.mulf %get3A_1177, %get3A_1181 : vector<16xf32>
        %add3A_1183 = arith.addf %add3A_1143, %mul3A_1182 : vector<16xf32>
        %get3A_1184 = arith.index_cast %add3A_883 : i32 to index
        %get3A_1185 = arith.constant 480 : index
        %get3A_1186 = tpu.vector_load %arg13[%get3A_1184, %get3A_1185] {strides = array<i32>} : memref<16x512xf32, #tpu.memory_space<vmem>>, vector<1x16xf32>,
        %get3A_1187 = vector.shape_cast %get3A_1186 : vector<1x16xf32> to vector<16xf32>
        %get3A_1188 = arith.index_cast %add3A_883 : i32 to index
        %get3A_1189 = arith.constant 480 : index
        %get3A_1190 = tpu.vector_load %arg15[%get3A_1188, %get3A_1189] {strides = array<i32>} : memref<16x512xf32, #tpu.memory_space<vmem>>, vector<1x16xf32>,
        %get3A_1191 = vector.shape_cast %get3A_1190 : vector<1x16xf32> to vector<16xf32>
        %mul3A_1192 = arith.mulf %get3A_1187, %get3A_1191 : vector<16xf32>
        %add3A_1193 = arith.addf %add3A_1153, %mul3A_1192 : vector<16xf32>
        %get3A_1194 = arith.index_cast %add3A_883 : i32 to index
        %get3A_1195 = arith.constant 496 : index
        %get3A_1196 = tpu.vector_load %arg13[%get3A_1194, %get3A_1195] {strides = array<i32>} : memref<16x512xf32, #tpu.memory_space<vmem>>, vector<1x16xf32>,
        %get3A_1197 = vector.shape_cast %get3A_1196 : vector<1x16xf32> to vector<16xf32>
        %get3A_1198 = arith.index_cast %add3A_883 : i32 to index
        %get3A_1199 = arith.constant 496 : index
        %get3A_1200 = tpu.vector_load %arg15[%get3A_1198, %get3A_1199] {strides = array<i32>} : memref<16x512xf32, #tpu.memory_space<vmem>>, vector<1x16xf32>,
        %get3A_1201 = vector.shape_cast %get3A_1200 : vector<1x16xf32> to vector<16xf32>
        %mul3A_1202 = arith.mulf %get3A_1197, %get3A_1201 : vector<16xf32>
        %add3A_1203 = arith.addf %add3A_1163, %mul3A_1202 : vector<16xf32>
        %add3A_1204 = arith.addf %add3A_1173, %add3A_1183 : vector<16xf32>
        %add3A_1205 = arith.addf %add3A_1193, %add3A_1203 : vector<16xf32>
        %add3A_1206 = arith.addf %add3A_1204, %add3A_1205 : vector<16xf32>
        %swap3A = arith.index_cast %add3A_883 : i32 to index
        %swap3A_1207 = arith.constant 0 : index
        %swap3A_1208 = tpu.vector_load %arg17[%swap3A, %swap3A_1207] {strides = array<i32>} : memref<16x16xf32, #tpu.memory_space<vmem>>, vector<1x16xf32>,
        %swap3A_1209 = vector.shape_cast %swap3A_1208 : vector<1x16xf32> to vector<16xf32>
        %swap3A_1210 = vector.shape_cast %add3A_1206 : vector<16xf32> to vector<1x16xf32>
        tpu.vector_store %arg17[%swap3A, %swap3A_1207], %swap3A_1210 {strides = array<i32>} : memref<16x16xf32, #tpu.memory_space<vmem>>, vector<1x16xf32>,
        %mul3A_1211 = arith.constant 2 : i32
        %mul3A_1212 = arith.muli %scan3A_878, %mul3A_1211 : i32
        %add3A_1213 = arith.constant 1 : i32
        %add3A_1214 = arith.addi %mul3A_1212, %add3A_1213 : i32
        %get3A_1215 = arith.index_cast %add3A_1214 : i32 to index
        %get3A_1216 = arith.constant 0 : index
        %get3A_1217 = tpu.vector_load %arg13[%get3A_1215, %get3A_1216] {strides = array<i32>} : memref<16x512xf32, #tpu.memory_space<vmem>>, vector<1x16xf32>,
        %get3A_1218 = vector.shape_cast %get3A_1217 : vector<1x16xf32> to vector<16xf32>
        %get3A_1219 = arith.index_cast %add3A_1214 : i32 to index
        %get3A_1220 = arith.constant 0 : index
        %get3A_1221 = tpu.vector_load %arg15[%get3A_1219, %get3A_1220] {strides = array<i32>} : memref<16x512xf32, #tpu.memory_space<vmem>>, vector<1x16xf32>,
        %get3A_1222 = vector.shape_cast %get3A_1221 : vector<1x16xf32> to vector<16xf32>
        %mul3A_1223 = arith.mulf %get3A_1218, %get3A_1222 : vector<16xf32>
        %add3A_1224 = arith.addf %broadcast_in_dim3A_1, %mul3A_1223 : vector<16xf32>
        %get3A_1225 = arith.index_cast %add3A_1214 : i32 to index
        %get3A_1226 = arith.constant 16 : index
        %get3A_1227 = tpu.vector_load %arg13[%get3A_1225, %get3A_1226] {strides = array<i32>} : memref<16x512xf32, #tpu.memory_space<vmem>>, vector<1x16xf32>,
        %get3A_1228 = vector.shape_cast %get3A_1227 : vector<1x16xf32> to vector<16xf32>
        %get3A_1229 = arith.index_cast %add3A_1214 : i32 to index
        %get3A_1230 = arith.constant 16 : index
        %get3A_1231 = tpu.vector_load %arg15[%get3A_1229, %get3A_1230] {strides = array<i32>} : memref<16x512xf32, #tpu.memory_space<vmem>>, vector<1x16xf32>,
        %get3A_1232 = vector.shape_cast %get3A_1231 : vector<1x16xf32> to vector<16xf32>
        %mul3A_1233 = arith.mulf %get3A_1228, %get3A_1232 : vector<16xf32>
        %add3A_1234 = arith.addf %broadcast_in_dim3A_1, %mul3A_1233 : vector<16xf32>
        %get3A_1235 = arith.index_cast %add3A_1214 : i32 to index
        %get3A_1236 = arith.constant 32 : index
        %get3A_1237 = tpu.vector_load %arg13[%get3A_1235, %get3A_1236] {strides = array<i32>} : memref<16x512xf32, #tpu.memory_space<vmem>>, vector<1x16xf32>,
        %get3A_1238 = vector.shape_cast %get3A_1237 : vector<1x16xf32> to vector<16xf32>
        %get3A_1239 = arith.index_cast %add3A_1214 : i32 to index
        %get3A_1240 = arith.constant 32 : index
        %get3A_1241 = tpu.vector_load %arg15[%get3A_1239, %get3A_1240] {strides = array<i32>} : memref<16x512xf32, #tpu.memory_space<vmem>>, vector<1x16xf32>,
        %get3A_1242 = vector.shape_cast %get3A_1241 : vector<1x16xf32> to vector<16xf32>
        %mul3A_1243 = arith.mulf %get3A_1238, %get3A_1242 : vector<16xf32>
        %add3A_1244 = arith.addf %broadcast_in_dim3A_1, %mul3A_1243 : vector<16xf32>
        %get3A_1245 = arith.index_cast %add3A_1214 : i32 to index
        %get3A_1246 = arith.constant 48 : index
        %get3A_1247 = tpu.vector_load %arg13[%get3A_1245, %get3A_1246] {strides = array<i32>} : memref<16x512xf32, #tpu.memory_space<vmem>>, vector<1x16xf32>,
        %get3A_1248 = vector.shape_cast %get3A_1247 : vector<1x16xf32> to vector<16xf32>
        %get3A_1249 = arith.index_cast %add3A_1214 : i32 to index
        %get3A_1250 = arith.constant 48 : index
        %get3A_1251 = tpu.vector_load %arg15[%get3A_1249, %get3A_1250] {strides = array<i32>} : memref<16x512xf32, #tpu.memory_space<vmem>>, vector<1x16xf32>,
        %get3A_1252 = vector.shape_cast %get3A_1251 : vector<1x16xf32> to vector<16xf32>
        %mul3A_1253 = arith.mulf %get3A_1248, %get3A_1252 : vector<16xf32>
        %add3A_1254 = arith.addf %broadcast_in_dim3A_1, %mul3A_1253 : vector<16xf32>
        %get3A_1255 = arith.index_cast %add3A_1214 : i32 to index
        %get3A_1256 = arith.constant 64 : index
        %get3A_1257 = tpu.vector_load %arg13[%get3A_1255, %get3A_1256] {strides = array<i32>} : memref<16x512xf32, #tpu.memory_space<vmem>>, vector<1x16xf32>,
        %get3A_1258 = vector.shape_cast %get3A_1257 : vector<1x16xf32> to vector<16xf32>
        %get3A_1259 = arith.index_cast %add3A_1214 : i32 to index
        %get3A_1260 = arith.constant 64 : index
        %get3A_1261 = tpu.vector_load %arg15[%get3A_1259, %get3A_1260] {strides = array<i32>} : memref<16x512xf32, #tpu.memory_space<vmem>>, vector<1x16xf32>,
        %get3A_1262 = vector.shape_cast %get3A_1261 : vector<1x16xf32> to vector<16xf32>
        %mul3A_1263 = arith.mulf %get3A_1258, %get3A_1262 : vector<16xf32>
        %add3A_1264 = arith.addf %add3A_1224, %mul3A_1263 : vector<16xf32>
        %get3A_1265 = arith.index_cast %add3A_1214 : i32 to index
        %get3A_1266 = arith.constant 80 : index
        %get3A_1267 = tpu.vector_load %arg13[%get3A_1265, %get3A_1266] {strides = array<i32>} : memref<16x512xf32, #tpu.memory_space<vmem>>, vector<1x16xf32>,
        %get3A_1268 = vector.shape_cast %get3A_1267 : vector<1x16xf32> to vector<16xf32>
        %get3A_1269 = arith.index_cast %add3A_1214 : i32 to index
        %get3A_1270 = arith.constant 80 : index
        %get3A_1271 = tpu.vector_load %arg15[%get3A_1269, %get3A_1270] {strides = array<i32>} : memref<16x512xf32, #tpu.memory_space<vmem>>, vector<1x16xf32>,
        %get3A_1272 = vector.shape_cast %get3A_1271 : vector<1x16xf32> to vector<16xf32>
        %mul3A_1273 = arith.mulf %get3A_1268, %get3A_1272 : vector<16xf32>
        %add3A_1274 = arith.addf %add3A_1234, %mul3A_1273 : vector<16xf32>
        %get3A_1275 = arith.index_cast %add3A_1214 : i32 to index
        %get3A_1276 = arith.constant 96 : index
        %get3A_1277 = tpu.vector_load %arg13[%get3A_1275, %get3A_1276] {strides = array<i32>} : memref<16x512xf32, #tpu.memory_space<vmem>>, vector<1x16xf32>,
        %get3A_1278 = vector.shape_cast %get3A_1277 : vector<1x16xf32> to vector<16xf32>
        %get3A_1279 = arith.index_cast %add3A_1214 : i32 to index
        %get3A_1280 = arith.constant 96 : index
        %get3A_1281 = tpu.vector_load %arg15[%get3A_1279, %get3A_1280] {strides = array<i32>} : memref<16x512xf32, #tpu.memory_space<vmem>>, vector<1x16xf32>,
        %get3A_1282 = vector.shape_cast %get3A_1281 : vector<1x16xf32> to vector<16xf32>
        %mul3A_1283 = arith.mulf %get3A_1278, %get3A_1282 : vector<16xf32>
        %add3A_1284 = arith.addf %add3A_1244, %mul3A_1283 : vector<16xf32>
        %get3A_1285 = arith.index_cast %add3A_1214 : i32 to index
        %get3A_1286 = arith.constant 112 : index
        %get3A_1287 = tpu.vector_load %arg13[%get3A_1285, %get3A_1286] {strides = array<i32>} : memref<16x512xf32, #tpu.memory_space<vmem>>, vector<1x16xf32>,
        %get3A_1288 = vector.shape_cast %get3A_1287 : vector<1x16xf32> to vector<16xf32>
        %get3A_1289 = arith.index_cast %add3A_1214 : i32 to index
        %get3A_1290 = arith.constant 112 : index
        %get3A_1291 = tpu.vector_load %arg15[%get3A_1289, %get3A_1290] {strides = array<i32>} : memref<16x512xf32, #tpu.memory_space<vmem>>, vector<1x16xf32>,
        %get3A_1292 = vector.shape_cast %get3A_1291 : vector<1x16xf32> to vector<16xf32>
        %mul3A_1293 = arith.mulf %get3A_1288, %get3A_1292 : vector<16xf32>
        %add3A_1294 = arith.addf %add3A_1254, %mul3A_1293 : vector<16xf32>
        %get3A_1295 = arith.index_cast %add3A_1214 : i32 to index
        %get3A_1296 = arith.constant 128 : index
        %get3A_1297 = tpu.vector_load %arg13[%get3A_1295, %get3A_1296] {strides = array<i32>} : memref<16x512xf32, #tpu.memory_space<vmem>>, vector<1x16xf32>,
        %get3A_1298 = vector.shape_cast %get3A_1297 : vector<1x16xf32> to vector<16xf32>
        %get3A_1299 = arith.index_cast %add3A_1214 : i32 to index
        %get3A_1300 = arith.constant 128 : index
        %get3A_1301 = tpu.vector_load %arg15[%get3A_1299, %get3A_1300] {strides = array<i32>} : memref<16x512xf32, #tpu.memory_space<vmem>>, vector<1x16xf32>,
        %get3A_1302 = vector.shape_cast %get3A_1301 : vector<1x16xf32> to vector<16xf32>
        %mul3A_1303 = arith.mulf %get3A_1298, %get3A_1302 : vector<16xf32>
        %add3A_1304 = arith.addf %add3A_1264, %mul3A_1303 : vector<16xf32>
        %get3A_1305 = arith.index_cast %add3A_1214 : i32 to index
        %get3A_1306 = arith.constant 144 : index
        %get3A_1307 = tpu.vector_load %arg13[%get3A_1305, %get3A_1306] {strides = array<i32>} : memref<16x512xf32, #tpu.memory_space<vmem>>, vector<1x16xf32>,
        %get3A_1308 = vector.shape_cast %get3A_1307 : vector<1x16xf32> to vector<16xf32>
        %get3A_1309 = arith.index_cast %add3A_1214 : i32 to index
        %get3A_1310 = arith.constant 144 : index
        %get3A_1311 = tpu.vector_load %arg15[%get3A_1309, %get3A_1310] {strides = array<i32>} : memref<16x512xf32, #tpu.memory_space<vmem>>, vector<1x16xf32>,
        %get3A_1312 = vector.shape_cast %get3A_1311 : vector<1x16xf32> to vector<16xf32>
        %mul3A_1313 = arith.mulf %get3A_1308, %get3A_1312 : vector<16xf32>
        %add3A_1314 = arith.addf %add3A_1274, %mul3A_1313 : vector<16xf32>
        %get3A_1315 = arith.index_cast %add3A_1214 : i32 to index
        %get3A_1316 = arith.constant 160 : index
        %get3A_1317 = tpu.vector_load %arg13[%get3A_1315, %get3A_1316] {strides = array<i32>} : memref<16x512xf32, #tpu.memory_space<vmem>>, vector<1x16xf32>,
        %get3A_1318 = vector.shape_cast %get3A_1317 : vector<1x16xf32> to vector<16xf32>
        %get3A_1319 = arith.index_cast %add3A_1214 : i32 to index
        %get3A_1320 = arith.constant 160 : index
        %get3A_1321 = tpu.vector_load %arg15[%get3A_1319, %get3A_1320] {strides = array<i32>} : memref<16x512xf32, #tpu.memory_space<vmem>>, vector<1x16xf32>,
        %get3A_1322 = vector.shape_cast %get3A_1321 : vector<1x16xf32> to vector<16xf32>
        %mul3A_1323 = arith.mulf %get3A_1318, %get3A_1322 : vector<16xf32>
        %add3A_1324 = arith.addf %add3A_1284, %mul3A_1323 : vector<16xf32>
        %get3A_1325 = arith.index_cast %add3A_1214 : i32 to index
        %get3A_1326 = arith.constant 176 : index
        %get3A_1327 = tpu.vector_load %arg13[%get3A_1325, %get3A_1326] {strides = array<i32>} : memref<16x512xf32, #tpu.memory_space<vmem>>, vector<1x16xf32>,
        %get3A_1328 = vector.shape_cast %get3A_1327 : vector<1x16xf32> to vector<16xf32>
        %get3A_1329 = arith.index_cast %add3A_1214 : i32 to index
        %get3A_1330 = arith.constant 176 : index
        %get3A_1331 = tpu.vector_load %arg15[%get3A_1329, %get3A_1330] {strides = array<i32>} : memref<16x512xf32, #tpu.memory_space<vmem>>, vector<1x16xf32>,
        %get3A_1332 = vector.shape_cast %get3A_1331 : vector<1x16xf32> to vector<16xf32>
        %mul3A_1333 = arith.mulf %get3A_1328, %get3A_1332 : vector<16xf32>
        %add3A_1334 = arith.addf %add3A_1294, %mul3A_1333 : vector<16xf32>
        %get3A_1335 = arith.index_cast %add3A_1214 : i32 to index
        %get3A_1336 = arith.constant 192 : index
        %get3A_1337 = tpu.vector_load %arg13[%get3A_1335, %get3A_1336] {strides = array<i32>} : memref<16x512xf32, #tpu.memory_space<vmem>>, vector<1x16xf32>,
        %get3A_1338 = vector.shape_cast %get3A_1337 : vector<1x16xf32> to vector<16xf32>
        %get3A_1339 = arith.index_cast %add3A_1214 : i32 to index
        %get3A_1340 = arith.constant 192 : index
        %get3A_1341 = tpu.vector_load %arg15[%get3A_1339, %get3A_1340] {strides = array<i32>} : memref<16x512xf32, #tpu.memory_space<vmem>>, vector<1x16xf32>,
        %get3A_1342 = vector.shape_cast %get3A_1341 : vector<1x16xf32> to vector<16xf32>
        %mul3A_1343 = arith.mulf %get3A_1338, %get3A_1342 : vector<16xf32>
        %add3A_1344 = arith.addf %add3A_1304, %mul3A_1343 : vector<16xf32>
        %get3A_1345 = arith.index_cast %add3A_1214 : i32 to index
        %get3A_1346 = arith.constant 208 : index
        %get3A_1347 = tpu.vector_load %arg13[%get3A_1345, %get3A_1346] {strides = array<i32>} : memref<16x512xf32, #tpu.memory_space<vmem>>, vector<1x16xf32>,
        %get3A_1348 = vector.shape_cast %get3A_1347 : vector<1x16xf32> to vector<16xf32>
        %get3A_1349 = arith.index_cast %add3A_1214 : i32 to index
        %get3A_1350 = arith.constant 208 : index
        %get3A_1351 = tpu.vector_load %arg15[%get3A_1349, %get3A_1350] {strides = array<i32>} : memref<16x512xf32, #tpu.memory_space<vmem>>, vector<1x16xf32>,
        %get3A_1352 = vector.shape_cast %get3A_1351 : vector<1x16xf32> to vector<16xf32>
        %mul3A_1353 = arith.mulf %get3A_1348, %get3A_1352 : vector<16xf32>
        %add3A_1354 = arith.addf %add3A_1314, %mul3A_1353 : vector<16xf32>
        %get3A_1355 = arith.index_cast %add3A_1214 : i32 to index
        %get3A_1356 = arith.constant 224 : index
        %get3A_1357 = tpu.vector_load %arg13[%get3A_1355, %get3A_1356] {strides = array<i32>} : memref<16x512xf32, #tpu.memory_space<vmem>>, vector<1x16xf32>,
        %get3A_1358 = vector.shape_cast %get3A_1357 : vector<1x16xf32> to vector<16xf32>
        %get3A_1359 = arith.index_cast %add3A_1214 : i32 to index
        %get3A_1360 = arith.constant 224 : index
        %get3A_1361 = tpu.vector_load %arg15[%get3A_1359, %get3A_1360] {strides = array<i32>} : memref<16x512xf32, #tpu.memory_space<vmem>>, vector<1x16xf32>,
        %get3A_1362 = vector.shape_cast %get3A_1361 : vector<1x16xf32> to vector<16xf32>
        %mul3A_1363 = arith.mulf %get3A_1358, %get3A_1362 : vector<16xf32>
        %add3A_1364 = arith.addf %add3A_1324, %mul3A_1363 : vector<16xf32>
        %get3A_1365 = arith.index_cast %add3A_1214 : i32 to index
        %get3A_1366 = arith.constant 240 : index
        %get3A_1367 = tpu.vector_load %arg13[%get3A_1365, %get3A_1366] {strides = array<i32>} : memref<16x512xf32, #tpu.memory_space<vmem>>, vector<1x16xf32>,
        %get3A_1368 = vector.shape_cast %get3A_1367 : vector<1x16xf32> to vector<16xf32>
        %get3A_1369 = arith.index_cast %add3A_1214 : i32 to index
        %get3A_1370 = arith.constant 240 : index
        %get3A_1371 = tpu.vector_load %arg15[%get3A_1369, %get3A_1370] {strides = array<i32>} : memref<16x512xf32, #tpu.memory_space<vmem>>, vector<1x16xf32>,
        %get3A_1372 = vector.shape_cast %get3A_1371 : vector<1x16xf32> to vector<16xf32>
        %mul3A_1373 = arith.mulf %get3A_1368, %get3A_1372 : vector<16xf32>
        %add3A_1374 = arith.addf %add3A_1334, %mul3A_1373 : vector<16xf32>
        %get3A_1375 = arith.index_cast %add3A_1214 : i32 to index
        %get3A_1376 = arith.constant 256 : index
        %get3A_1377 = tpu.vector_load %arg13[%get3A_1375, %get3A_1376] {strides = array<i32>} : memref<16x512xf32, #tpu.memory_space<vmem>>, vector<1x16xf32>,
        %get3A_1378 = vector.shape_cast %get3A_1377 : vector<1x16xf32> to vector<16xf32>
        %get3A_1379 = arith.index_cast %add3A_1214 : i32 to index
        %get3A_1380 = arith.constant 256 : index
        %get3A_1381 = tpu.vector_load %arg15[%get3A_1379, %get3A_1380] {strides = array<i32>} : memref<16x512xf32, #tpu.memory_space<vmem>>, vector<1x16xf32>,
        %get3A_1382 = vector.shape_cast %get3A_1381 : vector<1x16xf32> to vector<16xf32>
        %mul3A_1383 = arith.mulf %get3A_1378, %get3A_1382 : vector<16xf32>
        %add3A_1384 = arith.addf %add3A_1344, %mul3A_1383 : vector<16xf32>
        %get3A_1385 = arith.index_cast %add3A_1214 : i32 to index
        %get3A_1386 = arith.constant 272 : index
        %get3A_1387 = tpu.vector_load %arg13[%get3A_1385, %get3A_1386] {strides = array<i32>} : memref<16x512xf32, #tpu.memory_space<vmem>>, vector<1x16xf32>,
        %get3A_1388 = vector.shape_cast %get3A_1387 : vector<1x16xf32> to vector<16xf32>
        %get3A_1389 = arith.index_cast %add3A_1214 : i32 to index
        %get3A_1390 = arith.constant 272 : index
        %get3A_1391 = tpu.vector_load %arg15[%get3A_1389, %get3A_1390] {strides = array<i32>} : memref<16x512xf32, #tpu.memory_space<vmem>>, vector<1x16xf32>,
        %get3A_1392 = vector.shape_cast %get3A_1391 : vector<1x16xf32> to vector<16xf32>
        %mul3A_1393 = arith.mulf %get3A_1388, %get3A_1392 : vector<16xf32>
        %add3A_1394 = arith.addf %add3A_1354, %mul3A_1393 : vector<16xf32>
        %get3A_1395 = arith.index_cast %add3A_1214 : i32 to index
        %get3A_1396 = arith.constant 288 : index
        %get3A_1397 = tpu.vector_load %arg13[%get3A_1395, %get3A_1396] {strides = array<i32>} : memref<16x512xf32, #tpu.memory_space<vmem>>, vector<1x16xf32>,
        %get3A_1398 = vector.shape_cast %get3A_1397 : vector<1x16xf32> to vector<16xf32>
        %get3A_1399 = arith.index_cast %add3A_1214 : i32 to index
        %get3A_1400 = arith.constant 288 : index
        %get3A_1401 = tpu.vector_load %arg15[%get3A_1399, %get3A_1400] {strides = array<i32>} : memref<16x512xf32, #tpu.memory_space<vmem>>, vector<1x16xf32>,
        %get3A_1402 = vector.shape_cast %get3A_1401 : vector<1x16xf32> to vector<16xf32>
        %mul3A_1403 = arith.mulf %get3A_1398, %get3A_1402 : vector<16xf32>
        %add3A_1404 = arith.addf %add3A_1364, %mul3A_1403 : vector<16xf32>
        %get3A_1405 = arith.index_cast %add3A_1214 : i32 to index
        %get3A_1406 = arith.constant 304 : index
        %get3A_1407 = tpu.vector_load %arg13[%get3A_1405, %get3A_1406] {strides = array<i32>} : memref<16x512xf32, #tpu.memory_space<vmem>>, vector<1x16xf32>,
        %get3A_1408 = vector.shape_cast %get3A_1407 : vector<1x16xf32> to vector<16xf32>
        %get3A_1409 = arith.index_cast %add3A_1214 : i32 to index
        %get3A_1410 = arith.constant 304 : index
        %get3A_1411 = tpu.vector_load %arg15[%get3A_1409, %get3A_1410] {strides = array<i32>} : memref<16x512xf32, #tpu.memory_space<vmem>>, vector<1x16xf32>,
        %get3A_1412 = vector.shape_cast %get3A_1411 : vector<1x16xf32> to vector<16xf32>
        %mul3A_1413 = arith.mulf %get3A_1408, %get3A_1412 : vector<16xf32>
        %add3A_1414 = arith.addf %add3A_1374, %mul3A_1413 : vector<16xf32>
        %get3A_1415 = arith.index_cast %add3A_1214 : i32 to index
        %get3A_1416 = arith.constant 320 : index
        %get3A_1417 = tpu.vector_load %arg13[%get3A_1415, %get3A_1416] {strides = array<i32>} : memref<16x512xf32, #tpu.memory_space<vmem>>, vector<1x16xf32>,
        %get3A_1418 = vector.shape_cast %get3A_1417 : vector<1x16xf32> to vector<16xf32>
        %get3A_1419 = arith.index_cast %add3A_1214 : i32 to index
        %get3A_1420 = arith.constant 320 : index
        %get3A_1421 = tpu.vector_load %arg15[%get3A_1419, %get3A_1420] {strides = array<i32>} : memref<16x512xf32, #tpu.memory_space<vmem>>, vector<1x16xf32>,
        %get3A_1422 = vector.shape_cast %get3A_1421 : vector<1x16xf32> to vector<16xf32>
        %mul3A_1423 = arith.mulf %get3A_1418, %get3A_1422 : vector<16xf32>
        %add3A_1424 = arith.addf %add3A_1384, %mul3A_1423 : vector<16xf32>
        %get3A_1425 = arith.index_cast %add3A_1214 : i32 to index
        %get3A_1426 = arith.constant 336 : index
        %get3A_1427 = tpu.vector_load %arg13[%get3A_1425, %get3A_1426] {strides = array<i32>} : memref<16x512xf32, #tpu.memory_space<vmem>>, vector<1x16xf32>,
        %get3A_1428 = vector.shape_cast %get3A_1427 : vector<1x16xf32> to vector<16xf32>
        %get3A_1429 = arith.index_cast %add3A_1214 : i32 to index
        %get3A_1430 = arith.constant 336 : index
        %get3A_1431 = tpu.vector_load %arg15[%get3A_1429, %get3A_1430] {strides = array<i32>} : memref<16x512xf32, #tpu.memory_space<vmem>>, vector<1x16xf32>,
        %get3A_1432 = vector.shape_cast %get3A_1431 : vector<1x16xf32> to vector<16xf32>
        %mul3A_1433 = arith.mulf %get3A_1428, %get3A_1432 : vector<16xf32>
        %add3A_1434 = arith.addf %add3A_1394, %mul3A_1433 : vector<16xf32>
        %get3A_1435 = arith.index_cast %add3A_1214 : i32 to index
        %get3A_1436 = arith.constant 352 : index
        %get3A_1437 = tpu.vector_load %arg13[%get3A_1435, %get3A_1436] {strides = array<i32>} : memref<16x512xf32, #tpu.memory_space<vmem>>, vector<1x16xf32>,
        %get3A_1438 = vector.shape_cast %get3A_1437 : vector<1x16xf32> to vector<16xf32>
        %get3A_1439 = arith.index_cast %add3A_1214 : i32 to index
        %get3A_1440 = arith.constant 352 : index
        %get3A_1441 = tpu.vector_load %arg15[%get3A_1439, %get3A_1440] {strides = array<i32>} : memref<16x512xf32, #tpu.memory_space<vmem>>, vector<1x16xf32>,
        %get3A_1442 = vector.shape_cast %get3A_1441 : vector<1x16xf32> to vector<16xf32>
        %mul3A_1443 = arith.mulf %get3A_1438, %get3A_1442 : vector<16xf32>
        %add3A_1444 = arith.addf %add3A_1404, %mul3A_1443 : vector<16xf32>
        %get3A_1445 = arith.index_cast %add3A_1214 : i32 to index
        %get3A_1446 = arith.constant 368 : index
        %get3A_1447 = tpu.vector_load %arg13[%get3A_1445, %get3A_1446] {strides = array<i32>} : memref<16x512xf32, #tpu.memory_space<vmem>>, vector<1x16xf32>,
        %get3A_1448 = vector.shape_cast %get3A_1447 : vector<1x16xf32> to vector<16xf32>
        %get3A_1449 = arith.index_cast %add3A_1214 : i32 to index
        %get3A_1450 = arith.constant 368 : index
        %get3A_1451 = tpu.vector_load %arg15[%get3A_1449, %get3A_1450] {strides = array<i32>} : memref<16x512xf32, #tpu.memory_space<vmem>>, vector<1x16xf32>,
        %get3A_1452 = vector.shape_cast %get3A_1451 : vector<1x16xf32> to vector<16xf32>
        %mul3A_1453 = arith.mulf %get3A_1448, %get3A_1452 : vector<16xf32>
        %add3A_1454 = arith.addf %add3A_1414, %mul3A_1453 : vector<16xf32>
        %get3A_1455 = arith.index_cast %add3A_1214 : i32 to index
        %get3A_1456 = arith.constant 384 : index
        %get3A_1457 = tpu.vector_load %arg13[%get3A_1455, %get3A_1456] {strides = array<i32>} : memref<16x512xf32, #tpu.memory_space<vmem>>, vector<1x16xf32>,
        %get3A_1458 = vector.shape_cast %get3A_1457 : vector<1x16xf32> to vector<16xf32>
        %get3A_1459 = arith.index_cast %add3A_1214 : i32 to index
        %get3A_1460 = arith.constant 384 : index
        %get3A_1461 = tpu.vector_load %arg15[%get3A_1459, %get3A_1460] {strides = array<i32>} : memref<16x512xf32, #tpu.memory_space<vmem>>, vector<1x16xf32>,
        %get3A_1462 = vector.shape_cast %get3A_1461 : vector<1x16xf32> to vector<16xf32>
        %mul3A_1463 = arith.mulf %get3A_1458, %get3A_1462 : vector<16xf32>
        %add3A_1464 = arith.addf %add3A_1424, %mul3A_1463 : vector<16xf32>
        %get3A_1465 = arith.index_cast %add3A_1214 : i32 to index
        %get3A_1466 = arith.constant 400 : index
        %get3A_1467 = tpu.vector_load %arg13[%get3A_1465, %get3A_1466] {strides = array<i32>} : memref<16x512xf32, #tpu.memory_space<vmem>>, vector<1x16xf32>,
        %get3A_1468 = vector.shape_cast %get3A_1467 : vector<1x16xf32> to vector<16xf32>
        %get3A_1469 = arith.index_cast %add3A_1214 : i32 to index
        %get3A_1470 = arith.constant 400 : index
        %get3A_1471 = tpu.vector_load %arg15[%get3A_1469, %get3A_1470] {strides = array<i32>} : memref<16x512xf32, #tpu.memory_space<vmem>>, vector<1x16xf32>,
        %get3A_1472 = vector.shape_cast %get3A_1471 : vector<1x16xf32> to vector<16xf32>
        %mul3A_1473 = arith.mulf %get3A_1468, %get3A_1472 : vector<16xf32>
        %add3A_1474 = arith.addf %add3A_1434, %mul3A_1473 : vector<16xf32>
        %get3A_1475 = arith.index_cast %add3A_1214 : i32 to index
        %get3A_1476 = arith.constant 416 : index
        %get3A_1477 = tpu.vector_load %arg13[%get3A_1475, %get3A_1476] {strides = array<i32>} : memref<16x512xf32, #tpu.memory_space<vmem>>, vector<1x16xf32>,
        %get3A_1478 = vector.shape_cast %get3A_1477 : vector<1x16xf32> to vector<16xf32>
        %get3A_1479 = arith.index_cast %add3A_1214 : i32 to index
        %get3A_1480 = arith.constant 416 : index
        %get3A_1481 = tpu.vector_load %arg15[%get3A_1479, %get3A_1480] {strides = array<i32>} : memref<16x512xf32, #tpu.memory_space<vmem>>, vector<1x16xf32>,
        %get3A_1482 = vector.shape_cast %get3A_1481 : vector<1x16xf32> to vector<16xf32>
        %mul3A_1483 = arith.mulf %get3A_1478, %get3A_1482 : vector<16xf32>
        %add3A_1484 = arith.addf %add3A_1444, %mul3A_1483 : vector<16xf32>
        %get3A_1485 = arith.index_cast %add3A_1214 : i32 to index
        %get3A_1486 = arith.constant 432 : index
        %get3A_1487 = tpu.vector_load %arg13[%get3A_1485, %get3A_1486] {strides = array<i32>} : memref<16x512xf32, #tpu.memory_space<vmem>>, vector<1x16xf32>,
        %get3A_1488 = vector.shape_cast %get3A_1487 : vector<1x16xf32> to vector<16xf32>
        %get3A_1489 = arith.index_cast %add3A_1214 : i32 to index
        %get3A_1490 = arith.constant 432 : index
        %get3A_1491 = tpu.vector_load %arg15[%get3A_1489, %get3A_1490] {strides = array<i32>} : memref<16x512xf32, #tpu.memory_space<vmem>>, vector<1x16xf32>,
        %get3A_1492 = vector.shape_cast %get3A_1491 : vector<1x16xf32> to vector<16xf32>
        %mul3A_1493 = arith.mulf %get3A_1488, %get3A_1492 : vector<16xf32>
        %add3A_1494 = arith.addf %add3A_1454, %mul3A_1493 : vector<16xf32>
        %get3A_1495 = arith.index_cast %add3A_1214 : i32 to index
        %get3A_1496 = arith.constant 448 : index
        %get3A_1497 = tpu.vector_load %arg13[%get3A_1495, %get3A_1496] {strides = array<i32>} : memref<16x512xf32, #tpu.memory_space<vmem>>, vector<1x16xf32>,
        %get3A_1498 = vector.shape_cast %get3A_1497 : vector<1x16xf32> to vector<16xf32>
        %get3A_1499 = arith.index_cast %add3A_1214 : i32 to index
        %get3A_1500 = arith.constant 448 : index
        %get3A_1501 = tpu.vector_load %arg15[%get3A_1499, %get3A_1500] {strides = array<i32>} : memref<16x512xf32, #tpu.memory_space<vmem>>, vector<1x16xf32>,
        %get3A_1502 = vector.shape_cast %get3A_1501 : vector<1x16xf32> to vector<16xf32>
        %mul3A_1503 = arith.mulf %get3A_1498, %get3A_1502 : vector<16xf32>
        %add3A_1504 = arith.addf %add3A_1464, %mul3A_1503 : vector<16xf32>
        %get3A_1505 = arith.index_cast %add3A_1214 : i32 to index
        %get3A_1506 = arith.constant 464 : index
        %get3A_1507 = tpu.vector_load %arg13[%get3A_1505, %get3A_1506] {strides = array<i32>} : memref<16x512xf32, #tpu.memory_space<vmem>>, vector<1x16xf32>,
        %get3A_1508 = vector.shape_cast %get3A_1507 : vector<1x16xf32> to vector<16xf32>
        %get3A_1509 = arith.index_cast %add3A_1214 : i32 to index
        %get3A_1510 = arith.constant 464 : index
        %get3A_1511 = tpu.vector_load %arg15[%get3A_1509, %get3A_1510] {strides = array<i32>} : memref<16x512xf32, #tpu.memory_space<vmem>>, vector<1x16xf32>,
        %get3A_1512 = vector.shape_cast %get3A_1511 : vector<1x16xf32> to vector<16xf32>
        %mul3A_1513 = arith.mulf %get3A_1508, %get3A_1512 : vector<16xf32>
        %add3A_1514 = arith.addf %add3A_1474, %mul3A_1513 : vector<16xf32>
        %get3A_1515 = arith.index_cast %add3A_1214 : i32 to index
        %get3A_1516 = arith.constant 480 : index
        %get3A_1517 = tpu.vector_load %arg13[%get3A_1515, %get3A_1516] {strides = array<i32>} : memref<16x512xf32, #tpu.memory_space<vmem>>, vector<1x16xf32>,
        %get3A_1518 = vector.shape_cast %get3A_1517 : vector<1x16xf32> to vector<16xf32>
        %get3A_1519 = arith.index_cast %add3A_1214 : i32 to index
        %get3A_1520 = arith.constant 480 : index
        %get3A_1521 = tpu.vector_load %arg15[%get3A_1519, %get3A_1520] {strides = array<i32>} : memref<16x512xf32, #tpu.memory_space<vmem>>, vector<1x16xf32>,
        %get3A_1522 = vector.shape_cast %get3A_1521 : vector<1x16xf32> to vector<16xf32>
        %mul3A_1523 = arith.mulf %get3A_1518, %get3A_1522 : vector<16xf32>
        %add3A_1524 = arith.addf %add3A_1484, %mul3A_1523 : vector<16xf32>
        %get3A_1525 = arith.index_cast %add3A_1214 : i32 to index
        %get3A_1526 = arith.constant 496 : index
        %get3A_1527 = tpu.vector_load %arg13[%get3A_1525, %get3A_1526] {strides = array<i32>} : memref<16x512xf32, #tpu.memory_space<vmem>>, vector<1x16xf32>,
        %get3A_1528 = vector.shape_cast %get3A_1527 : vector<1x16xf32> to vector<16xf32>
        %get3A_1529 = arith.index_cast %add3A_1214 : i32 to index
        %get3A_1530 = arith.constant 496 : index
        %get3A_1531 = tpu.vector_load %arg15[%get3A_1529, %get3A_1530] {strides = array<i32>} : memref<16x512xf32, #tpu.memory_space<vmem>>, vector<1x16xf32>,
        %get3A_1532 = vector.shape_cast %get3A_1531 : vector<1x16xf32> to vector<16xf32>
        %mul3A_1533 = arith.mulf %get3A_1528, %get3A_1532 : vector<16xf32>
        %add3A_1534 = arith.addf %add3A_1494, %mul3A_1533 : vector<16xf32>
        %add3A_1535 = arith.addf %add3A_1504, %add3A_1514 : vector<16xf32>
        %add3A_1536 = arith.addf %add3A_1524, %add3A_1534 : vector<16xf32>
        %add3A_1537 = arith.addf %add3A_1535, %add3A_1536 : vector<16xf32>
        %swap3A_1538 = arith.index_cast %add3A_1214 : i32 to index
        %swap3A_1539 = arith.constant 0 : index
        %swap3A_1540 = tpu.vector_load %arg17[%swap3A_1538, %swap3A_1539] {strides = array<i32>} : memref<16x16xf32, #tpu.memory_space<vmem>>, vector<1x16xf32>,
        %swap3A_1541 = vector.shape_cast %swap3A_1540 : vector<1x16xf32> to vector<16xf32>
        %swap3A_1542 = vector.shape_cast %add3A_1537 : vector<16xf32> to vector<1x16xf32>
        tpu.vector_store %arg17[%swap3A_1538, %swap3A_1539], %swap3A_1542 {strides = array<i32>} : memref<16x16xf32, #tpu.memory_space<vmem>>, vector<1x16xf32>,
        %scan3A_1543 = arith.constant 0 : i32
        scf.yield %scan3A_1543 : i32
      }
      %scan3A_424 = arith.constant 8 : i32
      %jit3A_425 = arith.constant 4 : i32
      %div3A_426 = arith.divsi %add3A_200, %jit3A_425 : i32
      %sign3A_427 = arith.constant 0 : i32
      %sign3A_428 = arith.cmpi sgt, %add3A_200, %sign3A_427 : i32
      %sign3A_429 = arith.extui %sign3A_428 : i1 to i32
      %sign3A_430 = arith.constant 0 : i32
      %sign3A_431 = arith.cmpi slt, %add3A_200, %sign3A_430 : i32
      %sign3A_432 = arith.extui %sign3A_431 : i1 to i32
      %sign3A_433 = arith.subi %sign3A_429, %sign3A_432 : i32
      %sign3A_434 = arith.constant 0 : i32
      %sign3A_435 = arith.cmpi sgt, %jit3A_425, %sign3A_434 : i32
      %sign3A_436 = arith.extui %sign3A_435 : i1 to i32
      %sign3A_437 = arith.constant 0 : i32
      %sign3A_438 = arith.cmpi slt, %jit3A_425, %sign3A_437 : i32
      %sign3A_439 = arith.extui %sign3A_438 : i1 to i32
      %sign3A_440 = arith.subi %sign3A_436, %sign3A_439 : i32
      %ne3A_441 = arith.cmpi ne, %sign3A_433, %sign3A_440 : i32
      %rem3A_442 = arith.remsi %add3A_200, %jit3A_425 : i32
      %ne3A_443 = arith.constant 0 : i32
      %ne3A_444 = arith.cmpi ne, %rem3A_442, %ne3A_443 : i32
      %and3A_445 = arith.andi %ne3A_441, %ne3A_444 : i1
      %sub3A_446 = arith.constant 1 : i32
      %sub3A_447 = arith.subi %div3A_426, %sub3A_446 : i32
      %select_n3A_448 = arith.select %and3A_445, %sub3A_447, %div3A_426 : i32
      %jit3A_449 = arith.constant 4 : i32
      %eq3A_450 = arith.constant 0 : i32
      %eq3A_451 = arith.cmpi eq, %jit3A_449, %eq3A_450 : i32
      %jit3A_452 = arith.constant 1 : i32
      %select_n3A_453 = arith.select %eq3A_451, %jit3A_452, %jit3A_449 : i32
      %rem3A_454 = arith.remsi %add3A_200, %select_n3A_453 : i32
      %ne3A_455 = arith.constant 0 : i32
      %ne3A_456 = arith.cmpi ne, %rem3A_454, %ne3A_455 : i32
      %lt3A_457 = arith.constant 0 : i32
      %lt3A_458 = arith.cmpi slt, %rem3A_454, %lt3A_457 : i32
      %lt3A_459 = arith.constant 0 : i32
      %lt3A_460 = arith.cmpi slt, %select_n3A_453, %lt3A_459 : i32
      %ne3A_461 = arith.xori %lt3A_458, %lt3A_460 : i1
      %and3A_462 = arith.andi %ne3A_461, %ne3A_456 : i1
      %add3A_463 = arith.addi %rem3A_454, %select_n3A_453 : i32
      %select_n3A_464 = arith.select %and3A_462, %add3A_463, %rem3A_454 : i32
      %jit3A_465 = arith.constant 8 : i32
      %div3A_466 = arith.divsi %select_n3A_448, %jit3A_465 : i32
      %sign3A_467 = arith.constant 0 : i32
      %sign3A_468 = arith.cmpi sgt, %select_n3A_448, %sign3A_467 : i32
      %sign3A_469 = arith.extui %sign3A_468 : i1 to i32
      %sign3A_470 = arith.constant 0 : i32
      %sign3A_471 = arith.cmpi slt, %select_n3A_448, %sign3A_470 : i32
      %sign3A_472 = arith.extui %sign3A_471 : i1 to i32
      %sign3A_473 = arith.subi %sign3A_469, %sign3A_472 : i32
      %sign3A_474 = arith.constant 0 : i32
      %sign3A_475 = arith.cmpi sgt, %jit3A_465, %sign3A_474 : i32
      %sign3A_476 = arith.extui %sign3A_475 : i1 to i32
      %sign3A_477 = arith.constant 0 : i32
      %sign3A_478 = arith.cmpi slt, %jit3A_465, %sign3A_477 : i32
      %sign3A_479 = arith.extui %sign3A_478 : i1 to i32
      %sign3A_480 = arith.subi %sign3A_476, %sign3A_479 : i32
      %ne3A_481 = arith.cmpi ne, %sign3A_473, %sign3A_480 : i32
      %rem3A_482 = arith.remsi %select_n3A_448, %jit3A_465 : i32
      %ne3A_483 = arith.constant 0 : i32
      %ne3A_484 = arith.cmpi ne, %rem3A_482, %ne3A_483 : i32
      %and3A_485 = arith.andi %ne3A_481, %ne3A_484 : i1
      %sub3A_486 = arith.constant 1 : i32
      %sub3A_487 = arith.subi %div3A_466, %sub3A_486 : i32
      %select_n3A_488 = arith.select %and3A_485, %sub3A_487, %div3A_466 : i32
      %jit3A_489 = arith.constant 8 : i32
      %eq3A_490 = arith.constant 0 : i32
      %eq3A_491 = arith.cmpi eq, %jit3A_489, %eq3A_490 : i32
      %jit3A_492 = arith.constant 1 : i32
      %select_n3A_493 = arith.select %eq3A_491, %jit3A_492, %jit3A_489 : i32
      %rem3A_494 = arith.remsi %select_n3A_448, %select_n3A_493 : i32
      %ne3A_495 = arith.constant 0 : i32
      %ne3A_496 = arith.cmpi ne, %rem3A_494, %ne3A_495 : i32
      %lt3A_497 = arith.constant 0 : i32
      %lt3A_498 = arith.cmpi slt, %rem3A_494, %lt3A_497 : i32
      %lt3A_499 = arith.constant 0 : i32
      %lt3A_500 = arith.cmpi slt, %select_n3A_493, %lt3A_499 : i32
      %ne3A_501 = arith.xori %lt3A_498, %lt3A_500 : i1
      %and3A_502 = arith.andi %ne3A_501, %ne3A_496 : i1
      %add3A_503 = arith.addi %rem3A_494, %select_n3A_493 : i32
      %select_n3A_504 = arith.select %and3A_502, %add3A_503, %rem3A_494 : i32
      %mul3A_505 = arith.constant 16 : i32
      %mul3A_506 = arith.muli %select_n3A_504, %mul3A_505 : i32
      %get3A_507 = arith.index_cast %select_n3A_488 : i32 to index
      %get3A_508 = arith.index_cast %mul3A_506 : i32 to index
      %get3A_509 = tpu.vector_load %arg11[%get3A_507, %get3A_508] {strides = array<i32>} : memref<40x128xi32, #tpu.memory_space<vmem>>, vector<1x16xi32>,
      %get3A_510 = vector.shape_cast %get3A_509 : vector<1x16xi32> to vector<16xi32>
      %mul3A_511 = arith.constant 4 : i32
      %mul3A_512 = vector.broadcast %mul3A_511 : i32 to vector<16xi32>
      %mul3A_513 = arith.muli %get3A_510, %mul3A_512 : vector<16xi32>
      %add3A_514 = vector.broadcast %select_n3A_464 : i32 to vector<16xi32>
      %add3A_515 = arith.addi %mul3A_513, %add3A_514 : vector<16xi32>
      %get3A_516 = arith.index_cast %select_n3A_488 : i32 to index
      %get3A_517 = arith.index_cast %mul3A_506 : i32 to index
      %get3A_518 = tpu.vector_load %arg12[%get3A_516, %get3A_517] {strides = array<i32>} : memref<40x128xi32, #tpu.memory_space<vmem>>, vector<1x16xi32>,
      %get3A_519 = vector.shape_cast %get3A_518 : vector<1x16xi32> to vector<16xi32>
      %mul3A_520 = arith.constant 4 : i32
      %mul3A_521 = vector.broadcast %mul3A_520 : i32 to vector<16xi32>
      %mul3A_522 = arith.muli %get3A_519, %mul3A_521 : vector<16xi32>
      %add3A_523 = vector.broadcast %select_n3A_464 : i32 to vector<16xi32>
      %add3A_524 = arith.addi %mul3A_522, %add3A_523 : vector<16xi32>
      %get3A_525 = arith.index_cast %select_n3A_488 : i32 to index
      %get3A_526 = arith.index_cast %mul3A_506 : i32 to index
      %get3A_527 = tpu.vector_load %arg12[%get3A_525, %get3A_526] {strides = array<i32>} : memref<40x128xi32, #tpu.memory_space<vmem>>, vector<1x16xi32>,
      %get3A_528 = vector.shape_cast %get3A_527 : vector<1x16xi32> to vector<16xi32>
      %dma_start3A_529 = arith.constant 0 : i32
      %dma_start3A_530 = arith.constant 0 : i32
      %dma_start3A_531 = tpu.memref_slice %arg20[%dma_start3A_529, %dma_start3A_530] : memref<10016x16xf32, #tpu.memory_space<vmem_shared>> -> memref<10016x16xf32, #tpu.memory_space<vmem_shared>>
      tpu.enqueue_indirect_dma source(%arg17 : memref<16x16xf32, #tpu.memory_space<vmem>>) target(%dma_start3A_531 : memref<10016x16xf32, #tpu.memory_space<vmem_shared>>) offsets(%get3A_528 : vector<16xi32>) semaphore(%arg25 : memref<!tpu.dma_semaphore, #tpu.memory_space<semaphore_mem>>) {add = true}
      %mul3A_532 = arith.constant 2 : i32
      %mul3A_533 = arith.muli %scan3A_195, %mul3A_532 : i32
      %add3A_534 = arith.constant 1 : i32
      %add3A_535 = arith.addi %mul3A_533, %add3A_534 : i32
      %add3A_536 = arith.constant 1 : i32
      %add3A_537 = arith.addi %add3A_535, %add3A_536 : i32
      %min3A_538 = arith.constant 1279 : i32
      %min3A_539 = arith.minsi %add3A_537, %min3A_538 : i32
      %jit3A_540 = arith.constant 4 : i32
      %div3A_541 = arith.divsi %min3A_539, %jit3A_540 : i32
      %sign3A_542 = arith.constant 0 : i32
      %sign3A_543 = arith.cmpi sgt, %min3A_539, %sign3A_542 : i32
      %sign3A_544 = arith.extui %sign3A_543 : i1 to i32
      %sign3A_545 = arith.constant 0 : i32
      %sign3A_546 = arith.cmpi slt, %min3A_539, %sign3A_545 : i32
      %sign3A_547 = arith.extui %sign3A_546 : i1 to i32
      %sign3A_548 = arith.subi %sign3A_544, %sign3A_547 : i32
      %sign3A_549 = arith.constant 0 : i32
      %sign3A_550 = arith.cmpi sgt, %jit3A_540, %sign3A_549 : i32
      %sign3A_551 = arith.extui %sign3A_550 : i1 to i32
      %sign3A_552 = arith.constant 0 : i32
      %sign3A_553 = arith.cmpi slt, %jit3A_540, %sign3A_552 : i32
      %sign3A_554 = arith.extui %sign3A_553 : i1 to i32
      %sign3A_555 = arith.subi %sign3A_551, %sign3A_554 : i32
      %ne3A_556 = arith.cmpi ne, %sign3A_548, %sign3A_555 : i32
      %rem3A_557 = arith.remsi %min3A_539, %jit3A_540 : i32
      %ne3A_558 = arith.constant 0 : i32
      %ne3A_559 = arith.cmpi ne, %rem3A_557, %ne3A_558 : i32
      %and3A_560 = arith.andi %ne3A_556, %ne3A_559 : i1
      %sub3A_561 = arith.constant 1 : i32
      %sub3A_562 = arith.subi %div3A_541, %sub3A_561 : i32
      %select_n3A_563 = arith.select %and3A_560, %sub3A_562, %div3A_541 : i32
      %jit3A_564 = arith.constant 4 : i32
      %eq3A_565 = arith.constant 0 : i32
      %eq3A_566 = arith.cmpi eq, %jit3A_564, %eq3A_565 : i32
      %jit3A_567 = arith.constant 1 : i32
      %select_n3A_568 = arith.select %eq3A_566, %jit3A_567, %jit3A_564 : i32
      %rem3A_569 = arith.remsi %min3A_539, %select_n3A_568 : i32
      %ne3A_570 = arith.constant 0 : i32
      %ne3A_571 = arith.cmpi ne, %rem3A_569, %ne3A_570 : i32
      %lt3A_572 = arith.constant 0 : i32
      %lt3A_573 = arith.cmpi slt, %rem3A_569, %lt3A_572 : i32
      %lt3A_574 = arith.constant 0 : i32
      %lt3A_575 = arith.cmpi slt, %select_n3A_568, %lt3A_574 : i32
      %ne3A_576 = arith.xori %lt3A_573, %lt3A_575 : i1
      %and3A_577 = arith.andi %ne3A_576, %ne3A_571 : i1
      %add3A_578 = arith.addi %rem3A_569, %select_n3A_568 : i32
      %select_n3A_579 = arith.select %and3A_577, %add3A_578, %rem3A_569 : i32
      %jit3A_580 = arith.constant 8 : i32
      %div3A_581 = arith.divsi %select_n3A_563, %jit3A_580 : i32
      %sign3A_582 = arith.constant 0 : i32
      %sign3A_583 = arith.cmpi sgt, %select_n3A_563, %sign3A_582 : i32
      %sign3A_584 = arith.extui %sign3A_583 : i1 to i32
      %sign3A_585 = arith.constant 0 : i32
      %sign3A_586 = arith.cmpi slt, %select_n3A_563, %sign3A_585 : i32
      %sign3A_587 = arith.extui %sign3A_586 : i1 to i32
      %sign3A_588 = arith.subi %sign3A_584, %sign3A_587 : i32
      %sign3A_589 = arith.constant 0 : i32
      %sign3A_590 = arith.cmpi sgt, %jit3A_580, %sign3A_589 : i32
      %sign3A_591 = arith.extui %sign3A_590 : i1 to i32
      %sign3A_592 = arith.constant 0 : i32
      %sign3A_593 = arith.cmpi slt, %jit3A_580, %sign3A_592 : i32
      %sign3A_594 = arith.extui %sign3A_593 : i1 to i32
      %sign3A_595 = arith.subi %sign3A_591, %sign3A_594 : i32
      %ne3A_596 = arith.cmpi ne, %sign3A_588, %sign3A_595 : i32
      %rem3A_597 = arith.remsi %select_n3A_563, %jit3A_580 : i32
      %ne3A_598 = arith.constant 0 : i32
      %ne3A_599 = arith.cmpi ne, %rem3A_597, %ne3A_598 : i32
      %and3A_600 = arith.andi %ne3A_596, %ne3A_599 : i1
      %sub3A_601 = arith.constant 1 : i32
      %sub3A_602 = arith.subi %div3A_581, %sub3A_601 : i32
      %select_n3A_603 = arith.select %and3A_600, %sub3A_602, %div3A_581 : i32
      %jit3A_604 = arith.constant 8 : i32
      %eq3A_605 = arith.constant 0 : i32
      %eq3A_606 = arith.cmpi eq, %jit3A_604, %eq3A_605 : i32
      %jit3A_607 = arith.constant 1 : i32
      %select_n3A_608 = arith.select %eq3A_606, %jit3A_607, %jit3A_604 : i32
      %rem3A_609 = arith.remsi %select_n3A_563, %select_n3A_608 : i32
      %ne3A_610 = arith.constant 0 : i32
      %ne3A_611 = arith.cmpi ne, %rem3A_609, %ne3A_610 : i32
      %lt3A_612 = arith.constant 0 : i32
      %lt3A_613 = arith.cmpi slt, %rem3A_609, %lt3A_612 : i32
      %lt3A_614 = arith.constant 0 : i32
      %lt3A_615 = arith.cmpi slt, %select_n3A_608, %lt3A_614 : i32
      %ne3A_616 = arith.xori %lt3A_613, %lt3A_615 : i1
      %and3A_617 = arith.andi %ne3A_616, %ne3A_611 : i1
      %add3A_618 = arith.addi %rem3A_609, %select_n3A_608 : i32
      %select_n3A_619 = arith.select %and3A_617, %add3A_618, %rem3A_609 : i32
      %mul3A_620 = arith.constant 16 : i32
      %mul3A_621 = arith.muli %select_n3A_619, %mul3A_620 : i32
      %get3A_622 = arith.index_cast %select_n3A_603 : i32 to index
      %get3A_623 = arith.index_cast %mul3A_621 : i32 to index
      %get3A_624 = tpu.vector_load %arg11[%get3A_622, %get3A_623] {strides = array<i32>} : memref<40x128xi32, #tpu.memory_space<vmem>>, vector<1x16xi32>,
      %get3A_625 = vector.shape_cast %get3A_624 : vector<1x16xi32> to vector<16xi32>
      %mul3A_626 = arith.constant 4 : i32
      %mul3A_627 = vector.broadcast %mul3A_626 : i32 to vector<16xi32>
      %mul3A_628 = arith.muli %get3A_625, %mul3A_627 : vector<16xi32>
      %add3A_629 = vector.broadcast %select_n3A_579 : i32 to vector<16xi32>
      %add3A_630 = arith.addi %mul3A_628, %add3A_629 : vector<16xi32>
      %get3A_631 = arith.index_cast %select_n3A_603 : i32 to index
      %get3A_632 = arith.index_cast %mul3A_621 : i32 to index
      %get3A_633 = tpu.vector_load %arg12[%get3A_631, %get3A_632] {strides = array<i32>} : memref<40x128xi32, #tpu.memory_space<vmem>>, vector<1x16xi32>,
      %get3A_634 = vector.shape_cast %get3A_633 : vector<1x16xi32> to vector<16xi32>
      %mul3A_635 = arith.constant 4 : i32
      %mul3A_636 = vector.broadcast %mul3A_635 : i32 to vector<16xi32>
      %mul3A_637 = arith.muli %get3A_634, %mul3A_636 : vector<16xi32>
      %add3A_638 = vector.broadcast %select_n3A_579 : i32 to vector<16xi32>
      %add3A_639 = arith.addi %mul3A_637, %add3A_638 : vector<16xi32>
      %get3A_640 = arith.index_cast %select_n3A_603 : i32 to index
      %get3A_641 = arith.index_cast %mul3A_621 : i32 to index
      %get3A_642 = tpu.vector_load %arg12[%get3A_640, %get3A_641] {strides = array<i32>} : memref<40x128xi32, #tpu.memory_space<vmem>>, vector<1x16xi32>,
      %get3A_643 = vector.shape_cast %get3A_642 : vector<1x16xi32> to vector<16xi32>
      %dma_start3A_644 = arith.constant 0 : i32
      %dma_start3A_645 = arith.constant 0 : i32
      %dma_start3A_646 = tpu.memref_slice %arg2[%dma_start3A_644, %dma_start3A_645] : memref<40000x512xf32, #tpu.memory_space<hbm>> -> memref<40000x512xf32, #tpu.memory_space<hbm>>
      tpu.enqueue_indirect_dma source(%dma_start3A_646 : memref<40000x512xf32, #tpu.memory_space<hbm>>) target(%arg13 : memref<16x512xf32, #tpu.memory_space<vmem>>) offsets(%add3A_630 : vector<16xi32>) semaphore(%arg21 : memref<!tpu.dma_semaphore, #tpu.memory_space<semaphore_mem>>)
      %dma_start3A_647 = arith.constant 0 : i32
      %dma_start3A_648 = arith.constant 0 : i32
      %dma_start3A_649 = tpu.memref_slice %arg3[%dma_start3A_647, %dma_start3A_648] : memref<40000x512xf32, #tpu.memory_space<hbm>> -> memref<40000x512xf32, #tpu.memory_space<hbm>>
      tpu.enqueue_indirect_dma source(%dma_start3A_649 : memref<40000x512xf32, #tpu.memory_space<hbm>>) target(%arg15 : memref<16x512xf32, #tpu.memory_space<vmem>>) offsets(%add3A_639 : vector<16xi32>) semaphore(%arg23 : memref<!tpu.dma_semaphore, #tpu.memory_space<semaphore_mem>>)
      %dma_wait3A_650 = arith.constant 0 : i32
      %dma_wait3A_651 = arith.constant 0 : i32
      %dma_wait3A_652 = tpu.memref_slice %arg2[%dma_wait3A_650, %dma_wait3A_651] : memref<40000x512xf32, #tpu.memory_space<hbm>> -> memref<40000x512xf32, #tpu.memory_space<hbm>>
      tpu.wait_indirect_dma semaphore(%arg22 : memref<!tpu.dma_semaphore, #tpu.memory_space<semaphore_mem>>) src(%dma_wait3A_652 : memref<40000x512xf32, #tpu.memory_space<hbm>>) dst(%arg14 : memref<16x512xf32, #tpu.memory_space<vmem>>)
      %dma_wait3A_653 = arith.constant 0 : i32
      %dma_wait3A_654 = arith.constant 0 : i32
      %dma_wait3A_655 = tpu.memref_slice %arg3[%dma_wait3A_653, %dma_wait3A_654] : memref<40000x512xf32, #tpu.memory_space<hbm>> -> memref<40000x512xf32, #tpu.memory_space<hbm>>
      tpu.wait_indirect_dma semaphore(%arg24 : memref<!tpu.dma_semaphore, #tpu.memory_space<semaphore_mem>>) src(%dma_wait3A_655 : memref<40000x512xf32, #tpu.memory_space<hbm>>) dst(%arg16 : memref<16x512xf32, #tpu.memory_space<vmem>>)
      %jit3A_656 = arith.constant 4 : i32
      %div3A_657 = arith.divsi %add3A_535, %jit3A_656 : i32
      %sign3A_658 = arith.constant 0 : i32
      %sign3A_659 = arith.cmpi sgt, %add3A_535, %sign3A_658 : i32
      %sign3A_660 = arith.extui %sign3A_659 : i1 to i32
      %sign3A_661 = arith.constant 0 : i32
      %sign3A_662 = arith.cmpi slt, %add3A_535, %sign3A_661 : i32
      %sign3A_663 = arith.extui %sign3A_662 : i1 to i32
      %sign3A_664 = arith.subi %sign3A_660, %sign3A_663 : i32
      %sign3A_665 = arith.constant 0 : i32
      %sign3A_666 = arith.cmpi sgt, %jit3A_656, %sign3A_665 : i32
      %sign3A_667 = arith.extui %sign3A_666 : i1 to i32
      %sign3A_668 = arith.constant 0 : i32
      %sign3A_669 = arith.cmpi slt, %jit3A_656, %sign3A_668 : i32
      %sign3A_670 = arith.extui %sign3A_669 : i1 to i32
      %sign3A_671 = arith.subi %sign3A_667, %sign3A_670 : i32
      %ne3A_672 = arith.cmpi ne, %sign3A_664, %sign3A_671 : i32
      %rem3A_673 = arith.remsi %add3A_535, %jit3A_656 : i32
      %ne3A_674 = arith.constant 0 : i32
      %ne3A_675 = arith.cmpi ne, %rem3A_673, %ne3A_674 : i32
      %and3A_676 = arith.andi %ne3A_672, %ne3A_675 : i1
      %sub3A_677 = arith.constant 1 : i32
      %sub3A_678 = arith.subi %div3A_657, %sub3A_677 : i32
      %select_n3A_679 = arith.select %and3A_676, %sub3A_678, %div3A_657 : i32
      %jit3A_680 = arith.constant 4 : i32
      %eq3A_681 = arith.constant 0 : i32
      %eq3A_682 = arith.cmpi eq, %jit3A_680, %eq3A_681 : i32
      %jit3A_683 = arith.constant 1 : i32
      %select_n3A_684 = arith.select %eq3A_682, %jit3A_683, %jit3A_680 : i32
      %rem3A_685 = arith.remsi %add3A_535, %select_n3A_684 : i32
      %ne3A_686 = arith.constant 0 : i32
      %ne3A_687 = arith.cmpi ne, %rem3A_685, %ne3A_686 : i32
      %lt3A_688 = arith.constant 0 : i32
      %lt3A_689 = arith.cmpi slt, %rem3A_685, %lt3A_688 : i32
      %lt3A_690 = arith.constant 0 : i32
      %lt3A_691 = arith.cmpi slt, %select_n3A_684, %lt3A_690 : i32
      %ne3A_692 = arith.xori %lt3A_689, %lt3A_691 : i1
      %and3A_693 = arith.andi %ne3A_692, %ne3A_687 : i1
      %add3A_694 = arith.addi %rem3A_685, %select_n3A_684 : i32
      %select_n3A_695 = arith.select %and3A_693, %add3A_694, %rem3A_685 : i32
      %jit3A_696 = arith.constant 8 : i32
      %div3A_697 = arith.divsi %select_n3A_679, %jit3A_696 : i32
      %sign3A_698 = arith.constant 0 : i32
      %sign3A_699 = arith.cmpi sgt, %select_n3A_679, %sign3A_698 : i32
      %sign3A_700 = arith.extui %sign3A_699 : i1 to i32
      %sign3A_701 = arith.constant 0 : i32
      %sign3A_702 = arith.cmpi slt, %select_n3A_679, %sign3A_701 : i32
      %sign3A_703 = arith.extui %sign3A_702 : i1 to i32
      %sign3A_704 = arith.subi %sign3A_700, %sign3A_703 : i32
      %sign3A_705 = arith.constant 0 : i32
      %sign3A_706 = arith.cmpi sgt, %jit3A_696, %sign3A_705 : i32
      %sign3A_707 = arith.extui %sign3A_706 : i1 to i32
      %sign3A_708 = arith.constant 0 : i32
      %sign3A_709 = arith.cmpi slt, %jit3A_696, %sign3A_708 : i32
      %sign3A_710 = arith.extui %sign3A_709 : i1 to i32
      %sign3A_711 = arith.subi %sign3A_707, %sign3A_710 : i32
      %ne3A_712 = arith.cmpi ne, %sign3A_704, %sign3A_711 : i32
      %rem3A_713 = arith.remsi %select_n3A_679, %jit3A_696 : i32
      %ne3A_714 = arith.constant 0 : i32
      %ne3A_715 = arith.cmpi ne, %rem3A_713, %ne3A_714 : i32
      %and3A_716 = arith.andi %ne3A_712, %ne3A_715 : i1
      %sub3A_717 = arith.constant 1 : i32
      %sub3A_718 = arith.subi %div3A_697, %sub3A_717 : i32
      %select_n3A_719 = arith.select %and3A_716, %sub3A_718, %div3A_697 : i32
      %jit3A_720 = arith.constant 8 : i32
      %eq3A_721 = arith.constant 0 : i32
      %eq3A_722 = arith.cmpi eq, %jit3A_720, %eq3A_721 : i32
      %jit3A_723 = arith.constant 1 : i32
      %select_n3A_724 = arith.select %eq3A_722, %jit3A_723, %jit3A_720 : i32
      %rem3A_725 = arith.remsi %select_n3A_679, %select_n3A_724 : i32
      %ne3A_726 = arith.constant 0 : i32
      %ne3A_727 = arith.cmpi ne, %rem3A_725, %ne3A_726 : i32
      %lt3A_728 = arith.constant 0 : i32
      %lt3A_729 = arith.cmpi slt, %rem3A_725, %lt3A_728 : i32
      %lt3A_730 = arith.constant 0 : i32
      %lt3A_731 = arith.cmpi slt, %select_n3A_724, %lt3A_730 : i32
      %ne3A_732 = arith.xori %lt3A_729, %lt3A_731 : i1
      %and3A_733 = arith.andi %ne3A_732, %ne3A_727 : i1
      %add3A_734 = arith.addi %rem3A_725, %select_n3A_724 : i32
      %select_n3A_735 = arith.select %and3A_733, %add3A_734, %rem3A_725 : i32
      %mul3A_736 = arith.constant 16 : i32
      %mul3A_737 = arith.muli %select_n3A_735, %mul3A_736 : i32
      %get3A_738 = arith.index_cast %select_n3A_719 : i32 to index
      %get3A_739 = arith.index_cast %mul3A_737 : i32 to index
      %get3A_740 = tpu.vector_load %arg11[%get3A_738, %get3A_739] {strides = array<i32>} : memref<40x128xi32, #tpu.memory_space<vmem>>, vector<1x16xi32>,
      %get3A_741 = vector.shape_cast %get3A_740 : vector<1x16xi32> to vector<16xi32>
      %mul3A_742 = arith.constant 4 : i32
      %mul3A_743 = vector.broadcast %mul3A_742 : i32 to vector<16xi32>
      %mul3A_744 = arith.muli %get3A_741, %mul3A_743 : vector<16xi32>
      %add3A_745 = vector.broadcast %select_n3A_695 : i32 to vector<16xi32>
      %add3A_746 = arith.addi %mul3A_744, %add3A_745 : vector<16xi32>
      %get3A_747 = arith.index_cast %select_n3A_719 : i32 to index
      %get3A_748 = arith.index_cast %mul3A_737 : i32 to index
      %get3A_749 = tpu.vector_load %arg12[%get3A_747, %get3A_748] {strides = array<i32>} : memref<40x128xi32, #tpu.memory_space<vmem>>, vector<1x16xi32>,
      %get3A_750 = vector.shape_cast %get3A_749 : vector<1x16xi32> to vector<16xi32>
      %mul3A_751 = arith.constant 4 : i32
      %mul3A_752 = vector.broadcast %mul3A_751 : i32 to vector<16xi32>
      %mul3A_753 = arith.muli %get3A_750, %mul3A_752 : vector<16xi32>
      %add3A_754 = vector.broadcast %select_n3A_695 : i32 to vector<16xi32>
      %add3A_755 = arith.addi %mul3A_753, %add3A_754 : vector<16xi32>
      %get3A_756 = arith.index_cast %select_n3A_719 : i32 to index
      %get3A_757 = arith.index_cast %mul3A_737 : i32 to index
      %get3A_758 = tpu.vector_load %arg12[%get3A_756, %get3A_757] {strides = array<i32>} : memref<40x128xi32, #tpu.memory_space<vmem>>, vector<1x16xi32>,
      %get3A_759 = vector.shape_cast %get3A_758 : vector<1x16xi32> to vector<16xi32>
      %dma_wait3A_760 = arith.constant 0 : i32
      %dma_wait3A_761 = arith.constant 0 : i32
      %dma_wait3A_762 = tpu.memref_slice %arg20[%dma_wait3A_760, %dma_wait3A_761] : memref<10016x16xf32, #tpu.memory_space<vmem_shared>> -> memref<10016x16xf32, #tpu.memory_space<vmem_shared>>
      tpu.wait_indirect_dma semaphore(%arg26 : memref<!tpu.dma_semaphore, #tpu.memory_space<semaphore_mem>>) src(%arg18 : memref<16x16xf32, #tpu.memory_space<vmem>>) dst(%dma_wait3A_762 : memref<10016x16xf32, #tpu.memory_space<vmem_shared>>)
      %scan3A_763 = arith.constant 0 : i32
      %scan3A_764 = arith.constant 0 : i32
      %scan3A_765 = arith.constant 8 : i32
      %scan3A_766 = arith.addi %scan3A_764, %scan3A_765 : i32
      %scan3A_767 = arith.constant 1 : i32
      %scan3A_768 = scf.for %scan3A_878 = %scan3A_764 to %scan3A_766 step %scan3A_767 iter_args(%scan3A_879 = %scan3A_763) -> (i32)  : i32 {
        %mul3A_880 = arith.constant 2 : i32
        %mul3A_881 = arith.muli %scan3A_878, %mul3A_880 : i32
        %add3A_882 = arith.constant 0 : i32
        %add3A_883 = arith.addi %mul3A_881, %add3A_882 : i32
        %get3A_884 = arith.index_cast %add3A_883 : i32 to index
        %get3A_885 = arith.constant 0 : index
        %get3A_886 = tpu.vector_load %arg14[%get3A_884, %get3A_885] {strides = array<i32>} : memref<16x512xf32, #tpu.memory_space<vmem>>, vector<1x16xf32>,
        %get3A_887 = vector.shape_cast %get3A_886 : vector<1x16xf32> to vector<16xf32>
        %get3A_888 = arith.index_cast %add3A_883 : i32 to index
        %get3A_889 = arith.constant 0 : index
        %get3A_890 = tpu.vector_load %arg16[%get3A_888, %get3A_889] {strides = array<i32>} : memref<16x512xf32, #tpu.memory_space<vmem>>, vector<1x16xf32>,
        %get3A_891 = vector.shape_cast %get3A_890 : vector<1x16xf32> to vector<16xf32>
        %mul3A_892 = arith.mulf %get3A_887, %get3A_891 : vector<16xf32>
        %add3A_893 = arith.addf %broadcast_in_dim3A_1, %mul3A_892 : vector<16xf32>
        %get3A_894 = arith.index_cast %add3A_883 : i32 to index
        %get3A_895 = arith.constant 16 : index
        %get3A_896 = tpu.vector_load %arg14[%get3A_894, %get3A_895] {strides = array<i32>} : memref<16x512xf32, #tpu.memory_space<vmem>>, vector<1x16xf32>,
        %get3A_897 = vector.shape_cast %get3A_896 : vector<1x16xf32> to vector<16xf32>
        %get3A_898 = arith.index_cast %add3A_883 : i32 to index
        %get3A_899 = arith.constant 16 : index
        %get3A_900 = tpu.vector_load %arg16[%get3A_898, %get3A_899] {strides = array<i32>} : memref<16x512xf32, #tpu.memory_space<vmem>>, vector<1x16xf32>,
        %get3A_901 = vector.shape_cast %get3A_900 : vector<1x16xf32> to vector<16xf32>
        %mul3A_902 = arith.mulf %get3A_897, %get3A_901 : vector<16xf32>
        %add3A_903 = arith.addf %broadcast_in_dim3A_1, %mul3A_902 : vector<16xf32>
        %get3A_904 = arith.index_cast %add3A_883 : i32 to index
        %get3A_905 = arith.constant 32 : index
        %get3A_906 = tpu.vector_load %arg14[%get3A_904, %get3A_905] {strides = array<i32>} : memref<16x512xf32, #tpu.memory_space<vmem>>, vector<1x16xf32>,
        %get3A_907 = vector.shape_cast %get3A_906 : vector<1x16xf32> to vector<16xf32>
        %get3A_908 = arith.index_cast %add3A_883 : i32 to index
        %get3A_909 = arith.constant 32 : index
        %get3A_910 = tpu.vector_load %arg16[%get3A_908, %get3A_909] {strides = array<i32>} : memref<16x512xf32, #tpu.memory_space<vmem>>, vector<1x16xf32>,
        %get3A_911 = vector.shape_cast %get3A_910 : vector<1x16xf32> to vector<16xf32>
        %mul3A_912 = arith.mulf %get3A_907, %get3A_911 : vector<16xf32>
        %add3A_913 = arith.addf %broadcast_in_dim3A_1, %mul3A_912 : vector<16xf32>
        %get3A_914 = arith.index_cast %add3A_883 : i32 to index
        %get3A_915 = arith.constant 48 : index
        %get3A_916 = tpu.vector_load %arg14[%get3A_914, %get3A_915] {strides = array<i32>} : memref<16x512xf32, #tpu.memory_space<vmem>>, vector<1x16xf32>,
        %get3A_917 = vector.shape_cast %get3A_916 : vector<1x16xf32> to vector<16xf32>
        %get3A_918 = arith.index_cast %add3A_883 : i32 to index
        %get3A_919 = arith.constant 48 : index
        %get3A_920 = tpu.vector_load %arg16[%get3A_918, %get3A_919] {strides = array<i32>} : memref<16x512xf32, #tpu.memory_space<vmem>>, vector<1x16xf32>,
        %get3A_921 = vector.shape_cast %get3A_920 : vector<1x16xf32> to vector<16xf32>
        %mul3A_922 = arith.mulf %get3A_917, %get3A_921 : vector<16xf32>
        %add3A_923 = arith.addf %broadcast_in_dim3A_1, %mul3A_922 : vector<16xf32>
        %get3A_924 = arith.index_cast %add3A_883 : i32 to index
        %get3A_925 = arith.constant 64 : index
        %get3A_926 = tpu.vector_load %arg14[%get3A_924, %get3A_925] {strides = array<i32>} : memref<16x512xf32, #tpu.memory_space<vmem>>, vector<1x16xf32>,
        %get3A_927 = vector.shape_cast %get3A_926 : vector<1x16xf32> to vector<16xf32>
        %get3A_928 = arith.index_cast %add3A_883 : i32 to index
        %get3A_929 = arith.constant 64 : index
        %get3A_930 = tpu.vector_load %arg16[%get3A_928, %get3A_929] {strides = array<i32>} : memref<16x512xf32, #tpu.memory_space<vmem>>, vector<1x16xf32>,
        %get3A_931 = vector.shape_cast %get3A_930 : vector<1x16xf32> to vector<16xf32>
        %mul3A_932 = arith.mulf %get3A_927, %get3A_931 : vector<16xf32>
        %add3A_933 = arith.addf %add3A_893, %mul3A_932 : vector<16xf32>
        %get3A_934 = arith.index_cast %add3A_883 : i32 to index
        %get3A_935 = arith.constant 80 : index
        %get3A_936 = tpu.vector_load %arg14[%get3A_934, %get3A_935] {strides = array<i32>} : memref<16x512xf32, #tpu.memory_space<vmem>>, vector<1x16xf32>,
        %get3A_937 = vector.shape_cast %get3A_936 : vector<1x16xf32> to vector<16xf32>
        %get3A_938 = arith.index_cast %add3A_883 : i32 to index
        %get3A_939 = arith.constant 80 : index
        %get3A_940 = tpu.vector_load %arg16[%get3A_938, %get3A_939] {strides = array<i32>} : memref<16x512xf32, #tpu.memory_space<vmem>>, vector<1x16xf32>,
        %get3A_941 = vector.shape_cast %get3A_940 : vector<1x16xf32> to vector<16xf32>
        %mul3A_942 = arith.mulf %get3A_937, %get3A_941 : vector<16xf32>
        %add3A_943 = arith.addf %add3A_903, %mul3A_942 : vector<16xf32>
        %get3A_944 = arith.index_cast %add3A_883 : i32 to index
        %get3A_945 = arith.constant 96 : index
        %get3A_946 = tpu.vector_load %arg14[%get3A_944, %get3A_945] {strides = array<i32>} : memref<16x512xf32, #tpu.memory_space<vmem>>, vector<1x16xf32>,
        %get3A_947 = vector.shape_cast %get3A_946 : vector<1x16xf32> to vector<16xf32>
        %get3A_948 = arith.index_cast %add3A_883 : i32 to index
        %get3A_949 = arith.constant 96 : index
        %get3A_950 = tpu.vector_load %arg16[%get3A_948, %get3A_949] {strides = array<i32>} : memref<16x512xf32, #tpu.memory_space<vmem>>, vector<1x16xf32>,
        %get3A_951 = vector.shape_cast %get3A_950 : vector<1x16xf32> to vector<16xf32>
        %mul3A_952 = arith.mulf %get3A_947, %get3A_951 : vector<16xf32>
        %add3A_953 = arith.addf %add3A_913, %mul3A_952 : vector<16xf32>
        %get3A_954 = arith.index_cast %add3A_883 : i32 to index
        %get3A_955 = arith.constant 112 : index
        %get3A_956 = tpu.vector_load %arg14[%get3A_954, %get3A_955] {strides = array<i32>} : memref<16x512xf32, #tpu.memory_space<vmem>>, vector<1x16xf32>,
        %get3A_957 = vector.shape_cast %get3A_956 : vector<1x16xf32> to vector<16xf32>
        %get3A_958 = arith.index_cast %add3A_883 : i32 to index
        %get3A_959 = arith.constant 112 : index
        %get3A_960 = tpu.vector_load %arg16[%get3A_958, %get3A_959] {strides = array<i32>} : memref<16x512xf32, #tpu.memory_space<vmem>>, vector<1x16xf32>,
        %get3A_961 = vector.shape_cast %get3A_960 : vector<1x16xf32> to vector<16xf32>
        %mul3A_962 = arith.mulf %get3A_957, %get3A_961 : vector<16xf32>
        %add3A_963 = arith.addf %add3A_923, %mul3A_962 : vector<16xf32>
        %get3A_964 = arith.index_cast %add3A_883 : i32 to index
        %get3A_965 = arith.constant 128 : index
        %get3A_966 = tpu.vector_load %arg14[%get3A_964, %get3A_965] {strides = array<i32>} : memref<16x512xf32, #tpu.memory_space<vmem>>, vector<1x16xf32>,
        %get3A_967 = vector.shape_cast %get3A_966 : vector<1x16xf32> to vector<16xf32>
        %get3A_968 = arith.index_cast %add3A_883 : i32 to index
        %get3A_969 = arith.constant 128 : index
        %get3A_970 = tpu.vector_load %arg16[%get3A_968, %get3A_969] {strides = array<i32>} : memref<16x512xf32, #tpu.memory_space<vmem>>, vector<1x16xf32>,
        %get3A_971 = vector.shape_cast %get3A_970 : vector<1x16xf32> to vector<16xf32>
        %mul3A_972 = arith.mulf %get3A_967, %get3A_971 : vector<16xf32>
        %add3A_973 = arith.addf %add3A_933, %mul3A_972 : vector<16xf32>
        %get3A_974 = arith.index_cast %add3A_883 : i32 to index
        %get3A_975 = arith.constant 144 : index
        %get3A_976 = tpu.vector_load %arg14[%get3A_974, %get3A_975] {strides = array<i32>} : memref<16x512xf32, #tpu.memory_space<vmem>>, vector<1x16xf32>,
        %get3A_977 = vector.shape_cast %get3A_976 : vector<1x16xf32> to vector<16xf32>
        %get3A_978 = arith.index_cast %add3A_883 : i32 to index
        %get3A_979 = arith.constant 144 : index
        %get3A_980 = tpu.vector_load %arg16[%get3A_978, %get3A_979] {strides = array<i32>} : memref<16x512xf32, #tpu.memory_space<vmem>>, vector<1x16xf32>,
        %get3A_981 = vector.shape_cast %get3A_980 : vector<1x16xf32> to vector<16xf32>
        %mul3A_982 = arith.mulf %get3A_977, %get3A_981 : vector<16xf32>
        %add3A_983 = arith.addf %add3A_943, %mul3A_982 : vector<16xf32>
        %get3A_984 = arith.index_cast %add3A_883 : i32 to index
        %get3A_985 = arith.constant 160 : index
        %get3A_986 = tpu.vector_load %arg14[%get3A_984, %get3A_985] {strides = array<i32>} : memref<16x512xf32, #tpu.memory_space<vmem>>, vector<1x16xf32>,
        %get3A_987 = vector.shape_cast %get3A_986 : vector<1x16xf32> to vector<16xf32>
        %get3A_988 = arith.index_cast %add3A_883 : i32 to index
        %get3A_989 = arith.constant 160 : index
        %get3A_990 = tpu.vector_load %arg16[%get3A_988, %get3A_989] {strides = array<i32>} : memref<16x512xf32, #tpu.memory_space<vmem>>, vector<1x16xf32>,
        %get3A_991 = vector.shape_cast %get3A_990 : vector<1x16xf32> to vector<16xf32>
        %mul3A_992 = arith.mulf %get3A_987, %get3A_991 : vector<16xf32>
        %add3A_993 = arith.addf %add3A_953, %mul3A_992 : vector<16xf32>
        %get3A_994 = arith.index_cast %add3A_883 : i32 to index
        %get3A_995 = arith.constant 176 : index
        %get3A_996 = tpu.vector_load %arg14[%get3A_994, %get3A_995] {strides = array<i32>} : memref<16x512xf32, #tpu.memory_space<vmem>>, vector<1x16xf32>,
        %get3A_997 = vector.shape_cast %get3A_996 : vector<1x16xf32> to vector<16xf32>
        %get3A_998 = arith.index_cast %add3A_883 : i32 to index
        %get3A_999 = arith.constant 176 : index
        %get3A_1000 = tpu.vector_load %arg16[%get3A_998, %get3A_999] {strides = array<i32>} : memref<16x512xf32, #tpu.memory_space<vmem>>, vector<1x16xf32>,
        %get3A_1001 = vector.shape_cast %get3A_1000 : vector<1x16xf32> to vector<16xf32>
        %mul3A_1002 = arith.mulf %get3A_997, %get3A_1001 : vector<16xf32>
        %add3A_1003 = arith.addf %add3A_963, %mul3A_1002 : vector<16xf32>
        %get3A_1004 = arith.index_cast %add3A_883 : i32 to index
        %get3A_1005 = arith.constant 192 : index
        %get3A_1006 = tpu.vector_load %arg14[%get3A_1004, %get3A_1005] {strides = array<i32>} : memref<16x512xf32, #tpu.memory_space<vmem>>, vector<1x16xf32>,
        %get3A_1007 = vector.shape_cast %get3A_1006 : vector<1x16xf32> to vector<16xf32>
        %get3A_1008 = arith.index_cast %add3A_883 : i32 to index
        %get3A_1009 = arith.constant 192 : index
        %get3A_1010 = tpu.vector_load %arg16[%get3A_1008, %get3A_1009] {strides = array<i32>} : memref<16x512xf32, #tpu.memory_space<vmem>>, vector<1x16xf32>,
        %get3A_1011 = vector.shape_cast %get3A_1010 : vector<1x16xf32> to vector<16xf32>
        %mul3A_1012 = arith.mulf %get3A_1007, %get3A_1011 : vector<16xf32>
        %add3A_1013 = arith.addf %add3A_973, %mul3A_1012 : vector<16xf32>
        %get3A_1014 = arith.index_cast %add3A_883 : i32 to index
        %get3A_1015 = arith.constant 208 : index
        %get3A_1016 = tpu.vector_load %arg14[%get3A_1014, %get3A_1015] {strides = array<i32>} : memref<16x512xf32, #tpu.memory_space<vmem>>, vector<1x16xf32>,
        %get3A_1017 = vector.shape_cast %get3A_1016 : vector<1x16xf32> to vector<16xf32>
        %get3A_1018 = arith.index_cast %add3A_883 : i32 to index
        %get3A_1019 = arith.constant 208 : index
        %get3A_1020 = tpu.vector_load %arg16[%get3A_1018, %get3A_1019] {strides = array<i32>} : memref<16x512xf32, #tpu.memory_space<vmem>>, vector<1x16xf32>,
        %get3A_1021 = vector.shape_cast %get3A_1020 : vector<1x16xf32> to vector<16xf32>
        %mul3A_1022 = arith.mulf %get3A_1017, %get3A_1021 : vector<16xf32>
        %add3A_1023 = arith.addf %add3A_983, %mul3A_1022 : vector<16xf32>
        %get3A_1024 = arith.index_cast %add3A_883 : i32 to index
        %get3A_1025 = arith.constant 224 : index
        %get3A_1026 = tpu.vector_load %arg14[%get3A_1024, %get3A_1025] {strides = array<i32>} : memref<16x512xf32, #tpu.memory_space<vmem>>, vector<1x16xf32>,
        %get3A_1027 = vector.shape_cast %get3A_1026 : vector<1x16xf32> to vector<16xf32>
        %get3A_1028 = arith.index_cast %add3A_883 : i32 to index
        %get3A_1029 = arith.constant 224 : index
        %get3A_1030 = tpu.vector_load %arg16[%get3A_1028, %get3A_1029] {strides = array<i32>} : memref<16x512xf32, #tpu.memory_space<vmem>>, vector<1x16xf32>,
        %get3A_1031 = vector.shape_cast %get3A_1030 : vector<1x16xf32> to vector<16xf32>
        %mul3A_1032 = arith.mulf %get3A_1027, %get3A_1031 : vector<16xf32>
        %add3A_1033 = arith.addf %add3A_993, %mul3A_1032 : vector<16xf32>
        %get3A_1034 = arith.index_cast %add3A_883 : i32 to index
        %get3A_1035 = arith.constant 240 : index
        %get3A_1036 = tpu.vector_load %arg14[%get3A_1034, %get3A_1035] {strides = array<i32>} : memref<16x512xf32, #tpu.memory_space<vmem>>, vector<1x16xf32>,
        %get3A_1037 = vector.shape_cast %get3A_1036 : vector<1x16xf32> to vector<16xf32>
        %get3A_1038 = arith.index_cast %add3A_883 : i32 to index
        %get3A_1039 = arith.constant 240 : index
        %get3A_1040 = tpu.vector_load %arg16[%get3A_1038, %get3A_1039] {strides = array<i32>} : memref<16x512xf32, #tpu.memory_space<vmem>>, vector<1x16xf32>,
        %get3A_1041 = vector.shape_cast %get3A_1040 : vector<1x16xf32> to vector<16xf32>
        %mul3A_1042 = arith.mulf %get3A_1037, %get3A_1041 : vector<16xf32>
        %add3A_1043 = arith.addf %add3A_1003, %mul3A_1042 : vector<16xf32>
        %get3A_1044 = arith.index_cast %add3A_883 : i32 to index
        %get3A_1045 = arith.constant 256 : index
        %get3A_1046 = tpu.vector_load %arg14[%get3A_1044, %get3A_1045] {strides = array<i32>} : memref<16x512xf32, #tpu.memory_space<vmem>>, vector<1x16xf32>,
        %get3A_1047 = vector.shape_cast %get3A_1046 : vector<1x16xf32> to vector<16xf32>
        %get3A_1048 = arith.index_cast %add3A_883 : i32 to index
        %get3A_1049 = arith.constant 256 : index
        %get3A_1050 = tpu.vector_load %arg16[%get3A_1048, %get3A_1049] {strides = array<i32>} : memref<16x512xf32, #tpu.memory_space<vmem>>, vector<1x16xf32>,
        %get3A_1051 = vector.shape_cast %get3A_1050 : vector<1x16xf32> to vector<16xf32>
        %mul3A_1052 = arith.mulf %get3A_1047, %get3A_1051 : vector<16xf32>
        %add3A_1053 = arith.addf %add3A_1013, %mul3A_1052 : vector<16xf32>
        %get3A_1054 = arith.index_cast %add3A_883 : i32 to index
        %get3A_1055 = arith.constant 272 : index
        %get3A_1056 = tpu.vector_load %arg14[%get3A_1054, %get3A_1055] {strides = array<i32>} : memref<16x512xf32, #tpu.memory_space<vmem>>, vector<1x16xf32>,
        %get3A_1057 = vector.shape_cast %get3A_1056 : vector<1x16xf32> to vector<16xf32>
        %get3A_1058 = arith.index_cast %add3A_883 : i32 to index
        %get3A_1059 = arith.constant 272 : index
        %get3A_1060 = tpu.vector_load %arg16[%get3A_1058, %get3A_1059] {strides = array<i32>} : memref<16x512xf32, #tpu.memory_space<vmem>>, vector<1x16xf32>,
        %get3A_1061 = vector.shape_cast %get3A_1060 : vector<1x16xf32> to vector<16xf32>
        %mul3A_1062 = arith.mulf %get3A_1057, %get3A_1061 : vector<16xf32>
        %add3A_1063 = arith.addf %add3A_1023, %mul3A_1062 : vector<16xf32>
        %get3A_1064 = arith.index_cast %add3A_883 : i32 to index
        %get3A_1065 = arith.constant 288 : index
        %get3A_1066 = tpu.vector_load %arg14[%get3A_1064, %get3A_1065] {strides = array<i32>} : memref<16x512xf32, #tpu.memory_space<vmem>>, vector<1x16xf32>,
        %get3A_1067 = vector.shape_cast %get3A_1066 : vector<1x16xf32> to vector<16xf32>
        %get3A_1068 = arith.index_cast %add3A_883 : i32 to index
        %get3A_1069 = arith.constant 288 : index
        %get3A_1070 = tpu.vector_load %arg16[%get3A_1068, %get3A_1069] {strides = array<i32>} : memref<16x512xf32, #tpu.memory_space<vmem>>, vector<1x16xf32>,
        %get3A_1071 = vector.shape_cast %get3A_1070 : vector<1x16xf32> to vector<16xf32>
        %mul3A_1072 = arith.mulf %get3A_1067, %get3A_1071 : vector<16xf32>
        %add3A_1073 = arith.addf %add3A_1033, %mul3A_1072 : vector<16xf32>
        %get3A_1074 = arith.index_cast %add3A_883 : i32 to index
        %get3A_1075 = arith.constant 304 : index
        %get3A_1076 = tpu.vector_load %arg14[%get3A_1074, %get3A_1075] {strides = array<i32>} : memref<16x512xf32, #tpu.memory_space<vmem>>, vector<1x16xf32>,
        %get3A_1077 = vector.shape_cast %get3A_1076 : vector<1x16xf32> to vector<16xf32>
        %get3A_1078 = arith.index_cast %add3A_883 : i32 to index
        %get3A_1079 = arith.constant 304 : index
        %get3A_1080 = tpu.vector_load %arg16[%get3A_1078, %get3A_1079] {strides = array<i32>} : memref<16x512xf32, #tpu.memory_space<vmem>>, vector<1x16xf32>,
        %get3A_1081 = vector.shape_cast %get3A_1080 : vector<1x16xf32> to vector<16xf32>
        %mul3A_1082 = arith.mulf %get3A_1077, %get3A_1081 : vector<16xf32>
        %add3A_1083 = arith.addf %add3A_1043, %mul3A_1082 : vector<16xf32>
        %get3A_1084 = arith.index_cast %add3A_883 : i32 to index
        %get3A_1085 = arith.constant 320 : index
        %get3A_1086 = tpu.vector_load %arg14[%get3A_1084, %get3A_1085] {strides = array<i32>} : memref<16x512xf32, #tpu.memory_space<vmem>>, vector<1x16xf32>,
        %get3A_1087 = vector.shape_cast %get3A_1086 : vector<1x16xf32> to vector<16xf32>
        %get3A_1088 = arith.index_cast %add3A_883 : i32 to index
        %get3A_1089 = arith.constant 320 : index
        %get3A_1090 = tpu.vector_load %arg16[%get3A_1088, %get3A_1089] {strides = array<i32>} : memref<16x512xf32, #tpu.memory_space<vmem>>, vector<1x16xf32>,
        %get3A_1091 = vector.shape_cast %get3A_1090 : vector<1x16xf32> to vector<16xf32>
        %mul3A_1092 = arith.mulf %get3A_1087, %get3A_1091 : vector<16xf32>
        %add3A_1093 = arith.addf %add3A_1053, %mul3A_1092 : vector<16xf32>
        %get3A_1094 = arith.index_cast %add3A_883 : i32 to index
        %get3A_1095 = arith.constant 336 : index
        %get3A_1096 = tpu.vector_load %arg14[%get3A_1094, %get3A_1095] {strides = array<i32>} : memref<16x512xf32, #tpu.memory_space<vmem>>, vector<1x16xf32>,
        %get3A_1097 = vector.shape_cast %get3A_1096 : vector<1x16xf32> to vector<16xf32>
        %get3A_1098 = arith.index_cast %add3A_883 : i32 to index
        %get3A_1099 = arith.constant 336 : index
        %get3A_1100 = tpu.vector_load %arg16[%get3A_1098, %get3A_1099] {strides = array<i32>} : memref<16x512xf32, #tpu.memory_space<vmem>>, vector<1x16xf32>,
        %get3A_1101 = vector.shape_cast %get3A_1100 : vector<1x16xf32> to vector<16xf32>
        %mul3A_1102 = arith.mulf %get3A_1097, %get3A_1101 : vector<16xf32>
        %add3A_1103 = arith.addf %add3A_1063, %mul3A_1102 : vector<16xf32>
        %get3A_1104 = arith.index_cast %add3A_883 : i32 to index
        %get3A_1105 = arith.constant 352 : index
        %get3A_1106 = tpu.vector_load %arg14[%get3A_1104, %get3A_1105] {strides = array<i32>} : memref<16x512xf32, #tpu.memory_space<vmem>>, vector<1x16xf32>,
        %get3A_1107 = vector.shape_cast %get3A_1106 : vector<1x16xf32> to vector<16xf32>
        %get3A_1108 = arith.index_cast %add3A_883 : i32 to index
        %get3A_1109 = arith.constant 352 : index
        %get3A_1110 = tpu.vector_load %arg16[%get3A_1108, %get3A_1109] {strides = array<i32>} : memref<16x512xf32, #tpu.memory_space<vmem>>, vector<1x16xf32>,
        %get3A_1111 = vector.shape_cast %get3A_1110 : vector<1x16xf32> to vector<16xf32>
        %mul3A_1112 = arith.mulf %get3A_1107, %get3A_1111 : vector<16xf32>
        %add3A_1113 = arith.addf %add3A_1073, %mul3A_1112 : vector<16xf32>
        %get3A_1114 = arith.index_cast %add3A_883 : i32 to index
        %get3A_1115 = arith.constant 368 : index
        %get3A_1116 = tpu.vector_load %arg14[%get3A_1114, %get3A_1115] {strides = array<i32>} : memref<16x512xf32, #tpu.memory_space<vmem>>, vector<1x16xf32>,
        %get3A_1117 = vector.shape_cast %get3A_1116 : vector<1x16xf32> to vector<16xf32>
        %get3A_1118 = arith.index_cast %add3A_883 : i32 to index
        %get3A_1119 = arith.constant 368 : index
        %get3A_1120 = tpu.vector_load %arg16[%get3A_1118, %get3A_1119] {strides = array<i32>} : memref<16x512xf32, #tpu.memory_space<vmem>>, vector<1x16xf32>,
        %get3A_1121 = vector.shape_cast %get3A_1120 : vector<1x16xf32> to vector<16xf32>
        %mul3A_1122 = arith.mulf %get3A_1117, %get3A_1121 : vector<16xf32>
        %add3A_1123 = arith.addf %add3A_1083, %mul3A_1122 : vector<16xf32>
        %get3A_1124 = arith.index_cast %add3A_883 : i32 to index
        %get3A_1125 = arith.constant 384 : index
        %get3A_1126 = tpu.vector_load %arg14[%get3A_1124, %get3A_1125] {strides = array<i32>} : memref<16x512xf32, #tpu.memory_space<vmem>>, vector<1x16xf32>,
        %get3A_1127 = vector.shape_cast %get3A_1126 : vector<1x16xf32> to vector<16xf32>
        %get3A_1128 = arith.index_cast %add3A_883 : i32 to index
        %get3A_1129 = arith.constant 384 : index
        %get3A_1130 = tpu.vector_load %arg16[%get3A_1128, %get3A_1129] {strides = array<i32>} : memref<16x512xf32, #tpu.memory_space<vmem>>, vector<1x16xf32>,
        %get3A_1131 = vector.shape_cast %get3A_1130 : vector<1x16xf32> to vector<16xf32>
        %mul3A_1132 = arith.mulf %get3A_1127, %get3A_1131 : vector<16xf32>
        %add3A_1133 = arith.addf %add3A_1093, %mul3A_1132 : vector<16xf32>
        %get3A_1134 = arith.index_cast %add3A_883 : i32 to index
        %get3A_1135 = arith.constant 400 : index
        %get3A_1136 = tpu.vector_load %arg14[%get3A_1134, %get3A_1135] {strides = array<i32>} : memref<16x512xf32, #tpu.memory_space<vmem>>, vector<1x16xf32>,
        %get3A_1137 = vector.shape_cast %get3A_1136 : vector<1x16xf32> to vector<16xf32>
        %get3A_1138 = arith.index_cast %add3A_883 : i32 to index
        %get3A_1139 = arith.constant 400 : index
        %get3A_1140 = tpu.vector_load %arg16[%get3A_1138, %get3A_1139] {strides = array<i32>} : memref<16x512xf32, #tpu.memory_space<vmem>>, vector<1x16xf32>,
        %get3A_1141 = vector.shape_cast %get3A_1140 : vector<1x16xf32> to vector<16xf32>
        %mul3A_1142 = arith.mulf %get3A_1137, %get3A_1141 : vector<16xf32>
        %add3A_1143 = arith.addf %add3A_1103, %mul3A_1142 : vector<16xf32>
        %get3A_1144 = arith.index_cast %add3A_883 : i32 to index
        %get3A_1145 = arith.constant 416 : index
        %get3A_1146 = tpu.vector_load %arg14[%get3A_1144, %get3A_1145] {strides = array<i32>} : memref<16x512xf32, #tpu.memory_space<vmem>>, vector<1x16xf32>,
        %get3A_1147 = vector.shape_cast %get3A_1146 : vector<1x16xf32> to vector<16xf32>
        %get3A_1148 = arith.index_cast %add3A_883 : i32 to index
        %get3A_1149 = arith.constant 416 : index
        %get3A_1150 = tpu.vector_load %arg16[%get3A_1148, %get3A_1149] {strides = array<i32>} : memref<16x512xf32, #tpu.memory_space<vmem>>, vector<1x16xf32>,
        %get3A_1151 = vector.shape_cast %get3A_1150 : vector<1x16xf32> to vector<16xf32>
        %mul3A_1152 = arith.mulf %get3A_1147, %get3A_1151 : vector<16xf32>
        %add3A_1153 = arith.addf %add3A_1113, %mul3A_1152 : vector<16xf32>
        %get3A_1154 = arith.index_cast %add3A_883 : i32 to index
        %get3A_1155 = arith.constant 432 : index
        %get3A_1156 = tpu.vector_load %arg14[%get3A_1154, %get3A_1155] {strides = array<i32>} : memref<16x512xf32, #tpu.memory_space<vmem>>, vector<1x16xf32>,
        %get3A_1157 = vector.shape_cast %get3A_1156 : vector<1x16xf32> to vector<16xf32>
        %get3A_1158 = arith.index_cast %add3A_883 : i32 to index
        %get3A_1159 = arith.constant 432 : index
        %get3A_1160 = tpu.vector_load %arg16[%get3A_1158, %get3A_1159] {strides = array<i32>} : memref<16x512xf32, #tpu.memory_space<vmem>>, vector<1x16xf32>,
        %get3A_1161 = vector.shape_cast %get3A_1160 : vector<1x16xf32> to vector<16xf32>
        %mul3A_1162 = arith.mulf %get3A_1157, %get3A_1161 : vector<16xf32>
        %add3A_1163 = arith.addf %add3A_1123, %mul3A_1162 : vector<16xf32>
        %get3A_1164 = arith.index_cast %add3A_883 : i32 to index
        %get3A_1165 = arith.constant 448 : index
        %get3A_1166 = tpu.vector_load %arg14[%get3A_1164, %get3A_1165] {strides = array<i32>} : memref<16x512xf32, #tpu.memory_space<vmem>>, vector<1x16xf32>,
        %get3A_1167 = vector.shape_cast %get3A_1166 : vector<1x16xf32> to vector<16xf32>
        %get3A_1168 = arith.index_cast %add3A_883 : i32 to index
        %get3A_1169 = arith.constant 448 : index
        %get3A_1170 = tpu.vector_load %arg16[%get3A_1168, %get3A_1169] {strides = array<i32>} : memref<16x512xf32, #tpu.memory_space<vmem>>, vector<1x16xf32>,
        %get3A_1171 = vector.shape_cast %get3A_1170 : vector<1x16xf32> to vector<16xf32>
        %mul3A_1172 = arith.mulf %get3A_1167, %get3A_1171 : vector<16xf32>
        %add3A_1173 = arith.addf %add3A_1133, %mul3A_1172 : vector<16xf32>
        %get3A_1174 = arith.index_cast %add3A_883 : i32 to index
        %get3A_1175 = arith.constant 464 : index
        %get3A_1176 = tpu.vector_load %arg14[%get3A_1174, %get3A_1175] {strides = array<i32>} : memref<16x512xf32, #tpu.memory_space<vmem>>, vector<1x16xf32>,
        %get3A_1177 = vector.shape_cast %get3A_1176 : vector<1x16xf32> to vector<16xf32>
        %get3A_1178 = arith.index_cast %add3A_883 : i32 to index
        %get3A_1179 = arith.constant 464 : index
        %get3A_1180 = tpu.vector_load %arg16[%get3A_1178, %get3A_1179] {strides = array<i32>} : memref<16x512xf32, #tpu.memory_space<vmem>>, vector<1x16xf32>,
        %get3A_1181 = vector.shape_cast %get3A_1180 : vector<1x16xf32> to vector<16xf32>
        %mul3A_1182 = arith.mulf %get3A_1177, %get3A_1181 : vector<16xf32>
        %add3A_1183 = arith.addf %add3A_1143, %mul3A_1182 : vector<16xf32>
        %get3A_1184 = arith.index_cast %add3A_883 : i32 to index
        %get3A_1185 = arith.constant 480 : index
        %get3A_1186 = tpu.vector_load %arg14[%get3A_1184, %get3A_1185] {strides = array<i32>} : memref<16x512xf32, #tpu.memory_space<vmem>>, vector<1x16xf32>,
        %get3A_1187 = vector.shape_cast %get3A_1186 : vector<1x16xf32> to vector<16xf32>
        %get3A_1188 = arith.index_cast %add3A_883 : i32 to index
        %get3A_1189 = arith.constant 480 : index
        %get3A_1190 = tpu.vector_load %arg16[%get3A_1188, %get3A_1189] {strides = array<i32>} : memref<16x512xf32, #tpu.memory_space<vmem>>, vector<1x16xf32>,
        %get3A_1191 = vector.shape_cast %get3A_1190 : vector<1x16xf32> to vector<16xf32>
        %mul3A_1192 = arith.mulf %get3A_1187, %get3A_1191 : vector<16xf32>
        %add3A_1193 = arith.addf %add3A_1153, %mul3A_1192 : vector<16xf32>
        %get3A_1194 = arith.index_cast %add3A_883 : i32 to index
        %get3A_1195 = arith.constant 496 : index
        %get3A_1196 = tpu.vector_load %arg14[%get3A_1194, %get3A_1195] {strides = array<i32>} : memref<16x512xf32, #tpu.memory_space<vmem>>, vector<1x16xf32>,
        %get3A_1197 = vector.shape_cast %get3A_1196 : vector<1x16xf32> to vector<16xf32>
        %get3A_1198 = arith.index_cast %add3A_883 : i32 to index
        %get3A_1199 = arith.constant 496 : index
        %get3A_1200 = tpu.vector_load %arg16[%get3A_1198, %get3A_1199] {strides = array<i32>} : memref<16x512xf32, #tpu.memory_space<vmem>>, vector<1x16xf32>,
        %get3A_1201 = vector.shape_cast %get3A_1200 : vector<1x16xf32> to vector<16xf32>
        %mul3A_1202 = arith.mulf %get3A_1197, %get3A_1201 : vector<16xf32>
        %add3A_1203 = arith.addf %add3A_1163, %mul3A_1202 : vector<16xf32>
        %add3A_1204 = arith.addf %add3A_1173, %add3A_1183 : vector<16xf32>
        %add3A_1205 = arith.addf %add3A_1193, %add3A_1203 : vector<16xf32>
        %add3A_1206 = arith.addf %add3A_1204, %add3A_1205 : vector<16xf32>
        %swap3A = arith.index_cast %add3A_883 : i32 to index
        %swap3A_1207 = arith.constant 0 : index
        %swap3A_1208 = tpu.vector_load %arg18[%swap3A, %swap3A_1207] {strides = array<i32>} : memref<16x16xf32, #tpu.memory_space<vmem>>, vector<1x16xf32>,
        %swap3A_1209 = vector.shape_cast %swap3A_1208 : vector<1x16xf32> to vector<16xf32>
        %swap3A_1210 = vector.shape_cast %add3A_1206 : vector<16xf32> to vector<1x16xf32>
        tpu.vector_store %arg18[%swap3A, %swap3A_1207], %swap3A_1210 {strides = array<i32>} : memref<16x16xf32, #tpu.memory_space<vmem>>, vector<1x16xf32>,
        %mul3A_1211 = arith.constant 2 : i32
        %mul3A_1212 = arith.muli %scan3A_878, %mul3A_1211 : i32
        %add3A_1213 = arith.constant 1 : i32
        %add3A_1214 = arith.addi %mul3A_1212, %add3A_1213 : i32
        %get3A_1215 = arith.index_cast %add3A_1214 : i32 to index
        %get3A_1216 = arith.constant 0 : index
        %get3A_1217 = tpu.vector_load %arg14[%get3A_1215, %get3A_1216] {strides = array<i32>} : memref<16x512xf32, #tpu.memory_space<vmem>>, vector<1x16xf32>,
        %get3A_1218 = vector.shape_cast %get3A_1217 : vector<1x16xf32> to vector<16xf32>
        %get3A_1219 = arith.index_cast %add3A_1214 : i32 to index
        %get3A_1220 = arith.constant 0 : index
        %get3A_1221 = tpu.vector_load %arg16[%get3A_1219, %get3A_1220] {strides = array<i32>} : memref<16x512xf32, #tpu.memory_space<vmem>>, vector<1x16xf32>,
        %get3A_1222 = vector.shape_cast %get3A_1221 : vector<1x16xf32> to vector<16xf32>
        %mul3A_1223 = arith.mulf %get3A_1218, %get3A_1222 : vector<16xf32>
        %add3A_1224 = arith.addf %broadcast_in_dim3A_1, %mul3A_1223 : vector<16xf32>
        %get3A_1225 = arith.index_cast %add3A_1214 : i32 to index
        %get3A_1226 = arith.constant 16 : index
        %get3A_1227 = tpu.vector_load %arg14[%get3A_1225, %get3A_1226] {strides = array<i32>} : memref<16x512xf32, #tpu.memory_space<vmem>>, vector<1x16xf32>,
        %get3A_1228 = vector.shape_cast %get3A_1227 : vector<1x16xf32> to vector<16xf32>
        %get3A_1229 = arith.index_cast %add3A_1214 : i32 to index
        %get3A_1230 = arith.constant 16 : index
        %get3A_1231 = tpu.vector_load %arg16[%get3A_1229, %get3A_1230] {strides = array<i32>} : memref<16x512xf32, #tpu.memory_space<vmem>>, vector<1x16xf32>,
        %get3A_1232 = vector.shape_cast %get3A_1231 : vector<1x16xf32> to vector<16xf32>
        %mul3A_1233 = arith.mulf %get3A_1228, %get3A_1232 : vector<16xf32>
        %add3A_1234 = arith.addf %broadcast_in_dim3A_1, %mul3A_1233 : vector<16xf32>
        %get3A_1235 = arith.index_cast %add3A_1214 : i32 to index
        %get3A_1236 = arith.constant 32 : index
        %get3A_1237 = tpu.vector_load %arg14[%get3A_1235, %get3A_1236] {strides = array<i32>} : memref<16x512xf32, #tpu.memory_space<vmem>>, vector<1x16xf32>,
        %get3A_1238 = vector.shape_cast %get3A_1237 : vector<1x16xf32> to vector<16xf32>
        %get3A_1239 = arith.index_cast %add3A_1214 : i32 to index
        %get3A_1240 = arith.constant 32 : index
        %get3A_1241 = tpu.vector_load %arg16[%get3A_1239, %get3A_1240] {strides = array<i32>} : memref<16x512xf32, #tpu.memory_space<vmem>>, vector<1x16xf32>,
        %get3A_1242 = vector.shape_cast %get3A_1241 : vector<1x16xf32> to vector<16xf32>
        %mul3A_1243 = arith.mulf %get3A_1238, %get3A_1242 : vector<16xf32>
        %add3A_1244 = arith.addf %broadcast_in_dim3A_1, %mul3A_1243 : vector<16xf32>
        %get3A_1245 = arith.index_cast %add3A_1214 : i32 to index
        %get3A_1246 = arith.constant 48 : index
        %get3A_1247 = tpu.vector_load %arg14[%get3A_1245, %get3A_1246] {strides = array<i32>} : memref<16x512xf32, #tpu.memory_space<vmem>>, vector<1x16xf32>,
        %get3A_1248 = vector.shape_cast %get3A_1247 : vector<1x16xf32> to vector<16xf32>
        %get3A_1249 = arith.index_cast %add3A_1214 : i32 to index
        %get3A_1250 = arith.constant 48 : index
        %get3A_1251 = tpu.vector_load %arg16[%get3A_1249, %get3A_1250] {strides = array<i32>} : memref<16x512xf32, #tpu.memory_space<vmem>>, vector<1x16xf32>,
        %get3A_1252 = vector.shape_cast %get3A_1251 : vector<1x16xf32> to vector<16xf32>
        %mul3A_1253 = arith.mulf %get3A_1248, %get3A_1252 : vector<16xf32>
        %add3A_1254 = arith.addf %broadcast_in_dim3A_1, %mul3A_1253 : vector<16xf32>
        %get3A_1255 = arith.index_cast %add3A_1214 : i32 to index
        %get3A_1256 = arith.constant 64 : index
        %get3A_1257 = tpu.vector_load %arg14[%get3A_1255, %get3A_1256] {strides = array<i32>} : memref<16x512xf32, #tpu.memory_space<vmem>>, vector<1x16xf32>,
        %get3A_1258 = vector.shape_cast %get3A_1257 : vector<1x16xf32> to vector<16xf32>
        %get3A_1259 = arith.index_cast %add3A_1214 : i32 to index
        %get3A_1260 = arith.constant 64 : index
        %get3A_1261 = tpu.vector_load %arg16[%get3A_1259, %get3A_1260] {strides = array<i32>} : memref<16x512xf32, #tpu.memory_space<vmem>>, vector<1x16xf32>,
        %get3A_1262 = vector.shape_cast %get3A_1261 : vector<1x16xf32> to vector<16xf32>
        %mul3A_1263 = arith.mulf %get3A_1258, %get3A_1262 : vector<16xf32>
        %add3A_1264 = arith.addf %add3A_1224, %mul3A_1263 : vector<16xf32>
        %get3A_1265 = arith.index_cast %add3A_1214 : i32 to index
        %get3A_1266 = arith.constant 80 : index
        %get3A_1267 = tpu.vector_load %arg14[%get3A_1265, %get3A_1266] {strides = array<i32>} : memref<16x512xf32, #tpu.memory_space<vmem>>, vector<1x16xf32>,
        %get3A_1268 = vector.shape_cast %get3A_1267 : vector<1x16xf32> to vector<16xf32>
        %get3A_1269 = arith.index_cast %add3A_1214 : i32 to index
        %get3A_1270 = arith.constant 80 : index
        %get3A_1271 = tpu.vector_load %arg16[%get3A_1269, %get3A_1270] {strides = array<i32>} : memref<16x512xf32, #tpu.memory_space<vmem>>, vector<1x16xf32>,
        %get3A_1272 = vector.shape_cast %get3A_1271 : vector<1x16xf32> to vector<16xf32>
        %mul3A_1273 = arith.mulf %get3A_1268, %get3A_1272 : vector<16xf32>
        %add3A_1274 = arith.addf %add3A_1234, %mul3A_1273 : vector<16xf32>
        %get3A_1275 = arith.index_cast %add3A_1214 : i32 to index
        %get3A_1276 = arith.constant 96 : index
        %get3A_1277 = tpu.vector_load %arg14[%get3A_1275, %get3A_1276] {strides = array<i32>} : memref<16x512xf32, #tpu.memory_space<vmem>>, vector<1x16xf32>,
        %get3A_1278 = vector.shape_cast %get3A_1277 : vector<1x16xf32> to vector<16xf32>
        %get3A_1279 = arith.index_cast %add3A_1214 : i32 to index
        %get3A_1280 = arith.constant 96 : index
        %get3A_1281 = tpu.vector_load %arg16[%get3A_1279, %get3A_1280] {strides = array<i32>} : memref<16x512xf32, #tpu.memory_space<vmem>>, vector<1x16xf32>,
        %get3A_1282 = vector.shape_cast %get3A_1281 : vector<1x16xf32> to vector<16xf32>
        %mul3A_1283 = arith.mulf %get3A_1278, %get3A_1282 : vector<16xf32>
        %add3A_1284 = arith.addf %add3A_1244, %mul3A_1283 : vector<16xf32>
        %get3A_1285 = arith.index_cast %add3A_1214 : i32 to index
        %get3A_1286 = arith.constant 112 : index
        %get3A_1287 = tpu.vector_load %arg14[%get3A_1285, %get3A_1286] {strides = array<i32>} : memref<16x512xf32, #tpu.memory_space<vmem>>, vector<1x16xf32>,
        %get3A_1288 = vector.shape_cast %get3A_1287 : vector<1x16xf32> to vector<16xf32>
        %get3A_1289 = arith.index_cast %add3A_1214 : i32 to index
        %get3A_1290 = arith.constant 112 : index
        %get3A_1291 = tpu.vector_load %arg16[%get3A_1289, %get3A_1290] {strides = array<i32>} : memref<16x512xf32, #tpu.memory_space<vmem>>, vector<1x16xf32>,
        %get3A_1292 = vector.shape_cast %get3A_1291 : vector<1x16xf32> to vector<16xf32>
        %mul3A_1293 = arith.mulf %get3A_1288, %get3A_1292 : vector<16xf32>
        %add3A_1294 = arith.addf %add3A_1254, %mul3A_1293 : vector<16xf32>
        %get3A_1295 = arith.index_cast %add3A_1214 : i32 to index
        %get3A_1296 = arith.constant 128 : index
        %get3A_1297 = tpu.vector_load %arg14[%get3A_1295, %get3A_1296] {strides = array<i32>} : memref<16x512xf32, #tpu.memory_space<vmem>>, vector<1x16xf32>,
        %get3A_1298 = vector.shape_cast %get3A_1297 : vector<1x16xf32> to vector<16xf32>
        %get3A_1299 = arith.index_cast %add3A_1214 : i32 to index
        %get3A_1300 = arith.constant 128 : index
        %get3A_1301 = tpu.vector_load %arg16[%get3A_1299, %get3A_1300] {strides = array<i32>} : memref<16x512xf32, #tpu.memory_space<vmem>>, vector<1x16xf32>,
        %get3A_1302 = vector.shape_cast %get3A_1301 : vector<1x16xf32> to vector<16xf32>
        %mul3A_1303 = arith.mulf %get3A_1298, %get3A_1302 : vector<16xf32>
        %add3A_1304 = arith.addf %add3A_1264, %mul3A_1303 : vector<16xf32>
        %get3A_1305 = arith.index_cast %add3A_1214 : i32 to index
        %get3A_1306 = arith.constant 144 : index
        %get3A_1307 = tpu.vector_load %arg14[%get3A_1305, %get3A_1306] {strides = array<i32>} : memref<16x512xf32, #tpu.memory_space<vmem>>, vector<1x16xf32>,
        %get3A_1308 = vector.shape_cast %get3A_1307 : vector<1x16xf32> to vector<16xf32>
        %get3A_1309 = arith.index_cast %add3A_1214 : i32 to index
        %get3A_1310 = arith.constant 144 : index
        %get3A_1311 = tpu.vector_load %arg16[%get3A_1309, %get3A_1310] {strides = array<i32>} : memref<16x512xf32, #tpu.memory_space<vmem>>, vector<1x16xf32>,
        %get3A_1312 = vector.shape_cast %get3A_1311 : vector<1x16xf32> to vector<16xf32>
        %mul3A_1313 = arith.mulf %get3A_1308, %get3A_1312 : vector<16xf32>
        %add3A_1314 = arith.addf %add3A_1274, %mul3A_1313 : vector<16xf32>
        %get3A_1315 = arith.index_cast %add3A_1214 : i32 to index
        %get3A_1316 = arith.constant 160 : index
        %get3A_1317 = tpu.vector_load %arg14[%get3A_1315, %get3A_1316] {strides = array<i32>} : memref<16x512xf32, #tpu.memory_space<vmem>>, vector<1x16xf32>,
        %get3A_1318 = vector.shape_cast %get3A_1317 : vector<1x16xf32> to vector<16xf32>
        %get3A_1319 = arith.index_cast %add3A_1214 : i32 to index
        %get3A_1320 = arith.constant 160 : index
        %get3A_1321 = tpu.vector_load %arg16[%get3A_1319, %get3A_1320] {strides = array<i32>} : memref<16x512xf32, #tpu.memory_space<vmem>>, vector<1x16xf32>,
        %get3A_1322 = vector.shape_cast %get3A_1321 : vector<1x16xf32> to vector<16xf32>
        %mul3A_1323 = arith.mulf %get3A_1318, %get3A_1322 : vector<16xf32>
        %add3A_1324 = arith.addf %add3A_1284, %mul3A_1323 : vector<16xf32>
        %get3A_1325 = arith.index_cast %add3A_1214 : i32 to index
        %get3A_1326 = arith.constant 176 : index
        %get3A_1327 = tpu.vector_load %arg14[%get3A_1325, %get3A_1326] {strides = array<i32>} : memref<16x512xf32, #tpu.memory_space<vmem>>, vector<1x16xf32>,
        %get3A_1328 = vector.shape_cast %get3A_1327 : vector<1x16xf32> to vector<16xf32>
        %get3A_1329 = arith.index_cast %add3A_1214 : i32 to index
        %get3A_1330 = arith.constant 176 : index
        %get3A_1331 = tpu.vector_load %arg16[%get3A_1329, %get3A_1330] {strides = array<i32>} : memref<16x512xf32, #tpu.memory_space<vmem>>, vector<1x16xf32>,
        %get3A_1332 = vector.shape_cast %get3A_1331 : vector<1x16xf32> to vector<16xf32>
        %mul3A_1333 = arith.mulf %get3A_1328, %get3A_1332 : vector<16xf32>
        %add3A_1334 = arith.addf %add3A_1294, %mul3A_1333 : vector<16xf32>
        %get3A_1335 = arith.index_cast %add3A_1214 : i32 to index
        %get3A_1336 = arith.constant 192 : index
        %get3A_1337 = tpu.vector_load %arg14[%get3A_1335, %get3A_1336] {strides = array<i32>} : memref<16x512xf32, #tpu.memory_space<vmem>>, vector<1x16xf32>,
        %get3A_1338 = vector.shape_cast %get3A_1337 : vector<1x16xf32> to vector<16xf32>
        %get3A_1339 = arith.index_cast %add3A_1214 : i32 to index
        %get3A_1340 = arith.constant 192 : index
        %get3A_1341 = tpu.vector_load %arg16[%get3A_1339, %get3A_1340] {strides = array<i32>} : memref<16x512xf32, #tpu.memory_space<vmem>>, vector<1x16xf32>,
        %get3A_1342 = vector.shape_cast %get3A_1341 : vector<1x16xf32> to vector<16xf32>
        %mul3A_1343 = arith.mulf %get3A_1338, %get3A_1342 : vector<16xf32>
        %add3A_1344 = arith.addf %add3A_1304, %mul3A_1343 : vector<16xf32>
        %get3A_1345 = arith.index_cast %add3A_1214 : i32 to index
        %get3A_1346 = arith.constant 208 : index
        %get3A_1347 = tpu.vector_load %arg14[%get3A_1345, %get3A_1346] {strides = array<i32>} : memref<16x512xf32, #tpu.memory_space<vmem>>, vector<1x16xf32>,
        %get3A_1348 = vector.shape_cast %get3A_1347 : vector<1x16xf32> to vector<16xf32>
        %get3A_1349 = arith.index_cast %add3A_1214 : i32 to index
        %get3A_1350 = arith.constant 208 : index
        %get3A_1351 = tpu.vector_load %arg16[%get3A_1349, %get3A_1350] {strides = array<i32>} : memref<16x512xf32, #tpu.memory_space<vmem>>, vector<1x16xf32>,
        %get3A_1352 = vector.shape_cast %get3A_1351 : vector<1x16xf32> to vector<16xf32>
        %mul3A_1353 = arith.mulf %get3A_1348, %get3A_1352 : vector<16xf32>
        %add3A_1354 = arith.addf %add3A_1314, %mul3A_1353 : vector<16xf32>
        %get3A_1355 = arith.index_cast %add3A_1214 : i32 to index
        %get3A_1356 = arith.constant 224 : index
        %get3A_1357 = tpu.vector_load %arg14[%get3A_1355, %get3A_1356] {strides = array<i32>} : memref<16x512xf32, #tpu.memory_space<vmem>>, vector<1x16xf32>,
        %get3A_1358 = vector.shape_cast %get3A_1357 : vector<1x16xf32> to vector<16xf32>
        %get3A_1359 = arith.index_cast %add3A_1214 : i32 to index
        %get3A_1360 = arith.constant 224 : index
        %get3A_1361 = tpu.vector_load %arg16[%get3A_1359, %get3A_1360] {strides = array<i32>} : memref<16x512xf32, #tpu.memory_space<vmem>>, vector<1x16xf32>,
        %get3A_1362 = vector.shape_cast %get3A_1361 : vector<1x16xf32> to vector<16xf32>
        %mul3A_1363 = arith.mulf %get3A_1358, %get3A_1362 : vector<16xf32>
        %add3A_1364 = arith.addf %add3A_1324, %mul3A_1363 : vector<16xf32>
        %get3A_1365 = arith.index_cast %add3A_1214 : i32 to index
        %get3A_1366 = arith.constant 240 : index
        %get3A_1367 = tpu.vector_load %arg14[%get3A_1365, %get3A_1366] {strides = array<i32>} : memref<16x512xf32, #tpu.memory_space<vmem>>, vector<1x16xf32>,
        %get3A_1368 = vector.shape_cast %get3A_1367 : vector<1x16xf32> to vector<16xf32>
        %get3A_1369 = arith.index_cast %add3A_1214 : i32 to index
        %get3A_1370 = arith.constant 240 : index
        %get3A_1371 = tpu.vector_load %arg16[%get3A_1369, %get3A_1370] {strides = array<i32>} : memref<16x512xf32, #tpu.memory_space<vmem>>, vector<1x16xf32>,
        %get3A_1372 = vector.shape_cast %get3A_1371 : vector<1x16xf32> to vector<16xf32>
        %mul3A_1373 = arith.mulf %get3A_1368, %get3A_1372 : vector<16xf32>
        %add3A_1374 = arith.addf %add3A_1334, %mul3A_1373 : vector<16xf32>
        %get3A_1375 = arith.index_cast %add3A_1214 : i32 to index
        %get3A_1376 = arith.constant 256 : index
        %get3A_1377 = tpu.vector_load %arg14[%get3A_1375, %get3A_1376] {strides = array<i32>} : memref<16x512xf32, #tpu.memory_space<vmem>>, vector<1x16xf32>,
        %get3A_1378 = vector.shape_cast %get3A_1377 : vector<1x16xf32> to vector<16xf32>
        %get3A_1379 = arith.index_cast %add3A_1214 : i32 to index
        %get3A_1380 = arith.constant 256 : index
        %get3A_1381 = tpu.vector_load %arg16[%get3A_1379, %get3A_1380] {strides = array<i32>} : memref<16x512xf32, #tpu.memory_space<vmem>>, vector<1x16xf32>,
        %get3A_1382 = vector.shape_cast %get3A_1381 : vector<1x16xf32> to vector<16xf32>
        %mul3A_1383 = arith.mulf %get3A_1378, %get3A_1382 : vector<16xf32>
        %add3A_1384 = arith.addf %add3A_1344, %mul3A_1383 : vector<16xf32>
        %get3A_1385 = arith.index_cast %add3A_1214 : i32 to index
        %get3A_1386 = arith.constant 272 : index
        %get3A_1387 = tpu.vector_load %arg14[%get3A_1385, %get3A_1386] {strides = array<i32>} : memref<16x512xf32, #tpu.memory_space<vmem>>, vector<1x16xf32>,
        %get3A_1388 = vector.shape_cast %get3A_1387 : vector<1x16xf32> to vector<16xf32>
        %get3A_1389 = arith.index_cast %add3A_1214 : i32 to index
        %get3A_1390 = arith.constant 272 : index
        %get3A_1391 = tpu.vector_load %arg16[%get3A_1389, %get3A_1390] {strides = array<i32>} : memref<16x512xf32, #tpu.memory_space<vmem>>, vector<1x16xf32>,
        %get3A_1392 = vector.shape_cast %get3A_1391 : vector<1x16xf32> to vector<16xf32>
        %mul3A_1393 = arith.mulf %get3A_1388, %get3A_1392 : vector<16xf32>
        %add3A_1394 = arith.addf %add3A_1354, %mul3A_1393 : vector<16xf32>
        %get3A_1395 = arith.index_cast %add3A_1214 : i32 to index
        %get3A_1396 = arith.constant 288 : index
        %get3A_1397 = tpu.vector_load %arg14[%get3A_1395, %get3A_1396] {strides = array<i32>} : memref<16x512xf32, #tpu.memory_space<vmem>>, vector<1x16xf32>,
        %get3A_1398 = vector.shape_cast %get3A_1397 : vector<1x16xf32> to vector<16xf32>
        %get3A_1399 = arith.index_cast %add3A_1214 : i32 to index
        %get3A_1400 = arith.constant 288 : index
        %get3A_1401 = tpu.vector_load %arg16[%get3A_1399, %get3A_1400] {strides = array<i32>} : memref<16x512xf32, #tpu.memory_space<vmem>>, vector<1x16xf32>,
        %get3A_1402 = vector.shape_cast %get3A_1401 : vector<1x16xf32> to vector<16xf32>
        %mul3A_1403 = arith.mulf %get3A_1398, %get3A_1402 : vector<16xf32>
        %add3A_1404 = arith.addf %add3A_1364, %mul3A_1403 : vector<16xf32>
        %get3A_1405 = arith.index_cast %add3A_1214 : i32 to index
        %get3A_1406 = arith.constant 304 : index
        %get3A_1407 = tpu.vector_load %arg14[%get3A_1405, %get3A_1406] {strides = array<i32>} : memref<16x512xf32, #tpu.memory_space<vmem>>, vector<1x16xf32>,
        %get3A_1408 = vector.shape_cast %get3A_1407 : vector<1x16xf32> to vector<16xf32>
        %get3A_1409 = arith.index_cast %add3A_1214 : i32 to index
        %get3A_1410 = arith.constant 304 : index
        %get3A_1411 = tpu.vector_load %arg16[%get3A_1409, %get3A_1410] {strides = array<i32>} : memref<16x512xf32, #tpu.memory_space<vmem>>, vector<1x16xf32>,
        %get3A_1412 = vector.shape_cast %get3A_1411 : vector<1x16xf32> to vector<16xf32>
        %mul3A_1413 = arith.mulf %get3A_1408, %get3A_1412 : vector<16xf32>
        %add3A_1414 = arith.addf %add3A_1374, %mul3A_1413 : vector<16xf32>
        %get3A_1415 = arith.index_cast %add3A_1214 : i32 to index
        %get3A_1416 = arith.constant 320 : index
        %get3A_1417 = tpu.vector_load %arg14[%get3A_1415, %get3A_1416] {strides = array<i32>} : memref<16x512xf32, #tpu.memory_space<vmem>>, vector<1x16xf32>,
        %get3A_1418 = vector.shape_cast %get3A_1417 : vector<1x16xf32> to vector<16xf32>
        %get3A_1419 = arith.index_cast %add3A_1214 : i32 to index
        %get3A_1420 = arith.constant 320 : index
        %get3A_1421 = tpu.vector_load %arg16[%get3A_1419, %get3A_1420] {strides = array<i32>} : memref<16x512xf32, #tpu.memory_space<vmem>>, vector<1x16xf32>,
        %get3A_1422 = vector.shape_cast %get3A_1421 : vector<1x16xf32> to vector<16xf32>
        %mul3A_1423 = arith.mulf %get3A_1418, %get3A_1422 : vector<16xf32>
        %add3A_1424 = arith.addf %add3A_1384, %mul3A_1423 : vector<16xf32>
        %get3A_1425 = arith.index_cast %add3A_1214 : i32 to index
        %get3A_1426 = arith.constant 336 : index
        %get3A_1427 = tpu.vector_load %arg14[%get3A_1425, %get3A_1426] {strides = array<i32>} : memref<16x512xf32, #tpu.memory_space<vmem>>, vector<1x16xf32>,
        %get3A_1428 = vector.shape_cast %get3A_1427 : vector<1x16xf32> to vector<16xf32>
        %get3A_1429 = arith.index_cast %add3A_1214 : i32 to index
        %get3A_1430 = arith.constant 336 : index
        %get3A_1431 = tpu.vector_load %arg16[%get3A_1429, %get3A_1430] {strides = array<i32>} : memref<16x512xf32, #tpu.memory_space<vmem>>, vector<1x16xf32>,
        %get3A_1432 = vector.shape_cast %get3A_1431 : vector<1x16xf32> to vector<16xf32>
        %mul3A_1433 = arith.mulf %get3A_1428, %get3A_1432 : vector<16xf32>
        %add3A_1434 = arith.addf %add3A_1394, %mul3A_1433 : vector<16xf32>
        %get3A_1435 = arith.index_cast %add3A_1214 : i32 to index
        %get3A_1436 = arith.constant 352 : index
        %get3A_1437 = tpu.vector_load %arg14[%get3A_1435, %get3A_1436] {strides = array<i32>} : memref<16x512xf32, #tpu.memory_space<vmem>>, vector<1x16xf32>,
        %get3A_1438 = vector.shape_cast %get3A_1437 : vector<1x16xf32> to vector<16xf32>
        %get3A_1439 = arith.index_cast %add3A_1214 : i32 to index
        %get3A_1440 = arith.constant 352 : index
        %get3A_1441 = tpu.vector_load %arg16[%get3A_1439, %get3A_1440] {strides = array<i32>} : memref<16x512xf32, #tpu.memory_space<vmem>>, vector<1x16xf32>,
        %get3A_1442 = vector.shape_cast %get3A_1441 : vector<1x16xf32> to vector<16xf32>
        %mul3A_1443 = arith.mulf %get3A_1438, %get3A_1442 : vector<16xf32>
        %add3A_1444 = arith.addf %add3A_1404, %mul3A_1443 : vector<16xf32>
        %get3A_1445 = arith.index_cast %add3A_1214 : i32 to index
        %get3A_1446 = arith.constant 368 : index
        %get3A_1447 = tpu.vector_load %arg14[%get3A_1445, %get3A_1446] {strides = array<i32>} : memref<16x512xf32, #tpu.memory_space<vmem>>, vector<1x16xf32>,
        %get3A_1448 = vector.shape_cast %get3A_1447 : vector<1x16xf32> to vector<16xf32>
        %get3A_1449 = arith.index_cast %add3A_1214 : i32 to index
        %get3A_1450 = arith.constant 368 : index
        %get3A_1451 = tpu.vector_load %arg16[%get3A_1449, %get3A_1450] {strides = array<i32>} : memref<16x512xf32, #tpu.memory_space<vmem>>, vector<1x16xf32>,
        %get3A_1452 = vector.shape_cast %get3A_1451 : vector<1x16xf32> to vector<16xf32>
        %mul3A_1453 = arith.mulf %get3A_1448, %get3A_1452 : vector<16xf32>
        %add3A_1454 = arith.addf %add3A_1414, %mul3A_1453 : vector<16xf32>
        %get3A_1455 = arith.index_cast %add3A_1214 : i32 to index
        %get3A_1456 = arith.constant 384 : index
        %get3A_1457 = tpu.vector_load %arg14[%get3A_1455, %get3A_1456] {strides = array<i32>} : memref<16x512xf32, #tpu.memory_space<vmem>>, vector<1x16xf32>,
        %get3A_1458 = vector.shape_cast %get3A_1457 : vector<1x16xf32> to vector<16xf32>
        %get3A_1459 = arith.index_cast %add3A_1214 : i32 to index
        %get3A_1460 = arith.constant 384 : index
        %get3A_1461 = tpu.vector_load %arg16[%get3A_1459, %get3A_1460] {strides = array<i32>} : memref<16x512xf32, #tpu.memory_space<vmem>>, vector<1x16xf32>,
        %get3A_1462 = vector.shape_cast %get3A_1461 : vector<1x16xf32> to vector<16xf32>
        %mul3A_1463 = arith.mulf %get3A_1458, %get3A_1462 : vector<16xf32>
        %add3A_1464 = arith.addf %add3A_1424, %mul3A_1463 : vector<16xf32>
        %get3A_1465 = arith.index_cast %add3A_1214 : i32 to index
        %get3A_1466 = arith.constant 400 : index
        %get3A_1467 = tpu.vector_load %arg14[%get3A_1465, %get3A_1466] {strides = array<i32>} : memref<16x512xf32, #tpu.memory_space<vmem>>, vector<1x16xf32>,
        %get3A_1468 = vector.shape_cast %get3A_1467 : vector<1x16xf32> to vector<16xf32>
        %get3A_1469 = arith.index_cast %add3A_1214 : i32 to index
        %get3A_1470 = arith.constant 400 : index
        %get3A_1471 = tpu.vector_load %arg16[%get3A_1469, %get3A_1470] {strides = array<i32>} : memref<16x512xf32, #tpu.memory_space<vmem>>, vector<1x16xf32>,
        %get3A_1472 = vector.shape_cast %get3A_1471 : vector<1x16xf32> to vector<16xf32>
        %mul3A_1473 = arith.mulf %get3A_1468, %get3A_1472 : vector<16xf32>
        %add3A_1474 = arith.addf %add3A_1434, %mul3A_1473 : vector<16xf32>
        %get3A_1475 = arith.index_cast %add3A_1214 : i32 to index
        %get3A_1476 = arith.constant 416 : index
        %get3A_1477 = tpu.vector_load %arg14[%get3A_1475, %get3A_1476] {strides = array<i32>} : memref<16x512xf32, #tpu.memory_space<vmem>>, vector<1x16xf32>,
        %get3A_1478 = vector.shape_cast %get3A_1477 : vector<1x16xf32> to vector<16xf32>
        %get3A_1479 = arith.index_cast %add3A_1214 : i32 to index
        %get3A_1480 = arith.constant 416 : index
        %get3A_1481 = tpu.vector_load %arg16[%get3A_1479, %get3A_1480] {strides = array<i32>} : memref<16x512xf32, #tpu.memory_space<vmem>>, vector<1x16xf32>,
        %get3A_1482 = vector.shape_cast %get3A_1481 : vector<1x16xf32> to vector<16xf32>
        %mul3A_1483 = arith.mulf %get3A_1478, %get3A_1482 : vector<16xf32>
        %add3A_1484 = arith.addf %add3A_1444, %mul3A_1483 : vector<16xf32>
        %get3A_1485 = arith.index_cast %add3A_1214 : i32 to index
        %get3A_1486 = arith.constant 432 : index
        %get3A_1487 = tpu.vector_load %arg14[%get3A_1485, %get3A_1486] {strides = array<i32>} : memref<16x512xf32, #tpu.memory_space<vmem>>, vector<1x16xf32>,
        %get3A_1488 = vector.shape_cast %get3A_1487 : vector<1x16xf32> to vector<16xf32>
        %get3A_1489 = arith.index_cast %add3A_1214 : i32 to index
        %get3A_1490 = arith.constant 432 : index
        %get3A_1491 = tpu.vector_load %arg16[%get3A_1489, %get3A_1490] {strides = array<i32>} : memref<16x512xf32, #tpu.memory_space<vmem>>, vector<1x16xf32>,
        %get3A_1492 = vector.shape_cast %get3A_1491 : vector<1x16xf32> to vector<16xf32>
        %mul3A_1493 = arith.mulf %get3A_1488, %get3A_1492 : vector<16xf32>
        %add3A_1494 = arith.addf %add3A_1454, %mul3A_1493 : vector<16xf32>
        %get3A_1495 = arith.index_cast %add3A_1214 : i32 to index
        %get3A_1496 = arith.constant 448 : index
        %get3A_1497 = tpu.vector_load %arg14[%get3A_1495, %get3A_1496] {strides = array<i32>} : memref<16x512xf32, #tpu.memory_space<vmem>>, vector<1x16xf32>,
        %get3A_1498 = vector.shape_cast %get3A_1497 : vector<1x16xf32> to vector<16xf32>
        %get3A_1499 = arith.index_cast %add3A_1214 : i32 to index
        %get3A_1500 = arith.constant 448 : index
        %get3A_1501 = tpu.vector_load %arg16[%get3A_1499, %get3A_1500] {strides = array<i32>} : memref<16x512xf32, #tpu.memory_space<vmem>>, vector<1x16xf32>,
        %get3A_1502 = vector.shape_cast %get3A_1501 : vector<1x16xf32> to vector<16xf32>
        %mul3A_1503 = arith.mulf %get3A_1498, %get3A_1502 : vector<16xf32>
        %add3A_1504 = arith.addf %add3A_1464, %mul3A_1503 : vector<16xf32>
        %get3A_1505 = arith.index_cast %add3A_1214 : i32 to index
        %get3A_1506 = arith.constant 464 : index
        %get3A_1507 = tpu.vector_load %arg14[%get3A_1505, %get3A_1506] {strides = array<i32>} : memref<16x512xf32, #tpu.memory_space<vmem>>, vector<1x16xf32>,
        %get3A_1508 = vector.shape_cast %get3A_1507 : vector<1x16xf32> to vector<16xf32>
        %get3A_1509 = arith.index_cast %add3A_1214 : i32 to index
        %get3A_1510 = arith.constant 464 : index
        %get3A_1511 = tpu.vector_load %arg16[%get3A_1509, %get3A_1510] {strides = array<i32>} : memref<16x512xf32, #tpu.memory_space<vmem>>, vector<1x16xf32>,
        %get3A_1512 = vector.shape_cast %get3A_1511 : vector<1x16xf32> to vector<16xf32>
        %mul3A_1513 = arith.mulf %get3A_1508, %get3A_1512 : vector<16xf32>
        %add3A_1514 = arith.addf %add3A_1474, %mul3A_1513 : vector<16xf32>
        %get3A_1515 = arith.index_cast %add3A_1214 : i32 to index
        %get3A_1516 = arith.constant 480 : index
        %get3A_1517 = tpu.vector_load %arg14[%get3A_1515, %get3A_1516] {strides = array<i32>} : memref<16x512xf32, #tpu.memory_space<vmem>>, vector<1x16xf32>,
        %get3A_1518 = vector.shape_cast %get3A_1517 : vector<1x16xf32> to vector<16xf32>
        %get3A_1519 = arith.index_cast %add3A_1214 : i32 to index
        %get3A_1520 = arith.constant 480 : index
        %get3A_1521 = tpu.vector_load %arg16[%get3A_1519, %get3A_1520] {strides = array<i32>} : memref<16x512xf32, #tpu.memory_space<vmem>>, vector<1x16xf32>,
        %get3A_1522 = vector.shape_cast %get3A_1521 : vector<1x16xf32> to vector<16xf32>
        %mul3A_1523 = arith.mulf %get3A_1518, %get3A_1522 : vector<16xf32>
        %add3A_1524 = arith.addf %add3A_1484, %mul3A_1523 : vector<16xf32>
        %get3A_1525 = arith.index_cast %add3A_1214 : i32 to index
        %get3A_1526 = arith.constant 496 : index
        %get3A_1527 = tpu.vector_load %arg14[%get3A_1525, %get3A_1526] {strides = array<i32>} : memref<16x512xf32, #tpu.memory_space<vmem>>, vector<1x16xf32>,
        %get3A_1528 = vector.shape_cast %get3A_1527 : vector<1x16xf32> to vector<16xf32>
        %get3A_1529 = arith.index_cast %add3A_1214 : i32 to index
        %get3A_1530 = arith.constant 496 : index
        %get3A_1531 = tpu.vector_load %arg16[%get3A_1529, %get3A_1530] {strides = array<i32>} : memref<16x512xf32, #tpu.memory_space<vmem>>, vector<1x16xf32>,
        %get3A_1532 = vector.shape_cast %get3A_1531 : vector<1x16xf32> to vector<16xf32>
        %mul3A_1533 = arith.mulf %get3A_1528, %get3A_1532 : vector<16xf32>
        %add3A_1534 = arith.addf %add3A_1494, %mul3A_1533 : vector<16xf32>
        %add3A_1535 = arith.addf %add3A_1504, %add3A_1514 : vector<16xf32>
        %add3A_1536 = arith.addf %add3A_1524, %add3A_1534 : vector<16xf32>
        %add3A_1537 = arith.addf %add3A_1535, %add3A_1536 : vector<16xf32>
        %swap3A_1538 = arith.index_cast %add3A_1214 : i32 to index
        %swap3A_1539 = arith.constant 0 : index
        %swap3A_1540 = tpu.vector_load %arg18[%swap3A_1538, %swap3A_1539] {strides = array<i32>} : memref<16x16xf32, #tpu.memory_space<vmem>>, vector<1x16xf32>,
        %swap3A_1541 = vector.shape_cast %swap3A_1540 : vector<1x16xf32> to vector<16xf32>
        %swap3A_1542 = vector.shape_cast %add3A_1537 : vector<16xf32> to vector<1x16xf32>
        tpu.vector_store %arg18[%swap3A_1538, %swap3A_1539], %swap3A_1542 {strides = array<i32>} : memref<16x16xf32, #tpu.memory_space<vmem>>, vector<1x16xf32>,
        %scan3A_1543 = arith.constant 0 : i32
        scf.yield %scan3A_1543 : i32
      }
      %scan3A_769 = arith.constant 8 : i32
      %jit3A_770 = arith.constant 4 : i32
      %div3A_771 = arith.divsi %add3A_535, %jit3A_770 : i32
      %sign3A_772 = arith.constant 0 : i32
      %sign3A_773 = arith.cmpi sgt, %add3A_535, %sign3A_772 : i32
      %sign3A_774 = arith.extui %sign3A_773 : i1 to i32
      %sign3A_775 = arith.constant 0 : i32
      %sign3A_776 = arith.cmpi slt, %add3A_535, %sign3A_775 : i32
      %sign3A_777 = arith.extui %sign3A_776 : i1 to i32
      %sign3A_778 = arith.subi %sign3A_774, %sign3A_777 : i32
      %sign3A_779 = arith.constant 0 : i32
      %sign3A_780 = arith.cmpi sgt, %jit3A_770, %sign3A_779 : i32
      %sign3A_781 = arith.extui %sign3A_780 : i1 to i32
      %sign3A_782 = arith.constant 0 : i32
      %sign3A_783 = arith.cmpi slt, %jit3A_770, %sign3A_782 : i32
      %sign3A_784 = arith.extui %sign3A_783 : i1 to i32
      %sign3A_785 = arith.subi %sign3A_781, %sign3A_784 : i32
      %ne3A_786 = arith.cmpi ne, %sign3A_778, %sign3A_785 : i32
      %rem3A_787 = arith.remsi %add3A_535, %jit3A_770 : i32
      %ne3A_788 = arith.constant 0 : i32
      %ne3A_789 = arith.cmpi ne, %rem3A_787, %ne3A_788 : i32
      %and3A_790 = arith.andi %ne3A_786, %ne3A_789 : i1
      %sub3A_791 = arith.constant 1 : i32
      %sub3A_792 = arith.subi %div3A_771, %sub3A_791 : i32
      %select_n3A_793 = arith.select %and3A_790, %sub3A_792, %div3A_771 : i32
      %jit3A_794 = arith.constant 4 : i32
      %eq3A_795 = arith.constant 0 : i32
      %eq3A_796 = arith.cmpi eq, %jit3A_794, %eq3A_795 : i32
      %jit3A_797 = arith.constant 1 : i32
      %select_n3A_798 = arith.select %eq3A_796, %jit3A_797, %jit3A_794 : i32
      %rem3A_799 = arith.remsi %add3A_535, %select_n3A_798 : i32
      %ne3A_800 = arith.constant 0 : i32
      %ne3A_801 = arith.cmpi ne, %rem3A_799, %ne3A_800 : i32
      %lt3A_802 = arith.constant 0 : i32
      %lt3A_803 = arith.cmpi slt, %rem3A_799, %lt3A_802 : i32
      %lt3A_804 = arith.constant 0 : i32
      %lt3A_805 = arith.cmpi slt, %select_n3A_798, %lt3A_804 : i32
      %ne3A_806 = arith.xori %lt3A_803, %lt3A_805 : i1
      %and3A_807 = arith.andi %ne3A_806, %ne3A_801 : i1
      %add3A_808 = arith.addi %rem3A_799, %select_n3A_798 : i32
      %select_n3A_809 = arith.select %and3A_807, %add3A_808, %rem3A_799 : i32
      %jit3A_810 = arith.constant 8 : i32
      %div3A_811 = arith.divsi %select_n3A_793, %jit3A_810 : i32
      %sign3A_812 = arith.constant 0 : i32
      %sign3A_813 = arith.cmpi sgt, %select_n3A_793, %sign3A_812 : i32
      %sign3A_814 = arith.extui %sign3A_813 : i1 to i32
      %sign3A_815 = arith.constant 0 : i32
      %sign3A_816 = arith.cmpi slt, %select_n3A_793, %sign3A_815 : i32
      %sign3A_817 = arith.extui %sign3A_816 : i1 to i32
      %sign3A_818 = arith.subi %sign3A_814, %sign3A_817 : i32
      %sign3A_819 = arith.constant 0 : i32
      %sign3A_820 = arith.cmpi sgt, %jit3A_810, %sign3A_819 : i32
      %sign3A_821 = arith.extui %sign3A_820 : i1 to i32
      %sign3A_822 = arith.constant 0 : i32
      %sign3A_823 = arith.cmpi slt, %jit3A_810, %sign3A_822 : i32
      %sign3A_824 = arith.extui %sign3A_823 : i1 to i32
      %sign3A_825 = arith.subi %sign3A_821, %sign3A_824 : i32
      %ne3A_826 = arith.cmpi ne, %sign3A_818, %sign3A_825 : i32
      %rem3A_827 = arith.remsi %select_n3A_793, %jit3A_810 : i32
      %ne3A_828 = arith.constant 0 : i32
      %ne3A_829 = arith.cmpi ne, %rem3A_827, %ne3A_828 : i32
      %and3A_830 = arith.andi %ne3A_826, %ne3A_829 : i1
      %sub3A_831 = arith.constant 1 : i32
      %sub3A_832 = arith.subi %div3A_811, %sub3A_831 : i32
      %select_n3A_833 = arith.select %and3A_830, %sub3A_832, %div3A_811 : i32
      %jit3A_834 = arith.constant 8 : i32
      %eq3A_835 = arith.constant 0 : i32
      %eq3A_836 = arith.cmpi eq, %jit3A_834, %eq3A_835 : i32
      %jit3A_837 = arith.constant 1 : i32
      %select_n3A_838 = arith.select %eq3A_836, %jit3A_837, %jit3A_834 : i32
      %rem3A_839 = arith.remsi %select_n3A_793, %select_n3A_838 : i32
      %ne3A_840 = arith.constant 0 : i32
      %ne3A_841 = arith.cmpi ne, %rem3A_839, %ne3A_840 : i32
      %lt3A_842 = arith.constant 0 : i32
      %lt3A_843 = arith.cmpi slt, %rem3A_839, %lt3A_842 : i32
      %lt3A_844 = arith.constant 0 : i32
      %lt3A_845 = arith.cmpi slt, %select_n3A_838, %lt3A_844 : i32
      %ne3A_846 = arith.xori %lt3A_843, %lt3A_845 : i1
      %and3A_847 = arith.andi %ne3A_846, %ne3A_841 : i1
      %add3A_848 = arith.addi %rem3A_839, %select_n3A_838 : i32
      %select_n3A_849 = arith.select %and3A_847, %add3A_848, %rem3A_839 : i32
      %mul3A_850 = arith.constant 16 : i32
      %mul3A_851 = arith.muli %select_n3A_849, %mul3A_850 : i32
      %get3A_852 = arith.index_cast %select_n3A_833 : i32 to index
      %get3A_853 = arith.index_cast %mul3A_851 : i32 to index
      %get3A_854 = tpu.vector_load %arg11[%get3A_852, %get3A_853] {strides = array<i32>} : memref<40x128xi32, #tpu.memory_space<vmem>>, vector<1x16xi32>,
      %get3A_855 = vector.shape_cast %get3A_854 : vector<1x16xi32> to vector<16xi32>
      %mul3A_856 = arith.constant 4 : i32
      %mul3A_857 = vector.broadcast %mul3A_856 : i32 to vector<16xi32>
      %mul3A_858 = arith.muli %get3A_855, %mul3A_857 : vector<16xi32>
      %add3A_859 = vector.broadcast %select_n3A_809 : i32 to vector<16xi32>
      %add3A_860 = arith.addi %mul3A_858, %add3A_859 : vector<16xi32>
      %get3A_861 = arith.index_cast %select_n3A_833 : i32 to index
      %get3A_862 = arith.index_cast %mul3A_851 : i32 to index
      %get3A_863 = tpu.vector_load %arg12[%get3A_861, %get3A_862] {strides = array<i32>} : memref<40x128xi32, #tpu.memory_space<vmem>>, vector<1x16xi32>,
      %get3A_864 = vector.shape_cast %get3A_863 : vector<1x16xi32> to vector<16xi32>
      %mul3A_865 = arith.constant 4 : i32
      %mul3A_866 = vector.broadcast %mul3A_865 : i32 to vector<16xi32>
      %mul3A_867 = arith.muli %get3A_864, %mul3A_866 : vector<16xi32>
      %add3A_868 = vector.broadcast %select_n3A_809 : i32 to vector<16xi32>
      %add3A_869 = arith.addi %mul3A_867, %add3A_868 : vector<16xi32>
      %get3A_870 = arith.index_cast %select_n3A_833 : i32 to index
      %get3A_871 = arith.index_cast %mul3A_851 : i32 to index
      %get3A_872 = tpu.vector_load %arg12[%get3A_870, %get3A_871] {strides = array<i32>} : memref<40x128xi32, #tpu.memory_space<vmem>>, vector<1x16xi32>,
      %get3A_873 = vector.shape_cast %get3A_872 : vector<1x16xi32> to vector<16xi32>
      %dma_start3A_874 = arith.constant 0 : i32
      %dma_start3A_875 = arith.constant 0 : i32
      %dma_start3A_876 = tpu.memref_slice %arg20[%dma_start3A_874, %dma_start3A_875] : memref<10016x16xf32, #tpu.memory_space<vmem_shared>> -> memref<10016x16xf32, #tpu.memory_space<vmem_shared>>
      tpu.enqueue_indirect_dma source(%arg18 : memref<16x16xf32, #tpu.memory_space<vmem>>) target(%dma_start3A_876 : memref<10016x16xf32, #tpu.memory_space<vmem_shared>>) offsets(%get3A_873 : vector<16xi32>) semaphore(%arg26 : memref<!tpu.dma_semaphore, #tpu.memory_space<semaphore_mem>>) {add = true}
      %scan3A_877 = arith.constant 0 : i32
      scf.yield %scan3A_877 : i32
    }
    %scan3A_60 = arith.constant 640 : i32
    %dma_wait3A = arith.constant 0 : i32
    %dma_wait3A_61 = arith.constant 0 : i32
    %dma_wait3A_62 = tpu.memref_slice %arg20[%dma_wait3A, %dma_wait3A_61] : memref<10016x16xf32, #tpu.memory_space<vmem_shared>> -> memref<10016x16xf32, #tpu.memory_space<vmem_shared>>
    tpu.wait_indirect_dma semaphore(%arg25 : memref<!tpu.dma_semaphore, #tpu.memory_space<semaphore_mem>>) src(%arg17 : memref<16x16xf32, #tpu.memory_space<vmem>>) dst(%dma_wait3A_62 : memref<10016x16xf32, #tpu.memory_space<vmem_shared>>)
    %dma_wait3A_63 = arith.constant 0 : i32
    %dma_wait3A_64 = arith.constant 0 : i32
    %dma_wait3A_65 = tpu.memref_slice %arg20[%dma_wait3A_63, %dma_wait3A_64] : memref<10016x16xf32, #tpu.memory_space<vmem_shared>> -> memref<10016x16xf32, #tpu.memory_space<vmem_shared>>
    tpu.wait_indirect_dma semaphore(%arg26 : memref<!tpu.dma_semaphore, #tpu.memory_space<semaphore_mem>>) src(%arg18 : memref<16x16xf32, #tpu.memory_space<vmem>>) dst(%dma_wait3A_65 : memref<10016x16xf32, #tpu.memory_space<vmem_shared>>)
    %get3A_66 = arith.constant 39 : i32
    %get3A_67 = arith.index_cast %get3A_66 : i32 to index
    %get3A_68 = arith.constant 112 : index
    %get3A_69 = tpu.vector_load %arg11[%get3A_67, %get3A_68] {strides = array<i32>} : memref<40x128xi32, #tpu.memory_space<vmem>>, vector<1x16xi32>,
    %get3A_70 = vector.shape_cast %get3A_69 : vector<1x16xi32> to vector<16xi32>
    %mul3A_71 = arith.constant 4 : i32
    %mul3A_72 = vector.broadcast %mul3A_71 : i32 to vector<16xi32>
    %mul3A_73 = arith.muli %get3A_70, %mul3A_72 : vector<16xi32>
    %add3A_74 = arith.constant 3 : i32
    %add3A_75 = vector.broadcast %add3A_74 : i32 to vector<16xi32>
    %add3A_76 = arith.addi %mul3A_73, %add3A_75 : vector<16xi32>
    %get3A_77 = arith.constant 39 : i32
    %get3A_78 = arith.index_cast %get3A_77 : i32 to index
    %get3A_79 = arith.constant 112 : index
    %get3A_80 = tpu.vector_load %arg12[%get3A_78, %get3A_79] {strides = array<i32>} : memref<40x128xi32, #tpu.memory_space<vmem>>, vector<1x16xi32>,
    %get3A_81 = vector.shape_cast %get3A_80 : vector<1x16xi32> to vector<16xi32>
    %mul3A_82 = arith.constant 4 : i32
    %mul3A_83 = vector.broadcast %mul3A_82 : i32 to vector<16xi32>
    %mul3A_84 = arith.muli %get3A_81, %mul3A_83 : vector<16xi32>
    %add3A_85 = arith.constant 3 : i32
    %add3A_86 = vector.broadcast %add3A_85 : i32 to vector<16xi32>
    %add3A_87 = arith.addi %mul3A_84, %add3A_86 : vector<16xi32>
    %get3A_88 = arith.constant 39 : i32
    %get3A_89 = arith.index_cast %get3A_88 : i32 to index
    %get3A_90 = arith.constant 112 : index
    %get3A_91 = tpu.vector_load %arg12[%get3A_89, %get3A_90] {strides = array<i32>} : memref<40x128xi32, #tpu.memory_space<vmem>>, vector<1x16xi32>,
    %get3A_92 = vector.shape_cast %get3A_91 : vector<1x16xi32> to vector<16xi32>
    %dma_wait3A_93 = arith.constant 0 : i32
    %dma_wait3A_94 = arith.constant 0 : i32
    %dma_wait3A_95 = tpu.memref_slice %arg2[%dma_wait3A_93, %dma_wait3A_94] : memref<40000x512xf32, #tpu.memory_space<hbm>> -> memref<40000x512xf32, #tpu.memory_space<hbm>>
    tpu.wait_indirect_dma semaphore(%arg21 : memref<!tpu.dma_semaphore, #tpu.memory_space<semaphore_mem>>) src(%dma_wait3A_95 : memref<40000x512xf32, #tpu.memory_space<hbm>>) dst(%arg13 : memref<16x512xf32, #tpu.memory_space<vmem>>)
    %dma_wait3A_96 = arith.constant 0 : i32
    %dma_wait3A_97 = arith.constant 0 : i32
    %dma_wait3A_98 = tpu.memref_slice %arg3[%dma_wait3A_96, %dma_wait3A_97] : memref<40000x512xf32, #tpu.memory_space<hbm>> -> memref<40000x512xf32, #tpu.memory_space<hbm>>
    tpu.wait_indirect_dma semaphore(%arg23 : memref<!tpu.dma_semaphore, #tpu.memory_space<semaphore_mem>>) src(%dma_wait3A_98 : memref<40000x512xf32, #tpu.memory_space<hbm>>) dst(%arg15 : memref<16x512xf32, #tpu.memory_space<vmem>>)
    %mul3A_99 = arith.constant 40 : i32
    %mul3A_100 = arith.muli %add3A, %mul3A_99 : i32
    "tpu.region"() ({
      %run_scoped3A = tpu.sem_alloc : memref<!tpu.dma_semaphore, #tpu.memory_space<semaphore_mem>>
      %dma_start3A_195 = arith.constant 0 : i32
      %dma_start3A_196 = tpu.memref_slice %arg8[%mul3A_100, %dma_start3A_195] : memref<1280x128xi32, #tpu.memory_space<hbm>> -> memref<40x128xi32, #tpu.memory_space<hbm>>
      %dma_start3A_197 = arith.constant 0 : i32
      %dma_start3A_198 = tpu.memref_slice %arg8[%mul3A_100, %dma_start3A_197] : memref<1280x128xi32, #tpu.memory_space<hbm>> -> memref<40x128xi32, #tpu.memory_space<hbm>>
      tpu.enqueue_dma source(%dma_start3A_198 : memref<40x128xi32, #tpu.memory_space<hbm>>) target(%arg11 : memref<40x128xi32, #tpu.memory_space<vmem>>) target_semaphore(%run_scoped3A : memref<!tpu.dma_semaphore, #tpu.memory_space<semaphore_mem>>)
      %dma_wait3A_199 = arith.constant 0 : i32
      %dma_wait3A_200 = tpu.memref_slice %arg8[%mul3A_100, %dma_wait3A_199] : memref<1280x128xi32, #tpu.memory_space<hbm>> -> memref<40x128xi32, #tpu.memory_space<hbm>>
      %dma_wait3A_201 = arith.constant 0 : i32
      %dma_wait3A_202 = tpu.memref_slice %arg8[%mul3A_100, %dma_wait3A_201] : memref<1280x128xi32, #tpu.memory_space<hbm>> -> memref<40x128xi32, #tpu.memory_space<hbm>>
      tpu.wait_dma2 semaphore(%run_scoped3A : memref<!tpu.dma_semaphore, #tpu.memory_space<semaphore_mem>>) src(%dma_wait3A_202 : memref<40x128xi32, #tpu.memory_space<hbm>>) dst(%arg11 : memref<40x128xi32, #tpu.memory_space<vmem>>)
      tpu.yield
    }) : () -> ()
    %mul3A_101 = arith.constant 40 : i32
    %mul3A_102 = arith.muli %add3A, %mul3A_101 : i32
    "tpu.region"() ({
      %run_scoped3A = tpu.sem_alloc : memref<!tpu.dma_semaphore, #tpu.memory_space<semaphore_mem>>
      %dma_start3A_195 = arith.constant 0 : i32
      %dma_start3A_196 = tpu.memref_slice %arg9[%mul3A_102, %dma_start3A_195] : memref<1280x128xi32, #tpu.memory_space<hbm>> -> memref<40x128xi32, #tpu.memory_space<hbm>>
      %dma_start3A_197 = arith.constant 0 : i32
      %dma_start3A_198 = tpu.memref_slice %arg9[%mul3A_102, %dma_start3A_197] : memref<1280x128xi32, #tpu.memory_space<hbm>> -> memref<40x128xi32, #tpu.memory_space<hbm>>
      tpu.enqueue_dma source(%dma_start3A_198 : memref<40x128xi32, #tpu.memory_space<hbm>>) target(%arg12 : memref<40x128xi32, #tpu.memory_space<vmem>>) target_semaphore(%run_scoped3A : memref<!tpu.dma_semaphore, #tpu.memory_space<semaphore_mem>>)
      %dma_wait3A_199 = arith.constant 0 : i32
      %dma_wait3A_200 = tpu.memref_slice %arg9[%mul3A_102, %dma_wait3A_199] : memref<1280x128xi32, #tpu.memory_space<hbm>> -> memref<40x128xi32, #tpu.memory_space<hbm>>
      %dma_wait3A_201 = arith.constant 0 : i32
      %dma_wait3A_202 = tpu.memref_slice %arg9[%mul3A_102, %dma_wait3A_201] : memref<1280x128xi32, #tpu.memory_space<hbm>> -> memref<40x128xi32, #tpu.memory_space<hbm>>
      tpu.wait_dma2 semaphore(%run_scoped3A : memref<!tpu.dma_semaphore, #tpu.memory_space<semaphore_mem>>) src(%dma_wait3A_202 : memref<40x128xi32, #tpu.memory_space<hbm>>) dst(%arg12 : memref<40x128xi32, #tpu.memory_space<vmem>>)
      tpu.yield
    }) : () -> ()
    %get3A_103 = arith.constant 0 : i32
    %get3A_104 = arith.index_cast %get3A_103 : i32 to index
    %get3A_105 = arith.constant 0 : index
    %get3A_106 = tpu.vector_load %arg11[%get3A_104, %get3A_105] {strides = array<i32>} : memref<40x128xi32, #tpu.memory_space<vmem>>, vector<1x16xi32>,
    %get3A_107 = vector.shape_cast %get3A_106 : vector<1x16xi32> to vector<16xi32>
    %mul3A_108 = arith.constant 1 : i32
    %mul3A_109 = vector.broadcast %mul3A_108 : i32 to vector<16xi32>
    %mul3A_110 = arith.muli %get3A_107, %mul3A_109 : vector<16xi32>
    %add3A_111 = arith.constant 0 : i32
    %add3A_112 = vector.broadcast %add3A_111 : i32 to vector<16xi32>
    %add3A_113 = arith.addi %mul3A_110, %add3A_112 : vector<16xi32>
    %get3A_114 = arith.constant 0 : i32
    %get3A_115 = arith.index_cast %get3A_114 : i32 to index
    %get3A_116 = arith.constant 0 : index
    %get3A_117 = tpu.vector_load %arg12[%get3A_115, %get3A_116] {strides = array<i32>} : memref<40x128xi32, #tpu.memory_space<vmem>>, vector<1x16xi32>,
    %get3A_118 = vector.shape_cast %get3A_117 : vector<1x16xi32> to vector<16xi32>
    %mul3A_119 = arith.constant 1 : i32
    %mul3A_120 = vector.broadcast %mul3A_119 : i32 to vector<16xi32>
    %mul3A_121 = arith.muli %get3A_118, %mul3A_120 : vector<16xi32>
    %add3A_122 = arith.constant 0 : i32
    %add3A_123 = vector.broadcast %add3A_122 : i32 to vector<16xi32>
    %add3A_124 = arith.addi %mul3A_121, %add3A_123 : vector<16xi32>
    %get3A_125 = arith.constant 0 : i32
    %get3A_126 = arith.index_cast %get3A_125 : i32 to index
    %get3A_127 = arith.constant 0 : index
    %get3A_128 = tpu.vector_load %arg12[%get3A_126, %get3A_127] {strides = array<i32>} : memref<40x128xi32, #tpu.memory_space<vmem>>, vector<1x16xi32>,
    %get3A_129 = vector.shape_cast %get3A_128 : vector<1x16xi32> to vector<16xi32>
    %dma_start3A_130 = arith.constant 0 : i32
    %dma_start3A_131 = arith.constant 0 : i32
    %dma_start3A_132 = tpu.memref_slice %arg4[%dma_start3A_130, %dma_start3A_131] : memref<10000x512xf32, #tpu.memory_space<hbm>> -> memref<10000x512xf32, #tpu.memory_space<hbm>>
    tpu.enqueue_indirect_dma source(%dma_start3A_132 : memref<10000x512xf32, #tpu.memory_space<hbm>>) target(%arg13 : memref<16x512xf32, #tpu.memory_space<vmem>>) offsets(%add3A_113 : vector<16xi32>) semaphore(%arg21 : memref<!tpu.dma_semaphore, #tpu.memory_space<semaphore_mem>>)
    %dma_start3A_133 = arith.constant 0 : i32
    %dma_start3A_134 = arith.constant 0 : i32
    %dma_start3A_135 = tpu.memref_slice %arg5[%dma_start3A_133, %dma_start3A_134] : memref<10000x512xf32, #tpu.memory_space<hbm>> -> memref<10000x512xf32, #tpu.memory_space<hbm>>
    tpu.enqueue_indirect_dma source(%dma_start3A_135 : memref<10000x512xf32, #tpu.memory_space<hbm>>) target(%arg15 : memref<16x512xf32, #tpu.memory_space<vmem>>) offsets(%add3A_124 : vector<16xi32>) semaphore(%arg23 : memref<!tpu.dma_semaphore, #tpu.memory_space<semaphore_mem>>)
    %iota3A_136 = tpu.iota {dimensions = array<i32: 0>} : vector<16xi32>
    %add3A_137 = arith.constant 10000 : i32
    %add3A_138 = vector.broadcast %add3A_137 : i32 to vector<16xi32>
    %add3A_139 = arith.addi %iota3A_136, %add3A_138 : vector<16xi32>
    %dma_start3A_140 = arith.constant 0 : i32
    %dma_start3A_141 = arith.constant 0 : i32
    %dma_start3A_142 = tpu.memref_slice %arg20[%dma_start3A_140, %dma_start3A_141] : memref<10016x16xf32, #tpu.memory_space<vmem_shared>> -> memref<10016x16xf32, #tpu.memory_space<vmem_shared>>
    tpu.enqueue_indirect_dma source(%arg17 : memref<16x16xf32, #tpu.memory_space<vmem>>) target(%dma_start3A_142 : memref<10016x16xf32, #tpu.memory_space<vmem_shared>>) offsets(%add3A_139 : vector<16xi32>) semaphore(%arg25 : memref<!tpu.dma_semaphore, #tpu.memory_space<semaphore_mem>>) {add = true}
    %dma_start3A_143 = arith.constant 0 : i32
    %dma_start3A_144 = arith.constant 0 : i32
    %dma_start3A_145 = tpu.memref_slice %arg20[%dma_start3A_143, %dma_start3A_144] : memref<10016x16xf32, #tpu.memory_space<vmem_shared>> -> memref<10016x16xf32, #tpu.memory_space<vmem_shared>>
    tpu.enqueue_indirect_dma source(%arg18 : memref<16x16xf32, #tpu.memory_space<vmem>>) target(%dma_start3A_145 : memref<10016x16xf32, #tpu.memory_space<vmem_shared>>) offsets(%add3A_139 : vector<16xi32>) semaphore(%arg26 : memref<!tpu.dma_semaphore, #tpu.memory_space<semaphore_mem>>) {add = true}
    %scan3A_146 = arith.constant 0 : i32
    %scan3A_147 = arith.constant 0 : i32
    %scan3A_148 = arith.constant 160 : i32
    %scan3A_149 = arith.addi %scan3A_147, %scan3A_148 : i32
    %scan3A_150 = arith.constant 1 : i32
    %scan3A_151 = scf.for %scan3A_195 = %scan3A_147 to %scan3A_149 step %scan3A_150 iter_args(%scan3A_196 = %scan3A_146) -> (i32)  : i32 {
      %mul3A_197 = arith.constant 2 : i32
      %mul3A_198 = arith.muli %scan3A_195, %mul3A_197 : i32
      %add3A_199 = arith.constant 0 : i32
      %add3A_200 = arith.addi %mul3A_198, %add3A_199 : i32
      %add3A_201 = arith.constant 1 : i32
      %add3A_202 = arith.addi %add3A_200, %add3A_201 : i32
      %min3A = arith.constant 319 : i32
      %min3A_203 = arith.minsi %add3A_202, %min3A : i32
      %jit3A = arith.constant 1 : i32
      %div3A = arith.divsi %min3A_203, %jit3A : i32
      %sign3A = arith.constant 0 : i32
      %sign3A_204 = arith.cmpi sgt, %min3A_203, %sign3A : i32
      %sign3A_205 = arith.extui %sign3A_204 : i1 to i32
      %sign3A_206 = arith.constant 0 : i32
      %sign3A_207 = arith.cmpi slt, %min3A_203, %sign3A_206 : i32
      %sign3A_208 = arith.extui %sign3A_207 : i1 to i32
      %sign3A_209 = arith.subi %sign3A_205, %sign3A_208 : i32
      %sign3A_210 = arith.constant 0 : i32
      %sign3A_211 = arith.cmpi sgt, %jit3A, %sign3A_210 : i32
      %sign3A_212 = arith.extui %sign3A_211 : i1 to i32
      %sign3A_213 = arith.constant 0 : i32
      %sign3A_214 = arith.cmpi slt, %jit3A, %sign3A_213 : i32
      %sign3A_215 = arith.extui %sign3A_214 : i1 to i32
      %sign3A_216 = arith.subi %sign3A_212, %sign3A_215 : i32
      %ne3A = arith.cmpi ne, %sign3A_209, %sign3A_216 : i32
      %rem3A = arith.remsi %min3A_203, %jit3A : i32
      %ne3A_217 = arith.constant 0 : i32
      %ne3A_218 = arith.cmpi ne, %rem3A, %ne3A_217 : i32
      %and3A = arith.andi %ne3A, %ne3A_218 : i1
      %sub3A = arith.constant 1 : i32
      %sub3A_219 = arith.subi %div3A, %sub3A : i32
      %select_n3A = arith.select %and3A, %sub3A_219, %div3A : i32
      %jit3A_220 = arith.constant 1 : i32
      %eq3A_221 = arith.constant 0 : i32
      %eq3A_222 = arith.cmpi eq, %jit3A_220, %eq3A_221 : i32
      %jit3A_223 = arith.constant 1 : i32
      %select_n3A_224 = arith.select %eq3A_222, %jit3A_223, %jit3A_220 : i32
      %rem3A_225 = arith.remsi %min3A_203, %select_n3A_224 : i32
      %ne3A_226 = arith.constant 0 : i32
      %ne3A_227 = arith.cmpi ne, %rem3A_225, %ne3A_226 : i32
      %lt3A = arith.constant 0 : i32
      %lt3A_228 = arith.cmpi slt, %rem3A_225, %lt3A : i32
      %lt3A_229 = arith.constant 0 : i32
      %lt3A_230 = arith.cmpi slt, %select_n3A_224, %lt3A_229 : i32
      %ne3A_231 = arith.xori %lt3A_228, %lt3A_230 : i1
      %and3A_232 = arith.andi %ne3A_231, %ne3A_227 : i1
      %add3A_233 = arith.addi %rem3A_225, %select_n3A_224 : i32
      %select_n3A_234 = arith.select %and3A_232, %add3A_233, %rem3A_225 : i32
      %jit3A_235 = arith.constant 8 : i32
      %div3A_236 = arith.divsi %select_n3A, %jit3A_235 : i32
      %sign3A_237 = arith.constant 0 : i32
      %sign3A_238 = arith.cmpi sgt, %select_n3A, %sign3A_237 : i32
      %sign3A_239 = arith.extui %sign3A_238 : i1 to i32
      %sign3A_240 = arith.constant 0 : i32
      %sign3A_241 = arith.cmpi slt, %select_n3A, %sign3A_240 : i32
      %sign3A_242 = arith.extui %sign3A_241 : i1 to i32
      %sign3A_243 = arith.subi %sign3A_239, %sign3A_242 : i32
      %sign3A_244 = arith.constant 0 : i32
      %sign3A_245 = arith.cmpi sgt, %jit3A_235, %sign3A_244 : i32
      %sign3A_246 = arith.extui %sign3A_245 : i1 to i32
      %sign3A_247 = arith.constant 0 : i32
      %sign3A_248 = arith.cmpi slt, %jit3A_235, %sign3A_247 : i32
      %sign3A_249 = arith.extui %sign3A_248 : i1 to i32
      %sign3A_250 = arith.subi %sign3A_246, %sign3A_249 : i32
      %ne3A_251 = arith.cmpi ne, %sign3A_243, %sign3A_250 : i32
      %rem3A_252 = arith.remsi %select_n3A, %jit3A_235 : i32
      %ne3A_253 = arith.constant 0 : i32
      %ne3A_254 = arith.cmpi ne, %rem3A_252, %ne3A_253 : i32
      %and3A_255 = arith.andi %ne3A_251, %ne3A_254 : i1
      %sub3A_256 = arith.constant 1 : i32
      %sub3A_257 = arith.subi %div3A_236, %sub3A_256 : i32
      %select_n3A_258 = arith.select %and3A_255, %sub3A_257, %div3A_236 : i32
      %jit3A_259 = arith.constant 8 : i32
      %eq3A_260 = arith.constant 0 : i32
      %eq3A_261 = arith.cmpi eq, %jit3A_259, %eq3A_260 : i32
      %jit3A_262 = arith.constant 1 : i32
      %select_n3A_263 = arith.select %eq3A_261, %jit3A_262, %jit3A_259 : i32
      %rem3A_264 = arith.remsi %select_n3A, %select_n3A_263 : i32
      %ne3A_265 = arith.constant 0 : i32
      %ne3A_266 = arith.cmpi ne, %rem3A_264, %ne3A_265 : i32
      %lt3A_267 = arith.constant 0 : i32
      %lt3A_268 = arith.cmpi slt, %rem3A_264, %lt3A_267 : i32
      %lt3A_269 = arith.constant 0 : i32
      %lt3A_270 = arith.cmpi slt, %select_n3A_263, %lt3A_269 : i32
      %ne3A_271 = arith.xori %lt3A_268, %lt3A_270 : i1
      %and3A_272 = arith.andi %ne3A_271, %ne3A_266 : i1
      %add3A_273 = arith.addi %rem3A_264, %select_n3A_263 : i32
      %select_n3A_274 = arith.select %and3A_272, %add3A_273, %rem3A_264 : i32
      %mul3A_275 = arith.constant 16 : i32
      %mul3A_276 = arith.muli %select_n3A_274, %mul3A_275 : i32
      %get3A_277 = arith.index_cast %select_n3A_258 : i32 to index
      %get3A_278 = arith.index_cast %mul3A_276 : i32 to index
      %get3A_279 = tpu.vector_load %arg11[%get3A_277, %get3A_278] {strides = array<i32>} : memref<40x128xi32, #tpu.memory_space<vmem>>, vector<1x16xi32>,
      %get3A_280 = vector.shape_cast %get3A_279 : vector<1x16xi32> to vector<16xi32>
      %mul3A_281 = arith.constant 1 : i32
      %mul3A_282 = vector.broadcast %mul3A_281 : i32 to vector<16xi32>
      %mul3A_283 = arith.muli %get3A_280, %mul3A_282 : vector<16xi32>
      %add3A_284 = vector.broadcast %select_n3A_234 : i32 to vector<16xi32>
      %add3A_285 = arith.addi %mul3A_283, %add3A_284 : vector<16xi32>
      %get3A_286 = arith.index_cast %select_n3A_258 : i32 to index
      %get3A_287 = arith.index_cast %mul3A_276 : i32 to index
      %get3A_288 = tpu.vector_load %arg12[%get3A_286, %get3A_287] {strides = array<i32>} : memref<40x128xi32, #tpu.memory_space<vmem>>, vector<1x16xi32>,
      %get3A_289 = vector.shape_cast %get3A_288 : vector<1x16xi32> to vector<16xi32>
      %mul3A_290 = arith.constant 1 : i32
      %mul3A_291 = vector.broadcast %mul3A_290 : i32 to vector<16xi32>
      %mul3A_292 = arith.muli %get3A_289, %mul3A_291 : vector<16xi32>
      %add3A_293 = vector.broadcast %select_n3A_234 : i32 to vector<16xi32>
      %add3A_294 = arith.addi %mul3A_292, %add3A_293 : vector<16xi32>
      %get3A_295 = arith.index_cast %select_n3A_258 : i32 to index
      %get3A_296 = arith.index_cast %mul3A_276 : i32 to index
      %get3A_297 = tpu.vector_load %arg12[%get3A_295, %get3A_296] {strides = array<i32>} : memref<40x128xi32, #tpu.memory_space<vmem>>, vector<1x16xi32>,
      %get3A_298 = vector.shape_cast %get3A_297 : vector<1x16xi32> to vector<16xi32>
      %dma_start3A_299 = arith.constant 0 : i32
      %dma_start3A_300 = arith.constant 0 : i32
      %dma_start3A_301 = tpu.memref_slice %arg4[%dma_start3A_299, %dma_start3A_300] : memref<10000x512xf32, #tpu.memory_space<hbm>> -> memref<10000x512xf32, #tpu.memory_space<hbm>>
      tpu.enqueue_indirect_dma source(%dma_start3A_301 : memref<10000x512xf32, #tpu.memory_space<hbm>>) target(%arg14 : memref<16x512xf32, #tpu.memory_space<vmem>>) offsets(%add3A_285 : vector<16xi32>) semaphore(%arg22 : memref<!tpu.dma_semaphore, #tpu.memory_space<semaphore_mem>>)
      %dma_start3A_302 = arith.constant 0 : i32
      %dma_start3A_303 = arith.constant 0 : i32
      %dma_start3A_304 = tpu.memref_slice %arg5[%dma_start3A_302, %dma_start3A_303] : memref<10000x512xf32, #tpu.memory_space<hbm>> -> memref<10000x512xf32, #tpu.memory_space<hbm>>
      tpu.enqueue_indirect_dma source(%dma_start3A_304 : memref<10000x512xf32, #tpu.memory_space<hbm>>) target(%arg16 : memref<16x512xf32, #tpu.memory_space<vmem>>) offsets(%add3A_294 : vector<16xi32>) semaphore(%arg24 : memref<!tpu.dma_semaphore, #tpu.memory_space<semaphore_mem>>)
      %dma_wait3A_305 = arith.constant 0 : i32
      %dma_wait3A_306 = arith.constant 0 : i32
      %dma_wait3A_307 = tpu.memref_slice %arg4[%dma_wait3A_305, %dma_wait3A_306] : memref<10000x512xf32, #tpu.memory_space<hbm>> -> memref<10000x512xf32, #tpu.memory_space<hbm>>
      tpu.wait_indirect_dma semaphore(%arg21 : memref<!tpu.dma_semaphore, #tpu.memory_space<semaphore_mem>>) src(%dma_wait3A_307 : memref<10000x512xf32, #tpu.memory_space<hbm>>) dst(%arg13 : memref<16x512xf32, #tpu.memory_space<vmem>>)
      %dma_wait3A_308 = arith.constant 0 : i32
      %dma_wait3A_309 = arith.constant 0 : i32
      %dma_wait3A_310 = tpu.memref_slice %arg5[%dma_wait3A_308, %dma_wait3A_309] : memref<10000x512xf32, #tpu.memory_space<hbm>> -> memref<10000x512xf32, #tpu.memory_space<hbm>>
      tpu.wait_indirect_dma semaphore(%arg23 : memref<!tpu.dma_semaphore, #tpu.memory_space<semaphore_mem>>) src(%dma_wait3A_310 : memref<10000x512xf32, #tpu.memory_space<hbm>>) dst(%arg15 : memref<16x512xf32, #tpu.memory_space<vmem>>)
      %jit3A_311 = arith.constant 1 : i32
      %div3A_312 = arith.divsi %add3A_200, %jit3A_311 : i32
      %sign3A_313 = arith.constant 0 : i32
      %sign3A_314 = arith.cmpi sgt, %add3A_200, %sign3A_313 : i32
      %sign3A_315 = arith.extui %sign3A_314 : i1 to i32
      %sign3A_316 = arith.constant 0 : i32
      %sign3A_317 = arith.cmpi slt, %add3A_200, %sign3A_316 : i32
      %sign3A_318 = arith.extui %sign3A_317 : i1 to i32
      %sign3A_319 = arith.subi %sign3A_315, %sign3A_318 : i32
      %sign3A_320 = arith.constant 0 : i32
      %sign3A_321 = arith.cmpi sgt, %jit3A_311, %sign3A_320 : i32
      %sign3A_322 = arith.extui %sign3A_321 : i1 to i32
      %sign3A_323 = arith.constant 0 : i32
      %sign3A_324 = arith.cmpi slt, %jit3A_311, %sign3A_323 : i32
      %sign3A_325 = arith.extui %sign3A_324 : i1 to i32
      %sign3A_326 = arith.subi %sign3A_322, %sign3A_325 : i32
      %ne3A_327 = arith.cmpi ne, %sign3A_319, %sign3A_326 : i32
      %rem3A_328 = arith.remsi %add3A_200, %jit3A_311 : i32
      %ne3A_329 = arith.constant 0 : i32
      %ne3A_330 = arith.cmpi ne, %rem3A_328, %ne3A_329 : i32
      %and3A_331 = arith.andi %ne3A_327, %ne3A_330 : i1
      %sub3A_332 = arith.constant 1 : i32
      %sub3A_333 = arith.subi %div3A_312, %sub3A_332 : i32
      %select_n3A_334 = arith.select %and3A_331, %sub3A_333, %div3A_312 : i32
      %jit3A_335 = arith.constant 1 : i32
      %eq3A_336 = arith.constant 0 : i32
      %eq3A_337 = arith.cmpi eq, %jit3A_335, %eq3A_336 : i32
      %jit3A_338 = arith.constant 1 : i32
      %select_n3A_339 = arith.select %eq3A_337, %jit3A_338, %jit3A_335 : i32
      %rem3A_340 = arith.remsi %add3A_200, %select_n3A_339 : i32
      %ne3A_341 = arith.constant 0 : i32
      %ne3A_342 = arith.cmpi ne, %rem3A_340, %ne3A_341 : i32
      %lt3A_343 = arith.constant 0 : i32
      %lt3A_344 = arith.cmpi slt, %rem3A_340, %lt3A_343 : i32
      %lt3A_345 = arith.constant 0 : i32
      %lt3A_346 = arith.cmpi slt, %select_n3A_339, %lt3A_345 : i32
      %ne3A_347 = arith.xori %lt3A_344, %lt3A_346 : i1
      %and3A_348 = arith.andi %ne3A_347, %ne3A_342 : i1
      %add3A_349 = arith.addi %rem3A_340, %select_n3A_339 : i32
      %select_n3A_350 = arith.select %and3A_348, %add3A_349, %rem3A_340 : i32
      %jit3A_351 = arith.constant 8 : i32
      %div3A_352 = arith.divsi %select_n3A_334, %jit3A_351 : i32
      %sign3A_353 = arith.constant 0 : i32
      %sign3A_354 = arith.cmpi sgt, %select_n3A_334, %sign3A_353 : i32
      %sign3A_355 = arith.extui %sign3A_354 : i1 to i32
      %sign3A_356 = arith.constant 0 : i32
      %sign3A_357 = arith.cmpi slt, %select_n3A_334, %sign3A_356 : i32
      %sign3A_358 = arith.extui %sign3A_357 : i1 to i32
      %sign3A_359 = arith.subi %sign3A_355, %sign3A_358 : i32
      %sign3A_360 = arith.constant 0 : i32
      %sign3A_361 = arith.cmpi sgt, %jit3A_351, %sign3A_360 : i32
      %sign3A_362 = arith.extui %sign3A_361 : i1 to i32
      %sign3A_363 = arith.constant 0 : i32
      %sign3A_364 = arith.cmpi slt, %jit3A_351, %sign3A_363 : i32
      %sign3A_365 = arith.extui %sign3A_364 : i1 to i32
      %sign3A_366 = arith.subi %sign3A_362, %sign3A_365 : i32
      %ne3A_367 = arith.cmpi ne, %sign3A_359, %sign3A_366 : i32
      %rem3A_368 = arith.remsi %select_n3A_334, %jit3A_351 : i32
      %ne3A_369 = arith.constant 0 : i32
      %ne3A_370 = arith.cmpi ne, %rem3A_368, %ne3A_369 : i32
      %and3A_371 = arith.andi %ne3A_367, %ne3A_370 : i1
      %sub3A_372 = arith.constant 1 : i32
      %sub3A_373 = arith.subi %div3A_352, %sub3A_372 : i32
      %select_n3A_374 = arith.select %and3A_371, %sub3A_373, %div3A_352 : i32
      %jit3A_375 = arith.constant 8 : i32
      %eq3A_376 = arith.constant 0 : i32
      %eq3A_377 = arith.cmpi eq, %jit3A_375, %eq3A_376 : i32
      %jit3A_378 = arith.constant 1 : i32
      %select_n3A_379 = arith.select %eq3A_377, %jit3A_378, %jit3A_375 : i32
      %rem3A_380 = arith.remsi %select_n3A_334, %select_n3A_379 : i32
      %ne3A_381 = arith.constant 0 : i32
      %ne3A_382 = arith.cmpi ne, %rem3A_380, %ne3A_381 : i32
      %lt3A_383 = arith.constant 0 : i32
      %lt3A_384 = arith.cmpi slt, %rem3A_380, %lt3A_383 : i32
      %lt3A_385 = arith.constant 0 : i32
      %lt3A_386 = arith.cmpi slt, %select_n3A_379, %lt3A_385 : i32
      %ne3A_387 = arith.xori %lt3A_384, %lt3A_386 : i1
      %and3A_388 = arith.andi %ne3A_387, %ne3A_382 : i1
      %add3A_389 = arith.addi %rem3A_380, %select_n3A_379 : i32
      %select_n3A_390 = arith.select %and3A_388, %add3A_389, %rem3A_380 : i32
      %mul3A_391 = arith.constant 16 : i32
      %mul3A_392 = arith.muli %select_n3A_390, %mul3A_391 : i32
      %get3A_393 = arith.index_cast %select_n3A_374 : i32 to index
      %get3A_394 = arith.index_cast %mul3A_392 : i32 to index
      %get3A_395 = tpu.vector_load %arg11[%get3A_393, %get3A_394] {strides = array<i32>} : memref<40x128xi32, #tpu.memory_space<vmem>>, vector<1x16xi32>,
      %get3A_396 = vector.shape_cast %get3A_395 : vector<1x16xi32> to vector<16xi32>
      %mul3A_397 = arith.constant 1 : i32
      %mul3A_398 = vector.broadcast %mul3A_397 : i32 to vector<16xi32>
      %mul3A_399 = arith.muli %get3A_396, %mul3A_398 : vector<16xi32>
      %add3A_400 = vector.broadcast %select_n3A_350 : i32 to vector<16xi32>
      %add3A_401 = arith.addi %mul3A_399, %add3A_400 : vector<16xi32>
      %get3A_402 = arith.index_cast %select_n3A_374 : i32 to index
      %get3A_403 = arith.index_cast %mul3A_392 : i32 to index
      %get3A_404 = tpu.vector_load %arg12[%get3A_402, %get3A_403] {strides = array<i32>} : memref<40x128xi32, #tpu.memory_space<vmem>>, vector<1x16xi32>,
      %get3A_405 = vector.shape_cast %get3A_404 : vector<1x16xi32> to vector<16xi32>
      %mul3A_406 = arith.constant 1 : i32
      %mul3A_407 = vector.broadcast %mul3A_406 : i32 to vector<16xi32>
      %mul3A_408 = arith.muli %get3A_405, %mul3A_407 : vector<16xi32>
      %add3A_409 = vector.broadcast %select_n3A_350 : i32 to vector<16xi32>
      %add3A_410 = arith.addi %mul3A_408, %add3A_409 : vector<16xi32>
      %get3A_411 = arith.index_cast %select_n3A_374 : i32 to index
      %get3A_412 = arith.index_cast %mul3A_392 : i32 to index
      %get3A_413 = tpu.vector_load %arg12[%get3A_411, %get3A_412] {strides = array<i32>} : memref<40x128xi32, #tpu.memory_space<vmem>>, vector<1x16xi32>,
      %get3A_414 = vector.shape_cast %get3A_413 : vector<1x16xi32> to vector<16xi32>
      %dma_wait3A_415 = arith.constant 0 : i32
      %dma_wait3A_416 = arith.constant 0 : i32
      %dma_wait3A_417 = tpu.memref_slice %arg20[%dma_wait3A_415, %dma_wait3A_416] : memref<10016x16xf32, #tpu.memory_space<vmem_shared>> -> memref<10016x16xf32, #tpu.memory_space<vmem_shared>>
      tpu.wait_indirect_dma semaphore(%arg25 : memref<!tpu.dma_semaphore, #tpu.memory_space<semaphore_mem>>) src(%arg17 : memref<16x16xf32, #tpu.memory_space<vmem>>) dst(%dma_wait3A_417 : memref<10016x16xf32, #tpu.memory_space<vmem_shared>>)
      %scan3A_418 = arith.constant 0 : i32
      %scan3A_419 = arith.constant 0 : i32
      %scan3A_420 = arith.constant 8 : i32
      %scan3A_421 = arith.addi %scan3A_419, %scan3A_420 : i32
      %scan3A_422 = arith.constant 1 : i32
      %scan3A_423 = scf.for %scan3A_878 = %scan3A_419 to %scan3A_421 step %scan3A_422 iter_args(%scan3A_879 = %scan3A_418) -> (i32)  : i32 {
        %mul3A_880 = arith.constant 2 : i32
        %mul3A_881 = arith.muli %scan3A_878, %mul3A_880 : i32
        %add3A_882 = arith.constant 0 : i32
        %add3A_883 = arith.addi %mul3A_881, %add3A_882 : i32
        %get3A_884 = arith.index_cast %add3A_883 : i32 to index
        %get3A_885 = arith.constant 0 : index
        %get3A_886 = tpu.vector_load %arg13[%get3A_884, %get3A_885] {strides = array<i32>} : memref<16x512xf32, #tpu.memory_space<vmem>>, vector<1x16xf32>,
        %get3A_887 = vector.shape_cast %get3A_886 : vector<1x16xf32> to vector<16xf32>
        %get3A_888 = arith.index_cast %add3A_883 : i32 to index
        %get3A_889 = arith.constant 0 : index
        %get3A_890 = tpu.vector_load %arg15[%get3A_888, %get3A_889] {strides = array<i32>} : memref<16x512xf32, #tpu.memory_space<vmem>>, vector<1x16xf32>,
        %get3A_891 = vector.shape_cast %get3A_890 : vector<1x16xf32> to vector<16xf32>
        %mul3A_892 = arith.mulf %get3A_887, %get3A_891 : vector<16xf32>
        %add3A_893 = arith.addf %broadcast_in_dim3A_1, %mul3A_892 : vector<16xf32>
        %get3A_894 = arith.index_cast %add3A_883 : i32 to index
        %get3A_895 = arith.constant 16 : index
        %get3A_896 = tpu.vector_load %arg13[%get3A_894, %get3A_895] {strides = array<i32>} : memref<16x512xf32, #tpu.memory_space<vmem>>, vector<1x16xf32>,
        %get3A_897 = vector.shape_cast %get3A_896 : vector<1x16xf32> to vector<16xf32>
        %get3A_898 = arith.index_cast %add3A_883 : i32 to index
        %get3A_899 = arith.constant 16 : index
        %get3A_900 = tpu.vector_load %arg15[%get3A_898, %get3A_899] {strides = array<i32>} : memref<16x512xf32, #tpu.memory_space<vmem>>, vector<1x16xf32>,
        %get3A_901 = vector.shape_cast %get3A_900 : vector<1x16xf32> to vector<16xf32>
        %mul3A_902 = arith.mulf %get3A_897, %get3A_901 : vector<16xf32>
        %add3A_903 = arith.addf %broadcast_in_dim3A_1, %mul3A_902 : vector<16xf32>
        %get3A_904 = arith.index_cast %add3A_883 : i32 to index
        %get3A_905 = arith.constant 32 : index
        %get3A_906 = tpu.vector_load %arg13[%get3A_904, %get3A_905] {strides = array<i32>} : memref<16x512xf32, #tpu.memory_space<vmem>>, vector<1x16xf32>,
        %get3A_907 = vector.shape_cast %get3A_906 : vector<1x16xf32> to vector<16xf32>
        %get3A_908 = arith.index_cast %add3A_883 : i32 to index
        %get3A_909 = arith.constant 32 : index
        %get3A_910 = tpu.vector_load %arg15[%get3A_908, %get3A_909] {strides = array<i32>} : memref<16x512xf32, #tpu.memory_space<vmem>>, vector<1x16xf32>,
        %get3A_911 = vector.shape_cast %get3A_910 : vector<1x16xf32> to vector<16xf32>
        %mul3A_912 = arith.mulf %get3A_907, %get3A_911 : vector<16xf32>
        %add3A_913 = arith.addf %broadcast_in_dim3A_1, %mul3A_912 : vector<16xf32>
        %get3A_914 = arith.index_cast %add3A_883 : i32 to index
        %get3A_915 = arith.constant 48 : index
        %get3A_916 = tpu.vector_load %arg13[%get3A_914, %get3A_915] {strides = array<i32>} : memref<16x512xf32, #tpu.memory_space<vmem>>, vector<1x16xf32>,
        %get3A_917 = vector.shape_cast %get3A_916 : vector<1x16xf32> to vector<16xf32>
        %get3A_918 = arith.index_cast %add3A_883 : i32 to index
        %get3A_919 = arith.constant 48 : index
        %get3A_920 = tpu.vector_load %arg15[%get3A_918, %get3A_919] {strides = array<i32>} : memref<16x512xf32, #tpu.memory_space<vmem>>, vector<1x16xf32>,
        %get3A_921 = vector.shape_cast %get3A_920 : vector<1x16xf32> to vector<16xf32>
        %mul3A_922 = arith.mulf %get3A_917, %get3A_921 : vector<16xf32>
        %add3A_923 = arith.addf %broadcast_in_dim3A_1, %mul3A_922 : vector<16xf32>
        %get3A_924 = arith.index_cast %add3A_883 : i32 to index
        %get3A_925 = arith.constant 64 : index
        %get3A_926 = tpu.vector_load %arg13[%get3A_924, %get3A_925] {strides = array<i32>} : memref<16x512xf32, #tpu.memory_space<vmem>>, vector<1x16xf32>,
        %get3A_927 = vector.shape_cast %get3A_926 : vector<1x16xf32> to vector<16xf32>
        %get3A_928 = arith.index_cast %add3A_883 : i32 to index
        %get3A_929 = arith.constant 64 : index
        %get3A_930 = tpu.vector_load %arg15[%get3A_928, %get3A_929] {strides = array<i32>} : memref<16x512xf32, #tpu.memory_space<vmem>>, vector<1x16xf32>,
        %get3A_931 = vector.shape_cast %get3A_930 : vector<1x16xf32> to vector<16xf32>
        %mul3A_932 = arith.mulf %get3A_927, %get3A_931 : vector<16xf32>
        %add3A_933 = arith.addf %add3A_893, %mul3A_932 : vector<16xf32>
        %get3A_934 = arith.index_cast %add3A_883 : i32 to index
        %get3A_935 = arith.constant 80 : index
        %get3A_936 = tpu.vector_load %arg13[%get3A_934, %get3A_935] {strides = array<i32>} : memref<16x512xf32, #tpu.memory_space<vmem>>, vector<1x16xf32>,
        %get3A_937 = vector.shape_cast %get3A_936 : vector<1x16xf32> to vector<16xf32>
        %get3A_938 = arith.index_cast %add3A_883 : i32 to index
        %get3A_939 = arith.constant 80 : index
        %get3A_940 = tpu.vector_load %arg15[%get3A_938, %get3A_939] {strides = array<i32>} : memref<16x512xf32, #tpu.memory_space<vmem>>, vector<1x16xf32>,
        %get3A_941 = vector.shape_cast %get3A_940 : vector<1x16xf32> to vector<16xf32>
        %mul3A_942 = arith.mulf %get3A_937, %get3A_941 : vector<16xf32>
        %add3A_943 = arith.addf %add3A_903, %mul3A_942 : vector<16xf32>
        %get3A_944 = arith.index_cast %add3A_883 : i32 to index
        %get3A_945 = arith.constant 96 : index
        %get3A_946 = tpu.vector_load %arg13[%get3A_944, %get3A_945] {strides = array<i32>} : memref<16x512xf32, #tpu.memory_space<vmem>>, vector<1x16xf32>,
        %get3A_947 = vector.shape_cast %get3A_946 : vector<1x16xf32> to vector<16xf32>
        %get3A_948 = arith.index_cast %add3A_883 : i32 to index
        %get3A_949 = arith.constant 96 : index
        %get3A_950 = tpu.vector_load %arg15[%get3A_948, %get3A_949] {strides = array<i32>} : memref<16x512xf32, #tpu.memory_space<vmem>>, vector<1x16xf32>,
        %get3A_951 = vector.shape_cast %get3A_950 : vector<1x16xf32> to vector<16xf32>
        %mul3A_952 = arith.mulf %get3A_947, %get3A_951 : vector<16xf32>
        %add3A_953 = arith.addf %add3A_913, %mul3A_952 : vector<16xf32>
        %get3A_954 = arith.index_cast %add3A_883 : i32 to index
        %get3A_955 = arith.constant 112 : index
        %get3A_956 = tpu.vector_load %arg13[%get3A_954, %get3A_955] {strides = array<i32>} : memref<16x512xf32, #tpu.memory_space<vmem>>, vector<1x16xf32>,
        %get3A_957 = vector.shape_cast %get3A_956 : vector<1x16xf32> to vector<16xf32>
        %get3A_958 = arith.index_cast %add3A_883 : i32 to index
        %get3A_959 = arith.constant 112 : index
        %get3A_960 = tpu.vector_load %arg15[%get3A_958, %get3A_959] {strides = array<i32>} : memref<16x512xf32, #tpu.memory_space<vmem>>, vector<1x16xf32>,
        %get3A_961 = vector.shape_cast %get3A_960 : vector<1x16xf32> to vector<16xf32>
        %mul3A_962 = arith.mulf %get3A_957, %get3A_961 : vector<16xf32>
        %add3A_963 = arith.addf %add3A_923, %mul3A_962 : vector<16xf32>
        %get3A_964 = arith.index_cast %add3A_883 : i32 to index
        %get3A_965 = arith.constant 128 : index
        %get3A_966 = tpu.vector_load %arg13[%get3A_964, %get3A_965] {strides = array<i32>} : memref<16x512xf32, #tpu.memory_space<vmem>>, vector<1x16xf32>,
        %get3A_967 = vector.shape_cast %get3A_966 : vector<1x16xf32> to vector<16xf32>
        %get3A_968 = arith.index_cast %add3A_883 : i32 to index
        %get3A_969 = arith.constant 128 : index
        %get3A_970 = tpu.vector_load %arg15[%get3A_968, %get3A_969] {strides = array<i32>} : memref<16x512xf32, #tpu.memory_space<vmem>>, vector<1x16xf32>,
        %get3A_971 = vector.shape_cast %get3A_970 : vector<1x16xf32> to vector<16xf32>
        %mul3A_972 = arith.mulf %get3A_967, %get3A_971 : vector<16xf32>
        %add3A_973 = arith.addf %add3A_933, %mul3A_972 : vector<16xf32>
        %get3A_974 = arith.index_cast %add3A_883 : i32 to index
        %get3A_975 = arith.constant 144 : index
        %get3A_976 = tpu.vector_load %arg13[%get3A_974, %get3A_975] {strides = array<i32>} : memref<16x512xf32, #tpu.memory_space<vmem>>, vector<1x16xf32>,
        %get3A_977 = vector.shape_cast %get3A_976 : vector<1x16xf32> to vector<16xf32>
        %get3A_978 = arith.index_cast %add3A_883 : i32 to index
        %get3A_979 = arith.constant 144 : index
        %get3A_980 = tpu.vector_load %arg15[%get3A_978, %get3A_979] {strides = array<i32>} : memref<16x512xf32, #tpu.memory_space<vmem>>, vector<1x16xf32>,
        %get3A_981 = vector.shape_cast %get3A_980 : vector<1x16xf32> to vector<16xf32>
        %mul3A_982 = arith.mulf %get3A_977, %get3A_981 : vector<16xf32>
        %add3A_983 = arith.addf %add3A_943, %mul3A_982 : vector<16xf32>
        %get3A_984 = arith.index_cast %add3A_883 : i32 to index
        %get3A_985 = arith.constant 160 : index
        %get3A_986 = tpu.vector_load %arg13[%get3A_984, %get3A_985] {strides = array<i32>} : memref<16x512xf32, #tpu.memory_space<vmem>>, vector<1x16xf32>,
        %get3A_987 = vector.shape_cast %get3A_986 : vector<1x16xf32> to vector<16xf32>
        %get3A_988 = arith.index_cast %add3A_883 : i32 to index
        %get3A_989 = arith.constant 160 : index
        %get3A_990 = tpu.vector_load %arg15[%get3A_988, %get3A_989] {strides = array<i32>} : memref<16x512xf32, #tpu.memory_space<vmem>>, vector<1x16xf32>,
        %get3A_991 = vector.shape_cast %get3A_990 : vector<1x16xf32> to vector<16xf32>
        %mul3A_992 = arith.mulf %get3A_987, %get3A_991 : vector<16xf32>
        %add3A_993 = arith.addf %add3A_953, %mul3A_992 : vector<16xf32>
        %get3A_994 = arith.index_cast %add3A_883 : i32 to index
        %get3A_995 = arith.constant 176 : index
        %get3A_996 = tpu.vector_load %arg13[%get3A_994, %get3A_995] {strides = array<i32>} : memref<16x512xf32, #tpu.memory_space<vmem>>, vector<1x16xf32>,
        %get3A_997 = vector.shape_cast %get3A_996 : vector<1x16xf32> to vector<16xf32>
        %get3A_998 = arith.index_cast %add3A_883 : i32 to index
        %get3A_999 = arith.constant 176 : index
        %get3A_1000 = tpu.vector_load %arg15[%get3A_998, %get3A_999] {strides = array<i32>} : memref<16x512xf32, #tpu.memory_space<vmem>>, vector<1x16xf32>,
        %get3A_1001 = vector.shape_cast %get3A_1000 : vector<1x16xf32> to vector<16xf32>
        %mul3A_1002 = arith.mulf %get3A_997, %get3A_1001 : vector<16xf32>
        %add3A_1003 = arith.addf %add3A_963, %mul3A_1002 : vector<16xf32>
        %get3A_1004 = arith.index_cast %add3A_883 : i32 to index
        %get3A_1005 = arith.constant 192 : index
        %get3A_1006 = tpu.vector_load %arg13[%get3A_1004, %get3A_1005] {strides = array<i32>} : memref<16x512xf32, #tpu.memory_space<vmem>>, vector<1x16xf32>,
        %get3A_1007 = vector.shape_cast %get3A_1006 : vector<1x16xf32> to vector<16xf32>
        %get3A_1008 = arith.index_cast %add3A_883 : i32 to index
        %get3A_1009 = arith.constant 192 : index
        %get3A_1010 = tpu.vector_load %arg15[%get3A_1008, %get3A_1009] {strides = array<i32>} : memref<16x512xf32, #tpu.memory_space<vmem>>, vector<1x16xf32>,
        %get3A_1011 = vector.shape_cast %get3A_1010 : vector<1x16xf32> to vector<16xf32>
        %mul3A_1012 = arith.mulf %get3A_1007, %get3A_1011 : vector<16xf32>
        %add3A_1013 = arith.addf %add3A_973, %mul3A_1012 : vector<16xf32>
        %get3A_1014 = arith.index_cast %add3A_883 : i32 to index
        %get3A_1015 = arith.constant 208 : index
        %get3A_1016 = tpu.vector_load %arg13[%get3A_1014, %get3A_1015] {strides = array<i32>} : memref<16x512xf32, #tpu.memory_space<vmem>>, vector<1x16xf32>,
        %get3A_1017 = vector.shape_cast %get3A_1016 : vector<1x16xf32> to vector<16xf32>
        %get3A_1018 = arith.index_cast %add3A_883 : i32 to index
        %get3A_1019 = arith.constant 208 : index
        %get3A_1020 = tpu.vector_load %arg15[%get3A_1018, %get3A_1019] {strides = array<i32>} : memref<16x512xf32, #tpu.memory_space<vmem>>, vector<1x16xf32>,
        %get3A_1021 = vector.shape_cast %get3A_1020 : vector<1x16xf32> to vector<16xf32>
        %mul3A_1022 = arith.mulf %get3A_1017, %get3A_1021 : vector<16xf32>
        %add3A_1023 = arith.addf %add3A_983, %mul3A_1022 : vector<16xf32>
        %get3A_1024 = arith.index_cast %add3A_883 : i32 to index
        %get3A_1025 = arith.constant 224 : index
        %get3A_1026 = tpu.vector_load %arg13[%get3A_1024, %get3A_1025] {strides = array<i32>} : memref<16x512xf32, #tpu.memory_space<vmem>>, vector<1x16xf32>,
        %get3A_1027 = vector.shape_cast %get3A_1026 : vector<1x16xf32> to vector<16xf32>
        %get3A_1028 = arith.index_cast %add3A_883 : i32 to index
        %get3A_1029 = arith.constant 224 : index
        %get3A_1030 = tpu.vector_load %arg15[%get3A_1028, %get3A_1029] {strides = array<i32>} : memref<16x512xf32, #tpu.memory_space<vmem>>, vector<1x16xf32>,
        %get3A_1031 = vector.shape_cast %get3A_1030 : vector<1x16xf32> to vector<16xf32>
        %mul3A_1032 = arith.mulf %get3A_1027, %get3A_1031 : vector<16xf32>
        %add3A_1033 = arith.addf %add3A_993, %mul3A_1032 : vector<16xf32>
        %get3A_1034 = arith.index_cast %add3A_883 : i32 to index
        %get3A_1035 = arith.constant 240 : index
        %get3A_1036 = tpu.vector_load %arg13[%get3A_1034, %get3A_1035] {strides = array<i32>} : memref<16x512xf32, #tpu.memory_space<vmem>>, vector<1x16xf32>,
        %get3A_1037 = vector.shape_cast %get3A_1036 : vector<1x16xf32> to vector<16xf32>
        %get3A_1038 = arith.index_cast %add3A_883 : i32 to index
        %get3A_1039 = arith.constant 240 : index
        %get3A_1040 = tpu.vector_load %arg15[%get3A_1038, %get3A_1039] {strides = array<i32>} : memref<16x512xf32, #tpu.memory_space<vmem>>, vector<1x16xf32>,
        %get3A_1041 = vector.shape_cast %get3A_1040 : vector<1x16xf32> to vector<16xf32>
        %mul3A_1042 = arith.mulf %get3A_1037, %get3A_1041 : vector<16xf32>
        %add3A_1043 = arith.addf %add3A_1003, %mul3A_1042 : vector<16xf32>
        %get3A_1044 = arith.index_cast %add3A_883 : i32 to index
        %get3A_1045 = arith.constant 256 : index
        %get3A_1046 = tpu.vector_load %arg13[%get3A_1044, %get3A_1045] {strides = array<i32>} : memref<16x512xf32, #tpu.memory_space<vmem>>, vector<1x16xf32>,
        %get3A_1047 = vector.shape_cast %get3A_1046 : vector<1x16xf32> to vector<16xf32>
        %get3A_1048 = arith.index_cast %add3A_883 : i32 to index
        %get3A_1049 = arith.constant 256 : index
        %get3A_1050 = tpu.vector_load %arg15[%get3A_1048, %get3A_1049] {strides = array<i32>} : memref<16x512xf32, #tpu.memory_space<vmem>>, vector<1x16xf32>,
        %get3A_1051 = vector.shape_cast %get3A_1050 : vector<1x16xf32> to vector<16xf32>
        %mul3A_1052 = arith.mulf %get3A_1047, %get3A_1051 : vector<16xf32>
        %add3A_1053 = arith.addf %add3A_1013, %mul3A_1052 : vector<16xf32>
        %get3A_1054 = arith.index_cast %add3A_883 : i32 to index
        %get3A_1055 = arith.constant 272 : index
        %get3A_1056 = tpu.vector_load %arg13[%get3A_1054, %get3A_1055] {strides = array<i32>} : memref<16x512xf32, #tpu.memory_space<vmem>>, vector<1x16xf32>,
        %get3A_1057 = vector.shape_cast %get3A_1056 : vector<1x16xf32> to vector<16xf32>
        %get3A_1058 = arith.index_cast %add3A_883 : i32 to index
        %get3A_1059 = arith.constant 272 : index
        %get3A_1060 = tpu.vector_load %arg15[%get3A_1058, %get3A_1059] {strides = array<i32>} : memref<16x512xf32, #tpu.memory_space<vmem>>, vector<1x16xf32>,
        %get3A_1061 = vector.shape_cast %get3A_1060 : vector<1x16xf32> to vector<16xf32>
        %mul3A_1062 = arith.mulf %get3A_1057, %get3A_1061 : vector<16xf32>
        %add3A_1063 = arith.addf %add3A_1023, %mul3A_1062 : vector<16xf32>
        %get3A_1064 = arith.index_cast %add3A_883 : i32 to index
        %get3A_1065 = arith.constant 288 : index
        %get3A_1066 = tpu.vector_load %arg13[%get3A_1064, %get3A_1065] {strides = array<i32>} : memref<16x512xf32, #tpu.memory_space<vmem>>, vector<1x16xf32>,
        %get3A_1067 = vector.shape_cast %get3A_1066 : vector<1x16xf32> to vector<16xf32>
        %get3A_1068 = arith.index_cast %add3A_883 : i32 to index
        %get3A_1069 = arith.constant 288 : index
        %get3A_1070 = tpu.vector_load %arg15[%get3A_1068, %get3A_1069] {strides = array<i32>} : memref<16x512xf32, #tpu.memory_space<vmem>>, vector<1x16xf32>,
        %get3A_1071 = vector.shape_cast %get3A_1070 : vector<1x16xf32> to vector<16xf32>
        %mul3A_1072 = arith.mulf %get3A_1067, %get3A_1071 : vector<16xf32>
        %add3A_1073 = arith.addf %add3A_1033, %mul3A_1072 : vector<16xf32>
        %get3A_1074 = arith.index_cast %add3A_883 : i32 to index
        %get3A_1075 = arith.constant 304 : index
        %get3A_1076 = tpu.vector_load %arg13[%get3A_1074, %get3A_1075] {strides = array<i32>} : memref<16x512xf32, #tpu.memory_space<vmem>>, vector<1x16xf32>,
        %get3A_1077 = vector.shape_cast %get3A_1076 : vector<1x16xf32> to vector<16xf32>
        %get3A_1078 = arith.index_cast %add3A_883 : i32 to index
        %get3A_1079 = arith.constant 304 : index
        %get3A_1080 = tpu.vector_load %arg15[%get3A_1078, %get3A_1079] {strides = array<i32>} : memref<16x512xf32, #tpu.memory_space<vmem>>, vector<1x16xf32>,
        %get3A_1081 = vector.shape_cast %get3A_1080 : vector<1x16xf32> to vector<16xf32>
        %mul3A_1082 = arith.mulf %get3A_1077, %get3A_1081 : vector<16xf32>
        %add3A_1083 = arith.addf %add3A_1043, %mul3A_1082 : vector<16xf32>
        %get3A_1084 = arith.index_cast %add3A_883 : i32 to index
        %get3A_1085 = arith.constant 320 : index
        %get3A_1086 = tpu.vector_load %arg13[%get3A_1084, %get3A_1085] {strides = array<i32>} : memref<16x512xf32, #tpu.memory_space<vmem>>, vector<1x16xf32>,
        %get3A_1087 = vector.shape_cast %get3A_1086 : vector<1x16xf32> to vector<16xf32>
        %get3A_1088 = arith.index_cast %add3A_883 : i32 to index
        %get3A_1089 = arith.constant 320 : index
        %get3A_1090 = tpu.vector_load %arg15[%get3A_1088, %get3A_1089] {strides = array<i32>} : memref<16x512xf32, #tpu.memory_space<vmem>>, vector<1x16xf32>,
        %get3A_1091 = vector.shape_cast %get3A_1090 : vector<1x16xf32> to vector<16xf32>
        %mul3A_1092 = arith.mulf %get3A_1087, %get3A_1091 : vector<16xf32>
        %add3A_1093 = arith.addf %add3A_1053, %mul3A_1092 : vector<16xf32>
        %get3A_1094 = arith.index_cast %add3A_883 : i32 to index
        %get3A_1095 = arith.constant 336 : index
        %get3A_1096 = tpu.vector_load %arg13[%get3A_1094, %get3A_1095] {strides = array<i32>} : memref<16x512xf32, #tpu.memory_space<vmem>>, vector<1x16xf32>,
        %get3A_1097 = vector.shape_cast %get3A_1096 : vector<1x16xf32> to vector<16xf32>
        %get3A_1098 = arith.index_cast %add3A_883 : i32 to index
        %get3A_1099 = arith.constant 336 : index
        %get3A_1100 = tpu.vector_load %arg15[%get3A_1098, %get3A_1099] {strides = array<i32>} : memref<16x512xf32, #tpu.memory_space<vmem>>, vector<1x16xf32>,
        %get3A_1101 = vector.shape_cast %get3A_1100 : vector<1x16xf32> to vector<16xf32>
        %mul3A_1102 = arith.mulf %get3A_1097, %get3A_1101 : vector<16xf32>
        %add3A_1103 = arith.addf %add3A_1063, %mul3A_1102 : vector<16xf32>
        %get3A_1104 = arith.index_cast %add3A_883 : i32 to index
        %get3A_1105 = arith.constant 352 : index
        %get3A_1106 = tpu.vector_load %arg13[%get3A_1104, %get3A_1105] {strides = array<i32>} : memref<16x512xf32, #tpu.memory_space<vmem>>, vector<1x16xf32>,
        %get3A_1107 = vector.shape_cast %get3A_1106 : vector<1x16xf32> to vector<16xf32>
        %get3A_1108 = arith.index_cast %add3A_883 : i32 to index
        %get3A_1109 = arith.constant 352 : index
        %get3A_1110 = tpu.vector_load %arg15[%get3A_1108, %get3A_1109] {strides = array<i32>} : memref<16x512xf32, #tpu.memory_space<vmem>>, vector<1x16xf32>,
        %get3A_1111 = vector.shape_cast %get3A_1110 : vector<1x16xf32> to vector<16xf32>
        %mul3A_1112 = arith.mulf %get3A_1107, %get3A_1111 : vector<16xf32>
        %add3A_1113 = arith.addf %add3A_1073, %mul3A_1112 : vector<16xf32>
        %get3A_1114 = arith.index_cast %add3A_883 : i32 to index
        %get3A_1115 = arith.constant 368 : index
        %get3A_1116 = tpu.vector_load %arg13[%get3A_1114, %get3A_1115] {strides = array<i32>} : memref<16x512xf32, #tpu.memory_space<vmem>>, vector<1x16xf32>,
        %get3A_1117 = vector.shape_cast %get3A_1116 : vector<1x16xf32> to vector<16xf32>
        %get3A_1118 = arith.index_cast %add3A_883 : i32 to index
        %get3A_1119 = arith.constant 368 : index
        %get3A_1120 = tpu.vector_load %arg15[%get3A_1118, %get3A_1119] {strides = array<i32>} : memref<16x512xf32, #tpu.memory_space<vmem>>, vector<1x16xf32>,
        %get3A_1121 = vector.shape_cast %get3A_1120 : vector<1x16xf32> to vector<16xf32>
        %mul3A_1122 = arith.mulf %get3A_1117, %get3A_1121 : vector<16xf32>
        %add3A_1123 = arith.addf %add3A_1083, %mul3A_1122 : vector<16xf32>
        %get3A_1124 = arith.index_cast %add3A_883 : i32 to index
        %get3A_1125 = arith.constant 384 : index
        %get3A_1126 = tpu.vector_load %arg13[%get3A_1124, %get3A_1125] {strides = array<i32>} : memref<16x512xf32, #tpu.memory_space<vmem>>, vector<1x16xf32>,
        %get3A_1127 = vector.shape_cast %get3A_1126 : vector<1x16xf32> to vector<16xf32>
        %get3A_1128 = arith.index_cast %add3A_883 : i32 to index
        %get3A_1129 = arith.constant 384 : index
        %get3A_1130 = tpu.vector_load %arg15[%get3A_1128, %get3A_1129] {strides = array<i32>} : memref<16x512xf32, #tpu.memory_space<vmem>>, vector<1x16xf32>,
        %get3A_1131 = vector.shape_cast %get3A_1130 : vector<1x16xf32> to vector<16xf32>
        %mul3A_1132 = arith.mulf %get3A_1127, %get3A_1131 : vector<16xf32>
        %add3A_1133 = arith.addf %add3A_1093, %mul3A_1132 : vector<16xf32>
        %get3A_1134 = arith.index_cast %add3A_883 : i32 to index
        %get3A_1135 = arith.constant 400 : index
        %get3A_1136 = tpu.vector_load %arg13[%get3A_1134, %get3A_1135] {strides = array<i32>} : memref<16x512xf32, #tpu.memory_space<vmem>>, vector<1x16xf32>,
        %get3A_1137 = vector.shape_cast %get3A_1136 : vector<1x16xf32> to vector<16xf32>
        %get3A_1138 = arith.index_cast %add3A_883 : i32 to index
        %get3A_1139 = arith.constant 400 : index
        %get3A_1140 = tpu.vector_load %arg15[%get3A_1138, %get3A_1139] {strides = array<i32>} : memref<16x512xf32, #tpu.memory_space<vmem>>, vector<1x16xf32>,
        %get3A_1141 = vector.shape_cast %get3A_1140 : vector<1x16xf32> to vector<16xf32>
        %mul3A_1142 = arith.mulf %get3A_1137, %get3A_1141 : vector<16xf32>
        %add3A_1143 = arith.addf %add3A_1103, %mul3A_1142 : vector<16xf32>
        %get3A_1144 = arith.index_cast %add3A_883 : i32 to index
        %get3A_1145 = arith.constant 416 : index
        %get3A_1146 = tpu.vector_load %arg13[%get3A_1144, %get3A_1145] {strides = array<i32>} : memref<16x512xf32, #tpu.memory_space<vmem>>, vector<1x16xf32>,
        %get3A_1147 = vector.shape_cast %get3A_1146 : vector<1x16xf32> to vector<16xf32>
        %get3A_1148 = arith.index_cast %add3A_883 : i32 to index
        %get3A_1149 = arith.constant 416 : index
        %get3A_1150 = tpu.vector_load %arg15[%get3A_1148, %get3A_1149] {strides = array<i32>} : memref<16x512xf32, #tpu.memory_space<vmem>>, vector<1x16xf32>,
        %get3A_1151 = vector.shape_cast %get3A_1150 : vector<1x16xf32> to vector<16xf32>
        %mul3A_1152 = arith.mulf %get3A_1147, %get3A_1151 : vector<16xf32>
        %add3A_1153 = arith.addf %add3A_1113, %mul3A_1152 : vector<16xf32>
        %get3A_1154 = arith.index_cast %add3A_883 : i32 to index
        %get3A_1155 = arith.constant 432 : index
        %get3A_1156 = tpu.vector_load %arg13[%get3A_1154, %get3A_1155] {strides = array<i32>} : memref<16x512xf32, #tpu.memory_space<vmem>>, vector<1x16xf32>,
        %get3A_1157 = vector.shape_cast %get3A_1156 : vector<1x16xf32> to vector<16xf32>
        %get3A_1158 = arith.index_cast %add3A_883 : i32 to index
        %get3A_1159 = arith.constant 432 : index
        %get3A_1160 = tpu.vector_load %arg15[%get3A_1158, %get3A_1159] {strides = array<i32>} : memref<16x512xf32, #tpu.memory_space<vmem>>, vector<1x16xf32>,
        %get3A_1161 = vector.shape_cast %get3A_1160 : vector<1x16xf32> to vector<16xf32>
        %mul3A_1162 = arith.mulf %get3A_1157, %get3A_1161 : vector<16xf32>
        %add3A_1163 = arith.addf %add3A_1123, %mul3A_1162 : vector<16xf32>
        %get3A_1164 = arith.index_cast %add3A_883 : i32 to index
        %get3A_1165 = arith.constant 448 : index
        %get3A_1166 = tpu.vector_load %arg13[%get3A_1164, %get3A_1165] {strides = array<i32>} : memref<16x512xf32, #tpu.memory_space<vmem>>, vector<1x16xf32>,
        %get3A_1167 = vector.shape_cast %get3A_1166 : vector<1x16xf32> to vector<16xf32>
        %get3A_1168 = arith.index_cast %add3A_883 : i32 to index
        %get3A_1169 = arith.constant 448 : index
        %get3A_1170 = tpu.vector_load %arg15[%get3A_1168, %get3A_1169] {strides = array<i32>} : memref<16x512xf32, #tpu.memory_space<vmem>>, vector<1x16xf32>,
        %get3A_1171 = vector.shape_cast %get3A_1170 : vector<1x16xf32> to vector<16xf32>
        %mul3A_1172 = arith.mulf %get3A_1167, %get3A_1171 : vector<16xf32>
        %add3A_1173 = arith.addf %add3A_1133, %mul3A_1172 : vector<16xf32>
        %get3A_1174 = arith.index_cast %add3A_883 : i32 to index
        %get3A_1175 = arith.constant 464 : index
        %get3A_1176 = tpu.vector_load %arg13[%get3A_1174, %get3A_1175] {strides = array<i32>} : memref<16x512xf32, #tpu.memory_space<vmem>>, vector<1x16xf32>,
        %get3A_1177 = vector.shape_cast %get3A_1176 : vector<1x16xf32> to vector<16xf32>
        %get3A_1178 = arith.index_cast %add3A_883 : i32 to index
        %get3A_1179 = arith.constant 464 : index
        %get3A_1180 = tpu.vector_load %arg15[%get3A_1178, %get3A_1179] {strides = array<i32>} : memref<16x512xf32, #tpu.memory_space<vmem>>, vector<1x16xf32>,
        %get3A_1181 = vector.shape_cast %get3A_1180 : vector<1x16xf32> to vector<16xf32>
        %mul3A_1182 = arith.mulf %get3A_1177, %get3A_1181 : vector<16xf32>
        %add3A_1183 = arith.addf %add3A_1143, %mul3A_1182 : vector<16xf32>
        %get3A_1184 = arith.index_cast %add3A_883 : i32 to index
        %get3A_1185 = arith.constant 480 : index
        %get3A_1186 = tpu.vector_load %arg13[%get3A_1184, %get3A_1185] {strides = array<i32>} : memref<16x512xf32, #tpu.memory_space<vmem>>, vector<1x16xf32>,
        %get3A_1187 = vector.shape_cast %get3A_1186 : vector<1x16xf32> to vector<16xf32>
        %get3A_1188 = arith.index_cast %add3A_883 : i32 to index
        %get3A_1189 = arith.constant 480 : index
        %get3A_1190 = tpu.vector_load %arg15[%get3A_1188, %get3A_1189] {strides = array<i32>} : memref<16x512xf32, #tpu.memory_space<vmem>>, vector<1x16xf32>,
        %get3A_1191 = vector.shape_cast %get3A_1190 : vector<1x16xf32> to vector<16xf32>
        %mul3A_1192 = arith.mulf %get3A_1187, %get3A_1191 : vector<16xf32>
        %add3A_1193 = arith.addf %add3A_1153, %mul3A_1192 : vector<16xf32>
        %get3A_1194 = arith.index_cast %add3A_883 : i32 to index
        %get3A_1195 = arith.constant 496 : index
        %get3A_1196 = tpu.vector_load %arg13[%get3A_1194, %get3A_1195] {strides = array<i32>} : memref<16x512xf32, #tpu.memory_space<vmem>>, vector<1x16xf32>,
        %get3A_1197 = vector.shape_cast %get3A_1196 : vector<1x16xf32> to vector<16xf32>
        %get3A_1198 = arith.index_cast %add3A_883 : i32 to index
        %get3A_1199 = arith.constant 496 : index
        %get3A_1200 = tpu.vector_load %arg15[%get3A_1198, %get3A_1199] {strides = array<i32>} : memref<16x512xf32, #tpu.memory_space<vmem>>, vector<1x16xf32>,
        %get3A_1201 = vector.shape_cast %get3A_1200 : vector<1x16xf32> to vector<16xf32>
        %mul3A_1202 = arith.mulf %get3A_1197, %get3A_1201 : vector<16xf32>
        %add3A_1203 = arith.addf %add3A_1163, %mul3A_1202 : vector<16xf32>
        %add3A_1204 = arith.addf %add3A_1173, %add3A_1183 : vector<16xf32>
        %add3A_1205 = arith.addf %add3A_1193, %add3A_1203 : vector<16xf32>
        %add3A_1206 = arith.addf %add3A_1204, %add3A_1205 : vector<16xf32>
        %swap3A = arith.index_cast %add3A_883 : i32 to index
        %swap3A_1207 = arith.constant 0 : index
        %swap3A_1208 = tpu.vector_load %arg17[%swap3A, %swap3A_1207] {strides = array<i32>} : memref<16x16xf32, #tpu.memory_space<vmem>>, vector<1x16xf32>,
        %swap3A_1209 = vector.shape_cast %swap3A_1208 : vector<1x16xf32> to vector<16xf32>
        %swap3A_1210 = vector.shape_cast %add3A_1206 : vector<16xf32> to vector<1x16xf32>
        tpu.vector_store %arg17[%swap3A, %swap3A_1207], %swap3A_1210 {strides = array<i32>} : memref<16x16xf32, #tpu.memory_space<vmem>>, vector<1x16xf32>,
        %mul3A_1211 = arith.constant 2 : i32
        %mul3A_1212 = arith.muli %scan3A_878, %mul3A_1211 : i32
        %add3A_1213 = arith.constant 1 : i32
        %add3A_1214 = arith.addi %mul3A_1212, %add3A_1213 : i32
        %get3A_1215 = arith.index_cast %add3A_1214 : i32 to index
        %get3A_1216 = arith.constant 0 : index
        %get3A_1217 = tpu.vector_load %arg13[%get3A_1215, %get3A_1216] {strides = array<i32>} : memref<16x512xf32, #tpu.memory_space<vmem>>, vector<1x16xf32>,
        %get3A_1218 = vector.shape_cast %get3A_1217 : vector<1x16xf32> to vector<16xf32>
        %get3A_1219 = arith.index_cast %add3A_1214 : i32 to index
        %get3A_1220 = arith.constant 0 : index
        %get3A_1221 = tpu.vector_load %arg15[%get3A_1219, %get3A_1220] {strides = array<i32>} : memref<16x512xf32, #tpu.memory_space<vmem>>, vector<1x16xf32>,
        %get3A_1222 = vector.shape_cast %get3A_1221 : vector<1x16xf32> to vector<16xf32>
        %mul3A_1223 = arith.mulf %get3A_1218, %get3A_1222 : vector<16xf32>
        %add3A_1224 = arith.addf %broadcast_in_dim3A_1, %mul3A_1223 : vector<16xf32>
        %get3A_1225 = arith.index_cast %add3A_1214 : i32 to index
        %get3A_1226 = arith.constant 16 : index
        %get3A_1227 = tpu.vector_load %arg13[%get3A_1225, %get3A_1226] {strides = array<i32>} : memref<16x512xf32, #tpu.memory_space<vmem>>, vector<1x16xf32>,
        %get3A_1228 = vector.shape_cast %get3A_1227 : vector<1x16xf32> to vector<16xf32>
        %get3A_1229 = arith.index_cast %add3A_1214 : i32 to index
        %get3A_1230 = arith.constant 16 : index
        %get3A_1231 = tpu.vector_load %arg15[%get3A_1229, %get3A_1230] {strides = array<i32>} : memref<16x512xf32, #tpu.memory_space<vmem>>, vector<1x16xf32>,
        %get3A_1232 = vector.shape_cast %get3A_1231 : vector<1x16xf32> to vector<16xf32>
        %mul3A_1233 = arith.mulf %get3A_1228, %get3A_1232 : vector<16xf32>
        %add3A_1234 = arith.addf %broadcast_in_dim3A_1, %mul3A_1233 : vector<16xf32>
        %get3A_1235 = arith.index_cast %add3A_1214 : i32 to index
        %get3A_1236 = arith.constant 32 : index
        %get3A_1237 = tpu.vector_load %arg13[%get3A_1235, %get3A_1236] {strides = array<i32>} : memref<16x512xf32, #tpu.memory_space<vmem>>, vector<1x16xf32>,
        %get3A_1238 = vector.shape_cast %get3A_1237 : vector<1x16xf32> to vector<16xf32>
        %get3A_1239 = arith.index_cast %add3A_1214 : i32 to index
        %get3A_1240 = arith.constant 32 : index
        %get3A_1241 = tpu.vector_load %arg15[%get3A_1239, %get3A_1240] {strides = array<i32>} : memref<16x512xf32, #tpu.memory_space<vmem>>, vector<1x16xf32>,
        %get3A_1242 = vector.shape_cast %get3A_1241 : vector<1x16xf32> to vector<16xf32>
        %mul3A_1243 = arith.mulf %get3A_1238, %get3A_1242 : vector<16xf32>
        %add3A_1244 = arith.addf %broadcast_in_dim3A_1, %mul3A_1243 : vector<16xf32>
        %get3A_1245 = arith.index_cast %add3A_1214 : i32 to index
        %get3A_1246 = arith.constant 48 : index
        %get3A_1247 = tpu.vector_load %arg13[%get3A_1245, %get3A_1246] {strides = array<i32>} : memref<16x512xf32, #tpu.memory_space<vmem>>, vector<1x16xf32>,
        %get3A_1248 = vector.shape_cast %get3A_1247 : vector<1x16xf32> to vector<16xf32>
        %get3A_1249 = arith.index_cast %add3A_1214 : i32 to index
        %get3A_1250 = arith.constant 48 : index
        %get3A_1251 = tpu.vector_load %arg15[%get3A_1249, %get3A_1250] {strides = array<i32>} : memref<16x512xf32, #tpu.memory_space<vmem>>, vector<1x16xf32>,
        %get3A_1252 = vector.shape_cast %get3A_1251 : vector<1x16xf32> to vector<16xf32>
        %mul3A_1253 = arith.mulf %get3A_1248, %get3A_1252 : vector<16xf32>
        %add3A_1254 = arith.addf %broadcast_in_dim3A_1, %mul3A_1253 : vector<16xf32>
        %get3A_1255 = arith.index_cast %add3A_1214 : i32 to index
        %get3A_1256 = arith.constant 64 : index
        %get3A_1257 = tpu.vector_load %arg13[%get3A_1255, %get3A_1256] {strides = array<i32>} : memref<16x512xf32, #tpu.memory_space<vmem>>, vector<1x16xf32>,
        %get3A_1258 = vector.shape_cast %get3A_1257 : vector<1x16xf32> to vector<16xf32>
        %get3A_1259 = arith.index_cast %add3A_1214 : i32 to index
        %get3A_1260 = arith.constant 64 : index
        %get3A_1261 = tpu.vector_load %arg15[%get3A_1259, %get3A_1260] {strides = array<i32>} : memref<16x512xf32, #tpu.memory_space<vmem>>, vector<1x16xf32>,
        %get3A_1262 = vector.shape_cast %get3A_1261 : vector<1x16xf32> to vector<16xf32>
        %mul3A_1263 = arith.mulf %get3A_1258, %get3A_1262 : vector<16xf32>
        %add3A_1264 = arith.addf %add3A_1224, %mul3A_1263 : vector<16xf32>
        %get3A_1265 = arith.index_cast %add3A_1214 : i32 to index
        %get3A_1266 = arith.constant 80 : index
        %get3A_1267 = tpu.vector_load %arg13[%get3A_1265, %get3A_1266] {strides = array<i32>} : memref<16x512xf32, #tpu.memory_space<vmem>>, vector<1x16xf32>,
        %get3A_1268 = vector.shape_cast %get3A_1267 : vector<1x16xf32> to vector<16xf32>
        %get3A_1269 = arith.index_cast %add3A_1214 : i32 to index
        %get3A_1270 = arith.constant 80 : index
        %get3A_1271 = tpu.vector_load %arg15[%get3A_1269, %get3A_1270] {strides = array<i32>} : memref<16x512xf32, #tpu.memory_space<vmem>>, vector<1x16xf32>,
        %get3A_1272 = vector.shape_cast %get3A_1271 : vector<1x16xf32> to vector<16xf32>
        %mul3A_1273 = arith.mulf %get3A_1268, %get3A_1272 : vector<16xf32>
        %add3A_1274 = arith.addf %add3A_1234, %mul3A_1273 : vector<16xf32>
        %get3A_1275 = arith.index_cast %add3A_1214 : i32 to index
        %get3A_1276 = arith.constant 96 : index
        %get3A_1277 = tpu.vector_load %arg13[%get3A_1275, %get3A_1276] {strides = array<i32>} : memref<16x512xf32, #tpu.memory_space<vmem>>, vector<1x16xf32>,
        %get3A_1278 = vector.shape_cast %get3A_1277 : vector<1x16xf32> to vector<16xf32>
        %get3A_1279 = arith.index_cast %add3A_1214 : i32 to index
        %get3A_1280 = arith.constant 96 : index
        %get3A_1281 = tpu.vector_load %arg15[%get3A_1279, %get3A_1280] {strides = array<i32>} : memref<16x512xf32, #tpu.memory_space<vmem>>, vector<1x16xf32>,
        %get3A_1282 = vector.shape_cast %get3A_1281 : vector<1x16xf32> to vector<16xf32>
        %mul3A_1283 = arith.mulf %get3A_1278, %get3A_1282 : vector<16xf32>
        %add3A_1284 = arith.addf %add3A_1244, %mul3A_1283 : vector<16xf32>
        %get3A_1285 = arith.index_cast %add3A_1214 : i32 to index
        %get3A_1286 = arith.constant 112 : index
        %get3A_1287 = tpu.vector_load %arg13[%get3A_1285, %get3A_1286] {strides = array<i32>} : memref<16x512xf32, #tpu.memory_space<vmem>>, vector<1x16xf32>,
        %get3A_1288 = vector.shape_cast %get3A_1287 : vector<1x16xf32> to vector<16xf32>
        %get3A_1289 = arith.index_cast %add3A_1214 : i32 to index
        %get3A_1290 = arith.constant 112 : index
        %get3A_1291 = tpu.vector_load %arg15[%get3A_1289, %get3A_1290] {strides = array<i32>} : memref<16x512xf32, #tpu.memory_space<vmem>>, vector<1x16xf32>,
        %get3A_1292 = vector.shape_cast %get3A_1291 : vector<1x16xf32> to vector<16xf32>
        %mul3A_1293 = arith.mulf %get3A_1288, %get3A_1292 : vector<16xf32>
        %add3A_1294 = arith.addf %add3A_1254, %mul3A_1293 : vector<16xf32>
        %get3A_1295 = arith.index_cast %add3A_1214 : i32 to index
        %get3A_1296 = arith.constant 128 : index
        %get3A_1297 = tpu.vector_load %arg13[%get3A_1295, %get3A_1296] {strides = array<i32>} : memref<16x512xf32, #tpu.memory_space<vmem>>, vector<1x16xf32>,
        %get3A_1298 = vector.shape_cast %get3A_1297 : vector<1x16xf32> to vector<16xf32>
        %get3A_1299 = arith.index_cast %add3A_1214 : i32 to index
        %get3A_1300 = arith.constant 128 : index
        %get3A_1301 = tpu.vector_load %arg15[%get3A_1299, %get3A_1300] {strides = array<i32>} : memref<16x512xf32, #tpu.memory_space<vmem>>, vector<1x16xf32>,
        %get3A_1302 = vector.shape_cast %get3A_1301 : vector<1x16xf32> to vector<16xf32>
        %mul3A_1303 = arith.mulf %get3A_1298, %get3A_1302 : vector<16xf32>
        %add3A_1304 = arith.addf %add3A_1264, %mul3A_1303 : vector<16xf32>
        %get3A_1305 = arith.index_cast %add3A_1214 : i32 to index
        %get3A_1306 = arith.constant 144 : index
        %get3A_1307 = tpu.vector_load %arg13[%get3A_1305, %get3A_1306] {strides = array<i32>} : memref<16x512xf32, #tpu.memory_space<vmem>>, vector<1x16xf32>,
        %get3A_1308 = vector.shape_cast %get3A_1307 : vector<1x16xf32> to vector<16xf32>
        %get3A_1309 = arith.index_cast %add3A_1214 : i32 to index
        %get3A_1310 = arith.constant 144 : index
        %get3A_1311 = tpu.vector_load %arg15[%get3A_1309, %get3A_1310] {strides = array<i32>} : memref<16x512xf32, #tpu.memory_space<vmem>>, vector<1x16xf32>,
        %get3A_1312 = vector.shape_cast %get3A_1311 : vector<1x16xf32> to vector<16xf32>
        %mul3A_1313 = arith.mulf %get3A_1308, %get3A_1312 : vector<16xf32>
        %add3A_1314 = arith.addf %add3A_1274, %mul3A_1313 : vector<16xf32>
        %get3A_1315 = arith.index_cast %add3A_1214 : i32 to index
        %get3A_1316 = arith.constant 160 : index
        %get3A_1317 = tpu.vector_load %arg13[%get3A_1315, %get3A_1316] {strides = array<i32>} : memref<16x512xf32, #tpu.memory_space<vmem>>, vector<1x16xf32>,
        %get3A_1318 = vector.shape_cast %get3A_1317 : vector<1x16xf32> to vector<16xf32>
        %get3A_1319 = arith.index_cast %add3A_1214 : i32 to index
        %get3A_1320 = arith.constant 160 : index
        %get3A_1321 = tpu.vector_load %arg15[%get3A_1319, %get3A_1320] {strides = array<i32>} : memref<16x512xf32, #tpu.memory_space<vmem>>, vector<1x16xf32>,
        %get3A_1322 = vector.shape_cast %get3A_1321 : vector<1x16xf32> to vector<16xf32>
        %mul3A_1323 = arith.mulf %get3A_1318, %get3A_1322 : vector<16xf32>
        %add3A_1324 = arith.addf %add3A_1284, %mul3A_1323 : vector<16xf32>
        %get3A_1325 = arith.index_cast %add3A_1214 : i32 to index
        %get3A_1326 = arith.constant 176 : index
        %get3A_1327 = tpu.vector_load %arg13[%get3A_1325, %get3A_1326] {strides = array<i32>} : memref<16x512xf32, #tpu.memory_space<vmem>>, vector<1x16xf32>,
        %get3A_1328 = vector.shape_cast %get3A_1327 : vector<1x16xf32> to vector<16xf32>
        %get3A_1329 = arith.index_cast %add3A_1214 : i32 to index
        %get3A_1330 = arith.constant 176 : index
        %get3A_1331 = tpu.vector_load %arg15[%get3A_1329, %get3A_1330] {strides = array<i32>} : memref<16x512xf32, #tpu.memory_space<vmem>>, vector<1x16xf32>,
        %get3A_1332 = vector.shape_cast %get3A_1331 : vector<1x16xf32> to vector<16xf32>
        %mul3A_1333 = arith.mulf %get3A_1328, %get3A_1332 : vector<16xf32>
        %add3A_1334 = arith.addf %add3A_1294, %mul3A_1333 : vector<16xf32>
        %get3A_1335 = arith.index_cast %add3A_1214 : i32 to index
        %get3A_1336 = arith.constant 192 : index
        %get3A_1337 = tpu.vector_load %arg13[%get3A_1335, %get3A_1336] {strides = array<i32>} : memref<16x512xf32, #tpu.memory_space<vmem>>, vector<1x16xf32>,
        %get3A_1338 = vector.shape_cast %get3A_1337 : vector<1x16xf32> to vector<16xf32>
        %get3A_1339 = arith.index_cast %add3A_1214 : i32 to index
        %get3A_1340 = arith.constant 192 : index
        %get3A_1341 = tpu.vector_load %arg15[%get3A_1339, %get3A_1340] {strides = array<i32>} : memref<16x512xf32, #tpu.memory_space<vmem>>, vector<1x16xf32>,
        %get3A_1342 = vector.shape_cast %get3A_1341 : vector<1x16xf32> to vector<16xf32>
        %mul3A_1343 = arith.mulf %get3A_1338, %get3A_1342 : vector<16xf32>
        %add3A_1344 = arith.addf %add3A_1304, %mul3A_1343 : vector<16xf32>
        %get3A_1345 = arith.index_cast %add3A_1214 : i32 to index
        %get3A_1346 = arith.constant 208 : index
        %get3A_1347 = tpu.vector_load %arg13[%get3A_1345, %get3A_1346] {strides = array<i32>} : memref<16x512xf32, #tpu.memory_space<vmem>>, vector<1x16xf32>,
        %get3A_1348 = vector.shape_cast %get3A_1347 : vector<1x16xf32> to vector<16xf32>
        %get3A_1349 = arith.index_cast %add3A_1214 : i32 to index
        %get3A_1350 = arith.constant 208 : index
        %get3A_1351 = tpu.vector_load %arg15[%get3A_1349, %get3A_1350] {strides = array<i32>} : memref<16x512xf32, #tpu.memory_space<vmem>>, vector<1x16xf32>,
        %get3A_1352 = vector.shape_cast %get3A_1351 : vector<1x16xf32> to vector<16xf32>
        %mul3A_1353 = arith.mulf %get3A_1348, %get3A_1352 : vector<16xf32>
        %add3A_1354 = arith.addf %add3A_1314, %mul3A_1353 : vector<16xf32>
        %get3A_1355 = arith.index_cast %add3A_1214 : i32 to index
        %get3A_1356 = arith.constant 224 : index
        %get3A_1357 = tpu.vector_load %arg13[%get3A_1355, %get3A_1356] {strides = array<i32>} : memref<16x512xf32, #tpu.memory_space<vmem>>, vector<1x16xf32>,
        %get3A_1358 = vector.shape_cast %get3A_1357 : vector<1x16xf32> to vector<16xf32>
        %get3A_1359 = arith.index_cast %add3A_1214 : i32 to index
        %get3A_1360 = arith.constant 224 : index
        %get3A_1361 = tpu.vector_load %arg15[%get3A_1359, %get3A_1360] {strides = array<i32>} : memref<16x512xf32, #tpu.memory_space<vmem>>, vector<1x16xf32>,
        %get3A_1362 = vector.shape_cast %get3A_1361 : vector<1x16xf32> to vector<16xf32>
        %mul3A_1363 = arith.mulf %get3A_1358, %get3A_1362 : vector<16xf32>
        %add3A_1364 = arith.addf %add3A_1324, %mul3A_1363 : vector<16xf32>
        %get3A_1365 = arith.index_cast %add3A_1214 : i32 to index
        %get3A_1366 = arith.constant 240 : index
        %get3A_1367 = tpu.vector_load %arg13[%get3A_1365, %get3A_1366] {strides = array<i32>} : memref<16x512xf32, #tpu.memory_space<vmem>>, vector<1x16xf32>,
        %get3A_1368 = vector.shape_cast %get3A_1367 : vector<1x16xf32> to vector<16xf32>
        %get3A_1369 = arith.index_cast %add3A_1214 : i32 to index
        %get3A_1370 = arith.constant 240 : index
        %get3A_1371 = tpu.vector_load %arg15[%get3A_1369, %get3A_1370] {strides = array<i32>} : memref<16x512xf32, #tpu.memory_space<vmem>>, vector<1x16xf32>,
        %get3A_1372 = vector.shape_cast %get3A_1371 : vector<1x16xf32> to vector<16xf32>
        %mul3A_1373 = arith.mulf %get3A_1368, %get3A_1372 : vector<16xf32>
        %add3A_1374 = arith.addf %add3A_1334, %mul3A_1373 : vector<16xf32>
        %get3A_1375 = arith.index_cast %add3A_1214 : i32 to index
        %get3A_1376 = arith.constant 256 : index
        %get3A_1377 = tpu.vector_load %arg13[%get3A_1375, %get3A_1376] {strides = array<i32>} : memref<16x512xf32, #tpu.memory_space<vmem>>, vector<1x16xf32>,
        %get3A_1378 = vector.shape_cast %get3A_1377 : vector<1x16xf32> to vector<16xf32>
        %get3A_1379 = arith.index_cast %add3A_1214 : i32 to index
        %get3A_1380 = arith.constant 256 : index
        %get3A_1381 = tpu.vector_load %arg15[%get3A_1379, %get3A_1380] {strides = array<i32>} : memref<16x512xf32, #tpu.memory_space<vmem>>, vector<1x16xf32>,
        %get3A_1382 = vector.shape_cast %get3A_1381 : vector<1x16xf32> to vector<16xf32>
        %mul3A_1383 = arith.mulf %get3A_1378, %get3A_1382 : vector<16xf32>
        %add3A_1384 = arith.addf %add3A_1344, %mul3A_1383 : vector<16xf32>
        %get3A_1385 = arith.index_cast %add3A_1214 : i32 to index
        %get3A_1386 = arith.constant 272 : index
        %get3A_1387 = tpu.vector_load %arg13[%get3A_1385, %get3A_1386] {strides = array<i32>} : memref<16x512xf32, #tpu.memory_space<vmem>>, vector<1x16xf32>,
        %get3A_1388 = vector.shape_cast %get3A_1387 : vector<1x16xf32> to vector<16xf32>
        %get3A_1389 = arith.index_cast %add3A_1214 : i32 to index
        %get3A_1390 = arith.constant 272 : index
        %get3A_1391 = tpu.vector_load %arg15[%get3A_1389, %get3A_1390] {strides = array<i32>} : memref<16x512xf32, #tpu.memory_space<vmem>>, vector<1x16xf32>,
        %get3A_1392 = vector.shape_cast %get3A_1391 : vector<1x16xf32> to vector<16xf32>
        %mul3A_1393 = arith.mulf %get3A_1388, %get3A_1392 : vector<16xf32>
        %add3A_1394 = arith.addf %add3A_1354, %mul3A_1393 : vector<16xf32>
        %get3A_1395 = arith.index_cast %add3A_1214 : i32 to index
        %get3A_1396 = arith.constant 288 : index
        %get3A_1397 = tpu.vector_load %arg13[%get3A_1395, %get3A_1396] {strides = array<i32>} : memref<16x512xf32, #tpu.memory_space<vmem>>, vector<1x16xf32>,
        %get3A_1398 = vector.shape_cast %get3A_1397 : vector<1x16xf32> to vector<16xf32>
        %get3A_1399 = arith.index_cast %add3A_1214 : i32 to index
        %get3A_1400 = arith.constant 288 : index
        %get3A_1401 = tpu.vector_load %arg15[%get3A_1399, %get3A_1400] {strides = array<i32>} : memref<16x512xf32, #tpu.memory_space<vmem>>, vector<1x16xf32>,
        %get3A_1402 = vector.shape_cast %get3A_1401 : vector<1x16xf32> to vector<16xf32>
        %mul3A_1403 = arith.mulf %get3A_1398, %get3A_1402 : vector<16xf32>
        %add3A_1404 = arith.addf %add3A_1364, %mul3A_1403 : vector<16xf32>
        %get3A_1405 = arith.index_cast %add3A_1214 : i32 to index
        %get3A_1406 = arith.constant 304 : index
        %get3A_1407 = tpu.vector_load %arg13[%get3A_1405, %get3A_1406] {strides = array<i32>} : memref<16x512xf32, #tpu.memory_space<vmem>>, vector<1x16xf32>,
        %get3A_1408 = vector.shape_cast %get3A_1407 : vector<1x16xf32> to vector<16xf32>
        %get3A_1409 = arith.index_cast %add3A_1214 : i32 to index
        %get3A_1410 = arith.constant 304 : index
        %get3A_1411 = tpu.vector_load %arg15[%get3A_1409, %get3A_1410] {strides = array<i32>} : memref<16x512xf32, #tpu.memory_space<vmem>>, vector<1x16xf32>,
        %get3A_1412 = vector.shape_cast %get3A_1411 : vector<1x16xf32> to vector<16xf32>
        %mul3A_1413 = arith.mulf %get3A_1408, %get3A_1412 : vector<16xf32>
        %add3A_1414 = arith.addf %add3A_1374, %mul3A_1413 : vector<16xf32>
        %get3A_1415 = arith.index_cast %add3A_1214 : i32 to index
        %get3A_1416 = arith.constant 320 : index
        %get3A_1417 = tpu.vector_load %arg13[%get3A_1415, %get3A_1416] {strides = array<i32>} : memref<16x512xf32, #tpu.memory_space<vmem>>, vector<1x16xf32>,
        %get3A_1418 = vector.shape_cast %get3A_1417 : vector<1x16xf32> to vector<16xf32>
        %get3A_1419 = arith.index_cast %add3A_1214 : i32 to index
        %get3A_1420 = arith.constant 320 : index
        %get3A_1421 = tpu.vector_load %arg15[%get3A_1419, %get3A_1420] {strides = array<i32>} : memref<16x512xf32, #tpu.memory_space<vmem>>, vector<1x16xf32>,
        %get3A_1422 = vector.shape_cast %get3A_1421 : vector<1x16xf32> to vector<16xf32>
        %mul3A_1423 = arith.mulf %get3A_1418, %get3A_1422 : vector<16xf32>
        %add3A_1424 = arith.addf %add3A_1384, %mul3A_1423 : vector<16xf32>
        %get3A_1425 = arith.index_cast %add3A_1214 : i32 to index
        %get3A_1426 = arith.constant 336 : index
        %get3A_1427 = tpu.vector_load %arg13[%get3A_1425, %get3A_1426] {strides = array<i32>} : memref<16x512xf32, #tpu.memory_space<vmem>>, vector<1x16xf32>,
        %get3A_1428 = vector.shape_cast %get3A_1427 : vector<1x16xf32> to vector<16xf32>
        %get3A_1429 = arith.index_cast %add3A_1214 : i32 to index
        %get3A_1430 = arith.constant 336 : index
        %get3A_1431 = tpu.vector_load %arg15[%get3A_1429, %get3A_1430] {strides = array<i32>} : memref<16x512xf32, #tpu.memory_space<vmem>>, vector<1x16xf32>,
        %get3A_1432 = vector.shape_cast %get3A_1431 : vector<1x16xf32> to vector<16xf32>
        %mul3A_1433 = arith.mulf %get3A_1428, %get3A_1432 : vector<16xf32>
        %add3A_1434 = arith.addf %add3A_1394, %mul3A_1433 : vector<16xf32>
        %get3A_1435 = arith.index_cast %add3A_1214 : i32 to index
        %get3A_1436 = arith.constant 352 : index
        %get3A_1437 = tpu.vector_load %arg13[%get3A_1435, %get3A_1436] {strides = array<i32>} : memref<16x512xf32, #tpu.memory_space<vmem>>, vector<1x16xf32>,
        %get3A_1438 = vector.shape_cast %get3A_1437 : vector<1x16xf32> to vector<16xf32>
        %get3A_1439 = arith.index_cast %add3A_1214 : i32 to index
        %get3A_1440 = arith.constant 352 : index
        %get3A_1441 = tpu.vector_load %arg15[%get3A_1439, %get3A_1440] {strides = array<i32>} : memref<16x512xf32, #tpu.memory_space<vmem>>, vector<1x16xf32>,
        %get3A_1442 = vector.shape_cast %get3A_1441 : vector<1x16xf32> to vector<16xf32>
        %mul3A_1443 = arith.mulf %get3A_1438, %get3A_1442 : vector<16xf32>
        %add3A_1444 = arith.addf %add3A_1404, %mul3A_1443 : vector<16xf32>
        %get3A_1445 = arith.index_cast %add3A_1214 : i32 to index
        %get3A_1446 = arith.constant 368 : index
        %get3A_1447 = tpu.vector_load %arg13[%get3A_1445, %get3A_1446] {strides = array<i32>} : memref<16x512xf32, #tpu.memory_space<vmem>>, vector<1x16xf32>,
        %get3A_1448 = vector.shape_cast %get3A_1447 : vector<1x16xf32> to vector<16xf32>
        %get3A_1449 = arith.index_cast %add3A_1214 : i32 to index
        %get3A_1450 = arith.constant 368 : index
        %get3A_1451 = tpu.vector_load %arg15[%get3A_1449, %get3A_1450] {strides = array<i32>} : memref<16x512xf32, #tpu.memory_space<vmem>>, vector<1x16xf32>,
        %get3A_1452 = vector.shape_cast %get3A_1451 : vector<1x16xf32> to vector<16xf32>
        %mul3A_1453 = arith.mulf %get3A_1448, %get3A_1452 : vector<16xf32>
        %add3A_1454 = arith.addf %add3A_1414, %mul3A_1453 : vector<16xf32>
        %get3A_1455 = arith.index_cast %add3A_1214 : i32 to index
        %get3A_1456 = arith.constant 384 : index
        %get3A_1457 = tpu.vector_load %arg13[%get3A_1455, %get3A_1456] {strides = array<i32>} : memref<16x512xf32, #tpu.memory_space<vmem>>, vector<1x16xf32>,
        %get3A_1458 = vector.shape_cast %get3A_1457 : vector<1x16xf32> to vector<16xf32>
        %get3A_1459 = arith.index_cast %add3A_1214 : i32 to index
        %get3A_1460 = arith.constant 384 : index
        %get3A_1461 = tpu.vector_load %arg15[%get3A_1459, %get3A_1460] {strides = array<i32>} : memref<16x512xf32, #tpu.memory_space<vmem>>, vector<1x16xf32>,
        %get3A_1462 = vector.shape_cast %get3A_1461 : vector<1x16xf32> to vector<16xf32>
        %mul3A_1463 = arith.mulf %get3A_1458, %get3A_1462 : vector<16xf32>
        %add3A_1464 = arith.addf %add3A_1424, %mul3A_1463 : vector<16xf32>
        %get3A_1465 = arith.index_cast %add3A_1214 : i32 to index
        %get3A_1466 = arith.constant 400 : index
        %get3A_1467 = tpu.vector_load %arg13[%get3A_1465, %get3A_1466] {strides = array<i32>} : memref<16x512xf32, #tpu.memory_space<vmem>>, vector<1x16xf32>,
        %get3A_1468 = vector.shape_cast %get3A_1467 : vector<1x16xf32> to vector<16xf32>
        %get3A_1469 = arith.index_cast %add3A_1214 : i32 to index
        %get3A_1470 = arith.constant 400 : index
        %get3A_1471 = tpu.vector_load %arg15[%get3A_1469, %get3A_1470] {strides = array<i32>} : memref<16x512xf32, #tpu.memory_space<vmem>>, vector<1x16xf32>,
        %get3A_1472 = vector.shape_cast %get3A_1471 : vector<1x16xf32> to vector<16xf32>
        %mul3A_1473 = arith.mulf %get3A_1468, %get3A_1472 : vector<16xf32>
        %add3A_1474 = arith.addf %add3A_1434, %mul3A_1473 : vector<16xf32>
        %get3A_1475 = arith.index_cast %add3A_1214 : i32 to index
        %get3A_1476 = arith.constant 416 : index
        %get3A_1477 = tpu.vector_load %arg13[%get3A_1475, %get3A_1476] {strides = array<i32>} : memref<16x512xf32, #tpu.memory_space<vmem>>, vector<1x16xf32>,
        %get3A_1478 = vector.shape_cast %get3A_1477 : vector<1x16xf32> to vector<16xf32>
        %get3A_1479 = arith.index_cast %add3A_1214 : i32 to index
        %get3A_1480 = arith.constant 416 : index
        %get3A_1481 = tpu.vector_load %arg15[%get3A_1479, %get3A_1480] {strides = array<i32>} : memref<16x512xf32, #tpu.memory_space<vmem>>, vector<1x16xf32>,
        %get3A_1482 = vector.shape_cast %get3A_1481 : vector<1x16xf32> to vector<16xf32>
        %mul3A_1483 = arith.mulf %get3A_1478, %get3A_1482 : vector<16xf32>
        %add3A_1484 = arith.addf %add3A_1444, %mul3A_1483 : vector<16xf32>
        %get3A_1485 = arith.index_cast %add3A_1214 : i32 to index
        %get3A_1486 = arith.constant 432 : index
        %get3A_1487 = tpu.vector_load %arg13[%get3A_1485, %get3A_1486] {strides = array<i32>} : memref<16x512xf32, #tpu.memory_space<vmem>>, vector<1x16xf32>,
        %get3A_1488 = vector.shape_cast %get3A_1487 : vector<1x16xf32> to vector<16xf32>
        %get3A_1489 = arith.index_cast %add3A_1214 : i32 to index
        %get3A_1490 = arith.constant 432 : index
        %get3A_1491 = tpu.vector_load %arg15[%get3A_1489, %get3A_1490] {strides = array<i32>} : memref<16x512xf32, #tpu.memory_space<vmem>>, vector<1x16xf32>,
        %get3A_1492 = vector.shape_cast %get3A_1491 : vector<1x16xf32> to vector<16xf32>
        %mul3A_1493 = arith.mulf %get3A_1488, %get3A_1492 : vector<16xf32>
        %add3A_1494 = arith.addf %add3A_1454, %mul3A_1493 : vector<16xf32>
        %get3A_1495 = arith.index_cast %add3A_1214 : i32 to index
        %get3A_1496 = arith.constant 448 : index
        %get3A_1497 = tpu.vector_load %arg13[%get3A_1495, %get3A_1496] {strides = array<i32>} : memref<16x512xf32, #tpu.memory_space<vmem>>, vector<1x16xf32>,
        %get3A_1498 = vector.shape_cast %get3A_1497 : vector<1x16xf32> to vector<16xf32>
        %get3A_1499 = arith.index_cast %add3A_1214 : i32 to index
        %get3A_1500 = arith.constant 448 : index
        %get3A_1501 = tpu.vector_load %arg15[%get3A_1499, %get3A_1500] {strides = array<i32>} : memref<16x512xf32, #tpu.memory_space<vmem>>, vector<1x16xf32>,
        %get3A_1502 = vector.shape_cast %get3A_1501 : vector<1x16xf32> to vector<16xf32>
        %mul3A_1503 = arith.mulf %get3A_1498, %get3A_1502 : vector<16xf32>
        %add3A_1504 = arith.addf %add3A_1464, %mul3A_1503 : vector<16xf32>
        %get3A_1505 = arith.index_cast %add3A_1214 : i32 to index
        %get3A_1506 = arith.constant 464 : index
        %get3A_1507 = tpu.vector_load %arg13[%get3A_1505, %get3A_1506] {strides = array<i32>} : memref<16x512xf32, #tpu.memory_space<vmem>>, vector<1x16xf32>,
        %get3A_1508 = vector.shape_cast %get3A_1507 : vector<1x16xf32> to vector<16xf32>
        %get3A_1509 = arith.index_cast %add3A_1214 : i32 to index
        %get3A_1510 = arith.constant 464 : index
        %get3A_1511 = tpu.vector_load %arg15[%get3A_1509, %get3A_1510] {strides = array<i32>} : memref<16x512xf32, #tpu.memory_space<vmem>>, vector<1x16xf32>,
        %get3A_1512 = vector.shape_cast %get3A_1511 : vector<1x16xf32> to vector<16xf32>
        %mul3A_1513 = arith.mulf %get3A_1508, %get3A_1512 : vector<16xf32>
        %add3A_1514 = arith.addf %add3A_1474, %mul3A_1513 : vector<16xf32>
        %get3A_1515 = arith.index_cast %add3A_1214 : i32 to index
        %get3A_1516 = arith.constant 480 : index
        %get3A_1517 = tpu.vector_load %arg13[%get3A_1515, %get3A_1516] {strides = array<i32>} : memref<16x512xf32, #tpu.memory_space<vmem>>, vector<1x16xf32>,
        %get3A_1518 = vector.shape_cast %get3A_1517 : vector<1x16xf32> to vector<16xf32>
        %get3A_1519 = arith.index_cast %add3A_1214 : i32 to index
        %get3A_1520 = arith.constant 480 : index
        %get3A_1521 = tpu.vector_load %arg15[%get3A_1519, %get3A_1520] {strides = array<i32>} : memref<16x512xf32, #tpu.memory_space<vmem>>, vector<1x16xf32>,
        %get3A_1522 = vector.shape_cast %get3A_1521 : vector<1x16xf32> to vector<16xf32>
        %mul3A_1523 = arith.mulf %get3A_1518, %get3A_1522 : vector<16xf32>
        %add3A_1524 = arith.addf %add3A_1484, %mul3A_1523 : vector<16xf32>
        %get3A_1525 = arith.index_cast %add3A_1214 : i32 to index
        %get3A_1526 = arith.constant 496 : index
        %get3A_1527 = tpu.vector_load %arg13[%get3A_1525, %get3A_1526] {strides = array<i32>} : memref<16x512xf32, #tpu.memory_space<vmem>>, vector<1x16xf32>,
        %get3A_1528 = vector.shape_cast %get3A_1527 : vector<1x16xf32> to vector<16xf32>
        %get3A_1529 = arith.index_cast %add3A_1214 : i32 to index
        %get3A_1530 = arith.constant 496 : index
        %get3A_1531 = tpu.vector_load %arg15[%get3A_1529, %get3A_1530] {strides = array<i32>} : memref<16x512xf32, #tpu.memory_space<vmem>>, vector<1x16xf32>,
        %get3A_1532 = vector.shape_cast %get3A_1531 : vector<1x16xf32> to vector<16xf32>
        %mul3A_1533 = arith.mulf %get3A_1528, %get3A_1532 : vector<16xf32>
        %add3A_1534 = arith.addf %add3A_1494, %mul3A_1533 : vector<16xf32>
        %add3A_1535 = arith.addf %add3A_1504, %add3A_1514 : vector<16xf32>
        %add3A_1536 = arith.addf %add3A_1524, %add3A_1534 : vector<16xf32>
        %add3A_1537 = arith.addf %add3A_1535, %add3A_1536 : vector<16xf32>
        %swap3A_1538 = arith.index_cast %add3A_1214 : i32 to index
        %swap3A_1539 = arith.constant 0 : index
        %swap3A_1540 = tpu.vector_load %arg17[%swap3A_1538, %swap3A_1539] {strides = array<i32>} : memref<16x16xf32, #tpu.memory_space<vmem>>, vector<1x16xf32>,
        %swap3A_1541 = vector.shape_cast %swap3A_1540 : vector<1x16xf32> to vector<16xf32>
        %swap3A_1542 = vector.shape_cast %add3A_1537 : vector<16xf32> to vector<1x16xf32>
        tpu.vector_store %arg17[%swap3A_1538, %swap3A_1539], %swap3A_1542 {strides = array<i32>} : memref<16x16xf32, #tpu.memory_space<vmem>>, vector<1x16xf32>,
        %scan3A_1543 = arith.constant 0 : i32
        scf.yield %scan3A_1543 : i32
      }
      %scan3A_424 = arith.constant 8 : i32
      %jit3A_425 = arith.constant 1 : i32
      %div3A_426 = arith.divsi %add3A_200, %jit3A_425 : i32
      %sign3A_427 = arith.constant 0 : i32
      %sign3A_428 = arith.cmpi sgt, %add3A_200, %sign3A_427 : i32
      %sign3A_429 = arith.extui %sign3A_428 : i1 to i32
      %sign3A_430 = arith.constant 0 : i32
      %sign3A_431 = arith.cmpi slt, %add3A_200, %sign3A_430 : i32
      %sign3A_432 = arith.extui %sign3A_431 : i1 to i32
      %sign3A_433 = arith.subi %sign3A_429, %sign3A_432 : i32
      %sign3A_434 = arith.constant 0 : i32
      %sign3A_435 = arith.cmpi sgt, %jit3A_425, %sign3A_434 : i32
      %sign3A_436 = arith.extui %sign3A_435 : i1 to i32
      %sign3A_437 = arith.constant 0 : i32
      %sign3A_438 = arith.cmpi slt, %jit3A_425, %sign3A_437 : i32
      %sign3A_439 = arith.extui %sign3A_438 : i1 to i32
      %sign3A_440 = arith.subi %sign3A_436, %sign3A_439 : i32
      %ne3A_441 = arith.cmpi ne, %sign3A_433, %sign3A_440 : i32
      %rem3A_442 = arith.remsi %add3A_200, %jit3A_425 : i32
      %ne3A_443 = arith.constant 0 : i32
      %ne3A_444 = arith.cmpi ne, %rem3A_442, %ne3A_443 : i32
      %and3A_445 = arith.andi %ne3A_441, %ne3A_444 : i1
      %sub3A_446 = arith.constant 1 : i32
      %sub3A_447 = arith.subi %div3A_426, %sub3A_446 : i32
      %select_n3A_448 = arith.select %and3A_445, %sub3A_447, %div3A_426 : i32
      %jit3A_449 = arith.constant 1 : i32
      %eq3A_450 = arith.constant 0 : i32
      %eq3A_451 = arith.cmpi eq, %jit3A_449, %eq3A_450 : i32
      %jit3A_452 = arith.constant 1 : i32
      %select_n3A_453 = arith.select %eq3A_451, %jit3A_452, %jit3A_449 : i32
      %rem3A_454 = arith.remsi %add3A_200, %select_n3A_453 : i32
      %ne3A_455 = arith.constant 0 : i32
      %ne3A_456 = arith.cmpi ne, %rem3A_454, %ne3A_455 : i32
      %lt3A_457 = arith.constant 0 : i32
      %lt3A_458 = arith.cmpi slt, %rem3A_454, %lt3A_457 : i32
      %lt3A_459 = arith.constant 0 : i32
      %lt3A_460 = arith.cmpi slt, %select_n3A_453, %lt3A_459 : i32
      %ne3A_461 = arith.xori %lt3A_458, %lt3A_460 : i1
      %and3A_462 = arith.andi %ne3A_461, %ne3A_456 : i1
      %add3A_463 = arith.addi %rem3A_454, %select_n3A_453 : i32
      %select_n3A_464 = arith.select %and3A_462, %add3A_463, %rem3A_454 : i32
      %jit3A_465 = arith.constant 8 : i32
      %div3A_466 = arith.divsi %select_n3A_448, %jit3A_465 : i32
      %sign3A_467 = arith.constant 0 : i32
      %sign3A_468 = arith.cmpi sgt, %select_n3A_448, %sign3A_467 : i32
      %sign3A_469 = arith.extui %sign3A_468 : i1 to i32
      %sign3A_470 = arith.constant 0 : i32
      %sign3A_471 = arith.cmpi slt, %select_n3A_448, %sign3A_470 : i32
      %sign3A_472 = arith.extui %sign3A_471 : i1 to i32
      %sign3A_473 = arith.subi %sign3A_469, %sign3A_472 : i32
      %sign3A_474 = arith.constant 0 : i32
      %sign3A_475 = arith.cmpi sgt, %jit3A_465, %sign3A_474 : i32
      %sign3A_476 = arith.extui %sign3A_475 : i1 to i32
      %sign3A_477 = arith.constant 0 : i32
      %sign3A_478 = arith.cmpi slt, %jit3A_465, %sign3A_477 : i32
      %sign3A_479 = arith.extui %sign3A_478 : i1 to i32
      %sign3A_480 = arith.subi %sign3A_476, %sign3A_479 : i32
      %ne3A_481 = arith.cmpi ne, %sign3A_473, %sign3A_480 : i32
      %rem3A_482 = arith.remsi %select_n3A_448, %jit3A_465 : i32
      %ne3A_483 = arith.constant 0 : i32
      %ne3A_484 = arith.cmpi ne, %rem3A_482, %ne3A_483 : i32
      %and3A_485 = arith.andi %ne3A_481, %ne3A_484 : i1
      %sub3A_486 = arith.constant 1 : i32
      %sub3A_487 = arith.subi %div3A_466, %sub3A_486 : i32
      %select_n3A_488 = arith.select %and3A_485, %sub3A_487, %div3A_466 : i32
      %jit3A_489 = arith.constant 8 : i32
      %eq3A_490 = arith.constant 0 : i32
      %eq3A_491 = arith.cmpi eq, %jit3A_489, %eq3A_490 : i32
      %jit3A_492 = arith.constant 1 : i32
      %select_n3A_493 = arith.select %eq3A_491, %jit3A_492, %jit3A_489 : i32
      %rem3A_494 = arith.remsi %select_n3A_448, %select_n3A_493 : i32
      %ne3A_495 = arith.constant 0 : i32
      %ne3A_496 = arith.cmpi ne, %rem3A_494, %ne3A_495 : i32
      %lt3A_497 = arith.constant 0 : i32
      %lt3A_498 = arith.cmpi slt, %rem3A_494, %lt3A_497 : i32
      %lt3A_499 = arith.constant 0 : i32
      %lt3A_500 = arith.cmpi slt, %select_n3A_493, %lt3A_499 : i32
      %ne3A_501 = arith.xori %lt3A_498, %lt3A_500 : i1
      %and3A_502 = arith.andi %ne3A_501, %ne3A_496 : i1
      %add3A_503 = arith.addi %rem3A_494, %select_n3A_493 : i32
      %select_n3A_504 = arith.select %and3A_502, %add3A_503, %rem3A_494 : i32
      %mul3A_505 = arith.constant 16 : i32
      %mul3A_506 = arith.muli %select_n3A_504, %mul3A_505 : i32
      %get3A_507 = arith.index_cast %select_n3A_488 : i32 to index
      %get3A_508 = arith.index_cast %mul3A_506 : i32 to index
      %get3A_509 = tpu.vector_load %arg11[%get3A_507, %get3A_508] {strides = array<i32>} : memref<40x128xi32, #tpu.memory_space<vmem>>, vector<1x16xi32>,
      %get3A_510 = vector.shape_cast %get3A_509 : vector<1x16xi32> to vector<16xi32>
      %mul3A_511 = arith.constant 1 : i32
      %mul3A_512 = vector.broadcast %mul3A_511 : i32 to vector<16xi32>
      %mul3A_513 = arith.muli %get3A_510, %mul3A_512 : vector<16xi32>
      %add3A_514 = vector.broadcast %select_n3A_464 : i32 to vector<16xi32>
      %add3A_515 = arith.addi %mul3A_513, %add3A_514 : vector<16xi32>
      %get3A_516 = arith.index_cast %select_n3A_488 : i32 to index
      %get3A_517 = arith.index_cast %mul3A_506 : i32 to index
      %get3A_518 = tpu.vector_load %arg12[%get3A_516, %get3A_517] {strides = array<i32>} : memref<40x128xi32, #tpu.memory_space<vmem>>, vector<1x16xi32>,
      %get3A_519 = vector.shape_cast %get3A_518 : vector<1x16xi32> to vector<16xi32>
      %mul3A_520 = arith.constant 1 : i32
      %mul3A_521 = vector.broadcast %mul3A_520 : i32 to vector<16xi32>
      %mul3A_522 = arith.muli %get3A_519, %mul3A_521 : vector<16xi32>
      %add3A_523 = vector.broadcast %select_n3A_464 : i32 to vector<16xi32>
      %add3A_524 = arith.addi %mul3A_522, %add3A_523 : vector<16xi32>
      %get3A_525 = arith.index_cast %select_n3A_488 : i32 to index
      %get3A_526 = arith.index_cast %mul3A_506 : i32 to index
      %get3A_527 = tpu.vector_load %arg12[%get3A_525, %get3A_526] {strides = array<i32>} : memref<40x128xi32, #tpu.memory_space<vmem>>, vector<1x16xi32>,
      %get3A_528 = vector.shape_cast %get3A_527 : vector<1x16xi32> to vector<16xi32>
      %dma_start3A_529 = arith.constant 0 : i32
      %dma_start3A_530 = arith.constant 0 : i32
      %dma_start3A_531 = tpu.memref_slice %arg20[%dma_start3A_529, %dma_start3A_530] : memref<10016x16xf32, #tpu.memory_space<vmem_shared>> -> memref<10016x16xf32, #tpu.memory_space<vmem_shared>>
      tpu.enqueue_indirect_dma source(%arg17 : memref<16x16xf32, #tpu.memory_space<vmem>>) target(%dma_start3A_531 : memref<10016x16xf32, #tpu.memory_space<vmem_shared>>) offsets(%get3A_528 : vector<16xi32>) semaphore(%arg25 : memref<!tpu.dma_semaphore, #tpu.memory_space<semaphore_mem>>) {add = true}
      %mul3A_532 = arith.constant 2 : i32
      %mul3A_533 = arith.muli %scan3A_195, %mul3A_532 : i32
      %add3A_534 = arith.constant 1 : i32
      %add3A_535 = arith.addi %mul3A_533, %add3A_534 : i32
      %add3A_536 = arith.constant 1 : i32
      %add3A_537 = arith.addi %add3A_535, %add3A_536 : i32
      %min3A_538 = arith.constant 319 : i32
      %min3A_539 = arith.minsi %add3A_537, %min3A_538 : i32
      %jit3A_540 = arith.constant 1 : i32
      %div3A_541 = arith.divsi %min3A_539, %jit3A_540 : i32
      %sign3A_542 = arith.constant 0 : i32
      %sign3A_543 = arith.cmpi sgt, %min3A_539, %sign3A_542 : i32
      %sign3A_544 = arith.extui %sign3A_543 : i1 to i32
      %sign3A_545 = arith.constant 0 : i32
      %sign3A_546 = arith.cmpi slt, %min3A_539, %sign3A_545 : i32
      %sign3A_547 = arith.extui %sign3A_546 : i1 to i32
      %sign3A_548 = arith.subi %sign3A_544, %sign3A_547 : i32
      %sign3A_549 = arith.constant 0 : i32
      %sign3A_550 = arith.cmpi sgt, %jit3A_540, %sign3A_549 : i32
      %sign3A_551 = arith.extui %sign3A_550 : i1 to i32
      %sign3A_552 = arith.constant 0 : i32
      %sign3A_553 = arith.cmpi slt, %jit3A_540, %sign3A_552 : i32
      %sign3A_554 = arith.extui %sign3A_553 : i1 to i32
      %sign3A_555 = arith.subi %sign3A_551, %sign3A_554 : i32
      %ne3A_556 = arith.cmpi ne, %sign3A_548, %sign3A_555 : i32
      %rem3A_557 = arith.remsi %min3A_539, %jit3A_540 : i32
      %ne3A_558 = arith.constant 0 : i32
      %ne3A_559 = arith.cmpi ne, %rem3A_557, %ne3A_558 : i32
      %and3A_560 = arith.andi %ne3A_556, %ne3A_559 : i1
      %sub3A_561 = arith.constant 1 : i32
      %sub3A_562 = arith.subi %div3A_541, %sub3A_561 : i32
      %select_n3A_563 = arith.select %and3A_560, %sub3A_562, %div3A_541 : i32
      %jit3A_564 = arith.constant 1 : i32
      %eq3A_565 = arith.constant 0 : i32
      %eq3A_566 = arith.cmpi eq, %jit3A_564, %eq3A_565 : i32
      %jit3A_567 = arith.constant 1 : i32
      %select_n3A_568 = arith.select %eq3A_566, %jit3A_567, %jit3A_564 : i32
      %rem3A_569 = arith.remsi %min3A_539, %select_n3A_568 : i32
      %ne3A_570 = arith.constant 0 : i32
      %ne3A_571 = arith.cmpi ne, %rem3A_569, %ne3A_570 : i32
      %lt3A_572 = arith.constant 0 : i32
      %lt3A_573 = arith.cmpi slt, %rem3A_569, %lt3A_572 : i32
      %lt3A_574 = arith.constant 0 : i32
      %lt3A_575 = arith.cmpi slt, %select_n3A_568, %lt3A_574 : i32
      %ne3A_576 = arith.xori %lt3A_573, %lt3A_575 : i1
      %and3A_577 = arith.andi %ne3A_576, %ne3A_571 : i1
      %add3A_578 = arith.addi %rem3A_569, %select_n3A_568 : i32
      %select_n3A_579 = arith.select %and3A_577, %add3A_578, %rem3A_569 : i32
      %jit3A_580 = arith.constant 8 : i32
      %div3A_581 = arith.divsi %select_n3A_563, %jit3A_580 : i32
      %sign3A_582 = arith.constant 0 : i32
      %sign3A_583 = arith.cmpi sgt, %select_n3A_563, %sign3A_582 : i32
      %sign3A_584 = arith.extui %sign3A_583 : i1 to i32
      %sign3A_585 = arith.constant 0 : i32
      %sign3A_586 = arith.cmpi slt, %select_n3A_563, %sign3A_585 : i32
      %sign3A_587 = arith.extui %sign3A_586 : i1 to i32
      %sign3A_588 = arith.subi %sign3A_584, %sign3A_587 : i32
      %sign3A_589 = arith.constant 0 : i32
      %sign3A_590 = arith.cmpi sgt, %jit3A_580, %sign3A_589 : i32
      %sign3A_591 = arith.extui %sign3A_590 : i1 to i32
      %sign3A_592 = arith.constant 0 : i32
      %sign3A_593 = arith.cmpi slt, %jit3A_580, %sign3A_592 : i32
      %sign3A_594 = arith.extui %sign3A_593 : i1 to i32
      %sign3A_595 = arith.subi %sign3A_591, %sign3A_594 : i32
      %ne3A_596 = arith.cmpi ne, %sign3A_588, %sign3A_595 : i32
      %rem3A_597 = arith.remsi %select_n3A_563, %jit3A_580 : i32
      %ne3A_598 = arith.constant 0 : i32
      %ne3A_599 = arith.cmpi ne, %rem3A_597, %ne3A_598 : i32
      %and3A_600 = arith.andi %ne3A_596, %ne3A_599 : i1
      %sub3A_601 = arith.constant 1 : i32
      %sub3A_602 = arith.subi %div3A_581, %sub3A_601 : i32
      %select_n3A_603 = arith.select %and3A_600, %sub3A_602, %div3A_581 : i32
      %jit3A_604 = arith.constant 8 : i32
      %eq3A_605 = arith.constant 0 : i32
      %eq3A_606 = arith.cmpi eq, %jit3A_604, %eq3A_605 : i32
      %jit3A_607 = arith.constant 1 : i32
      %select_n3A_608 = arith.select %eq3A_606, %jit3A_607, %jit3A_604 : i32
      %rem3A_609 = arith.remsi %select_n3A_563, %select_n3A_608 : i32
      %ne3A_610 = arith.constant 0 : i32
      %ne3A_611 = arith.cmpi ne, %rem3A_609, %ne3A_610 : i32
      %lt3A_612 = arith.constant 0 : i32
      %lt3A_613 = arith.cmpi slt, %rem3A_609, %lt3A_612 : i32
      %lt3A_614 = arith.constant 0 : i32
      %lt3A_615 = arith.cmpi slt, %select_n3A_608, %lt3A_614 : i32
      %ne3A_616 = arith.xori %lt3A_613, %lt3A_615 : i1
      %and3A_617 = arith.andi %ne3A_616, %ne3A_611 : i1
      %add3A_618 = arith.addi %rem3A_609, %select_n3A_608 : i32
      %select_n3A_619 = arith.select %and3A_617, %add3A_618, %rem3A_609 : i32
      %mul3A_620 = arith.constant 16 : i32
      %mul3A_621 = arith.muli %select_n3A_619, %mul3A_620 : i32
      %get3A_622 = arith.index_cast %select_n3A_603 : i32 to index
      %get3A_623 = arith.index_cast %mul3A_621 : i32 to index
      %get3A_624 = tpu.vector_load %arg11[%get3A_622, %get3A_623] {strides = array<i32>} : memref<40x128xi32, #tpu.memory_space<vmem>>, vector<1x16xi32>,
      %get3A_625 = vector.shape_cast %get3A_624 : vector<1x16xi32> to vector<16xi32>
      %mul3A_626 = arith.constant 1 : i32
      %mul3A_627 = vector.broadcast %mul3A_626 : i32 to vector<16xi32>
      %mul3A_628 = arith.muli %get3A_625, %mul3A_627 : vector<16xi32>
      %add3A_629 = vector.broadcast %select_n3A_579 : i32 to vector<16xi32>
      %add3A_630 = arith.addi %mul3A_628, %add3A_629 : vector<16xi32>
      %get3A_631 = arith.index_cast %select_n3A_603 : i32 to index
      %get3A_632 = arith.index_cast %mul3A_621 : i32 to index
      %get3A_633 = tpu.vector_load %arg12[%get3A_631, %get3A_632] {strides = array<i32>} : memref<40x128xi32, #tpu.memory_space<vmem>>, vector<1x16xi32>,
      %get3A_634 = vector.shape_cast %get3A_633 : vector<1x16xi32> to vector<16xi32>
      %mul3A_635 = arith.constant 1 : i32
      %mul3A_636 = vector.broadcast %mul3A_635 : i32 to vector<16xi32>
      %mul3A_637 = arith.muli %get3A_634, %mul3A_636 : vector<16xi32>
      %add3A_638 = vector.broadcast %select_n3A_579 : i32 to vector<16xi32>
      %add3A_639 = arith.addi %mul3A_637, %add3A_638 : vector<16xi32>
      %get3A_640 = arith.index_cast %select_n3A_603 : i32 to index
      %get3A_641 = arith.index_cast %mul3A_621 : i32 to index
      %get3A_642 = tpu.vector_load %arg12[%get3A_640, %get3A_641] {strides = array<i32>} : memref<40x128xi32, #tpu.memory_space<vmem>>, vector<1x16xi32>,
      %get3A_643 = vector.shape_cast %get3A_642 : vector<1x16xi32> to vector<16xi32>
      %dma_start3A_644 = arith.constant 0 : i32
      %dma_start3A_645 = arith.constant 0 : i32
      %dma_start3A_646 = tpu.memref_slice %arg4[%dma_start3A_644, %dma_start3A_645] : memref<10000x512xf32, #tpu.memory_space<hbm>> -> memref<10000x512xf32, #tpu.memory_space<hbm>>
      tpu.enqueue_indirect_dma source(%dma_start3A_646 : memref<10000x512xf32, #tpu.memory_space<hbm>>) target(%arg13 : memref<16x512xf32, #tpu.memory_space<vmem>>) offsets(%add3A_630 : vector<16xi32>) semaphore(%arg21 : memref<!tpu.dma_semaphore, #tpu.memory_space<semaphore_mem>>)
      %dma_start3A_647 = arith.constant 0 : i32
      %dma_start3A_648 = arith.constant 0 : i32
      %dma_start3A_649 = tpu.memref_slice %arg5[%dma_start3A_647, %dma_start3A_648] : memref<10000x512xf32, #tpu.memory_space<hbm>> -> memref<10000x512xf32, #tpu.memory_space<hbm>>
      tpu.enqueue_indirect_dma source(%dma_start3A_649 : memref<10000x512xf32, #tpu.memory_space<hbm>>) target(%arg15 : memref<16x512xf32, #tpu.memory_space<vmem>>) offsets(%add3A_639 : vector<16xi32>) semaphore(%arg23 : memref<!tpu.dma_semaphore, #tpu.memory_space<semaphore_mem>>)
      %dma_wait3A_650 = arith.constant 0 : i32
      %dma_wait3A_651 = arith.constant 0 : i32
      %dma_wait3A_652 = tpu.memref_slice %arg4[%dma_wait3A_650, %dma_wait3A_651] : memref<10000x512xf32, #tpu.memory_space<hbm>> -> memref<10000x512xf32, #tpu.memory_space<hbm>>
      tpu.wait_indirect_dma semaphore(%arg22 : memref<!tpu.dma_semaphore, #tpu.memory_space<semaphore_mem>>) src(%dma_wait3A_652 : memref<10000x512xf32, #tpu.memory_space<hbm>>) dst(%arg14 : memref<16x512xf32, #tpu.memory_space<vmem>>)
      %dma_wait3A_653 = arith.constant 0 : i32
      %dma_wait3A_654 = arith.constant 0 : i32
      %dma_wait3A_655 = tpu.memref_slice %arg5[%dma_wait3A_653, %dma_wait3A_654] : memref<10000x512xf32, #tpu.memory_space<hbm>> -> memref<10000x512xf32, #tpu.memory_space<hbm>>
      tpu.wait_indirect_dma semaphore(%arg24 : memref<!tpu.dma_semaphore, #tpu.memory_space<semaphore_mem>>) src(%dma_wait3A_655 : memref<10000x512xf32, #tpu.memory_space<hbm>>) dst(%arg16 : memref<16x512xf32, #tpu.memory_space<vmem>>)
      %jit3A_656 = arith.constant 1 : i32
      %div3A_657 = arith.divsi %add3A_535, %jit3A_656 : i32
      %sign3A_658 = arith.constant 0 : i32
      %sign3A_659 = arith.cmpi sgt, %add3A_535, %sign3A_658 : i32
      %sign3A_660 = arith.extui %sign3A_659 : i1 to i32
      %sign3A_661 = arith.constant 0 : i32
      %sign3A_662 = arith.cmpi slt, %add3A_535, %sign3A_661 : i32
      %sign3A_663 = arith.extui %sign3A_662 : i1 to i32
      %sign3A_664 = arith.subi %sign3A_660, %sign3A_663 : i32
      %sign3A_665 = arith.constant 0 : i32
      %sign3A_666 = arith.cmpi sgt, %jit3A_656, %sign3A_665 : i32
      %sign3A_667 = arith.extui %sign3A_666 : i1 to i32
      %sign3A_668 = arith.constant 0 : i32
      %sign3A_669 = arith.cmpi slt, %jit3A_656, %sign3A_668 : i32
      %sign3A_670 = arith.extui %sign3A_669 : i1 to i32
      %sign3A_671 = arith.subi %sign3A_667, %sign3A_670 : i32
      %ne3A_672 = arith.cmpi ne, %sign3A_664, %sign3A_671 : i32
      %rem3A_673 = arith.remsi %add3A_535, %jit3A_656 : i32
      %ne3A_674 = arith.constant 0 : i32
      %ne3A_675 = arith.cmpi ne, %rem3A_673, %ne3A_674 : i32
      %and3A_676 = arith.andi %ne3A_672, %ne3A_675 : i1
      %sub3A_677 = arith.constant 1 : i32
      %sub3A_678 = arith.subi %div3A_657, %sub3A_677 : i32
      %select_n3A_679 = arith.select %and3A_676, %sub3A_678, %div3A_657 : i32
      %jit3A_680 = arith.constant 1 : i32
      %eq3A_681 = arith.constant 0 : i32
      %eq3A_682 = arith.cmpi eq, %jit3A_680, %eq3A_681 : i32
      %jit3A_683 = arith.constant 1 : i32
      %select_n3A_684 = arith.select %eq3A_682, %jit3A_683, %jit3A_680 : i32
      %rem3A_685 = arith.remsi %add3A_535, %select_n3A_684 : i32
      %ne3A_686 = arith.constant 0 : i32
      %ne3A_687 = arith.cmpi ne, %rem3A_685, %ne3A_686 : i32
      %lt3A_688 = arith.constant 0 : i32
      %lt3A_689 = arith.cmpi slt, %rem3A_685, %lt3A_688 : i32
      %lt3A_690 = arith.constant 0 : i32
      %lt3A_691 = arith.cmpi slt, %select_n3A_684, %lt3A_690 : i32
      %ne3A_692 = arith.xori %lt3A_689, %lt3A_691 : i1
      %and3A_693 = arith.andi %ne3A_692, %ne3A_687 : i1
      %add3A_694 = arith.addi %rem3A_685, %select_n3A_684 : i32
      %select_n3A_695 = arith.select %and3A_693, %add3A_694, %rem3A_685 : i32
      %jit3A_696 = arith.constant 8 : i32
      %div3A_697 = arith.divsi %select_n3A_679, %jit3A_696 : i32
      %sign3A_698 = arith.constant 0 : i32
      %sign3A_699 = arith.cmpi sgt, %select_n3A_679, %sign3A_698 : i32
      %sign3A_700 = arith.extui %sign3A_699 : i1 to i32
      %sign3A_701 = arith.constant 0 : i32
      %sign3A_702 = arith.cmpi slt, %select_n3A_679, %sign3A_701 : i32
      %sign3A_703 = arith.extui %sign3A_702 : i1 to i32
      %sign3A_704 = arith.subi %sign3A_700, %sign3A_703 : i32
      %sign3A_705 = arith.constant 0 : i32
      %sign3A_706 = arith.cmpi sgt, %jit3A_696, %sign3A_705 : i32
      %sign3A_707 = arith.extui %sign3A_706 : i1 to i32
      %sign3A_708 = arith.constant 0 : i32
      %sign3A_709 = arith.cmpi slt, %jit3A_696, %sign3A_708 : i32
      %sign3A_710 = arith.extui %sign3A_709 : i1 to i32
      %sign3A_711 = arith.subi %sign3A_707, %sign3A_710 : i32
      %ne3A_712 = arith.cmpi ne, %sign3A_704, %sign3A_711 : i32
      %rem3A_713 = arith.remsi %select_n3A_679, %jit3A_696 : i32
      %ne3A_714 = arith.constant 0 : i32
      %ne3A_715 = arith.cmpi ne, %rem3A_713, %ne3A_714 : i32
      %and3A_716 = arith.andi %ne3A_712, %ne3A_715 : i1
      %sub3A_717 = arith.constant 1 : i32
      %sub3A_718 = arith.subi %div3A_697, %sub3A_717 : i32
      %select_n3A_719 = arith.select %and3A_716, %sub3A_718, %div3A_697 : i32
      %jit3A_720 = arith.constant 8 : i32
      %eq3A_721 = arith.constant 0 : i32
      %eq3A_722 = arith.cmpi eq, %jit3A_720, %eq3A_721 : i32
      %jit3A_723 = arith.constant 1 : i32
      %select_n3A_724 = arith.select %eq3A_722, %jit3A_723, %jit3A_720 : i32
      %rem3A_725 = arith.remsi %select_n3A_679, %select_n3A_724 : i32
      %ne3A_726 = arith.constant 0 : i32
      %ne3A_727 = arith.cmpi ne, %rem3A_725, %ne3A_726 : i32
      %lt3A_728 = arith.constant 0 : i32
      %lt3A_729 = arith.cmpi slt, %rem3A_725, %lt3A_728 : i32
      %lt3A_730 = arith.constant 0 : i32
      %lt3A_731 = arith.cmpi slt, %select_n3A_724, %lt3A_730 : i32
      %ne3A_732 = arith.xori %lt3A_729, %lt3A_731 : i1
      %and3A_733 = arith.andi %ne3A_732, %ne3A_727 : i1
      %add3A_734 = arith.addi %rem3A_725, %select_n3A_724 : i32
      %select_n3A_735 = arith.select %and3A_733, %add3A_734, %rem3A_725 : i32
      %mul3A_736 = arith.constant 16 : i32
      %mul3A_737 = arith.muli %select_n3A_735, %mul3A_736 : i32
      %get3A_738 = arith.index_cast %select_n3A_719 : i32 to index
      %get3A_739 = arith.index_cast %mul3A_737 : i32 to index
      %get3A_740 = tpu.vector_load %arg11[%get3A_738, %get3A_739] {strides = array<i32>} : memref<40x128xi32, #tpu.memory_space<vmem>>, vector<1x16xi32>,
      %get3A_741 = vector.shape_cast %get3A_740 : vector<1x16xi32> to vector<16xi32>
      %mul3A_742 = arith.constant 1 : i32
      %mul3A_743 = vector.broadcast %mul3A_742 : i32 to vector<16xi32>
      %mul3A_744 = arith.muli %get3A_741, %mul3A_743 : vector<16xi32>
      %add3A_745 = vector.broadcast %select_n3A_695 : i32 to vector<16xi32>
      %add3A_746 = arith.addi %mul3A_744, %add3A_745 : vector<16xi32>
      %get3A_747 = arith.index_cast %select_n3A_719 : i32 to index
      %get3A_748 = arith.index_cast %mul3A_737 : i32 to index
      %get3A_749 = tpu.vector_load %arg12[%get3A_747, %get3A_748] {strides = array<i32>} : memref<40x128xi32, #tpu.memory_space<vmem>>, vector<1x16xi32>,
      %get3A_750 = vector.shape_cast %get3A_749 : vector<1x16xi32> to vector<16xi32>
      %mul3A_751 = arith.constant 1 : i32
      %mul3A_752 = vector.broadcast %mul3A_751 : i32 to vector<16xi32>
      %mul3A_753 = arith.muli %get3A_750, %mul3A_752 : vector<16xi32>
      %add3A_754 = vector.broadcast %select_n3A_695 : i32 to vector<16xi32>
      %add3A_755 = arith.addi %mul3A_753, %add3A_754 : vector<16xi32>
      %get3A_756 = arith.index_cast %select_n3A_719 : i32 to index
      %get3A_757 = arith.index_cast %mul3A_737 : i32 to index
      %get3A_758 = tpu.vector_load %arg12[%get3A_756, %get3A_757] {strides = array<i32>} : memref<40x128xi32, #tpu.memory_space<vmem>>, vector<1x16xi32>,
      %get3A_759 = vector.shape_cast %get3A_758 : vector<1x16xi32> to vector<16xi32>
      %dma_wait3A_760 = arith.constant 0 : i32
      %dma_wait3A_761 = arith.constant 0 : i32
      %dma_wait3A_762 = tpu.memref_slice %arg20[%dma_wait3A_760, %dma_wait3A_761] : memref<10016x16xf32, #tpu.memory_space<vmem_shared>> -> memref<10016x16xf32, #tpu.memory_space<vmem_shared>>
      tpu.wait_indirect_dma semaphore(%arg26 : memref<!tpu.dma_semaphore, #tpu.memory_space<semaphore_mem>>) src(%arg18 : memref<16x16xf32, #tpu.memory_space<vmem>>) dst(%dma_wait3A_762 : memref<10016x16xf32, #tpu.memory_space<vmem_shared>>)
      %scan3A_763 = arith.constant 0 : i32
      %scan3A_764 = arith.constant 0 : i32
      %scan3A_765 = arith.constant 8 : i32
      %scan3A_766 = arith.addi %scan3A_764, %scan3A_765 : i32
      %scan3A_767 = arith.constant 1 : i32
      %scan3A_768 = scf.for %scan3A_878 = %scan3A_764 to %scan3A_766 step %scan3A_767 iter_args(%scan3A_879 = %scan3A_763) -> (i32)  : i32 {
        %mul3A_880 = arith.constant 2 : i32
        %mul3A_881 = arith.muli %scan3A_878, %mul3A_880 : i32
        %add3A_882 = arith.constant 0 : i32
        %add3A_883 = arith.addi %mul3A_881, %add3A_882 : i32
        %get3A_884 = arith.index_cast %add3A_883 : i32 to index
        %get3A_885 = arith.constant 0 : index
        %get3A_886 = tpu.vector_load %arg14[%get3A_884, %get3A_885] {strides = array<i32>} : memref<16x512xf32, #tpu.memory_space<vmem>>, vector<1x16xf32>,
        %get3A_887 = vector.shape_cast %get3A_886 : vector<1x16xf32> to vector<16xf32>
        %get3A_888 = arith.index_cast %add3A_883 : i32 to index
        %get3A_889 = arith.constant 0 : index
        %get3A_890 = tpu.vector_load %arg16[%get3A_888, %get3A_889] {strides = array<i32>} : memref<16x512xf32, #tpu.memory_space<vmem>>, vector<1x16xf32>,
        %get3A_891 = vector.shape_cast %get3A_890 : vector<1x16xf32> to vector<16xf32>
        %mul3A_892 = arith.mulf %get3A_887, %get3A_891 : vector<16xf32>
        %add3A_893 = arith.addf %broadcast_in_dim3A_1, %mul3A_892 : vector<16xf32>
        %get3A_894 = arith.index_cast %add3A_883 : i32 to index
        %get3A_895 = arith.constant 16 : index
        %get3A_896 = tpu.vector_load %arg14[%get3A_894, %get3A_895] {strides = array<i32>} : memref<16x512xf32, #tpu.memory_space<vmem>>, vector<1x16xf32>,
        %get3A_897 = vector.shape_cast %get3A_896 : vector<1x16xf32> to vector<16xf32>
        %get3A_898 = arith.index_cast %add3A_883 : i32 to index
        %get3A_899 = arith.constant 16 : index
        %get3A_900 = tpu.vector_load %arg16[%get3A_898, %get3A_899] {strides = array<i32>} : memref<16x512xf32, #tpu.memory_space<vmem>>, vector<1x16xf32>,
        %get3A_901 = vector.shape_cast %get3A_900 : vector<1x16xf32> to vector<16xf32>
        %mul3A_902 = arith.mulf %get3A_897, %get3A_901 : vector<16xf32>
        %add3A_903 = arith.addf %broadcast_in_dim3A_1, %mul3A_902 : vector<16xf32>
        %get3A_904 = arith.index_cast %add3A_883 : i32 to index
        %get3A_905 = arith.constant 32 : index
        %get3A_906 = tpu.vector_load %arg14[%get3A_904, %get3A_905] {strides = array<i32>} : memref<16x512xf32, #tpu.memory_space<vmem>>, vector<1x16xf32>,
        %get3A_907 = vector.shape_cast %get3A_906 : vector<1x16xf32> to vector<16xf32>
        %get3A_908 = arith.index_cast %add3A_883 : i32 to index
        %get3A_909 = arith.constant 32 : index
        %get3A_910 = tpu.vector_load %arg16[%get3A_908, %get3A_909] {strides = array<i32>} : memref<16x512xf32, #tpu.memory_space<vmem>>, vector<1x16xf32>,
        %get3A_911 = vector.shape_cast %get3A_910 : vector<1x16xf32> to vector<16xf32>
        %mul3A_912 = arith.mulf %get3A_907, %get3A_911 : vector<16xf32>
        %add3A_913 = arith.addf %broadcast_in_dim3A_1, %mul3A_912 : vector<16xf32>
        %get3A_914 = arith.index_cast %add3A_883 : i32 to index
        %get3A_915 = arith.constant 48 : index
        %get3A_916 = tpu.vector_load %arg14[%get3A_914, %get3A_915] {strides = array<i32>} : memref<16x512xf32, #tpu.memory_space<vmem>>, vector<1x16xf32>,
        %get3A_917 = vector.shape_cast %get3A_916 : vector<1x16xf32> to vector<16xf32>
        %get3A_918 = arith.index_cast %add3A_883 : i32 to index
        %get3A_919 = arith.constant 48 : index
        %get3A_920 = tpu.vector_load %arg16[%get3A_918, %get3A_919] {strides = array<i32>} : memref<16x512xf32, #tpu.memory_space<vmem>>, vector<1x16xf32>,
        %get3A_921 = vector.shape_cast %get3A_920 : vector<1x16xf32> to vector<16xf32>
        %mul3A_922 = arith.mulf %get3A_917, %get3A_921 : vector<16xf32>
        %add3A_923 = arith.addf %broadcast_in_dim3A_1, %mul3A_922 : vector<16xf32>
        %get3A_924 = arith.index_cast %add3A_883 : i32 to index
        %get3A_925 = arith.constant 64 : index
        %get3A_926 = tpu.vector_load %arg14[%get3A_924, %get3A_925] {strides = array<i32>} : memref<16x512xf32, #tpu.memory_space<vmem>>, vector<1x16xf32>,
        %get3A_927 = vector.shape_cast %get3A_926 : vector<1x16xf32> to vector<16xf32>
        %get3A_928 = arith.index_cast %add3A_883 : i32 to index
        %get3A_929 = arith.constant 64 : index
        %get3A_930 = tpu.vector_load %arg16[%get3A_928, %get3A_929] {strides = array<i32>} : memref<16x512xf32, #tpu.memory_space<vmem>>, vector<1x16xf32>,
        %get3A_931 = vector.shape_cast %get3A_930 : vector<1x16xf32> to vector<16xf32>
        %mul3A_932 = arith.mulf %get3A_927, %get3A_931 : vector<16xf32>
        %add3A_933 = arith.addf %add3A_893, %mul3A_932 : vector<16xf32>
        %get3A_934 = arith.index_cast %add3A_883 : i32 to index
        %get3A_935 = arith.constant 80 : index
        %get3A_936 = tpu.vector_load %arg14[%get3A_934, %get3A_935] {strides = array<i32>} : memref<16x512xf32, #tpu.memory_space<vmem>>, vector<1x16xf32>,
        %get3A_937 = vector.shape_cast %get3A_936 : vector<1x16xf32> to vector<16xf32>
        %get3A_938 = arith.index_cast %add3A_883 : i32 to index
        %get3A_939 = arith.constant 80 : index
        %get3A_940 = tpu.vector_load %arg16[%get3A_938, %get3A_939] {strides = array<i32>} : memref<16x512xf32, #tpu.memory_space<vmem>>, vector<1x16xf32>,
        %get3A_941 = vector.shape_cast %get3A_940 : vector<1x16xf32> to vector<16xf32>
        %mul3A_942 = arith.mulf %get3A_937, %get3A_941 : vector<16xf32>
        %add3A_943 = arith.addf %add3A_903, %mul3A_942 : vector<16xf32>
        %get3A_944 = arith.index_cast %add3A_883 : i32 to index
        %get3A_945 = arith.constant 96 : index
        %get3A_946 = tpu.vector_load %arg14[%get3A_944, %get3A_945] {strides = array<i32>} : memref<16x512xf32, #tpu.memory_space<vmem>>, vector<1x16xf32>,
        %get3A_947 = vector.shape_cast %get3A_946 : vector<1x16xf32> to vector<16xf32>
        %get3A_948 = arith.index_cast %add3A_883 : i32 to index
        %get3A_949 = arith.constant 96 : index
        %get3A_950 = tpu.vector_load %arg16[%get3A_948, %get3A_949] {strides = array<i32>} : memref<16x512xf32, #tpu.memory_space<vmem>>, vector<1x16xf32>,
        %get3A_951 = vector.shape_cast %get3A_950 : vector<1x16xf32> to vector<16xf32>
        %mul3A_952 = arith.mulf %get3A_947, %get3A_951 : vector<16xf32>
        %add3A_953 = arith.addf %add3A_913, %mul3A_952 : vector<16xf32>
        %get3A_954 = arith.index_cast %add3A_883 : i32 to index
        %get3A_955 = arith.constant 112 : index
        %get3A_956 = tpu.vector_load %arg14[%get3A_954, %get3A_955] {strides = array<i32>} : memref<16x512xf32, #tpu.memory_space<vmem>>, vector<1x16xf32>,
        %get3A_957 = vector.shape_cast %get3A_956 : vector<1x16xf32> to vector<16xf32>
        %get3A_958 = arith.index_cast %add3A_883 : i32 to index
        %get3A_959 = arith.constant 112 : index
        %get3A_960 = tpu.vector_load %arg16[%get3A_958, %get3A_959] {strides = array<i32>} : memref<16x512xf32, #tpu.memory_space<vmem>>, vector<1x16xf32>,
        %get3A_961 = vector.shape_cast %get3A_960 : vector<1x16xf32> to vector<16xf32>
        %mul3A_962 = arith.mulf %get3A_957, %get3A_961 : vector<16xf32>
        %add3A_963 = arith.addf %add3A_923, %mul3A_962 : vector<16xf32>
        %get3A_964 = arith.index_cast %add3A_883 : i32 to index
        %get3A_965 = arith.constant 128 : index
        %get3A_966 = tpu.vector_load %arg14[%get3A_964, %get3A_965] {strides = array<i32>} : memref<16x512xf32, #tpu.memory_space<vmem>>, vector<1x16xf32>,
        %get3A_967 = vector.shape_cast %get3A_966 : vector<1x16xf32> to vector<16xf32>
        %get3A_968 = arith.index_cast %add3A_883 : i32 to index
        %get3A_969 = arith.constant 128 : index
        %get3A_970 = tpu.vector_load %arg16[%get3A_968, %get3A_969] {strides = array<i32>} : memref<16x512xf32, #tpu.memory_space<vmem>>, vector<1x16xf32>,
        %get3A_971 = vector.shape_cast %get3A_970 : vector<1x16xf32> to vector<16xf32>
        %mul3A_972 = arith.mulf %get3A_967, %get3A_971 : vector<16xf32>
        %add3A_973 = arith.addf %add3A_933, %mul3A_972 : vector<16xf32>
        %get3A_974 = arith.index_cast %add3A_883 : i32 to index
        %get3A_975 = arith.constant 144 : index
        %get3A_976 = tpu.vector_load %arg14[%get3A_974, %get3A_975] {strides = array<i32>} : memref<16x512xf32, #tpu.memory_space<vmem>>, vector<1x16xf32>,
        %get3A_977 = vector.shape_cast %get3A_976 : vector<1x16xf32> to vector<16xf32>
        %get3A_978 = arith.index_cast %add3A_883 : i32 to index
        %get3A_979 = arith.constant 144 : index
        %get3A_980 = tpu.vector_load %arg16[%get3A_978, %get3A_979] {strides = array<i32>} : memref<16x512xf32, #tpu.memory_space<vmem>>, vector<1x16xf32>,
        %get3A_981 = vector.shape_cast %get3A_980 : vector<1x16xf32> to vector<16xf32>
        %mul3A_982 = arith.mulf %get3A_977, %get3A_981 : vector<16xf32>
        %add3A_983 = arith.addf %add3A_943, %mul3A_982 : vector<16xf32>
        %get3A_984 = arith.index_cast %add3A_883 : i32 to index
        %get3A_985 = arith.constant 160 : index
        %get3A_986 = tpu.vector_load %arg14[%get3A_984, %get3A_985] {strides = array<i32>} : memref<16x512xf32, #tpu.memory_space<vmem>>, vector<1x16xf32>,
        %get3A_987 = vector.shape_cast %get3A_986 : vector<1x16xf32> to vector<16xf32>
        %get3A_988 = arith.index_cast %add3A_883 : i32 to index
        %get3A_989 = arith.constant 160 : index
        %get3A_990 = tpu.vector_load %arg16[%get3A_988, %get3A_989] {strides = array<i32>} : memref<16x512xf32, #tpu.memory_space<vmem>>, vector<1x16xf32>,
        %get3A_991 = vector.shape_cast %get3A_990 : vector<1x16xf32> to vector<16xf32>
        %mul3A_992 = arith.mulf %get3A_987, %get3A_991 : vector<16xf32>
        %add3A_993 = arith.addf %add3A_953, %mul3A_992 : vector<16xf32>
        %get3A_994 = arith.index_cast %add3A_883 : i32 to index
        %get3A_995 = arith.constant 176 : index
        %get3A_996 = tpu.vector_load %arg14[%get3A_994, %get3A_995] {strides = array<i32>} : memref<16x512xf32, #tpu.memory_space<vmem>>, vector<1x16xf32>,
        %get3A_997 = vector.shape_cast %get3A_996 : vector<1x16xf32> to vector<16xf32>
        %get3A_998 = arith.index_cast %add3A_883 : i32 to index
        %get3A_999 = arith.constant 176 : index
        %get3A_1000 = tpu.vector_load %arg16[%get3A_998, %get3A_999] {strides = array<i32>} : memref<16x512xf32, #tpu.memory_space<vmem>>, vector<1x16xf32>,
        %get3A_1001 = vector.shape_cast %get3A_1000 : vector<1x16xf32> to vector<16xf32>
        %mul3A_1002 = arith.mulf %get3A_997, %get3A_1001 : vector<16xf32>
        %add3A_1003 = arith.addf %add3A_963, %mul3A_1002 : vector<16xf32>
        %get3A_1004 = arith.index_cast %add3A_883 : i32 to index
        %get3A_1005 = arith.constant 192 : index
        %get3A_1006 = tpu.vector_load %arg14[%get3A_1004, %get3A_1005] {strides = array<i32>} : memref<16x512xf32, #tpu.memory_space<vmem>>, vector<1x16xf32>,
        %get3A_1007 = vector.shape_cast %get3A_1006 : vector<1x16xf32> to vector<16xf32>
        %get3A_1008 = arith.index_cast %add3A_883 : i32 to index
        %get3A_1009 = arith.constant 192 : index
        %get3A_1010 = tpu.vector_load %arg16[%get3A_1008, %get3A_1009] {strides = array<i32>} : memref<16x512xf32, #tpu.memory_space<vmem>>, vector<1x16xf32>,
        %get3A_1011 = vector.shape_cast %get3A_1010 : vector<1x16xf32> to vector<16xf32>
        %mul3A_1012 = arith.mulf %get3A_1007, %get3A_1011 : vector<16xf32>
        %add3A_1013 = arith.addf %add3A_973, %mul3A_1012 : vector<16xf32>
        %get3A_1014 = arith.index_cast %add3A_883 : i32 to index
        %get3A_1015 = arith.constant 208 : index
        %get3A_1016 = tpu.vector_load %arg14[%get3A_1014, %get3A_1015] {strides = array<i32>} : memref<16x512xf32, #tpu.memory_space<vmem>>, vector<1x16xf32>,
        %get3A_1017 = vector.shape_cast %get3A_1016 : vector<1x16xf32> to vector<16xf32>
        %get3A_1018 = arith.index_cast %add3A_883 : i32 to index
        %get3A_1019 = arith.constant 208 : index
        %get3A_1020 = tpu.vector_load %arg16[%get3A_1018, %get3A_1019] {strides = array<i32>} : memref<16x512xf32, #tpu.memory_space<vmem>>, vector<1x16xf32>,
        %get3A_1021 = vector.shape_cast %get3A_1020 : vector<1x16xf32> to vector<16xf32>
        %mul3A_1022 = arith.mulf %get3A_1017, %get3A_1021 : vector<16xf32>
        %add3A_1023 = arith.addf %add3A_983, %mul3A_1022 : vector<16xf32>
        %get3A_1024 = arith.index_cast %add3A_883 : i32 to index
        %get3A_1025 = arith.constant 224 : index
        %get3A_1026 = tpu.vector_load %arg14[%get3A_1024, %get3A_1025] {strides = array<i32>} : memref<16x512xf32, #tpu.memory_space<vmem>>, vector<1x16xf32>,
        %get3A_1027 = vector.shape_cast %get3A_1026 : vector<1x16xf32> to vector<16xf32>
        %get3A_1028 = arith.index_cast %add3A_883 : i32 to index
        %get3A_1029 = arith.constant 224 : index
        %get3A_1030 = tpu.vector_load %arg16[%get3A_1028, %get3A_1029] {strides = array<i32>} : memref<16x512xf32, #tpu.memory_space<vmem>>, vector<1x16xf32>,
        %get3A_1031 = vector.shape_cast %get3A_1030 : vector<1x16xf32> to vector<16xf32>
        %mul3A_1032 = arith.mulf %get3A_1027, %get3A_1031 : vector<16xf32>
        %add3A_1033 = arith.addf %add3A_993, %mul3A_1032 : vector<16xf32>
        %get3A_1034 = arith.index_cast %add3A_883 : i32 to index
        %get3A_1035 = arith.constant 240 : index
        %get3A_1036 = tpu.vector_load %arg14[%get3A_1034, %get3A_1035] {strides = array<i32>} : memref<16x512xf32, #tpu.memory_space<vmem>>, vector<1x16xf32>,
        %get3A_1037 = vector.shape_cast %get3A_1036 : vector<1x16xf32> to vector<16xf32>
        %get3A_1038 = arith.index_cast %add3A_883 : i32 to index
        %get3A_1039 = arith.constant 240 : index
        %get3A_1040 = tpu.vector_load %arg16[%get3A_1038, %get3A_1039] {strides = array<i32>} : memref<16x512xf32, #tpu.memory_space<vmem>>, vector<1x16xf32>,
        %get3A_1041 = vector.shape_cast %get3A_1040 : vector<1x16xf32> to vector<16xf32>
        %mul3A_1042 = arith.mulf %get3A_1037, %get3A_1041 : vector<16xf32>
        %add3A_1043 = arith.addf %add3A_1003, %mul3A_1042 : vector<16xf32>
        %get3A_1044 = arith.index_cast %add3A_883 : i32 to index
        %get3A_1045 = arith.constant 256 : index
        %get3A_1046 = tpu.vector_load %arg14[%get3A_1044, %get3A_1045] {strides = array<i32>} : memref<16x512xf32, #tpu.memory_space<vmem>>, vector<1x16xf32>,
        %get3A_1047 = vector.shape_cast %get3A_1046 : vector<1x16xf32> to vector<16xf32>
        %get3A_1048 = arith.index_cast %add3A_883 : i32 to index
        %get3A_1049 = arith.constant 256 : index
        %get3A_1050 = tpu.vector_load %arg16[%get3A_1048, %get3A_1049] {strides = array<i32>} : memref<16x512xf32, #tpu.memory_space<vmem>>, vector<1x16xf32>,
        %get3A_1051 = vector.shape_cast %get3A_1050 : vector<1x16xf32> to vector<16xf32>
        %mul3A_1052 = arith.mulf %get3A_1047, %get3A_1051 : vector<16xf32>
        %add3A_1053 = arith.addf %add3A_1013, %mul3A_1052 : vector<16xf32>
        %get3A_1054 = arith.index_cast %add3A_883 : i32 to index
        %get3A_1055 = arith.constant 272 : index
        %get3A_1056 = tpu.vector_load %arg14[%get3A_1054, %get3A_1055] {strides = array<i32>} : memref<16x512xf32, #tpu.memory_space<vmem>>, vector<1x16xf32>,
        %get3A_1057 = vector.shape_cast %get3A_1056 : vector<1x16xf32> to vector<16xf32>
        %get3A_1058 = arith.index_cast %add3A_883 : i32 to index
        %get3A_1059 = arith.constant 272 : index
        %get3A_1060 = tpu.vector_load %arg16[%get3A_1058, %get3A_1059] {strides = array<i32>} : memref<16x512xf32, #tpu.memory_space<vmem>>, vector<1x16xf32>,
        %get3A_1061 = vector.shape_cast %get3A_1060 : vector<1x16xf32> to vector<16xf32>
        %mul3A_1062 = arith.mulf %get3A_1057, %get3A_1061 : vector<16xf32>
        %add3A_1063 = arith.addf %add3A_1023, %mul3A_1062 : vector<16xf32>
        %get3A_1064 = arith.index_cast %add3A_883 : i32 to index
        %get3A_1065 = arith.constant 288 : index
        %get3A_1066 = tpu.vector_load %arg14[%get3A_1064, %get3A_1065] {strides = array<i32>} : memref<16x512xf32, #tpu.memory_space<vmem>>, vector<1x16xf32>,
        %get3A_1067 = vector.shape_cast %get3A_1066 : vector<1x16xf32> to vector<16xf32>
        %get3A_1068 = arith.index_cast %add3A_883 : i32 to index
        %get3A_1069 = arith.constant 288 : index
        %get3A_1070 = tpu.vector_load %arg16[%get3A_1068, %get3A_1069] {strides = array<i32>} : memref<16x512xf32, #tpu.memory_space<vmem>>, vector<1x16xf32>,
        %get3A_1071 = vector.shape_cast %get3A_1070 : vector<1x16xf32> to vector<16xf32>
        %mul3A_1072 = arith.mulf %get3A_1067, %get3A_1071 : vector<16xf32>
        %add3A_1073 = arith.addf %add3A_1033, %mul3A_1072 : vector<16xf32>
        %get3A_1074 = arith.index_cast %add3A_883 : i32 to index
        %get3A_1075 = arith.constant 304 : index
        %get3A_1076 = tpu.vector_load %arg14[%get3A_1074, %get3A_1075] {strides = array<i32>} : memref<16x512xf32, #tpu.memory_space<vmem>>, vector<1x16xf32>,
        %get3A_1077 = vector.shape_cast %get3A_1076 : vector<1x16xf32> to vector<16xf32>
        %get3A_1078 = arith.index_cast %add3A_883 : i32 to index
        %get3A_1079 = arith.constant 304 : index
        %get3A_1080 = tpu.vector_load %arg16[%get3A_1078, %get3A_1079] {strides = array<i32>} : memref<16x512xf32, #tpu.memory_space<vmem>>, vector<1x16xf32>,
        %get3A_1081 = vector.shape_cast %get3A_1080 : vector<1x16xf32> to vector<16xf32>
        %mul3A_1082 = arith.mulf %get3A_1077, %get3A_1081 : vector<16xf32>
        %add3A_1083 = arith.addf %add3A_1043, %mul3A_1082 : vector<16xf32>
        %get3A_1084 = arith.index_cast %add3A_883 : i32 to index
        %get3A_1085 = arith.constant 320 : index
        %get3A_1086 = tpu.vector_load %arg14[%get3A_1084, %get3A_1085] {strides = array<i32>} : memref<16x512xf32, #tpu.memory_space<vmem>>, vector<1x16xf32>,
        %get3A_1087 = vector.shape_cast %get3A_1086 : vector<1x16xf32> to vector<16xf32>
        %get3A_1088 = arith.index_cast %add3A_883 : i32 to index
        %get3A_1089 = arith.constant 320 : index
        %get3A_1090 = tpu.vector_load %arg16[%get3A_1088, %get3A_1089] {strides = array<i32>} : memref<16x512xf32, #tpu.memory_space<vmem>>, vector<1x16xf32>,
        %get3A_1091 = vector.shape_cast %get3A_1090 : vector<1x16xf32> to vector<16xf32>
        %mul3A_1092 = arith.mulf %get3A_1087, %get3A_1091 : vector<16xf32>
        %add3A_1093 = arith.addf %add3A_1053, %mul3A_1092 : vector<16xf32>
        %get3A_1094 = arith.index_cast %add3A_883 : i32 to index
        %get3A_1095 = arith.constant 336 : index
        %get3A_1096 = tpu.vector_load %arg14[%get3A_1094, %get3A_1095] {strides = array<i32>} : memref<16x512xf32, #tpu.memory_space<vmem>>, vector<1x16xf32>,
        %get3A_1097 = vector.shape_cast %get3A_1096 : vector<1x16xf32> to vector<16xf32>
        %get3A_1098 = arith.index_cast %add3A_883 : i32 to index
        %get3A_1099 = arith.constant 336 : index
        %get3A_1100 = tpu.vector_load %arg16[%get3A_1098, %get3A_1099] {strides = array<i32>} : memref<16x512xf32, #tpu.memory_space<vmem>>, vector<1x16xf32>,
        %get3A_1101 = vector.shape_cast %get3A_1100 : vector<1x16xf32> to vector<16xf32>
        %mul3A_1102 = arith.mulf %get3A_1097, %get3A_1101 : vector<16xf32>
        %add3A_1103 = arith.addf %add3A_1063, %mul3A_1102 : vector<16xf32>
        %get3A_1104 = arith.index_cast %add3A_883 : i32 to index
        %get3A_1105 = arith.constant 352 : index
        %get3A_1106 = tpu.vector_load %arg14[%get3A_1104, %get3A_1105] {strides = array<i32>} : memref<16x512xf32, #tpu.memory_space<vmem>>, vector<1x16xf32>,
        %get3A_1107 = vector.shape_cast %get3A_1106 : vector<1x16xf32> to vector<16xf32>
        %get3A_1108 = arith.index_cast %add3A_883 : i32 to index
        %get3A_1109 = arith.constant 352 : index
        %get3A_1110 = tpu.vector_load %arg16[%get3A_1108, %get3A_1109] {strides = array<i32>} : memref<16x512xf32, #tpu.memory_space<vmem>>, vector<1x16xf32>,
        %get3A_1111 = vector.shape_cast %get3A_1110 : vector<1x16xf32> to vector<16xf32>
        %mul3A_1112 = arith.mulf %get3A_1107, %get3A_1111 : vector<16xf32>
        %add3A_1113 = arith.addf %add3A_1073, %mul3A_1112 : vector<16xf32>
        %get3A_1114 = arith.index_cast %add3A_883 : i32 to index
        %get3A_1115 = arith.constant 368 : index
        %get3A_1116 = tpu.vector_load %arg14[%get3A_1114, %get3A_1115] {strides = array<i32>} : memref<16x512xf32, #tpu.memory_space<vmem>>, vector<1x16xf32>,
        %get3A_1117 = vector.shape_cast %get3A_1116 : vector<1x16xf32> to vector<16xf32>
        %get3A_1118 = arith.index_cast %add3A_883 : i32 to index
        %get3A_1119 = arith.constant 368 : index
        %get3A_1120 = tpu.vector_load %arg16[%get3A_1118, %get3A_1119] {strides = array<i32>} : memref<16x512xf32, #tpu.memory_space<vmem>>, vector<1x16xf32>,
        %get3A_1121 = vector.shape_cast %get3A_1120 : vector<1x16xf32> to vector<16xf32>
        %mul3A_1122 = arith.mulf %get3A_1117, %get3A_1121 : vector<16xf32>
        %add3A_1123 = arith.addf %add3A_1083, %mul3A_1122 : vector<16xf32>
        %get3A_1124 = arith.index_cast %add3A_883 : i32 to index
        %get3A_1125 = arith.constant 384 : index
        %get3A_1126 = tpu.vector_load %arg14[%get3A_1124, %get3A_1125] {strides = array<i32>} : memref<16x512xf32, #tpu.memory_space<vmem>>, vector<1x16xf32>,
        %get3A_1127 = vector.shape_cast %get3A_1126 : vector<1x16xf32> to vector<16xf32>
        %get3A_1128 = arith.index_cast %add3A_883 : i32 to index
        %get3A_1129 = arith.constant 384 : index
        %get3A_1130 = tpu.vector_load %arg16[%get3A_1128, %get3A_1129] {strides = array<i32>} : memref<16x512xf32, #tpu.memory_space<vmem>>, vector<1x16xf32>,
        %get3A_1131 = vector.shape_cast %get3A_1130 : vector<1x16xf32> to vector<16xf32>
        %mul3A_1132 = arith.mulf %get3A_1127, %get3A_1131 : vector<16xf32>
        %add3A_1133 = arith.addf %add3A_1093, %mul3A_1132 : vector<16xf32>
        %get3A_1134 = arith.index_cast %add3A_883 : i32 to index
        %get3A_1135 = arith.constant 400 : index
        %get3A_1136 = tpu.vector_load %arg14[%get3A_1134, %get3A_1135] {strides = array<i32>} : memref<16x512xf32, #tpu.memory_space<vmem>>, vector<1x16xf32>,
        %get3A_1137 = vector.shape_cast %get3A_1136 : vector<1x16xf32> to vector<16xf32>
        %get3A_1138 = arith.index_cast %add3A_883 : i32 to index
        %get3A_1139 = arith.constant 400 : index
        %get3A_1140 = tpu.vector_load %arg16[%get3A_1138, %get3A_1139] {strides = array<i32>} : memref<16x512xf32, #tpu.memory_space<vmem>>, vector<1x16xf32>,
        %get3A_1141 = vector.shape_cast %get3A_1140 : vector<1x16xf32> to vector<16xf32>
        %mul3A_1142 = arith.mulf %get3A_1137, %get3A_1141 : vector<16xf32>
        %add3A_1143 = arith.addf %add3A_1103, %mul3A_1142 : vector<16xf32>
        %get3A_1144 = arith.index_cast %add3A_883 : i32 to index
        %get3A_1145 = arith.constant 416 : index
        %get3A_1146 = tpu.vector_load %arg14[%get3A_1144, %get3A_1145] {strides = array<i32>} : memref<16x512xf32, #tpu.memory_space<vmem>>, vector<1x16xf32>,
        %get3A_1147 = vector.shape_cast %get3A_1146 : vector<1x16xf32> to vector<16xf32>
        %get3A_1148 = arith.index_cast %add3A_883 : i32 to index
        %get3A_1149 = arith.constant 416 : index
        %get3A_1150 = tpu.vector_load %arg16[%get3A_1148, %get3A_1149] {strides = array<i32>} : memref<16x512xf32, #tpu.memory_space<vmem>>, vector<1x16xf32>,
        %get3A_1151 = vector.shape_cast %get3A_1150 : vector<1x16xf32> to vector<16xf32>
        %mul3A_1152 = arith.mulf %get3A_1147, %get3A_1151 : vector<16xf32>
        %add3A_1153 = arith.addf %add3A_1113, %mul3A_1152 : vector<16xf32>
        %get3A_1154 = arith.index_cast %add3A_883 : i32 to index
        %get3A_1155 = arith.constant 432 : index
        %get3A_1156 = tpu.vector_load %arg14[%get3A_1154, %get3A_1155] {strides = array<i32>} : memref<16x512xf32, #tpu.memory_space<vmem>>, vector<1x16xf32>,
        %get3A_1157 = vector.shape_cast %get3A_1156 : vector<1x16xf32> to vector<16xf32>
        %get3A_1158 = arith.index_cast %add3A_883 : i32 to index
        %get3A_1159 = arith.constant 432 : index
        %get3A_1160 = tpu.vector_load %arg16[%get3A_1158, %get3A_1159] {strides = array<i32>} : memref<16x512xf32, #tpu.memory_space<vmem>>, vector<1x16xf32>,
        %get3A_1161 = vector.shape_cast %get3A_1160 : vector<1x16xf32> to vector<16xf32>
        %mul3A_1162 = arith.mulf %get3A_1157, %get3A_1161 : vector<16xf32>
        %add3A_1163 = arith.addf %add3A_1123, %mul3A_1162 : vector<16xf32>
        %get3A_1164 = arith.index_cast %add3A_883 : i32 to index
        %get3A_1165 = arith.constant 448 : index
        %get3A_1166 = tpu.vector_load %arg14[%get3A_1164, %get3A_1165] {strides = array<i32>} : memref<16x512xf32, #tpu.memory_space<vmem>>, vector<1x16xf32>,
        %get3A_1167 = vector.shape_cast %get3A_1166 : vector<1x16xf32> to vector<16xf32>
        %get3A_1168 = arith.index_cast %add3A_883 : i32 to index
        %get3A_1169 = arith.constant 448 : index
        %get3A_1170 = tpu.vector_load %arg16[%get3A_1168, %get3A_1169] {strides = array<i32>} : memref<16x512xf32, #tpu.memory_space<vmem>>, vector<1x16xf32>,
        %get3A_1171 = vector.shape_cast %get3A_1170 : vector<1x16xf32> to vector<16xf32>
        %mul3A_1172 = arith.mulf %get3A_1167, %get3A_1171 : vector<16xf32>
        %add3A_1173 = arith.addf %add3A_1133, %mul3A_1172 : vector<16xf32>
        %get3A_1174 = arith.index_cast %add3A_883 : i32 to index
        %get3A_1175 = arith.constant 464 : index
        %get3A_1176 = tpu.vector_load %arg14[%get3A_1174, %get3A_1175] {strides = array<i32>} : memref<16x512xf32, #tpu.memory_space<vmem>>, vector<1x16xf32>,
        %get3A_1177 = vector.shape_cast %get3A_1176 : vector<1x16xf32> to vector<16xf32>
        %get3A_1178 = arith.index_cast %add3A_883 : i32 to index
        %get3A_1179 = arith.constant 464 : index
        %get3A_1180 = tpu.vector_load %arg16[%get3A_1178, %get3A_1179] {strides = array<i32>} : memref<16x512xf32, #tpu.memory_space<vmem>>, vector<1x16xf32>,
        %get3A_1181 = vector.shape_cast %get3A_1180 : vector<1x16xf32> to vector<16xf32>
        %mul3A_1182 = arith.mulf %get3A_1177, %get3A_1181 : vector<16xf32>
        %add3A_1183 = arith.addf %add3A_1143, %mul3A_1182 : vector<16xf32>
        %get3A_1184 = arith.index_cast %add3A_883 : i32 to index
        %get3A_1185 = arith.constant 480 : index
        %get3A_1186 = tpu.vector_load %arg14[%get3A_1184, %get3A_1185] {strides = array<i32>} : memref<16x512xf32, #tpu.memory_space<vmem>>, vector<1x16xf32>,
        %get3A_1187 = vector.shape_cast %get3A_1186 : vector<1x16xf32> to vector<16xf32>
        %get3A_1188 = arith.index_cast %add3A_883 : i32 to index
        %get3A_1189 = arith.constant 480 : index
        %get3A_1190 = tpu.vector_load %arg16[%get3A_1188, %get3A_1189] {strides = array<i32>} : memref<16x512xf32, #tpu.memory_space<vmem>>, vector<1x16xf32>,
        %get3A_1191 = vector.shape_cast %get3A_1190 : vector<1x16xf32> to vector<16xf32>
        %mul3A_1192 = arith.mulf %get3A_1187, %get3A_1191 : vector<16xf32>
        %add3A_1193 = arith.addf %add3A_1153, %mul3A_1192 : vector<16xf32>
        %get3A_1194 = arith.index_cast %add3A_883 : i32 to index
        %get3A_1195 = arith.constant 496 : index
        %get3A_1196 = tpu.vector_load %arg14[%get3A_1194, %get3A_1195] {strides = array<i32>} : memref<16x512xf32, #tpu.memory_space<vmem>>, vector<1x16xf32>,
        %get3A_1197 = vector.shape_cast %get3A_1196 : vector<1x16xf32> to vector<16xf32>
        %get3A_1198 = arith.index_cast %add3A_883 : i32 to index
        %get3A_1199 = arith.constant 496 : index
        %get3A_1200 = tpu.vector_load %arg16[%get3A_1198, %get3A_1199] {strides = array<i32>} : memref<16x512xf32, #tpu.memory_space<vmem>>, vector<1x16xf32>,
        %get3A_1201 = vector.shape_cast %get3A_1200 : vector<1x16xf32> to vector<16xf32>
        %mul3A_1202 = arith.mulf %get3A_1197, %get3A_1201 : vector<16xf32>
        %add3A_1203 = arith.addf %add3A_1163, %mul3A_1202 : vector<16xf32>
        %add3A_1204 = arith.addf %add3A_1173, %add3A_1183 : vector<16xf32>
        %add3A_1205 = arith.addf %add3A_1193, %add3A_1203 : vector<16xf32>
        %add3A_1206 = arith.addf %add3A_1204, %add3A_1205 : vector<16xf32>
        %swap3A = arith.index_cast %add3A_883 : i32 to index
        %swap3A_1207 = arith.constant 0 : index
        %swap3A_1208 = tpu.vector_load %arg18[%swap3A, %swap3A_1207] {strides = array<i32>} : memref<16x16xf32, #tpu.memory_space<vmem>>, vector<1x16xf32>,
        %swap3A_1209 = vector.shape_cast %swap3A_1208 : vector<1x16xf32> to vector<16xf32>
        %swap3A_1210 = vector.shape_cast %add3A_1206 : vector<16xf32> to vector<1x16xf32>
        tpu.vector_store %arg18[%swap3A, %swap3A_1207], %swap3A_1210 {strides = array<i32>} : memref<16x16xf32, #tpu.memory_space<vmem>>, vector<1x16xf32>,
        %mul3A_1211 = arith.constant 2 : i32
        %mul3A_1212 = arith.muli %scan3A_878, %mul3A_1211 : i32
        %add3A_1213 = arith.constant 1 : i32
        %add3A_1214 = arith.addi %mul3A_1212, %add3A_1213 : i32
        %get3A_1215 = arith.index_cast %add3A_1214 : i32 to index
        %get3A_1216 = arith.constant 0 : index
        %get3A_1217 = tpu.vector_load %arg14[%get3A_1215, %get3A_1216] {strides = array<i32>} : memref<16x512xf32, #tpu.memory_space<vmem>>, vector<1x16xf32>,
        %get3A_1218 = vector.shape_cast %get3A_1217 : vector<1x16xf32> to vector<16xf32>
        %get3A_1219 = arith.index_cast %add3A_1214 : i32 to index
        %get3A_1220 = arith.constant 0 : index
        %get3A_1221 = tpu.vector_load %arg16[%get3A_1219, %get3A_1220] {strides = array<i32>} : memref<16x512xf32, #tpu.memory_space<vmem>>, vector<1x16xf32>,
        %get3A_1222 = vector.shape_cast %get3A_1221 : vector<1x16xf32> to vector<16xf32>
        %mul3A_1223 = arith.mulf %get3A_1218, %get3A_1222 : vector<16xf32>
        %add3A_1224 = arith.addf %broadcast_in_dim3A_1, %mul3A_1223 : vector<16xf32>
        %get3A_1225 = arith.index_cast %add3A_1214 : i32 to index
        %get3A_1226 = arith.constant 16 : index
        %get3A_1227 = tpu.vector_load %arg14[%get3A_1225, %get3A_1226] {strides = array<i32>} : memref<16x512xf32, #tpu.memory_space<vmem>>, vector<1x16xf32>,
        %get3A_1228 = vector.shape_cast %get3A_1227 : vector<1x16xf32> to vector<16xf32>
        %get3A_1229 = arith.index_cast %add3A_1214 : i32 to index
        %get3A_1230 = arith.constant 16 : index
        %get3A_1231 = tpu.vector_load %arg16[%get3A_1229, %get3A_1230] {strides = array<i32>} : memref<16x512xf32, #tpu.memory_space<vmem>>, vector<1x16xf32>,
        %get3A_1232 = vector.shape_cast %get3A_1231 : vector<1x16xf32> to vector<16xf32>
        %mul3A_1233 = arith.mulf %get3A_1228, %get3A_1232 : vector<16xf32>
        %add3A_1234 = arith.addf %broadcast_in_dim3A_1, %mul3A_1233 : vector<16xf32>
        %get3A_1235 = arith.index_cast %add3A_1214 : i32 to index
        %get3A_1236 = arith.constant 32 : index
        %get3A_1237 = tpu.vector_load %arg14[%get3A_1235, %get3A_1236] {strides = array<i32>} : memref<16x512xf32, #tpu.memory_space<vmem>>, vector<1x16xf32>,
        %get3A_1238 = vector.shape_cast %get3A_1237 : vector<1x16xf32> to vector<16xf32>
        %get3A_1239 = arith.index_cast %add3A_1214 : i32 to index
        %get3A_1240 = arith.constant 32 : index
        %get3A_1241 = tpu.vector_load %arg16[%get3A_1239, %get3A_1240] {strides = array<i32>} : memref<16x512xf32, #tpu.memory_space<vmem>>, vector<1x16xf32>,
        %get3A_1242 = vector.shape_cast %get3A_1241 : vector<1x16xf32> to vector<16xf32>
        %mul3A_1243 = arith.mulf %get3A_1238, %get3A_1242 : vector<16xf32>
        %add3A_1244 = arith.addf %broadcast_in_dim3A_1, %mul3A_1243 : vector<16xf32>
        %get3A_1245 = arith.index_cast %add3A_1214 : i32 to index
        %get3A_1246 = arith.constant 48 : index
        %get3A_1247 = tpu.vector_load %arg14[%get3A_1245, %get3A_1246] {strides = array<i32>} : memref<16x512xf32, #tpu.memory_space<vmem>>, vector<1x16xf32>,
        %get3A_1248 = vector.shape_cast %get3A_1247 : vector<1x16xf32> to vector<16xf32>
        %get3A_1249 = arith.index_cast %add3A_1214 : i32 to index
        %get3A_1250 = arith.constant 48 : index
        %get3A_1251 = tpu.vector_load %arg16[%get3A_1249, %get3A_1250] {strides = array<i32>} : memref<16x512xf32, #tpu.memory_space<vmem>>, vector<1x16xf32>,
        %get3A_1252 = vector.shape_cast %get3A_1251 : vector<1x16xf32> to vector<16xf32>
        %mul3A_1253 = arith.mulf %get3A_1248, %get3A_1252 : vector<16xf32>
        %add3A_1254 = arith.addf %broadcast_in_dim3A_1, %mul3A_1253 : vector<16xf32>
        %get3A_1255 = arith.index_cast %add3A_1214 : i32 to index
        %get3A_1256 = arith.constant 64 : index
        %get3A_1257 = tpu.vector_load %arg14[%get3A_1255, %get3A_1256] {strides = array<i32>} : memref<16x512xf32, #tpu.memory_space<vmem>>, vector<1x16xf32>,
        %get3A_1258 = vector.shape_cast %get3A_1257 : vector<1x16xf32> to vector<16xf32>
        %get3A_1259 = arith.index_cast %add3A_1214 : i32 to index
        %get3A_1260 = arith.constant 64 : index
        %get3A_1261 = tpu.vector_load %arg16[%get3A_1259, %get3A_1260] {strides = array<i32>} : memref<16x512xf32, #tpu.memory_space<vmem>>, vector<1x16xf32>,
        %get3A_1262 = vector.shape_cast %get3A_1261 : vector<1x16xf32> to vector<16xf32>
        %mul3A_1263 = arith.mulf %get3A_1258, %get3A_1262 : vector<16xf32>
        %add3A_1264 = arith.addf %add3A_1224, %mul3A_1263 : vector<16xf32>
        %get3A_1265 = arith.index_cast %add3A_1214 : i32 to index
        %get3A_1266 = arith.constant 80 : index
        %get3A_1267 = tpu.vector_load %arg14[%get3A_1265, %get3A_1266] {strides = array<i32>} : memref<16x512xf32, #tpu.memory_space<vmem>>, vector<1x16xf32>,
        %get3A_1268 = vector.shape_cast %get3A_1267 : vector<1x16xf32> to vector<16xf32>
        %get3A_1269 = arith.index_cast %add3A_1214 : i32 to index
        %get3A_1270 = arith.constant 80 : index
        %get3A_1271 = tpu.vector_load %arg16[%get3A_1269, %get3A_1270] {strides = array<i32>} : memref<16x512xf32, #tpu.memory_space<vmem>>, vector<1x16xf32>,
        %get3A_1272 = vector.shape_cast %get3A_1271 : vector<1x16xf32> to vector<16xf32>
        %mul3A_1273 = arith.mulf %get3A_1268, %get3A_1272 : vector<16xf32>
        %add3A_1274 = arith.addf %add3A_1234, %mul3A_1273 : vector<16xf32>
        %get3A_1275 = arith.index_cast %add3A_1214 : i32 to index
        %get3A_1276 = arith.constant 96 : index
        %get3A_1277 = tpu.vector_load %arg14[%get3A_1275, %get3A_1276] {strides = array<i32>} : memref<16x512xf32, #tpu.memory_space<vmem>>, vector<1x16xf32>,
        %get3A_1278 = vector.shape_cast %get3A_1277 : vector<1x16xf32> to vector<16xf32>
        %get3A_1279 = arith.index_cast %add3A_1214 : i32 to index
        %get3A_1280 = arith.constant 96 : index
        %get3A_1281 = tpu.vector_load %arg16[%get3A_1279, %get3A_1280] {strides = array<i32>} : memref<16x512xf32, #tpu.memory_space<vmem>>, vector<1x16xf32>,
        %get3A_1282 = vector.shape_cast %get3A_1281 : vector<1x16xf32> to vector<16xf32>
        %mul3A_1283 = arith.mulf %get3A_1278, %get3A_1282 : vector<16xf32>
        %add3A_1284 = arith.addf %add3A_1244, %mul3A_1283 : vector<16xf32>
        %get3A_1285 = arith.index_cast %add3A_1214 : i32 to index
        %get3A_1286 = arith.constant 112 : index
        %get3A_1287 = tpu.vector_load %arg14[%get3A_1285, %get3A_1286] {strides = array<i32>} : memref<16x512xf32, #tpu.memory_space<vmem>>, vector<1x16xf32>,
        %get3A_1288 = vector.shape_cast %get3A_1287 : vector<1x16xf32> to vector<16xf32>
        %get3A_1289 = arith.index_cast %add3A_1214 : i32 to index
        %get3A_1290 = arith.constant 112 : index
        %get3A_1291 = tpu.vector_load %arg16[%get3A_1289, %get3A_1290] {strides = array<i32>} : memref<16x512xf32, #tpu.memory_space<vmem>>, vector<1x16xf32>,
        %get3A_1292 = vector.shape_cast %get3A_1291 : vector<1x16xf32> to vector<16xf32>
        %mul3A_1293 = arith.mulf %get3A_1288, %get3A_1292 : vector<16xf32>
        %add3A_1294 = arith.addf %add3A_1254, %mul3A_1293 : vector<16xf32>
        %get3A_1295 = arith.index_cast %add3A_1214 : i32 to index
        %get3A_1296 = arith.constant 128 : index
        %get3A_1297 = tpu.vector_load %arg14[%get3A_1295, %get3A_1296] {strides = array<i32>} : memref<16x512xf32, #tpu.memory_space<vmem>>, vector<1x16xf32>,
        %get3A_1298 = vector.shape_cast %get3A_1297 : vector<1x16xf32> to vector<16xf32>
        %get3A_1299 = arith.index_cast %add3A_1214 : i32 to index
        %get3A_1300 = arith.constant 128 : index
        %get3A_1301 = tpu.vector_load %arg16[%get3A_1299, %get3A_1300] {strides = array<i32>} : memref<16x512xf32, #tpu.memory_space<vmem>>, vector<1x16xf32>,
        %get3A_1302 = vector.shape_cast %get3A_1301 : vector<1x16xf32> to vector<16xf32>
        %mul3A_1303 = arith.mulf %get3A_1298, %get3A_1302 : vector<16xf32>
        %add3A_1304 = arith.addf %add3A_1264, %mul3A_1303 : vector<16xf32>
        %get3A_1305 = arith.index_cast %add3A_1214 : i32 to index
        %get3A_1306 = arith.constant 144 : index
        %get3A_1307 = tpu.vector_load %arg14[%get3A_1305, %get3A_1306] {strides = array<i32>} : memref<16x512xf32, #tpu.memory_space<vmem>>, vector<1x16xf32>,
        %get3A_1308 = vector.shape_cast %get3A_1307 : vector<1x16xf32> to vector<16xf32>
        %get3A_1309 = arith.index_cast %add3A_1214 : i32 to index
        %get3A_1310 = arith.constant 144 : index
        %get3A_1311 = tpu.vector_load %arg16[%get3A_1309, %get3A_1310] {strides = array<i32>} : memref<16x512xf32, #tpu.memory_space<vmem>>, vector<1x16xf32>,
        %get3A_1312 = vector.shape_cast %get3A_1311 : vector<1x16xf32> to vector<16xf32>
        %mul3A_1313 = arith.mulf %get3A_1308, %get3A_1312 : vector<16xf32>
        %add3A_1314 = arith.addf %add3A_1274, %mul3A_1313 : vector<16xf32>
        %get3A_1315 = arith.index_cast %add3A_1214 : i32 to index
        %get3A_1316 = arith.constant 160 : index
        %get3A_1317 = tpu.vector_load %arg14[%get3A_1315, %get3A_1316] {strides = array<i32>} : memref<16x512xf32, #tpu.memory_space<vmem>>, vector<1x16xf32>,
        %get3A_1318 = vector.shape_cast %get3A_1317 : vector<1x16xf32> to vector<16xf32>
        %get3A_1319 = arith.index_cast %add3A_1214 : i32 to index
        %get3A_1320 = arith.constant 160 : index
        %get3A_1321 = tpu.vector_load %arg16[%get3A_1319, %get3A_1320] {strides = array<i32>} : memref<16x512xf32, #tpu.memory_space<vmem>>, vector<1x16xf32>,
        %get3A_1322 = vector.shape_cast %get3A_1321 : vector<1x16xf32> to vector<16xf32>
        %mul3A_1323 = arith.mulf %get3A_1318, %get3A_1322 : vector<16xf32>
        %add3A_1324 = arith.addf %add3A_1284, %mul3A_1323 : vector<16xf32>
        %get3A_1325 = arith.index_cast %add3A_1214 : i32 to index
        %get3A_1326 = arith.constant 176 : index
        %get3A_1327 = tpu.vector_load %arg14[%get3A_1325, %get3A_1326] {strides = array<i32>} : memref<16x512xf32, #tpu.memory_space<vmem>>, vector<1x16xf32>,
        %get3A_1328 = vector.shape_cast %get3A_1327 : vector<1x16xf32> to vector<16xf32>
        %get3A_1329 = arith.index_cast %add3A_1214 : i32 to index
        %get3A_1330 = arith.constant 176 : index
        %get3A_1331 = tpu.vector_load %arg16[%get3A_1329, %get3A_1330] {strides = array<i32>} : memref<16x512xf32, #tpu.memory_space<vmem>>, vector<1x16xf32>,
        %get3A_1332 = vector.shape_cast %get3A_1331 : vector<1x16xf32> to vector<16xf32>
        %mul3A_1333 = arith.mulf %get3A_1328, %get3A_1332 : vector<16xf32>
        %add3A_1334 = arith.addf %add3A_1294, %mul3A_1333 : vector<16xf32>
        %get3A_1335 = arith.index_cast %add3A_1214 : i32 to index
        %get3A_1336 = arith.constant 192 : index
        %get3A_1337 = tpu.vector_load %arg14[%get3A_1335, %get3A_1336] {strides = array<i32>} : memref<16x512xf32, #tpu.memory_space<vmem>>, vector<1x16xf32>,
        %get3A_1338 = vector.shape_cast %get3A_1337 : vector<1x16xf32> to vector<16xf32>
        %get3A_1339 = arith.index_cast %add3A_1214 : i32 to index
        %get3A_1340 = arith.constant 192 : index
        %get3A_1341 = tpu.vector_load %arg16[%get3A_1339, %get3A_1340] {strides = array<i32>} : memref<16x512xf32, #tpu.memory_space<vmem>>, vector<1x16xf32>,
        %get3A_1342 = vector.shape_cast %get3A_1341 : vector<1x16xf32> to vector<16xf32>
        %mul3A_1343 = arith.mulf %get3A_1338, %get3A_1342 : vector<16xf32>
        %add3A_1344 = arith.addf %add3A_1304, %mul3A_1343 : vector<16xf32>
        %get3A_1345 = arith.index_cast %add3A_1214 : i32 to index
        %get3A_1346 = arith.constant 208 : index
        %get3A_1347 = tpu.vector_load %arg14[%get3A_1345, %get3A_1346] {strides = array<i32>} : memref<16x512xf32, #tpu.memory_space<vmem>>, vector<1x16xf32>,
        %get3A_1348 = vector.shape_cast %get3A_1347 : vector<1x16xf32> to vector<16xf32>
        %get3A_1349 = arith.index_cast %add3A_1214 : i32 to index
        %get3A_1350 = arith.constant 208 : index
        %get3A_1351 = tpu.vector_load %arg16[%get3A_1349, %get3A_1350] {strides = array<i32>} : memref<16x512xf32, #tpu.memory_space<vmem>>, vector<1x16xf32>,
        %get3A_1352 = vector.shape_cast %get3A_1351 : vector<1x16xf32> to vector<16xf32>
        %mul3A_1353 = arith.mulf %get3A_1348, %get3A_1352 : vector<16xf32>
        %add3A_1354 = arith.addf %add3A_1314, %mul3A_1353 : vector<16xf32>
        %get3A_1355 = arith.index_cast %add3A_1214 : i32 to index
        %get3A_1356 = arith.constant 224 : index
        %get3A_1357 = tpu.vector_load %arg14[%get3A_1355, %get3A_1356] {strides = array<i32>} : memref<16x512xf32, #tpu.memory_space<vmem>>, vector<1x16xf32>,
        %get3A_1358 = vector.shape_cast %get3A_1357 : vector<1x16xf32> to vector<16xf32>
        %get3A_1359 = arith.index_cast %add3A_1214 : i32 to index
        %get3A_1360 = arith.constant 224 : index
        %get3A_1361 = tpu.vector_load %arg16[%get3A_1359, %get3A_1360] {strides = array<i32>} : memref<16x512xf32, #tpu.memory_space<vmem>>, vector<1x16xf32>,
        %get3A_1362 = vector.shape_cast %get3A_1361 : vector<1x16xf32> to vector<16xf32>
        %mul3A_1363 = arith.mulf %get3A_1358, %get3A_1362 : vector<16xf32>
        %add3A_1364 = arith.addf %add3A_1324, %mul3A_1363 : vector<16xf32>
        %get3A_1365 = arith.index_cast %add3A_1214 : i32 to index
        %get3A_1366 = arith.constant 240 : index
        %get3A_1367 = tpu.vector_load %arg14[%get3A_1365, %get3A_1366] {strides = array<i32>} : memref<16x512xf32, #tpu.memory_space<vmem>>, vector<1x16xf32>,
        %get3A_1368 = vector.shape_cast %get3A_1367 : vector<1x16xf32> to vector<16xf32>
        %get3A_1369 = arith.index_cast %add3A_1214 : i32 to index
        %get3A_1370 = arith.constant 240 : index
        %get3A_1371 = tpu.vector_load %arg16[%get3A_1369, %get3A_1370] {strides = array<i32>} : memref<16x512xf32, #tpu.memory_space<vmem>>, vector<1x16xf32>,
        %get3A_1372 = vector.shape_cast %get3A_1371 : vector<1x16xf32> to vector<16xf32>
        %mul3A_1373 = arith.mulf %get3A_1368, %get3A_1372 : vector<16xf32>
        %add3A_1374 = arith.addf %add3A_1334, %mul3A_1373 : vector<16xf32>
        %get3A_1375 = arith.index_cast %add3A_1214 : i32 to index
        %get3A_1376 = arith.constant 256 : index
        %get3A_1377 = tpu.vector_load %arg14[%get3A_1375, %get3A_1376] {strides = array<i32>} : memref<16x512xf32, #tpu.memory_space<vmem>>, vector<1x16xf32>,
        %get3A_1378 = vector.shape_cast %get3A_1377 : vector<1x16xf32> to vector<16xf32>
        %get3A_1379 = arith.index_cast %add3A_1214 : i32 to index
        %get3A_1380 = arith.constant 256 : index
        %get3A_1381 = tpu.vector_load %arg16[%get3A_1379, %get3A_1380] {strides = array<i32>} : memref<16x512xf32, #tpu.memory_space<vmem>>, vector<1x16xf32>,
        %get3A_1382 = vector.shape_cast %get3A_1381 : vector<1x16xf32> to vector<16xf32>
        %mul3A_1383 = arith.mulf %get3A_1378, %get3A_1382 : vector<16xf32>
        %add3A_1384 = arith.addf %add3A_1344, %mul3A_1383 : vector<16xf32>
        %get3A_1385 = arith.index_cast %add3A_1214 : i32 to index
        %get3A_1386 = arith.constant 272 : index
        %get3A_1387 = tpu.vector_load %arg14[%get3A_1385, %get3A_1386] {strides = array<i32>} : memref<16x512xf32, #tpu.memory_space<vmem>>, vector<1x16xf32>,
        %get3A_1388 = vector.shape_cast %get3A_1387 : vector<1x16xf32> to vector<16xf32>
        %get3A_1389 = arith.index_cast %add3A_1214 : i32 to index
        %get3A_1390 = arith.constant 272 : index
        %get3A_1391 = tpu.vector_load %arg16[%get3A_1389, %get3A_1390] {strides = array<i32>} : memref<16x512xf32, #tpu.memory_space<vmem>>, vector<1x16xf32>,
        %get3A_1392 = vector.shape_cast %get3A_1391 : vector<1x16xf32> to vector<16xf32>
        %mul3A_1393 = arith.mulf %get3A_1388, %get3A_1392 : vector<16xf32>
        %add3A_1394 = arith.addf %add3A_1354, %mul3A_1393 : vector<16xf32>
        %get3A_1395 = arith.index_cast %add3A_1214 : i32 to index
        %get3A_1396 = arith.constant 288 : index
        %get3A_1397 = tpu.vector_load %arg14[%get3A_1395, %get3A_1396] {strides = array<i32>} : memref<16x512xf32, #tpu.memory_space<vmem>>, vector<1x16xf32>,
        %get3A_1398 = vector.shape_cast %get3A_1397 : vector<1x16xf32> to vector<16xf32>
        %get3A_1399 = arith.index_cast %add3A_1214 : i32 to index
        %get3A_1400 = arith.constant 288 : index
        %get3A_1401 = tpu.vector_load %arg16[%get3A_1399, %get3A_1400] {strides = array<i32>} : memref<16x512xf32, #tpu.memory_space<vmem>>, vector<1x16xf32>,
        %get3A_1402 = vector.shape_cast %get3A_1401 : vector<1x16xf32> to vector<16xf32>
        %mul3A_1403 = arith.mulf %get3A_1398, %get3A_1402 : vector<16xf32>
        %add3A_1404 = arith.addf %add3A_1364, %mul3A_1403 : vector<16xf32>
        %get3A_1405 = arith.index_cast %add3A_1214 : i32 to index
        %get3A_1406 = arith.constant 304 : index
        %get3A_1407 = tpu.vector_load %arg14[%get3A_1405, %get3A_1406] {strides = array<i32>} : memref<16x512xf32, #tpu.memory_space<vmem>>, vector<1x16xf32>,
        %get3A_1408 = vector.shape_cast %get3A_1407 : vector<1x16xf32> to vector<16xf32>
        %get3A_1409 = arith.index_cast %add3A_1214 : i32 to index
        %get3A_1410 = arith.constant 304 : index
        %get3A_1411 = tpu.vector_load %arg16[%get3A_1409, %get3A_1410] {strides = array<i32>} : memref<16x512xf32, #tpu.memory_space<vmem>>, vector<1x16xf32>,
        %get3A_1412 = vector.shape_cast %get3A_1411 : vector<1x16xf32> to vector<16xf32>
        %mul3A_1413 = arith.mulf %get3A_1408, %get3A_1412 : vector<16xf32>
        %add3A_1414 = arith.addf %add3A_1374, %mul3A_1413 : vector<16xf32>
        %get3A_1415 = arith.index_cast %add3A_1214 : i32 to index
        %get3A_1416 = arith.constant 320 : index
        %get3A_1417 = tpu.vector_load %arg14[%get3A_1415, %get3A_1416] {strides = array<i32>} : memref<16x512xf32, #tpu.memory_space<vmem>>, vector<1x16xf32>,
        %get3A_1418 = vector.shape_cast %get3A_1417 : vector<1x16xf32> to vector<16xf32>
        %get3A_1419 = arith.index_cast %add3A_1214 : i32 to index
        %get3A_1420 = arith.constant 320 : index
        %get3A_1421 = tpu.vector_load %arg16[%get3A_1419, %get3A_1420] {strides = array<i32>} : memref<16x512xf32, #tpu.memory_space<vmem>>, vector<1x16xf32>,
        %get3A_1422 = vector.shape_cast %get3A_1421 : vector<1x16xf32> to vector<16xf32>
        %mul3A_1423 = arith.mulf %get3A_1418, %get3A_1422 : vector<16xf32>
        %add3A_1424 = arith.addf %add3A_1384, %mul3A_1423 : vector<16xf32>
        %get3A_1425 = arith.index_cast %add3A_1214 : i32 to index
        %get3A_1426 = arith.constant 336 : index
        %get3A_1427 = tpu.vector_load %arg14[%get3A_1425, %get3A_1426] {strides = array<i32>} : memref<16x512xf32, #tpu.memory_space<vmem>>, vector<1x16xf32>,
        %get3A_1428 = vector.shape_cast %get3A_1427 : vector<1x16xf32> to vector<16xf32>
        %get3A_1429 = arith.index_cast %add3A_1214 : i32 to index
        %get3A_1430 = arith.constant 336 : index
        %get3A_1431 = tpu.vector_load %arg16[%get3A_1429, %get3A_1430] {strides = array<i32>} : memref<16x512xf32, #tpu.memory_space<vmem>>, vector<1x16xf32>,
        %get3A_1432 = vector.shape_cast %get3A_1431 : vector<1x16xf32> to vector<16xf32>
        %mul3A_1433 = arith.mulf %get3A_1428, %get3A_1432 : vector<16xf32>
        %add3A_1434 = arith.addf %add3A_1394, %mul3A_1433 : vector<16xf32>
        %get3A_1435 = arith.index_cast %add3A_1214 : i32 to index
        %get3A_1436 = arith.constant 352 : index
        %get3A_1437 = tpu.vector_load %arg14[%get3A_1435, %get3A_1436] {strides = array<i32>} : memref<16x512xf32, #tpu.memory_space<vmem>>, vector<1x16xf32>,
        %get3A_1438 = vector.shape_cast %get3A_1437 : vector<1x16xf32> to vector<16xf32>
        %get3A_1439 = arith.index_cast %add3A_1214 : i32 to index
        %get3A_1440 = arith.constant 352 : index
        %get3A_1441 = tpu.vector_load %arg16[%get3A_1439, %get3A_1440] {strides = array<i32>} : memref<16x512xf32, #tpu.memory_space<vmem>>, vector<1x16xf32>,
        %get3A_1442 = vector.shape_cast %get3A_1441 : vector<1x16xf32> to vector<16xf32>
        %mul3A_1443 = arith.mulf %get3A_1438, %get3A_1442 : vector<16xf32>
        %add3A_1444 = arith.addf %add3A_1404, %mul3A_1443 : vector<16xf32>
        %get3A_1445 = arith.index_cast %add3A_1214 : i32 to index
        %get3A_1446 = arith.constant 368 : index
        %get3A_1447 = tpu.vector_load %arg14[%get3A_1445, %get3A_1446] {strides = array<i32>} : memref<16x512xf32, #tpu.memory_space<vmem>>, vector<1x16xf32>,
        %get3A_1448 = vector.shape_cast %get3A_1447 : vector<1x16xf32> to vector<16xf32>
        %get3A_1449 = arith.index_cast %add3A_1214 : i32 to index
        %get3A_1450 = arith.constant 368 : index
        %get3A_1451 = tpu.vector_load %arg16[%get3A_1449, %get3A_1450] {strides = array<i32>} : memref<16x512xf32, #tpu.memory_space<vmem>>, vector<1x16xf32>,
        %get3A_1452 = vector.shape_cast %get3A_1451 : vector<1x16xf32> to vector<16xf32>
        %mul3A_1453 = arith.mulf %get3A_1448, %get3A_1452 : vector<16xf32>
        %add3A_1454 = arith.addf %add3A_1414, %mul3A_1453 : vector<16xf32>
        %get3A_1455 = arith.index_cast %add3A_1214 : i32 to index
        %get3A_1456 = arith.constant 384 : index
        %get3A_1457 = tpu.vector_load %arg14[%get3A_1455, %get3A_1456] {strides = array<i32>} : memref<16x512xf32, #tpu.memory_space<vmem>>, vector<1x16xf32>,
        %get3A_1458 = vector.shape_cast %get3A_1457 : vector<1x16xf32> to vector<16xf32>
        %get3A_1459 = arith.index_cast %add3A_1214 : i32 to index
        %get3A_1460 = arith.constant 384 : index
        %get3A_1461 = tpu.vector_load %arg16[%get3A_1459, %get3A_1460] {strides = array<i32>} : memref<16x512xf32, #tpu.memory_space<vmem>>, vector<1x16xf32>,
        %get3A_1462 = vector.shape_cast %get3A_1461 : vector<1x16xf32> to vector<16xf32>
        %mul3A_1463 = arith.mulf %get3A_1458, %get3A_1462 : vector<16xf32>
        %add3A_1464 = arith.addf %add3A_1424, %mul3A_1463 : vector<16xf32>
        %get3A_1465 = arith.index_cast %add3A_1214 : i32 to index
        %get3A_1466 = arith.constant 400 : index
        %get3A_1467 = tpu.vector_load %arg14[%get3A_1465, %get3A_1466] {strides = array<i32>} : memref<16x512xf32, #tpu.memory_space<vmem>>, vector<1x16xf32>,
        %get3A_1468 = vector.shape_cast %get3A_1467 : vector<1x16xf32> to vector<16xf32>
        %get3A_1469 = arith.index_cast %add3A_1214 : i32 to index
        %get3A_1470 = arith.constant 400 : index
        %get3A_1471 = tpu.vector_load %arg16[%get3A_1469, %get3A_1470] {strides = array<i32>} : memref<16x512xf32, #tpu.memory_space<vmem>>, vector<1x16xf32>,
        %get3A_1472 = vector.shape_cast %get3A_1471 : vector<1x16xf32> to vector<16xf32>
        %mul3A_1473 = arith.mulf %get3A_1468, %get3A_1472 : vector<16xf32>
        %add3A_1474 = arith.addf %add3A_1434, %mul3A_1473 : vector<16xf32>
        %get3A_1475 = arith.index_cast %add3A_1214 : i32 to index
        %get3A_1476 = arith.constant 416 : index
        %get3A_1477 = tpu.vector_load %arg14[%get3A_1475, %get3A_1476] {strides = array<i32>} : memref<16x512xf32, #tpu.memory_space<vmem>>, vector<1x16xf32>,
        %get3A_1478 = vector.shape_cast %get3A_1477 : vector<1x16xf32> to vector<16xf32>
        %get3A_1479 = arith.index_cast %add3A_1214 : i32 to index
        %get3A_1480 = arith.constant 416 : index
        %get3A_1481 = tpu.vector_load %arg16[%get3A_1479, %get3A_1480] {strides = array<i32>} : memref<16x512xf32, #tpu.memory_space<vmem>>, vector<1x16xf32>,
        %get3A_1482 = vector.shape_cast %get3A_1481 : vector<1x16xf32> to vector<16xf32>
        %mul3A_1483 = arith.mulf %get3A_1478, %get3A_1482 : vector<16xf32>
        %add3A_1484 = arith.addf %add3A_1444, %mul3A_1483 : vector<16xf32>
        %get3A_1485 = arith.index_cast %add3A_1214 : i32 to index
        %get3A_1486 = arith.constant 432 : index
        %get3A_1487 = tpu.vector_load %arg14[%get3A_1485, %get3A_1486] {strides = array<i32>} : memref<16x512xf32, #tpu.memory_space<vmem>>, vector<1x16xf32>,
        %get3A_1488 = vector.shape_cast %get3A_1487 : vector<1x16xf32> to vector<16xf32>
        %get3A_1489 = arith.index_cast %add3A_1214 : i32 to index
        %get3A_1490 = arith.constant 432 : index
        %get3A_1491 = tpu.vector_load %arg16[%get3A_1489, %get3A_1490] {strides = array<i32>} : memref<16x512xf32, #tpu.memory_space<vmem>>, vector<1x16xf32>,
        %get3A_1492 = vector.shape_cast %get3A_1491 : vector<1x16xf32> to vector<16xf32>
        %mul3A_1493 = arith.mulf %get3A_1488, %get3A_1492 : vector<16xf32>
        %add3A_1494 = arith.addf %add3A_1454, %mul3A_1493 : vector<16xf32>
        %get3A_1495 = arith.index_cast %add3A_1214 : i32 to index
        %get3A_1496 = arith.constant 448 : index
        %get3A_1497 = tpu.vector_load %arg14[%get3A_1495, %get3A_1496] {strides = array<i32>} : memref<16x512xf32, #tpu.memory_space<vmem>>, vector<1x16xf32>,
        %get3A_1498 = vector.shape_cast %get3A_1497 : vector<1x16xf32> to vector<16xf32>
        %get3A_1499 = arith.index_cast %add3A_1214 : i32 to index
        %get3A_1500 = arith.constant 448 : index
        %get3A_1501 = tpu.vector_load %arg16[%get3A_1499, %get3A_1500] {strides = array<i32>} : memref<16x512xf32, #tpu.memory_space<vmem>>, vector<1x16xf32>,
        %get3A_1502 = vector.shape_cast %get3A_1501 : vector<1x16xf32> to vector<16xf32>
        %mul3A_1503 = arith.mulf %get3A_1498, %get3A_1502 : vector<16xf32>
        %add3A_1504 = arith.addf %add3A_1464, %mul3A_1503 : vector<16xf32>
        %get3A_1505 = arith.index_cast %add3A_1214 : i32 to index
        %get3A_1506 = arith.constant 464 : index
        %get3A_1507 = tpu.vector_load %arg14[%get3A_1505, %get3A_1506] {strides = array<i32>} : memref<16x512xf32, #tpu.memory_space<vmem>>, vector<1x16xf32>,
        %get3A_1508 = vector.shape_cast %get3A_1507 : vector<1x16xf32> to vector<16xf32>
        %get3A_1509 = arith.index_cast %add3A_1214 : i32 to index
        %get3A_1510 = arith.constant 464 : index
        %get3A_1511 = tpu.vector_load %arg16[%get3A_1509, %get3A_1510] {strides = array<i32>} : memref<16x512xf32, #tpu.memory_space<vmem>>, vector<1x16xf32>,
        %get3A_1512 = vector.shape_cast %get3A_1511 : vector<1x16xf32> to vector<16xf32>
        %mul3A_1513 = arith.mulf %get3A_1508, %get3A_1512 : vector<16xf32>
        %add3A_1514 = arith.addf %add3A_1474, %mul3A_1513 : vector<16xf32>
        %get3A_1515 = arith.index_cast %add3A_1214 : i32 to index
        %get3A_1516 = arith.constant 480 : index
        %get3A_1517 = tpu.vector_load %arg14[%get3A_1515, %get3A_1516] {strides = array<i32>} : memref<16x512xf32, #tpu.memory_space<vmem>>, vector<1x16xf32>,
        %get3A_1518 = vector.shape_cast %get3A_1517 : vector<1x16xf32> to vector<16xf32>
        %get3A_1519 = arith.index_cast %add3A_1214 : i32 to index
        %get3A_1520 = arith.constant 480 : index
        %get3A_1521 = tpu.vector_load %arg16[%get3A_1519, %get3A_1520] {strides = array<i32>} : memref<16x512xf32, #tpu.memory_space<vmem>>, vector<1x16xf32>,
        %get3A_1522 = vector.shape_cast %get3A_1521 : vector<1x16xf32> to vector<16xf32>
        %mul3A_1523 = arith.mulf %get3A_1518, %get3A_1522 : vector<16xf32>
        %add3A_1524 = arith.addf %add3A_1484, %mul3A_1523 : vector<16xf32>
        %get3A_1525 = arith.index_cast %add3A_1214 : i32 to index
        %get3A_1526 = arith.constant 496 : index
        %get3A_1527 = tpu.vector_load %arg14[%get3A_1525, %get3A_1526] {strides = array<i32>} : memref<16x512xf32, #tpu.memory_space<vmem>>, vector<1x16xf32>,
        %get3A_1528 = vector.shape_cast %get3A_1527 : vector<1x16xf32> to vector<16xf32>
        %get3A_1529 = arith.index_cast %add3A_1214 : i32 to index
        %get3A_1530 = arith.constant 496 : index
        %get3A_1531 = tpu.vector_load %arg16[%get3A_1529, %get3A_1530] {strides = array<i32>} : memref<16x512xf32, #tpu.memory_space<vmem>>, vector<1x16xf32>,
        %get3A_1532 = vector.shape_cast %get3A_1531 : vector<1x16xf32> to vector<16xf32>
        %mul3A_1533 = arith.mulf %get3A_1528, %get3A_1532 : vector<16xf32>
        %add3A_1534 = arith.addf %add3A_1494, %mul3A_1533 : vector<16xf32>
        %add3A_1535 = arith.addf %add3A_1504, %add3A_1514 : vector<16xf32>
        %add3A_1536 = arith.addf %add3A_1524, %add3A_1534 : vector<16xf32>
        %add3A_1537 = arith.addf %add3A_1535, %add3A_1536 : vector<16xf32>
        %swap3A_1538 = arith.index_cast %add3A_1214 : i32 to index
        %swap3A_1539 = arith.constant 0 : index
        %swap3A_1540 = tpu.vector_load %arg18[%swap3A_1538, %swap3A_1539] {strides = array<i32>} : memref<16x16xf32, #tpu.memory_space<vmem>>, vector<1x16xf32>,
        %swap3A_1541 = vector.shape_cast %swap3A_1540 : vector<1x16xf32> to vector<16xf32>
        %swap3A_1542 = vector.shape_cast %add3A_1537 : vector<16xf32> to vector<1x16xf32>
        tpu.vector_store %arg18[%swap3A_1538, %swap3A_1539], %swap3A_1542 {strides = array<i32>} : memref<16x16xf32, #tpu.memory_space<vmem>>, vector<1x16xf32>,
        %scan3A_1543 = arith.constant 0 : i32
        scf.yield %scan3A_1543 : i32
      }
      %scan3A_769 = arith.constant 8 : i32
      %jit3A_770 = arith.constant 1 : i32
      %div3A_771 = arith.divsi %add3A_535, %jit3A_770 : i32
      %sign3A_772 = arith.constant 0 : i32
      %sign3A_773 = arith.cmpi sgt, %add3A_535, %sign3A_772 : i32
      %sign3A_774 = arith.extui %sign3A_773 : i1 to i32
      %sign3A_775 = arith.constant 0 : i32
      %sign3A_776 = arith.cmpi slt, %add3A_535, %sign3A_775 : i32
      %sign3A_777 = arith.extui %sign3A_776 : i1 to i32
      %sign3A_778 = arith.subi %sign3A_774, %sign3A_777 : i32
      %sign3A_779 = arith.constant 0 : i32
      %sign3A_780 = arith.cmpi sgt, %jit3A_770, %sign3A_779 : i32
      %sign3A_781 = arith.extui %sign3A_780 : i1 to i32
      %sign3A_782 = arith.constant 0 : i32
      %sign3A_783 = arith.cmpi slt, %jit3A_770, %sign3A_782 : i32
      %sign3A_784 = arith.extui %sign3A_783 : i1 to i32
      %sign3A_785 = arith.subi %sign3A_781, %sign3A_784 : i32
      %ne3A_786 = arith.cmpi ne, %sign3A_778, %sign3A_785 : i32
      %rem3A_787 = arith.remsi %add3A_535, %jit3A_770 : i32
      %ne3A_788 = arith.constant 0 : i32
      %ne3A_789 = arith.cmpi ne, %rem3A_787, %ne3A_788 : i32
      %and3A_790 = arith.andi %ne3A_786, %ne3A_789 : i1
      %sub3A_791 = arith.constant 1 : i32
      %sub3A_792 = arith.subi %div3A_771, %sub3A_791 : i32
      %select_n3A_793 = arith.select %and3A_790, %sub3A_792, %div3A_771 : i32
      %jit3A_794 = arith.constant 1 : i32
      %eq3A_795 = arith.constant 0 : i32
      %eq3A_796 = arith.cmpi eq, %jit3A_794, %eq3A_795 : i32
      %jit3A_797 = arith.constant 1 : i32
      %select_n3A_798 = arith.select %eq3A_796, %jit3A_797, %jit3A_794 : i32
      %rem3A_799 = arith.remsi %add3A_535, %select_n3A_798 : i32
      %ne3A_800 = arith.constant 0 : i32
      %ne3A_801 = arith.cmpi ne, %rem3A_799, %ne3A_800 : i32
      %lt3A_802 = arith.constant 0 : i32
      %lt3A_803 = arith.cmpi slt, %rem3A_799, %lt3A_802 : i32
      %lt3A_804 = arith.constant 0 : i32
      %lt3A_805 = arith.cmpi slt, %select_n3A_798, %lt3A_804 : i32
      %ne3A_806 = arith.xori %lt3A_803, %lt3A_805 : i1
      %and3A_807 = arith.andi %ne3A_806, %ne3A_801 : i1
      %add3A_808 = arith.addi %rem3A_799, %select_n3A_798 : i32
      %select_n3A_809 = arith.select %and3A_807, %add3A_808, %rem3A_799 : i32
      %jit3A_810 = arith.constant 8 : i32
      %div3A_811 = arith.divsi %select_n3A_793, %jit3A_810 : i32
      %sign3A_812 = arith.constant 0 : i32
      %sign3A_813 = arith.cmpi sgt, %select_n3A_793, %sign3A_812 : i32
      %sign3A_814 = arith.extui %sign3A_813 : i1 to i32
      %sign3A_815 = arith.constant 0 : i32
      %sign3A_816 = arith.cmpi slt, %select_n3A_793, %sign3A_815 : i32
      %sign3A_817 = arith.extui %sign3A_816 : i1 to i32
      %sign3A_818 = arith.subi %sign3A_814, %sign3A_817 : i32
      %sign3A_819 = arith.constant 0 : i32
      %sign3A_820 = arith.cmpi sgt, %jit3A_810, %sign3A_819 : i32
      %sign3A_821 = arith.extui %sign3A_820 : i1 to i32
      %sign3A_822 = arith.constant 0 : i32
      %sign3A_823 = arith.cmpi slt, %jit3A_810, %sign3A_822 : i32
      %sign3A_824 = arith.extui %sign3A_823 : i1 to i32
      %sign3A_825 = arith.subi %sign3A_821, %sign3A_824 : i32
      %ne3A_826 = arith.cmpi ne, %sign3A_818, %sign3A_825 : i32
      %rem3A_827 = arith.remsi %select_n3A_793, %jit3A_810 : i32
      %ne3A_828 = arith.constant 0 : i32
      %ne3A_829 = arith.cmpi ne, %rem3A_827, %ne3A_828 : i32
      %and3A_830 = arith.andi %ne3A_826, %ne3A_829 : i1
      %sub3A_831 = arith.constant 1 : i32
      %sub3A_832 = arith.subi %div3A_811, %sub3A_831 : i32
      %select_n3A_833 = arith.select %and3A_830, %sub3A_832, %div3A_811 : i32
      %jit3A_834 = arith.constant 8 : i32
      %eq3A_835 = arith.constant 0 : i32
      %eq3A_836 = arith.cmpi eq, %jit3A_834, %eq3A_835 : i32
      %jit3A_837 = arith.constant 1 : i32
      %select_n3A_838 = arith.select %eq3A_836, %jit3A_837, %jit3A_834 : i32
      %rem3A_839 = arith.remsi %select_n3A_793, %select_n3A_838 : i32
      %ne3A_840 = arith.constant 0 : i32
      %ne3A_841 = arith.cmpi ne, %rem3A_839, %ne3A_840 : i32
      %lt3A_842 = arith.constant 0 : i32
      %lt3A_843 = arith.cmpi slt, %rem3A_839, %lt3A_842 : i32
      %lt3A_844 = arith.constant 0 : i32
      %lt3A_845 = arith.cmpi slt, %select_n3A_838, %lt3A_844 : i32
      %ne3A_846 = arith.xori %lt3A_843, %lt3A_845 : i1
      %and3A_847 = arith.andi %ne3A_846, %ne3A_841 : i1
      %add3A_848 = arith.addi %rem3A_839, %select_n3A_838 : i32
      %select_n3A_849 = arith.select %and3A_847, %add3A_848, %rem3A_839 : i32
      %mul3A_850 = arith.constant 16 : i32
      %mul3A_851 = arith.muli %select_n3A_849, %mul3A_850 : i32
      %get3A_852 = arith.index_cast %select_n3A_833 : i32 to index
      %get3A_853 = arith.index_cast %mul3A_851 : i32 to index
      %get3A_854 = tpu.vector_load %arg11[%get3A_852, %get3A_853] {strides = array<i32>} : memref<40x128xi32, #tpu.memory_space<vmem>>, vector<1x16xi32>,
      %get3A_855 = vector.shape_cast %get3A_854 : vector<1x16xi32> to vector<16xi32>
      %mul3A_856 = arith.constant 1 : i32
      %mul3A_857 = vector.broadcast %mul3A_856 : i32 to vector<16xi32>
      %mul3A_858 = arith.muli %get3A_855, %mul3A_857 : vector<16xi32>
      %add3A_859 = vector.broadcast %select_n3A_809 : i32 to vector<16xi32>
      %add3A_860 = arith.addi %mul3A_858, %add3A_859 : vector<16xi32>
      %get3A_861 = arith.index_cast %select_n3A_833 : i32 to index
      %get3A_862 = arith.index_cast %mul3A_851 : i32 to index
      %get3A_863 = tpu.vector_load %arg12[%get3A_861, %get3A_862] {strides = array<i32>} : memref<40x128xi32, #tpu.memory_space<vmem>>, vector<1x16xi32>,
      %get3A_864 = vector.shape_cast %get3A_863 : vector<1x16xi32> to vector<16xi32>
      %mul3A_865 = arith.constant 1 : i32
      %mul3A_866 = vector.broadcast %mul3A_865 : i32 to vector<16xi32>
      %mul3A_867 = arith.muli %get3A_864, %mul3A_866 : vector<16xi32>
      %add3A_868 = vector.broadcast %select_n3A_809 : i32 to vector<16xi32>
      %add3A_869 = arith.addi %mul3A_867, %add3A_868 : vector<16xi32>
      %get3A_870 = arith.index_cast %select_n3A_833 : i32 to index
      %get3A_871 = arith.index_cast %mul3A_851 : i32 to index
      %get3A_872 = tpu.vector_load %arg12[%get3A_870, %get3A_871] {strides = array<i32>} : memref<40x128xi32, #tpu.memory_space<vmem>>, vector<1x16xi32>,
      %get3A_873 = vector.shape_cast %get3A_872 : vector<1x16xi32> to vector<16xi32>
      %dma_start3A_874 = arith.constant 0 : i32
      %dma_start3A_875 = arith.constant 0 : i32
      %dma_start3A_876 = tpu.memref_slice %arg20[%dma_start3A_874, %dma_start3A_875] : memref<10016x16xf32, #tpu.memory_space<vmem_shared>> -> memref<10016x16xf32, #tpu.memory_space<vmem_shared>>
      tpu.enqueue_indirect_dma source(%arg18 : memref<16x16xf32, #tpu.memory_space<vmem>>) target(%dma_start3A_876 : memref<10016x16xf32, #tpu.memory_space<vmem_shared>>) offsets(%get3A_873 : vector<16xi32>) semaphore(%arg26 : memref<!tpu.dma_semaphore, #tpu.memory_space<semaphore_mem>>) {add = true}
      %scan3A_877 = arith.constant 0 : i32
      scf.yield %scan3A_877 : i32
    }
    %scan3A_152 = arith.constant 160 : i32
    %dma_wait3A_153 = arith.constant 0 : i32
    %dma_wait3A_154 = arith.constant 0 : i32
    %dma_wait3A_155 = tpu.memref_slice %arg20[%dma_wait3A_153, %dma_wait3A_154] : memref<10016x16xf32, #tpu.memory_space<vmem_shared>> -> memref<10016x16xf32, #tpu.memory_space<vmem_shared>>
    tpu.wait_indirect_dma semaphore(%arg25 : memref<!tpu.dma_semaphore, #tpu.memory_space<semaphore_mem>>) src(%arg17 : memref<16x16xf32, #tpu.memory_space<vmem>>) dst(%dma_wait3A_155 : memref<10016x16xf32, #tpu.memory_space<vmem_shared>>)
    %dma_wait3A_156 = arith.constant 0 : i32
    %dma_wait3A_157 = arith.constant 0 : i32
    %dma_wait3A_158 = tpu.memref_slice %arg20[%dma_wait3A_156, %dma_wait3A_157] : memref<10016x16xf32, #tpu.memory_space<vmem_shared>> -> memref<10016x16xf32, #tpu.memory_space<vmem_shared>>
    tpu.wait_indirect_dma semaphore(%arg26 : memref<!tpu.dma_semaphore, #tpu.memory_space<semaphore_mem>>) src(%arg18 : memref<16x16xf32, #tpu.memory_space<vmem>>) dst(%dma_wait3A_158 : memref<10016x16xf32, #tpu.memory_space<vmem_shared>>)
    %get3A_159 = arith.constant 39 : i32
    %get3A_160 = arith.index_cast %get3A_159 : i32 to index
    %get3A_161 = arith.constant 112 : index
    %get3A_162 = tpu.vector_load %arg11[%get3A_160, %get3A_161] {strides = array<i32>} : memref<40x128xi32, #tpu.memory_space<vmem>>, vector<1x16xi32>,
    %get3A_163 = vector.shape_cast %get3A_162 : vector<1x16xi32> to vector<16xi32>
    %mul3A_164 = arith.constant 1 : i32
    %mul3A_165 = vector.broadcast %mul3A_164 : i32 to vector<16xi32>
    %mul3A_166 = arith.muli %get3A_163, %mul3A_165 : vector<16xi32>
    %add3A_167 = arith.constant 0 : i32
    %add3A_168 = vector.broadcast %add3A_167 : i32 to vector<16xi32>
    %add3A_169 = arith.addi %mul3A_166, %add3A_168 : vector<16xi32>
    %get3A_170 = arith.constant 39 : i32
    %get3A_171 = arith.index_cast %get3A_170 : i32 to index
    %get3A_172 = arith.constant 112 : index
    %get3A_173 = tpu.vector_load %arg12[%get3A_171, %get3A_172] {strides = array<i32>} : memref<40x128xi32, #tpu.memory_space<vmem>>, vector<1x16xi32>,
    %get3A_174 = vector.shape_cast %get3A_173 : vector<1x16xi32> to vector<16xi32>
    %mul3A_175 = arith.constant 1 : i32
    %mul3A_176 = vector.broadcast %mul3A_175 : i32 to vector<16xi32>
    %mul3A_177 = arith.muli %get3A_174, %mul3A_176 : vector<16xi32>
    %add3A_178 = arith.constant 0 : i32
    %add3A_179 = vector.broadcast %add3A_178 : i32 to vector<16xi32>
    %add3A_180 = arith.addi %mul3A_177, %add3A_179 : vector<16xi32>
    %get3A_181 = arith.constant 39 : i32
    %get3A_182 = arith.index_cast %get3A_181 : i32 to index
    %get3A_183 = arith.constant 112 : index
    %get3A_184 = tpu.vector_load %arg12[%get3A_182, %get3A_183] {strides = array<i32>} : memref<40x128xi32, #tpu.memory_space<vmem>>, vector<1x16xi32>,
    %get3A_185 = vector.shape_cast %get3A_184 : vector<1x16xi32> to vector<16xi32>
    %dma_wait3A_186 = arith.constant 0 : i32
    %dma_wait3A_187 = arith.constant 0 : i32
    %dma_wait3A_188 = tpu.memref_slice %arg4[%dma_wait3A_186, %dma_wait3A_187] : memref<10000x512xf32, #tpu.memory_space<hbm>> -> memref<10000x512xf32, #tpu.memory_space<hbm>>
    tpu.wait_indirect_dma semaphore(%arg21 : memref<!tpu.dma_semaphore, #tpu.memory_space<semaphore_mem>>) src(%dma_wait3A_188 : memref<10000x512xf32, #tpu.memory_space<hbm>>) dst(%arg13 : memref<16x512xf32, #tpu.memory_space<vmem>>)
    %dma_wait3A_189 = arith.constant 0 : i32
    %dma_wait3A_190 = arith.constant 0 : i32
    %dma_wait3A_191 = tpu.memref_slice %arg5[%dma_wait3A_189, %dma_wait3A_190] : memref<10000x512xf32, #tpu.memory_space<hbm>> -> memref<10000x512xf32, #tpu.memory_space<hbm>>
    tpu.wait_indirect_dma semaphore(%arg23 : memref<!tpu.dma_semaphore, #tpu.memory_space<semaphore_mem>>) src(%dma_wait3A_191 : memref<10000x512xf32, #tpu.memory_space<hbm>>) dst(%arg15 : memref<16x512xf32, #tpu.memory_space<vmem>>)
    %barrier3A_192 = arith.constant 0 : index
    tpu.barrier barrier_id(%barrier3A_192)
    %eq3A = arith.constant 0 : i32
    %eq3A_193 = arith.cmpi eq, %arg1, %eq3A : i32
    %convert_element_type3A = arith.extui %eq3A_193 : i1 to i32
    %cond3A = arith.constant 0 : i32
    %cond3A_194 = arith.cmpi ne, %convert_element_type3A, %cond3A : i32
    scf.if %cond3A_194 {
      "tpu.region"() ({
        %run_scoped3A = tpu.sem_alloc : memref<!tpu.dma_semaphore, #tpu.memory_space<semaphore_mem>>
        %dma_start3A_195 = arith.constant 0 : i32
        %dma_start3A_196 = arith.constant 0 : i32
        %dma_start3A_197 = tpu.memref_slice %arg10[%arg0, %dma_start3A_195, %dma_start3A_196] : memref<2x10016x16xf32, #tpu.memory_space<hbm>> -> memref<1x10016x16xf32, #tpu.memory_space<hbm>>
        %dma_start3A_198 = tpu.memref_squeeze %dma_start3A_197 : memref<1x10016x16xf32, #tpu.memory_space<hbm>> -> memref<10016x16xf32, #tpu.memory_space<hbm>>
        tpu.enqueue_dma source(%arg20 : memref<10016x16xf32, #tpu.memory_space<vmem_shared>>) target(%dma_start3A_198 : memref<10016x16xf32, #tpu.memory_space<hbm>>) target_semaphore(%run_scoped3A : memref<!tpu.dma_semaphore, #tpu.memory_space<semaphore_mem>>)
        %dma_wait3A_199 = arith.constant 0 : i32
        %dma_wait3A_200 = arith.constant 0 : i32
        %dma_wait3A_201 = tpu.memref_slice %arg10[%arg0, %dma_wait3A_199, %dma_wait3A_200] : memref<2x10016x16xf32, #tpu.memory_space<hbm>> -> memref<1x10016x16xf32, #tpu.memory_space<hbm>>
        %dma_wait3A_202 = tpu.memref_squeeze %dma_wait3A_201 : memref<1x10016x16xf32, #tpu.memory_space<hbm>> -> memref<10016x16xf32, #tpu.memory_space<hbm>>
        tpu.wait_dma2 semaphore(%run_scoped3A : memref<!tpu.dma_semaphore, #tpu.memory_space<semaphore_mem>>) src(%arg20 : memref<10016x16xf32, #tpu.memory_space<vmem_shared>>) dst(%dma_wait3A_202 : memref<10016x16xf32, #tpu.memory_space<hbm>>)
        tpu.yield
      }) : () -> ()
    } else {
    }
    return
  }
}

module attributes {stable_mosaic.version = 14 : i64} {
  func.func @_mlp_body(%arg0: memref<10000x2xf32, #tpu.memory_space<vmem>>, %arg1: memref<2x32xf32, #tpu.memory_space<vmem>>, %arg2: memref<1x32xf32, #tpu.memory_space<vmem>>, %arg3: memref<1x32xf32, #tpu.memory_space<vmem>>, %arg4: memref<1x32xf32, #tpu.memory_space<vmem>>, %arg5: memref<1x1xf32, #tpu.memory_space<vmem>>, %arg6: memref<32x32xf32, #tpu.memory_space<vmem>>, %arg7: memref<1x32xf32, #tpu.memory_space<vmem>>, %arg8: memref<32x1xf32, #tpu.memory_space<vmem>>, %arg9: memref<1x1xf32, #tpu.memory_space<vmem>>, %arg10: memref<32x1xf32, #tpu.memory_space<vmem>>, %arg11: memref<1x1xf32, #tpu.memory_space<vmem>>, %arg12: memref<10000x1xf32, #tpu.memory_space<vmem>>, %arg13: memref<10000x1xf32, #tpu.memory_space<vmem>>) attributes {dimension_semantics = [], scalar_prefetch = 0 : i64, scratch_operands = 0 : i64, tpu.core_type = #tpu.core_type<tc>} {
    %get3A = arith.constant 0 : index
    %get3A_0 = arith.constant 0 : index
    %get3A_1 = vector.load %arg0[%get3A, %get3A_0] : memref<10000x2xf32, #tpu.memory_space<vmem>>, vector<10000x2xf32>
    %slice3A = vector.extract_strided_slice %get3A_1 {offsets = [0, 0], sizes = [10000, 1], strides = [1, 1]} : vector<10000x2xf32> to vector<10000x1xf32>
    %get3A_2 = arith.constant 0 : index
    %get3A_3 = arith.constant 0 : index
    %get3A_4 = vector.load %arg1[%get3A_2, %get3A_3] : memref<2x32xf32, #tpu.memory_space<vmem>>, vector<1x32xf32>
    %mul3A = vector.broadcast %slice3A : vector<10000x1xf32> to vector<10000x32xf32>
    %mul3A_5 = vector.broadcast %get3A_4 : vector<1x32xf32> to vector<10000x32xf32>
    %mul3A_6 = arith.mulf %mul3A, %mul3A_5 : vector<10000x32xf32>
    %slice3A_7 = vector.extract_strided_slice %get3A_1 {offsets = [0, 1], sizes = [10000, 1], strides = [1, 1]} : vector<10000x2xf32> to vector<10000x1xf32>
    %get3A_8 = arith.constant 1 : index
    %get3A_9 = arith.constant 0 : index
    %get3A_10 = vector.load %arg1[%get3A_8, %get3A_9] : memref<2x32xf32, #tpu.memory_space<vmem>>, vector<1x32xf32>
    %mul3A_11 = vector.broadcast %slice3A_7 : vector<10000x1xf32> to vector<10000x32xf32>
    %mul3A_12 = vector.broadcast %get3A_10 : vector<1x32xf32> to vector<10000x32xf32>
    %mul3A_13 = arith.mulf %mul3A_11, %mul3A_12 : vector<10000x32xf32>
    %add3A = arith.addf %mul3A_6, %mul3A_13 : vector<10000x32xf32>
    %get3A_14 = arith.constant 0 : index
    %get3A_15 = arith.constant 0 : index
    %get3A_16 = vector.load %arg2[%get3A_14, %get3A_15] : memref<1x32xf32, #tpu.memory_space<vmem>>, vector<1x32xf32>
    %add3A_17 = vector.broadcast %get3A_16 : vector<1x32xf32> to vector<10000x32xf32>
    %add3A_18 = arith.addf %add3A, %add3A_17 : vector<10000x32xf32>
    %reduce_sum3A = arith.constant dense<0.000000e+00> : vector<32xf32>
    %reduce_sum3A_19 = vector.multi_reduction <add>, %add3A_18, %reduce_sum3A [0] : vector<10000x32xf32> to vector<32xf32>
    %broadcast_in_dim3A = vector.shape_cast %reduce_sum3A_19 : vector<32xf32> to vector<1x32xf32>
    %div3A = arith.constant 1.000000e+04 : f32
    %div3A_20 = vector.broadcast %div3A : f32 to vector<1x32xf32>
    %div3A_21 = arith.divf %broadcast_in_dim3A, %div3A_20 : vector<1x32xf32>
    %sub3A = vector.broadcast %div3A_21 : vector<1x32xf32> to vector<10000x32xf32>
    %sub3A_22 = arith.subf %add3A_18, %sub3A : vector<10000x32xf32>
    %sub3A_23 = vector.broadcast %div3A_21 : vector<1x32xf32> to vector<10000x32xf32>
    %sub3A_24 = arith.subf %add3A_18, %sub3A_23 : vector<10000x32xf32>
    %mul3A_25 = arith.mulf %sub3A_22, %sub3A_24 : vector<10000x32xf32>
    %reduce_sum3A_26 = arith.constant dense<0.000000e+00> : vector<32xf32>
    %reduce_sum3A_27 = vector.multi_reduction <add>, %mul3A_25, %reduce_sum3A_26 [0] : vector<10000x32xf32> to vector<32xf32>
    %broadcast_in_dim3A_28 = vector.shape_cast %reduce_sum3A_27 : vector<32xf32> to vector<1x32xf32>
    %div3A_29 = arith.constant 1.000000e+04 : f32
    %div3A_30 = vector.broadcast %div3A_29 : f32 to vector<1x32xf32>
    %div3A_31 = arith.divf %broadcast_in_dim3A_28, %div3A_30 : vector<1x32xf32>
    %sub3A_32 = vector.broadcast %div3A_21 : vector<1x32xf32> to vector<10000x32xf32>
    %sub3A_33 = arith.subf %add3A_18, %sub3A_32 : vector<10000x32xf32>
    %add3A_34 = arith.constant 9.99999974E-6 : f32
    %add3A_35 = vector.broadcast %add3A_34 : f32 to vector<1x32xf32>
    %add3A_36 = arith.addf %div3A_31, %add3A_35 : vector<1x32xf32>
    %sqrt3A = math.sqrt %add3A_36 : vector<1x32xf32>
    %div3A_37 = vector.broadcast %sqrt3A : vector<1x32xf32> to vector<10000x32xf32>
    %div3A_38 = arith.divf %sub3A_33, %div3A_37 : vector<10000x32xf32>
    %get3A_39 = arith.constant 0 : index
    %get3A_40 = arith.constant 0 : index
    %get3A_41 = vector.load %arg3[%get3A_39, %get3A_40] : memref<1x32xf32, #tpu.memory_space<vmem>>, vector<1x32xf32>
    %mul3A_42 = vector.broadcast %get3A_41 : vector<1x32xf32> to vector<10000x32xf32>
    %mul3A_43 = arith.mulf %div3A_38, %mul3A_42 : vector<10000x32xf32>
    %get3A_44 = arith.constant 0 : index
    %get3A_45 = arith.constant 0 : index
    %get3A_46 = vector.load %arg4[%get3A_44, %get3A_45] : memref<1x32xf32, #tpu.memory_space<vmem>>, vector<1x32xf32>
    %add3A_47 = vector.broadcast %get3A_46 : vector<1x32xf32> to vector<10000x32xf32>
    %add3A_48 = arith.addf %mul3A_43, %add3A_47 : vector<10000x32xf32>
    %get3A_49 = arith.constant 0 : index
    %get3A_50 = arith.constant 0 : index
    %get3A_51 = vector.load %arg5[%get3A_49, %get3A_50] : memref<1x1xf32, #tpu.memory_space<vmem>>, vector<1x1xf32>
    %get3A_52 = vector.extract %get3A_51[0, 0] : f32 from vector<1x1xf32>
    %ge3A = arith.constant 0.000000e+00 : f32
    %ge3A_53 = vector.broadcast %ge3A : f32 to vector<10000x32xf32>
    %ge3A_54 = arith.cmpf oge, %add3A_48, %ge3A_53 : vector<10000x32xf32>
    %mul3A_55 = vector.broadcast %get3A_52 : f32 to vector<10000x32xf32>
    %mul3A_56 = arith.mulf %mul3A_55, %add3A_48 : vector<10000x32xf32>
    %select_n3A = arith.select %ge3A_54, %add3A_48, %mul3A_56 : vector<10000x32xi1>, vector<10000x32xf32>
    %get3A_57 = arith.constant 0 : index
    %get3A_58 = arith.constant 0 : index
    %get3A_59 = vector.load %arg6[%get3A_57, %get3A_58] : memref<32x32xf32, #tpu.memory_space<vmem>>, vector<32x32xf32>
    %dot_general3A = arith.constant dense<0.000000e+00> : vector<10000x32xf32>
    %dot_general3A_60 = tpu.matmul %select_n3A, %get3A_59, %dot_general3A {dimension_numbers = #tpu.dot_dimension_numbers<[1], [0], [0], [1], [0, 0, 1, 1], [], []>, precision = #tpu.contract_precision<fp32>, transpose_lhs_hint = false} : vector<10000x32xf32>, vector<32x32xf32>, vector<10000x32xf32> -> vector<10000x32xf32>
    %get3A_61 = arith.constant 0 : index
    %get3A_62 = arith.constant 0 : index
    %get3A_63 = vector.load %arg7[%get3A_61, %get3A_62] : memref<1x32xf32, #tpu.memory_space<vmem>>, vector<1x32xf32>
    %add3A_64 = vector.broadcast %get3A_63 : vector<1x32xf32> to vector<10000x32xf32>
    %add3A_65 = arith.addf %dot_general3A_60, %add3A_64 : vector<10000x32xf32>
    %get3A_66 = arith.constant 0 : index
    %get3A_67 = arith.constant 0 : index
    %get3A_68 = vector.load %arg8[%get3A_66, %get3A_67] : memref<32x1xf32, #tpu.memory_space<vmem>>, vector<32x1xf32>
    %dot_general3A_69 = arith.constant dense<0.000000e+00> : vector<10000x1xf32>
    %dot_general3A_70 = tpu.matmul %add3A_65, %get3A_68, %dot_general3A_69 {dimension_numbers = #tpu.dot_dimension_numbers<[1], [0], [0], [1], [0, 0, 1, 1], [], []>, precision = #tpu.contract_precision<fp32>, transpose_lhs_hint = false} : vector<10000x32xf32>, vector<32x1xf32>, vector<10000x1xf32> -> vector<10000x1xf32>
    %get3A_71 = arith.constant 0 : index
    %get3A_72 = arith.constant 0 : index
    %get3A_73 = vector.load %arg9[%get3A_71, %get3A_72] : memref<1x1xf32, #tpu.memory_space<vmem>>, vector<1x1xf32>
    %get3A_74 = vector.extract %get3A_73[0, 0] : f32 from vector<1x1xf32>
    %add3A_75 = vector.broadcast %get3A_74 : f32 to vector<10000x1xf32>
    %add3A_76 = arith.addf %dot_general3A_70, %add3A_75 : vector<10000x1xf32>
    %swap3A = arith.constant 0 : index
    %swap3A_77 = arith.constant 0 : index
    %swap3A_78 = vector.load %arg12[%swap3A, %swap3A_77] : memref<10000x1xf32, #tpu.memory_space<vmem>>, vector<10000x1xf32>
    tpu.vector_store %arg12[%swap3A, %swap3A_77], %add3A_76 {strides = array<i32>} : memref<10000x1xf32, #tpu.memory_space<vmem>>, vector<10000x1xf32>,
    %get3A_79 = arith.constant 0 : index
    %get3A_80 = arith.constant 0 : index
    %get3A_81 = vector.load %arg10[%get3A_79, %get3A_80] : memref<32x1xf32, #tpu.memory_space<vmem>>, vector<32x1xf32>
    %dot_general3A_82 = arith.constant dense<0.000000e+00> : vector<10000x1xf32>
    %dot_general3A_83 = tpu.matmul %add3A_65, %get3A_81, %dot_general3A_82 {dimension_numbers = #tpu.dot_dimension_numbers<[1], [0], [0], [1], [0, 0, 1, 1], [], []>, precision = #tpu.contract_precision<fp32>, transpose_lhs_hint = false} : vector<10000x32xf32>, vector<32x1xf32>, vector<10000x1xf32> -> vector<10000x1xf32>
    %get3A_84 = arith.constant 0 : index
    %get3A_85 = arith.constant 0 : index
    %get3A_86 = vector.load %arg11[%get3A_84, %get3A_85] : memref<1x1xf32, #tpu.memory_space<vmem>>, vector<1x1xf32>
    %get3A_87 = vector.extract %get3A_86[0, 0] : f32 from vector<1x1xf32>
    %add3A_88 = vector.broadcast %get3A_87 : f32 to vector<10000x1xf32>
    %add3A_89 = arith.addf %dot_general3A_83, %add3A_88 : vector<10000x1xf32>
    %swap3A_90 = arith.constant 0 : index
    %swap3A_91 = arith.constant 0 : index
    %swap3A_92 = vector.load %arg13[%swap3A_90, %swap3A_91] : memref<10000x1xf32, #tpu.memory_space<vmem>>, vector<10000x1xf32>
    tpu.vector_store %arg13[%swap3A_90, %swap3A_91], %add3A_89 {strides = array<i32>} : memref<10000x1xf32, #tpu.memory_space<vmem>>, vector<10000x1xf32>,
    return
  }
}

module attributes {stable_mosaic.version = 14 : i64} {
  func.func @_scale_body(%arg0: i32, %arg1: memref<400x2048xf32, #tpu.memory_space<vmem>>, %arg2: memref<400x512xf32, #tpu.memory_space<vmem>>, %arg3: memref<400x1xf32, #tpu.memory_space<vmem>>, %arg4: memref<400x1xf32, #tpu.memory_space<vmem>>, %arg5: memref<400x2048xf32, #tpu.memory_space<vmem>>, %arg6: memref<400x2048xf32, #tpu.memory_space<vmem>>, %arg7: memref<400x512xf32, #tpu.memory_space<vmem>>, %arg8: memref<400x512xf32, #tpu.memory_space<vmem>>) attributes {dimension_semantics = [#tpu.dimension_semantics<arbitrary>], iteration_bounds = array<i64: 25>, scalar_prefetch = 0 : i64, scratch_operands = 0 : i64, tpu.core_type = #tpu.core_type<tc>, window_params = [{transform_indices = @transform_0, window_bounds = array<i64: 400, 2048>}, {transform_indices = @transform_1, window_bounds = array<i64: 400, 512>}, {transform_indices = @transform_2, window_bounds = array<i64: 400, 1>}, {transform_indices = @transform_3, window_bounds = array<i64: 400, 1>}, {transform_indices = @transform_4, window_bounds = array<i64: 400, 2048>}, {transform_indices = @transform_5, window_bounds = array<i64: 400, 2048>}, {transform_indices = @transform_6, window_bounds = array<i64: 400, 512>}, {transform_indices = @transform_7, window_bounds = array<i64: 400, 512>}]} {
    %get3A = arith.constant 0 : index
    %get3A_0 = arith.constant 0 : index
    %get3A_1 = vector.load %arg1[%get3A, %get3A_0] : memref<400x2048xf32, #tpu.memory_space<vmem>>, vector<400x2048xf32>
    %get3A_2 = arith.constant 0 : index
    %get3A_3 = arith.constant 0 : index
    %get3A_4 = vector.load %arg2[%get3A_2, %get3A_3] : memref<400x512xf32, #tpu.memory_space<vmem>>, vector<400x512xf32>
    %mul3A = arith.mulf %get3A_1, %get3A_1 : vector<400x2048xf32>
    %reduce_sum3A = arith.constant dense<0.000000e+00> : vector<400xf32>
    %reduce_sum3A_5 = vector.multi_reduction <add>, %mul3A, %reduce_sum3A [1] : vector<400x2048xf32> to vector<400xf32>
    %broadcast_in_dim3A = vector.shape_cast %reduce_sum3A_5 : vector<400xf32> to vector<400x1xf32>
    %sqrt3A = math.sqrt %broadcast_in_dim3A : vector<400x1xf32>
    %add3A = arith.constant 9.99999993E-9 : f32
    %add3A_6 = vector.broadcast %add3A : f32 to vector<400x1xf32>
    %add3A_7 = arith.addf %sqrt3A, %add3A_6 : vector<400x1xf32>
    %div3A = arith.constant 1.000000e+00 : f32
    %div3A_8 = vector.broadcast %div3A : f32 to vector<400x1xf32>
    %div3A_9 = arith.divf %div3A_8, %add3A_7 : vector<400x1xf32>
    %mul3A_10 = arith.mulf %get3A_4, %get3A_4 : vector<400x512xf32>
    %reduce_sum3A_11 = arith.constant dense<0.000000e+00> : vector<400xf32>
    %reduce_sum3A_12 = vector.multi_reduction <add>, %mul3A_10, %reduce_sum3A_11 [1] : vector<400x512xf32> to vector<400xf32>
    %broadcast_in_dim3A_13 = vector.shape_cast %reduce_sum3A_12 : vector<400xf32> to vector<400x1xf32>
    %sqrt3A_14 = math.sqrt %broadcast_in_dim3A_13 : vector<400x1xf32>
    %add3A_15 = arith.constant 9.99999993E-9 : f32
    %add3A_16 = vector.broadcast %add3A_15 : f32 to vector<400x1xf32>
    %add3A_17 = arith.addf %sqrt3A_14, %add3A_16 : vector<400x1xf32>
    %div3A_18 = arith.constant 1.000000e+00 : f32
    %div3A_19 = vector.broadcast %div3A_18 : f32 to vector<400x1xf32>
    %div3A_20 = arith.divf %div3A_19, %add3A_17 : vector<400x1xf32>
    %mul3A_21 = vector.broadcast %div3A_9 : vector<400x1xf32> to vector<400x2048xf32>
    %mul3A_22 = arith.mulf %get3A_1, %mul3A_21 : vector<400x2048xf32>
    %swap3A = arith.constant 0 : index
    %swap3A_23 = arith.constant 0 : index
    %swap3A_24 = vector.load %arg6[%swap3A, %swap3A_23] : memref<400x2048xf32, #tpu.memory_space<vmem>>, vector<400x2048xf32>
    tpu.vector_store %arg6[%swap3A, %swap3A_23], %mul3A_22 {strides = array<i32>} : memref<400x2048xf32, #tpu.memory_space<vmem>>, vector<400x2048xf32>,
    %mul3A_25 = vector.broadcast %div3A_20 : vector<400x1xf32> to vector<400x512xf32>
    %mul3A_26 = arith.mulf %get3A_4, %mul3A_25 : vector<400x512xf32>
    %swap3A_27 = arith.constant 0 : index
    %swap3A_28 = arith.constant 0 : index
    %swap3A_29 = vector.load %arg8[%swap3A_27, %swap3A_28] : memref<400x512xf32, #tpu.memory_space<vmem>>, vector<400x512xf32>
    tpu.vector_store %arg8[%swap3A_27, %swap3A_28], %mul3A_26 {strides = array<i32>} : memref<400x512xf32, #tpu.memory_space<vmem>>, vector<400x512xf32>,
    %get3A_30 = arith.constant 0 : index
    %get3A_31 = arith.constant 0 : index
    %get3A_32 = vector.load %arg3[%get3A_30, %get3A_31] : memref<400x1xf32, #tpu.memory_space<vmem>>, vector<400x1xf32>
    %mul3A_33 = arith.mulf %div3A_9, %get3A_32 : vector<400x1xf32>
    %mul3A_34 = vector.broadcast %mul3A_33 : vector<400x1xf32> to vector<400x2048xf32>
    %mul3A_35 = arith.mulf %get3A_1, %mul3A_34 : vector<400x2048xf32>
    %swap3A_36 = arith.constant 0 : index
    %swap3A_37 = arith.constant 0 : index
    %swap3A_38 = vector.load %arg5[%swap3A_36, %swap3A_37] : memref<400x2048xf32, #tpu.memory_space<vmem>>, vector<400x2048xf32>
    tpu.vector_store %arg5[%swap3A_36, %swap3A_37], %mul3A_35 {strides = array<i32>} : memref<400x2048xf32, #tpu.memory_space<vmem>>, vector<400x2048xf32>,
    %get3A_39 = arith.constant 0 : index
    %get3A_40 = arith.constant 0 : index
    %get3A_41 = vector.load %arg4[%get3A_39, %get3A_40] : memref<400x1xf32, #tpu.memory_space<vmem>>, vector<400x1xf32>
    %mul3A_42 = arith.mulf %div3A_20, %get3A_41 : vector<400x1xf32>
    %mul3A_43 = vector.broadcast %mul3A_42 : vector<400x1xf32> to vector<400x512xf32>
    %mul3A_44 = arith.mulf %get3A_4, %mul3A_43 : vector<400x512xf32>
    %swap3A_45 = arith.constant 0 : index
    %swap3A_46 = arith.constant 0 : index
    %swap3A_47 = vector.load %arg7[%swap3A_45, %swap3A_46] : memref<400x512xf32, #tpu.memory_space<vmem>>, vector<400x512xf32>
    tpu.vector_store %arg7[%swap3A_45, %swap3A_46], %mul3A_44 {strides = array<i32>} : memref<400x512xf32, #tpu.memory_space<vmem>>, vector<400x512xf32>,
    return
  }
  func.func @transform_0(%arg0: i32) -> (i32, i32) {
    %c0_i32 = arith.constant 0 : i32
    %c0_i32_0 = arith.constant 0 : i32
    return %arg0, %c0_i32 : i32, i32
  }
  func.func @transform_1(%arg0: i32) -> (i32, i32) {
    %c0_i32 = arith.constant 0 : i32
    %c0_i32_0 = arith.constant 0 : i32
    return %arg0, %c0_i32 : i32, i32
  }
  func.func @transform_2(%arg0: i32) -> (i32, i32) {
    %c0_i32 = arith.constant 0 : i32
    %c0_i32_0 = arith.constant 0 : i32
    return %arg0, %c0_i32 : i32, i32
  }
  func.func @transform_3(%arg0: i32) -> (i32, i32) {
    %c0_i32 = arith.constant 0 : i32
    %c0_i32_0 = arith.constant 0 : i32
    return %arg0, %c0_i32 : i32, i32
  }
  func.func @transform_4(%arg0: i32) -> (i32, i32) {
    %c0_i32 = arith.constant 0 : i32
    %c0_i32_0 = arith.constant 0 : i32
    return %arg0, %c0_i32 : i32, i32
  }
  func.func @transform_5(%arg0: i32) -> (i32, i32) {
    %c0_i32 = arith.constant 0 : i32
    %c0_i32_0 = arith.constant 0 : i32
    return %arg0, %c0_i32 : i32, i32
  }
  func.func @transform_6(%arg0: i32) -> (i32, i32) {
    %c0_i32 = arith.constant 0 : i32
    %c0_i32_0 = arith.constant 0 : i32
    return %arg0, %c0_i32 : i32, i32
  }
  func.func @transform_7(%arg0: i32) -> (i32, i32) {
    %c0_i32 = arith.constant 0 : i32
    %c0_i32_0 = arith.constant 0 : i32
    return %arg0, %c0_i32 : i32, i32
  }
}

module attributes {stable_mosaic.version = 14 : i64} {
  func.func @_reduce_body(%arg0: memref<2x10016x16xf32, #tpu.memory_space<vmem>>, %arg1: memref<1x1xf32, #tpu.memory_space<vmem>>, %arg2: memref<1x1xf32, #tpu.memory_space<vmem>>, %arg3: memref<1x10016xf32, #tpu.memory_space<vmem>>) attributes {dimension_semantics = [], scalar_prefetch = 0 : i64, scratch_operands = 0 : i64, tpu.core_type = #tpu.core_type<tc>} {
    %get3A = arith.constant 0 : index
    %get3A_0 = arith.constant 0 : index
    %get3A_1 = arith.constant 0 : index
    %get3A_2 = vector.load %arg0[%get3A, %get3A_0, %get3A_1] : memref<2x10016x16xf32, #tpu.memory_space<vmem>>, vector<2x10016x16xf32>
    %reduce_sum3A = arith.constant dense<0.000000e+00> : vector<10016xf32>
    %reduce_sum3A_3 = vector.multi_reduction <add>, %get3A_2, %reduce_sum3A [0, 2] : vector<2x10016x16xf32> to vector<10016xf32>
    %get3A_4 = arith.constant 0 : index
    %get3A_5 = arith.constant 0 : index
    %get3A_6 = vector.load %arg1[%get3A_4, %get3A_5] : memref<1x1xf32, #tpu.memory_space<vmem>>, vector<1x1xf32>
    %get3A_7 = vector.extract %get3A_6[0, 0] : f32 from vector<1x1xf32>
    %add3A = vector.broadcast %get3A_7 : f32 to vector<10016xf32>
    %add3A_8 = arith.addf %reduce_sum3A_3, %add3A : vector<10016xf32>
    %get3A_9 = arith.constant 0 : index
    %get3A_10 = arith.constant 0 : index
    %get3A_11 = vector.load %arg2[%get3A_9, %get3A_10] : memref<1x1xf32, #tpu.memory_space<vmem>>, vector<1x1xf32>
    %get3A_12 = vector.extract %get3A_11[0, 0] : f32 from vector<1x1xf32>
    %add3A_13 = vector.broadcast %get3A_12 : f32 to vector<10016xf32>
    %add3A_14 = arith.addf %add3A_8, %add3A_13 : vector<10016xf32>
    %broadcast_in_dim3A = vector.shape_cast %add3A_14 : vector<10016xf32> to vector<1x10016xf32>
    %swap3A = arith.constant 0 : index
    %swap3A_15 = arith.constant 0 : index
    %swap3A_16 = vector.load %arg3[%swap3A, %swap3A_15] : memref<1x10016xf32, #tpu.memory_space<vmem>>, vector<1x10016xf32>
    tpu.vector_store %arg3[%swap3A, %swap3A_15], %broadcast_in_dim3A {strides = array<i32>} : memref<1x10016xf32, #tpu.memory_space<vmem>>, vector<1x10016xf32>,
    return
  }
}

</mosaic_0001>

<sc_bundles>
// kernel: kernel.6.cloned.1.call-start
scs
__scs_entry_jumppad:
0x0: {  	(pc) =	sbr.rel $0x88, $3  }
0x1: {  	(tag) =	ssettag $0x0;
	lr =	simm.s32 $0x1  }
0x2: {  	[smem:$0x3F8D] =	sst lr;
	_ =	strace $0xD0000000  }
0x3: {  	_ = 	snop  }
0x4: {  	_ = 	snop  }
0x5: {  	_ = 	snop  }
0x6: {  	_ = 	snop  }
0x7: {  	_ = 	snop  }
__scs_overlays_trampoline_lowered:
0x8: {  	[smem:$0x3F9C] =	sst s0  }
0x9: {  	[smem:$0x3F9D] =	sst s1  }
0xa: {  	[smem:$0x3F9E] =	sst s2  }
0xb: {  	[smem:$0x3F9F] =	sst s3  }
0xc: {  	[smem:$0x3FA0] =	sst s4  }
0xd: {  	[smem:$0x3FA1] =	sst s5  }
0xe: {  	[smem:$0x3FA2] =	sst s6  }
0xf: {  	[smem:$0x3FA3] =	sst s7  }
0x10: {  	[smem:$0x3FA4] =	sst s8  }
0x11: {  	[smem:$0x3FA5] =	sst s9;
	s0 =	simm.s32 @!p0 $0x0  }
0x12: {  	s1 =	sld [smem:$0x3F8B];
	s0 =	simm.s32 @p0 $0x1  }
0x13: {  	[smem:$0x3FA6] =	sst s0;
	s0 =	simm.s32 @!p1 $0x0  }
0x14: {  	s2 =	sld [smem:$0x3F8A];
	s0 =	simm.s32 @p1 $0x1  }
0x15: {  	[smem:$0x3FA7] =	sst s0;
	s0 =	simm.s32 @!p2 $0x0  }
0x16: {  	s3 =	sld [smem:$0x3FDB];
	s0 =	simm.s32 @p2 $0x1  }
0x17: {  	s4 =	simm.s32 $0x1BF5;
	[smem:$0x3FA9] =	sst s0  }
0x18: {  	s0 =	sld [smem:$0x3F8C];
	_ =	swait.ge [sflag:s4], $0x0  }
0x19: {  	s7 =	sld [smem:$0x3F8D]  }
0x1a: {  	s8 =	sadd.s32 $0xFFFFE003, lr  }
0x1b: {  	s9 =	sadd.s32 $0xFFFFFEF7, lr;
	s5 =	simm.s32 $0xFFFFFFFF;
	p2 =	slt.u32 s8, $0xFFFFF086  }
0x1c: {  	p1 =	slt.u32 s9, $0xF7A;
	s5 =	simm.s32 @!p2 $0x0  }
0x1d: {  	s5 =	simm.s32 @p1 $0x1;
	p0 =	seq.s32 s7, s2  }
0x1e: {  	s7 =	smul.u32 @!p0 $0xF7A, s2;
	p2 =	seq.s32 @!p0 s5, $0x0  }
0x1f: {  	s9 =	smul.u32 $0xF7A, s1;
	s8 =	simm.s32 @!p0 $0x1BF5;
	p2 =	por !p2, p0  }
0x20: {  	[sflag:s8] =	ssyncset.s32 @!p0 $0xFFFFF086;
	s6 =	sadd.s32 @!p0 s3, s7;
	s7 =	simm.s32 @!p0 $0x108  }
0x21: {  	s3 =	sadd.s32 s3, s9;
	s6 =	sadd.s32 @!p0 $0x88, s6;
	s7 =	simm.s32 @p2 $0x1082  }
0x22: {  	[simem:s7], [sflag:s8] =	dma.local @!p0 [hbm:s6], $0xF7A  }
0x23: {  	s9 =	sor.u32 $0xD0000000, s2;
	s6 =	simm.s32 $0x108;
	_ =	swait.ge @!p0 [sflag:s8], $0x0  }
0x24: {  	s3 =	sadd.s32 $0x88, s3;
	s6 =	simm.s32 @!p1 $0x1082;
	[sflag:s4] =	ssyncset.s32 $0xFFFFF086  }
0x25: {  	[simem:s6], [sflag:s4] =	dma.local [hbm:s3], $0xF7A  }
0x26: {  	[smem:$0x3F8D] =	sst s1;
	(tag) =	ssettag s2;
	_ =	strace s9  }
0x27: {  	s1 =	sld [smem:$0x3F9D]  }
0x28: {  	s2 =	sld [smem:$0x3F9E]  }
0x29: {  	s4 =	sld [smem:$0x3FA0]  }
0x2a: {  	p0 =	seq.s32 s5, $0x0;
	s5 =	sld [smem:$0x3FA1]  }
0x2b: {  	s6 =	sld [smem:$0x3FA2]  }
0x2c: {  	s7 =	sld [smem:$0x3FA3]  }
0x2d: {  	s3 =	simm.s32 $0x108;
	s8 =	sld [smem:$0x3FA4]  }
0x2e: {  	s3 =	simm.s32 @!p0 $0x1082;
	s9 =	sld [smem:$0x3FA5]  }
0x2f: {  	lr =	sadd.s32 s0, s3;
	s0 =	sld [smem:$0x3F9C]  }
0x30: {  	s3 =	sld [smem:$0x3F9F]  }
0x31: {  	[smem:$0x3FA8] =	sst s10  }
0x32: {  	s10 =	sld [smem:$0x3FA6];
	_ =	sdelay $0x3  }
0x33: {  	p0 =	seq.s32 s10, $0x1;
	s10 =	sld [smem:$0x3FA8];
	_ =	sdelay $0x3  }
0x34: {  	[smem:$0x3FA8] =	sst s10  }
0x35: {  	s10 =	sld [smem:$0x3FA7];
	_ =	sdelay $0x3  }
0x36: {  	p1 =	seq.s32 s10, $0x1;
	s10 =	sld [smem:$0x3FA8];
	_ =	sdelay $0x3  }
0x37: {  	[smem:$0x3FA8] =	sst s10  }
0x38: {  	s10 =	sld [smem:$0x3FA9]  }
0x39: {  	_ = 	snop;
	(pc) =	sbr.ind lr, $3  }
0x3a: {  	_ = 	snop  }
0x3b: {  	_ = 	snop  }
0x3c: {  	p2 =	seq.s32 s10, $0x1;
	s10 =	sld [smem:$0x3FA8]  }
0x3d: {  	_ =	shalt  }
0x3e: {  	_ =	shalt  }
0x3f: {  	_ =	shalt  }
0x40: {  	_ =	shalt  }
0x41: {  	_ =	shalt  }
0x42: {  	_ =	shalt  }
0x43: {  	_ =	shalt  }
0x44: {  	_ =	shalt  }
0x45: {  	_ =	shalt  }
0x46: {  	_ =	shalt  }
0x47: {  	_ =	shalt  }
0x48: {  	_ =	shalt  }
0x49: {  	_ =	shalt  }
0x4a: {  	_ =	shalt  }
0x4b: {  	_ =	shalt  }
0x4c: {  	_ =	shalt  }
0x4d: {  	_ =	shalt  }
0x4e: {  	_ =	shalt  }
0x4f: {  	_ =	shalt  }
0x50: {  	_ =	shalt  }
0x51: {  	_ =	shalt  }
0x52: {  	_ =	shalt  }
0x53: {  	_ =	shalt  }
0x54: {  	_ =	shalt  }
0x55: {  	_ =	shalt  }
0x56: {  	_ =	shalt  }
0x57: {  	_ =	shalt  }
0x58: {  	_ =	shalt  }
0x59: {  	_ =	shalt  }
0x5a: {  	_ =	shalt  }
0x5b: {  	_ =	shalt  }
0x5c: {  	_ =	shalt  }
0x5d: {  	_ =	shalt  }
0x5e: {  	_ =	shalt  }
0x5f: {  	_ =	shalt  }
0x60: {  	_ =	shalt  }
0x61: {  	_ =	shalt  }
0x62: {  	_ =	shalt  }
0x63: {  	_ =	shalt  }
0x64: {  	_ =	shalt  }
0x65: {  	_ =	shalt  }
0x66: {  	_ =	shalt  }
0x67: {  	_ =	shalt  }
0x68: {  	_ =	shalt  }
0x69: {  	_ =	shalt  }
0x6a: {  	_ =	shalt  }
0x6b: {  	_ =	shalt  }
0x6c: {  	_ =	shalt  }
0x6d: {  	_ =	shalt  }
0x6e: {  	_ =	shalt  }
0x6f: {  	_ =	shalt  }
0x70: {  	_ =	shalt  }
0x71: {  	_ =	shalt  }
0x72: {  	_ =	shalt  }
0x73: {  	_ =	shalt  }
0x74: {  	_ =	shalt  }
0x75: {  	_ =	shalt  }
0x76: {  	_ =	shalt  }
0x77: {  	_ =	shalt  }
0x78: {  	_ =	shalt  }
0x79: {  	_ =	shalt  }
0x7a: {  	_ =	shalt  }
0x7b: {  	_ =	shalt  }
0x7c: {  	_ =	shalt  }
0x7d: {  	_ =	shalt  }
0x7e: {  	_ =	shalt  }
0x7f: {  	_ =	shalt  }
0x80: {  	_ =	shalt  }
0x81: {  	_ =	shalt  }
0x82: {  	_ =	shalt  }
0x83: {  	_ =	shalt  }
0x84: {  	_ =	shalt  }
0x85: {  	_ =	shalt  }
0x86: {  	_ =	shalt  }
0x87: {  	_ =	shalt  }
.Lfunc_end0:
.L_simem_size_0:
called_computation.2_lowered:
.L_overlay_start_0:
0x88: {  	s2 =	sld [smem:$0x3FD9]  }
0x89: {  	s3 =	sld [smem:$0x3FFE];
	_ =	sdelay $0x1  }
0x8a: {  	s1 =	srdreg.scid  }
0x8b: {  	s0 =	sand.u32 $0x1, s1  }
0x8c: {  	s16 =	sshll.u32 s0, $0xA;
	s2 =	sadd.s32 s3, s2  }
0x8d: {  	s2 =	sadd.s32 s2, s16  }
0x8e: {  	[smem:$0x3FB4] =	sst s2  }
0x8f: {  	_ = 	snop  }
0x90: {  	(tm) =	ssettm $0x1  }
0x91: {  	s17 =	sld [smem:$0x3FFB];
	_ =	sdelay $0x3  }
0x92: {  	_ =	strace s17  }
0x93: {  	s2 =	sld [smem:$0x3FFC];
	_ =	sdelay $0x3  }
0x94: {  	_ =	strace s2  }
0x95: {  	s2 =	sld [smem:$0x3FFD];
	_ =	sdelay $0x3  }
0x96: {  	_ =	strace s2  }
0x97: {  	_ =	strace $0x8FFFFFFF  }
0x98: {  	s18 =	sld [smem:$0x3FDB];
	_ =	sdelay $0x1  }
0x99: {  	s19 =	simm.s32 $_scs_section_size  }
0x9a: {  	s4 =	simm.s32 $_size__tile_overlayer_lowered;
	s5 =	simm.s32 $_tile_overlayer_lowered  }
0x9b: {  	s22 =	simm.s32 $0x1BFF;
	s21 =	sshll.u32 s5, $0x1;
	s2 =	sadd.s32 s19, s18  }
0x9c: {  	s6 =	simm.s32 $0x0;
	s20 =	sshll.u32 s4, $0x1;
	s4 =	sadd.s32 s21, s2  }
0x9d: {  	[timem:s6], [sflag:s22] =	dma.local [hbm:s4], s20  }
0x9e: {  	_ =	swait.ge [sflag:s22], s20  }
0x9f: {  	s3 =	ssub.s32 $0x0, s20;
	[sflag:s22] =	ssyncset.done $0x0  }
0xa0: {  	[sflag:s22] =	ssyncadd.s32 s3;
	_ =	sdelay $0x1  }
0xa1: {  	s23 =	simm.s32 $0x1B8B  }
0xa2: {  	_ =	swait.ge [sflag:s23], $0x1  }
0xa3: {  	[sflag:s23] =	ssyncset.done $0x0  }
0xa4: {  	s25 =	simm.s32 $0x1B8E;
	s24 =	sld [smem:$0x3FFE];
	[sflag:s23] =	ssyncadd.s32 $0xFFFFFFFF  }
0xa5: {  	s26 =	simm.s32 $execute0_lowered;
	[smem:$0x3FD2] =	sst s25  }
0xa6: {  	s4 =	sshll.u32 s26, $0x1;
	_ =	strace $0x8000004C;
	[dreg:$0x1] =	wrdreg $0xFFFFFFFF  }
0xa7: {  	s28 =	simm.s32 $_size_execute0_lowered;
	s2 =	sadd.s32 s2, s4;
	[dreg:$0x0] =	wrdreg $0x0  }
0xa8: {  	s4 =	sshll.u32 s28, $0x1;
	[dreg:$0x2] =	wrdreg s2  }
0xa9: {  	[dreg:$0x3] =	wrdreg s4  }
0xaa: {  	[dreg:$0x4] =	wrdreg $0xC0  }
0xab: {  	_ =	task [dreg:s6], $0x5FFFF  }
0xac: {  	[dreg:$0x1] =	wrdreg $0xFFFFFFFF  }
0xad: {  	[dreg:$0x0] =	wrdreg $0x60  }
0xae: {  	[dreg:$0x2] =	wrdreg s24  }
0xaf: {  	[dreg:$0x3] =	wrdreg $0xD1200  }
0xb0: {  	[dreg:$0x4] =	wrdreg $0x9  }
0xb1: {  	_ =	task.clear_ibuf [dreg:s6], $0x5FFFF;
	_ =	strace $0x9000004C  }
0xb2: {  	s29 =	simm.s32 $0x9;
	_ =	strace $0x8000004E  }
0xb3: {  	_ =	swait.ge [sflag:s29], $0x1  }
0xb4: {  	[sflag:s29] =	ssyncadd.s32 $0xFFFFFFFF  }
0xb5: {  	_ =	strace $0x9000004E  }
0xb6: {  	_ =	sfence  }
0xb7: {  	s30 =	sld [smem:$0x0];
	_ =	sdelay $0x2  }
0xb8: {  	s31 =	sshll.u32 s1, $0xD;
	s1 =	sshrl.u32 s1, $0x2  }
0xb9: {  	s3 =	sand.u32 $0x4000, s31;
	s1 =	sadd.s32 s1, s30  }
0xba: {  	s0 =	sor.u32 s3, s0;
	s1 =	sshll.u32 s1, $0x11  }
0xbb: {  	s0 =	sor.u32 s1, s0  }
0xbc: {  	s0 =	sadd.s32 $0x8F2B, s0  }
0xbd: {  	[sflag:s0] =	ssyncadd.remote.s32 $0x1  }
0xbe: {  	_ =	sfence.sel $0xFFFF  }
0xbf: {  	[dreg:$0x0] =	wrdreg $0xFFFFFFFF;
	(pc) =	sbr.abs _section_cstart, $3  }
0xc0: {  	[dreg:$0x1] =	wrdreg $0xFFFFFFFF  }
0xc1: {  	_ =	task.clear_ibuf [dreg:s6], $0x2FFFF;
	_ =	strace $0x9FFFFFFF  }
0xc2: {  	(tm) =	ssettm $0x7FFFFFFF  }
0xc3: {  	_ =	shalt  }
tec
execute0_lowered:
.L_overlay_start_1:
0x0: {  	(tag) =	ssettag $0x1  }
0x1: {  	s0 =	rddreg [dreg:$0x0]  }
0x2: {  	s1 =	rddreg [dreg:$0x1];
	s3 =	srdreg.scid  }
0x3: {  	s7 =	stileid.u32;
	s2 =	simm.s32 $0x0;
	s15 =	simm.s32 $0x7  }
0x4: {  	s17 =	simm.s32 $0x2800;
	s18 =	simm.s32 $0x6800;
	s19 =	simm.s32 $0xA800  }
0x5: {  	s20 =	simm.s32 $0xA900;
	s21 =	simm.s32 $0x4800;
	s22 =	simm.s32 $0x8800  }
0x6: {  	s23 =	simm.s32 $0x1;
	s28 =	simm.s32 $0x4;
	s29 =	simm.s32 $0x6  }
0x7: {  	s8 =	sand.u32 $0x1, s3;
	s24 =	sshll.u32 s7, $0x1;
	[smem:$0x7FF] =	sst s2  }
0x8: {  	s4 =	sadd.s32 $0x61AA00, s0;
	s5 =	sadd.s32 $0x200, s0;
	s11 =	smul.u32 $0x9C80, s7  }
0x9: {  	s6 =	sadd.s32 $0xAFCA00, s0;
	p0 =	sne.s32 s7, $0x0;
	s3 =	sor.u32 s8, s24  }
0xa: {  	_ =	strace $0x8000004D;
	s10 =	smul.u32 $0x4E40, s8;
	s8 =	ssub.s32 $0x2, s8  }
0xb: {  	s24 =	simm.s32 $0x3;
	s9 =	smul.u32 $0x280, s3;
	s25 =	sshrl.u32 s8, $0x1  }
0xc: {  	s3 =	sadd.s32 $0x88BA00, s0;
	s11 =	sshrl.u32 s11, $0x2;
	s8 =	ssub.s32 s8, s25  }
0xd: {  	s26 =	sadd.s32 s11, s1;
	s25 =	simm.s32 $0x5;
	s9 =	sadd.s32 s9, s0  }
0xe: {  	s0 =	sadd.s32 s10, s0;
	[dreg:$0x3] =	wrdreg s26;
	s13 =	smax.u32 s8, $0x1  }
0xf: {  	s26 =	simm.s32 $0x2;
	s30 =	sadd.s32 $0xAB600, s9;
	s31 =	sadd.s32 $0xA1600, s9  }
0x10: {  	v1 =	vlaneseq.u32;
	s10 =	sadd.s32 $0xA6600, s9;
	s11 =	sadd.s32 $0x9C600, s9;
	[dreg:$0x4] =	wrdreg s30  }
0x11: {  	v0 =	vimm.f32 $0.0e+00;
	vm0 =	vmmov $0xffff;
	v1 =	vor.u32 $0x2710, v1;
	s12 =	sadd.s32 $0xB0600, s0;
	s9 =	simm.s32 $0x1400;
	[dreg:$0x5] =	wrdreg s31  }
.LBB2_1:
0x12: {  	s0 =	simm.s32 $0x40;
	s7 =	simm.s32 $0x0  }
.LBB2_2:
0x13: {  	p1 =	sne.s32 s0, $0x9C40;
	[tilespmem:s7+$0xAA00] =	vst v0;
	s7 =	smov.u32 s0;
	s0 =	sadd.s32 $0x40, s0  }
.Ltmp0:
0x14: {  	(pc) =	sbr.rel @p1 .LBB2_2-.Ltmp0, $2  }
0x15: {  	_ =	sdelay $0x2  }
0x16: {  	s7 =	sshra.s32 s7, $0x2  }
0x17: {  	[tilespmem:s7+$0xAA00] =	vst v0;
	s0 =	rddreg [dreg:$0x3];
	s8 =	simm.s32 $0xAA00  }
0x18: {  	[spmem:s0] =	stream.linear.scatter [tilespmem:s8], [sflag:$0x7], $0x2720, $0x38;
	[tilespmem:$0xF840] =	vst v63  }
0x19: {  	_ =	swait.ge [sflag:s15], $0x2720  }
0x1a: {  	[sflag:s15] =	ssyncset.done $0x0  }
0x1b: {  	[sflag:s15] =	ssyncadd.s32 $0xFFFFD8E0  }
0x1c: {  	[bflag:$0x0] =	sbarrier.arrive $0xFFFF  }
0x1d: {  	s30 =	simm.s32 $0x0;
	s14 =	rddreg [dreg:$0x4]  }
0x1e: {  	[tilespmem:s30], [sflag:$0x7] =	stream.linear.gather [hbm4b:s14+s30], $0x1400, $0x38;
	[tilespmem:$0xF840] =	vst v63  }
0x1f: {  	_ =	swait.ge [sflag:s15], $0x1400  }
0x20: {  	[sflag:s15] =	ssyncset.done $0x0  }
0x21: {  	s16 =	rddreg [dreg:$0x5];
	[sflag:s15] =	ssyncadd.s32 $0xFFFFEC00  }
0x22: {  	[tilespmem:s9], [sflag:$0x7] =	stream.linear.gather [hbm4b:s16+s30], $0x1400, $0x38;
	[tilespmem:$0xF840] =	vst v63  }
0x23: {  	_ =	swait.ge [sflag:s15], $0x1400  }
0x24: {  	[sflag:s15] =	ssyncset.done $0x0  }
0x25: {  	[sflag:s15] =	ssyncadd.s32 $0xFFFFEC00  }
0x26: {  	v2 =	vld [tilespmem:$0x0];
	_ =	sdelay $0x1  }
0x27: {  	v3 =	vld [tilespmem:$0x1400];
	_ =	sdelay $0x2  }
0x28: {  	v2 =	vshll.u32 v2, $0x2;
	_ =	sdelay $0x1  }
0x29: {  	v3 =	vshll.u32 v3, $0x2;
	_ =	sdelay $0x2  }
0x2a: {  	[tilespmem:s17], [sflag:$0x1] =	stream.indirect_vreg.gather [hbm4b:s3+s30], $0x200, v2, vm0, $0xb8;
	[tilespmem:$0xF840] =	vst v63  }
0x2b: {  	_ = 	snop  }
0x2c: {  	[tilespmem:s18], [sflag:$0x3] =	stream.indirect_vreg.gather [hbm4b:s4+s30], $0x200, v3, vm0, $0xb8;
	[tilespmem:$0xF840] =	vst v63  }
0x2d: {  	_ = 	snop  }
0x2e: {  	[spmem:s1] =	stream.indirect_vreg.scatter.add.f32 [tilespmem:s19], [sflag:$0x5], $0x10, v1, vm0, $0xb8;
	[tilespmem:$0xF840] =	vst v63  }
0x2f: {  	s31 =	simm.s32 $0x0  }
0x30: {  	[spmem:s1] =	stream.indirect_vreg.scatter.add.f32 [tilespmem:s20], [sflag:$0x6], $0x10, v1, vm0, $0xb8;
	[tilespmem:$0xF840] =	vst v63  }
.LBB2_4:
0x31: {  	s0 =	sshll.u32 s31, $0x3  }
0x32: {  	s7 =	sand.u32 $0x1FF0, s0  }
0x33: {  	v2 =	vld [tilespmem:s7+$0x0];
	_ =	sdelay $0x1  }
0x34: {  	v3 =	vld [tilespmem:s7+$0x1400]  }
0x35: {  	s14 =	sshll.u32 s31, $0x1  }
0x36: {  	s16 =	sand.u32 $0x2, s14  }
0x37: {  	s7 =	sor.u32 $0x1, s16;
	v2 =	vshll.u32 v2, $0x2  }
0x38: {  	v2 =	vor.u32 s7, v2  }
0x39: {  	v3 =	vshll.u32 v3, $0x2  }
0x3a: {  	v3 =	vor.u32 s7, v3;
	_ =	sdelay $0x2  }
0x3b: {  	[tilespmem:s21], [sflag:$0x2] =	stream.indirect_vreg.gather [hbm4b:s3+s30], $0x200, v2, vm0, $0xb8;
	[tilespmem:$0xF840] =	vst v63  }
0x3c: {  	_ = 	snop  }
0x3d: {  	[tilespmem:s22], [sflag:$0x4] =	stream.indirect_vreg.gather [hbm4b:s4+s30], $0x200, v3, vm0, $0xb8;
	[tilespmem:$0xF840] =	vst v63  }
0x3e: {  	_ =	swait.ge [sflag:s23], $0x2000  }
0x3f: {  	[sflag:s23] =	ssyncset.done $0x0  }
0x40: {  	[sflag:s23] =	ssyncadd.s32 $0xFFFFE000  }
0x41: {  	_ =	swait.ge [sflag:s24], $0x2000  }
0x42: {  	[sflag:s24] =	ssyncset.done $0x0  }
0x43: {  	[sflag:s24] =	ssyncadd.s32 $0xFFFFE000  }
0x44: {  	_ =	swait.ge [sflag:s25], $0x100  }
0x45: {  	[sflag:s25] =	ssyncset.done $0x0  }
0x46: {  	s16 =	simm.s32 $0xA810;
	s7 =	simm.s32 $0x0;
	[sflag:s25] =	ssyncadd.s32 $0xFFFFFF00  }
.LBB2_5:
0x47: {  	s8 =	sshra.s32 s7, $0x2  }
0x48: {  	v2 =	vld [tilespmem:s8+$0x2800]  }
0x49: {  	v3 =	vld [tilespmem:s8+$0x6800]  }
0x4a: {  	v4 =	vld [tilespmem:s8+$0x2810]  }
0x4b: {  	v5 =	vld [tilespmem:s8+$0x6810]  }
0x4c: {  	v6 =	vld [tilespmem:s8+$0x2820]  }
0x4d: {  	v7 =	vld [tilespmem:s8+$0x6820]  }
0x4e: {  	v8 =	vld [tilespmem:s8+$0x2830]  }
0x4f: {  	v9 =	vld [tilespmem:s8+$0x6830]  }
0x50: {  	v10 =	vld [tilespmem:s8+$0x2840]  }
0x51: {  	v11 =	vld [tilespmem:s8+$0x6840]  }
0x52: {  	v12 =	vld [tilespmem:s8+$0x2850]  }
0x53: {  	v13 =	vld [tilespmem:s8+$0x6850]  }
0x54: {  	v14 =	vld [tilespmem:s8+$0x2860]  }
0x55: {  	v15 =	vld [tilespmem:s8+$0x6860]  }
0x56: {  	v16 =	vld [tilespmem:s8+$0x2870]  }
0x57: {  	v17 =	vld [tilespmem:s8+$0x6870]  }
0x58: {  	v18 =	vld [tilespmem:s8+$0x2880]  }
0x59: {  	v19 =	vld [tilespmem:s8+$0x6880]  }
0x5a: {  	v20 =	vld [tilespmem:s8+$0x2890]  }
0x5b: {  	v21 =	vld [tilespmem:s8+$0x6890]  }
0x5c: {  	v22 =	vld [tilespmem:s8+$0x28A0]  }
0x5d: {  	v23 =	vld [tilespmem:s8+$0x68A0]  }
0x5e: {  	v24 =	vld [tilespmem:s8+$0x28B0]  }
0x5f: {  	v25 =	vld [tilespmem:s8+$0x68B0]  }
0x60: {  	v26 =	vld [tilespmem:s8+$0x28C0]  }
0x61: {  	v27 =	vld [tilespmem:s8+$0x68C0]  }
0x62: {  	v28 =	vld [tilespmem:s8+$0x28D0]  }
0x63: {  	v29 =	vld [tilespmem:s8+$0x68D0]  }
0x64: {  	v30 =	vld [tilespmem:s8+$0x28E0]  }
0x65: {  	v31 =	vld [tilespmem:s8+$0x68E0]  }
0x66: {  	v32 =	vld [tilespmem:s8+$0x28F0]  }
0x67: {  	v33 =	vld [tilespmem:s8+$0x68F0]  }
0x68: {  	v34 =	vld [tilespmem:s8+$0x2900]  }
0x69: {  	v35 =	vld [tilespmem:s8+$0x6900]  }
0x6a: {  	v36 =	vld [tilespmem:s8+$0x2910]  }
0x6b: {  	v37 =	vld [tilespmem:s8+$0x6910]  }
0x6c: {  	v38 =	vld [tilespmem:s8+$0x2920]  }
0x6d: {  	v39 =	vld [tilespmem:s8+$0x6920]  }
0x6e: {  	v40 =	vld [tilespmem:s8+$0x2930]  }
0x6f: {  	v41 =	vld [tilespmem:s8+$0x6930]  }
0x70: {  	v42 =	vld [tilespmem:s8+$0x2940]  }
0x71: {  	v43 =	vld [tilespmem:s8+$0x6940]  }
0x72: {  	v44 =	vld [tilespmem:s8+$0x2950]  }
0x73: {  	v45 =	vld [tilespmem:s8+$0x6950]  }
0x74: {  	v46 =	vld [tilespmem:s8+$0x2960]  }
0x75: {  	v47 =	vld [tilespmem:s8+$0x6960]  }
0x76: {  	v48 =	vld [tilespmem:s8+$0x2970]  }
0x77: {  	v49 =	vld [tilespmem:s8+$0x6970];
	v2 =	vmul.f32 v3, v2  }
0x78: {  	v50 =	vld [tilespmem:s8+$0x6990];
	v3 =	vmul.f32 v5, v4;
	v60 =	vmul.f32 v7, v6  }
0x79: {  	v53 =	vld [tilespmem:s8+$0x29A0];
	v61 =	vmul.f32 v9, v8;
	v62 =	vmul.f32 v11, v10  }
0x7a: {  	v55 =	vld [tilespmem:s8+$0x69A0];
	v63 =	vmul.f32 v13, v12;
	v51 =	vmul.f32 v15, v14  }
0x7b: {  	v57 =	vld [tilespmem:s8+$0x29B0];
	v52 =	vmul.f32 v17, v16;
	v54 =	vmul.f32 v19, v18  }
0x7c: {  	v4 =	vld [tilespmem:s8+$0x2980];
	v56 =	vmul.f32 v21, v20;
	v58 =	vmul.f32 v23, v22;
	v2 =	vadd.f32 $0.0e+00, v2  }
0x7d: {  	v6 =	vld [tilespmem:s8+$0x6980];
	v59 =	vmul.f32 v25, v24;
	v3 =	vadd.f32 $0.0e+00, v3;
	v7 =	vadd.f32 $0.0e+00, v61  }
0x7e: {  	v8 =	vld [tilespmem:s8+$0x2990];
	v61 =	vmul.f32 v27, v26;
	v2 =	vadd.f32 v62, v2;
	v62 =	vmul.f32 v29, v28  }
0x7f: {  	v5 =	vadd.f32 $0.0e+00, v60;
	v60 =	vld [tilespmem:s8+$0x69B0];
	v28 =	vmul.f32 v31, v30;
	v30 =	vmul.f32 v33, v32  }
0x80: {  	v3 =	vadd.f32 v63, v3;
	v63 =	vld [tilespmem:s8+$0x29C0];
	v32 =	vmul.f32 v35, v34;
	v33 =	vmul.f32 v37, v36  }
0x81: {  	v5 =	vadd.f32 v51, v5;
	v29 =	vld [tilespmem:s8+$0x69C0];
	v35 =	vmul.f32 v39, v38;
	v36 =	vmul.f32 v41, v40  }
0x82: {  	v7 =	vadd.f32 v52, v7;
	v31 =	vld [tilespmem:s8+$0x29D0];
	v38 =	vmul.f32 v43, v42;
	v40 =	vmul.f32 v45, v44  }
0x83: {  	v34 =	vld [tilespmem:s8+$0x69D0];
	v42 =	vmul.f32 v47, v46;
	v2 =	vadd.f32 v54, v2;
	v3 =	vadd.f32 v56, v3  }
0x84: {  	v37 =	vld [tilespmem:s8+$0x29E0];
	v43 =	vmul.f32 v49, v48;
	v5 =	vadd.f32 v58, v5;
	v7 =	vadd.f32 v59, v7  }
0x85: {  	v39 =	vld [tilespmem:s8+$0x69E0];
	v46 =	vmul.f32 v55, v53;
	v2 =	vadd.f32 v61, v2;
	v3 =	vadd.f32 v62, v3  }
0x86: {  	v41 =	vld [tilespmem:s8+$0x29F0];
	v4 =	vmul.f32 v6, v4;
	v5 =	vadd.f32 v28, v5;
	v7 =	vadd.f32 v30, v7  }
0x87: {  	v44 =	vld [tilespmem:s8+$0x69F0];
	v45 =	vmul.f32 v50, v8;
	v2 =	vadd.f32 v32, v2;
	v3 =	vadd.f32 v33, v3  }
0x88: {  	v47 =	vmul.f32 v60, v57;
	v5 =	vadd.f32 v35, v5;
	v7 =	vadd.f32 v36, v7  }
0x89: {  	v48 =	vmul.f32 v29, v63;
	v2 =	vadd.f32 v38, v2;
	v3 =	vadd.f32 v40, v3  }
0x8a: {  	v49 =	vmul.f32 v34, v31;
	v5 =	vadd.f32 v42, v5;
	v7 =	vadd.f32 v43, v7  }
0x8b: {  	v50 =	vmul.f32 v39, v37;
	v2 =	vadd.f32 v4, v2;
	v3 =	vadd.f32 v45, v3  }
0x8c: {  	v51 =	vmul.f32 v44, v41;
	v5 =	vadd.f32 v46, v5;
	v4 =	vadd.f32 v47, v7  }
0x8d: {  	v2 =	vadd.f32 v48, v2;
	v3 =	vadd.f32 v49, v3  }
0x8e: {  	v5 =	vadd.f32 v50, v5;
	v4 =	vadd.f32 v51, v4;
	_ =	sdelay $0x1  }
0x8f: {  	v2 =	vadd.f32 v3, v2;
	v3 =	vadd.f32 v4, v5;
	_ =	sdelay $0x1  }
0x90: {  	v2 =	vadd.f32 v3, v2;
	_ =	sdelay $0x1  }
0x91: {  	[tilespmem:s16+$0xFFFFFFF0] =	vst v2  }
0x92: {  	v2 =	vld [tilespmem:s8+$0x2A00]  }
0x93: {  	v3 =	vld [tilespmem:s8+$0x6A00]  }
0x94: {  	v4 =	vld [tilespmem:s8+$0x2A10]  }
0x95: {  	v5 =	vld [tilespmem:s8+$0x6A10]  }
0x96: {  	v6 =	vld [tilespmem:s8+$0x2A20]  }
0x97: {  	v7 =	vld [tilespmem:s8+$0x6A20]  }
0x98: {  	v8 =	vld [tilespmem:s8+$0x2A30]  }
0x99: {  	v52 =	vld [tilespmem:s8+$0x6A30]  }
0x9a: {  	v10 =	vld [tilespmem:s8+$0x2A40]  }
0x9b: {  	v53 =	vld [tilespmem:s8+$0x6A40]  }
0x9c: {  	v12 =	vld [tilespmem:s8+$0x2A50]  }
0x9d: {  	v54 =	vld [tilespmem:s8+$0x6A50]  }
0x9e: {  	v14 =	vld [tilespmem:s8+$0x2A60]  }
0x9f: {  	v55 =	vld [tilespmem:s8+$0x6A60]  }
0xa0: {  	v16 =	vld [tilespmem:s8+$0x2A70]  }
0xa1: {  	v56 =	vld [tilespmem:s8+$0x6A70]  }
0xa2: {  	v57 =	vld [tilespmem:s8+$0x2A80]  }
0xa3: {  	v58 =	vld [tilespmem:s8+$0x6A80]  }
0xa4: {  	v59 =	vld [tilespmem:s8+$0x2A90]  }
0xa5: {  	v60 =	vld [tilespmem:s8+$0x6A90]  }
0xa6: {  	v22 =	vld [tilespmem:s8+$0x2AA0]  }
0xa7: {  	v61 =	vld [tilespmem:s8+$0x6AA0]  }
0xa8: {  	v62 =	vld [tilespmem:s8+$0x2AB0]  }
0xa9: {  	v63 =	vld [tilespmem:s8+$0x6AB0]  }
0xaa: {  	v26 =	vld [tilespmem:s8+$0x2AC0]  }
0xab: {  	v27 =	vld [tilespmem:s8+$0x6AC0]  }
0xac: {  	v28 =	vld [tilespmem:s8+$0x2AD0]  }
0xad: {  	v29 =	vld [tilespmem:s8+$0x6AD0]  }
0xae: {  	v30 =	vld [tilespmem:s8+$0x2AE0]  }
0xaf: {  	v31 =	vld [tilespmem:s8+$0x6AE0]  }
0xb0: {  	v32 =	vld [tilespmem:s8+$0x2AF0]  }
0xb1: {  	v33 =	vld [tilespmem:s8+$0x6AF0]  }
0xb2: {  	v34 =	vld [tilespmem:s8+$0x2B00]  }
0xb3: {  	v35 =	vld [tilespmem:s8+$0x6B00]  }
0xb4: {  	v36 =	vld [tilespmem:s8+$0x2B10]  }
0xb5: {  	v37 =	vld [tilespmem:s8+$0x6B10]  }
0xb6: {  	v38 =	vld [tilespmem:s8+$0x2B20]  }
0xb7: {  	v39 =	vld [tilespmem:s8+$0x6B20]  }
0xb8: {  	v40 =	vld [tilespmem:s8+$0x2B30]  }
0xb9: {  	v41 =	vld [tilespmem:s8+$0x6B30]  }
0xba: {  	v42 =	vld [tilespmem:s8+$0x2B40]  }
0xbb: {  	v43 =	vld [tilespmem:s8+$0x6B40]  }
0xbc: {  	v44 =	vld [tilespmem:s8+$0x2B50]  }
0xbd: {  	v45 =	vld [tilespmem:s8+$0x6B50]  }
0xbe: {  	v46 =	vld [tilespmem:s8+$0x2B60]  }
0xbf: {  	v47 =	vld [tilespmem:s8+$0x6B60]  }
0xc0: {  	v48 =	vld [tilespmem:s8+$0x2B70];
	v2 =	vmul.f32 v3, v2;
	v3 =	vmul.f32 v5, v4  }
0xc1: {  	v49 =	vld [tilespmem:s8+$0x6B70];
	v51 =	vmul.f32 v7, v6;
	v52 =	vmul.f32 v52, v8  }
0xc2: {  	v4 =	vld [tilespmem:s8+$0x2B80];
	v53 =	vmul.f32 v53, v10;
	v54 =	vmul.f32 v54, v12  }
0xc3: {  	v7 =	vld [tilespmem:s8+$0x6B80];
	v55 =	vmul.f32 v55, v14;
	v56 =	vmul.f32 v56, v16  }
0xc4: {  	v10 =	vld [tilespmem:s8+$0x2B90];
	v57 =	vmul.f32 v58, v57;
	v59 =	vmul.f32 v60, v59  }
0xc5: {  	v12 =	vld [tilespmem:s8+$0x6B90];
	v61 =	vmul.f32 v61, v22;
	v62 =	vmul.f32 v63, v62  }
0xc6: {  	v14 =	vld [tilespmem:s8+$0x2BA0];
	v27 =	vmul.f32 v27, v26;
	v28 =	vmul.f32 v29, v28  }
0xc7: {  	v58 =	vld [tilespmem:s8+$0x6BA0];
	v30 =	vmul.f32 v31, v30;
	v32 =	vmul.f32 v33, v32  }
0xc8: {  	v60 =	vld [tilespmem:s8+$0x2BB0];
	v35 =	vmul.f32 v35, v34;
	v36 =	vmul.f32 v37, v36  }
0xc9: {  	v63 =	vld [tilespmem:s8+$0x6BB0];
	v39 =	vmul.f32 v39, v38;
	v2 =	vadd.f32 $0.0e+00, v2;
	v3 =	vadd.f32 $0.0e+00, v3  }
0xca: {  	v29 =	vld [tilespmem:s8+$0x2BC0];
	v40 =	vmul.f32 v41, v40;
	v5 =	vadd.f32 $0.0e+00, v51;
	v6 =	vadd.f32 $0.0e+00, v52  }
0xcb: {  	v31 =	vld [tilespmem:s8+$0x6BC0];
	v50 =	vmul.f32 v43, v42;
	v2 =	vadd.f32 v53, v2;
	v3 =	vadd.f32 v54, v3  }
0xcc: {  	v33 =	vld [tilespmem:s8+$0x2BD0];
	v52 =	vmul.f32 v45, v44;
	v5 =	vadd.f32 v55, v5;
	v6 =	vadd.f32 v56, v6  }
0xcd: {  	v37 =	vld [tilespmem:s8+$0x6BD0];
	v54 =	vmul.f32 v47, v46;
	v2 =	vadd.f32 v57, v2;
	v3 =	vadd.f32 v59, v3  }
0xce: {  	v41 =	vld [tilespmem:s8+$0x2BE0];
	v55 =	vmul.f32 v49, v48;
	v5 =	vadd.f32 v61, v5;
	v6 =	vadd.f32 v62, v6  }
0xcf: {  	v51 =	vld [tilespmem:s8+$0x6BE0];
	v4 =	vmul.f32 v7, v4;
	v2 =	vadd.f32 v27, v2;
	v3 =	vadd.f32 v28, v3  }
0xd0: {  	v53 =	vld [tilespmem:s8+$0x2BF0];
	v58 =	vmul.f32 v58, v14;
	v5 =	vadd.f32 v30, v5;
	v6 =	vadd.f32 v32, v6  }
0xd1: {  	v56 =	vld [tilespmem:s8+$0x6BF0];
	v57 =	vmul.f32 v12, v10;
	v2 =	vadd.f32 v35, v2;
	v3 =	vadd.f32 v36, v3  }
0xd2: {  	v59 =	vmul.f32 v63, v60;
	v5 =	vadd.f32 v39, v5;
	v6 =	vadd.f32 v40, v6  }
0xd3: {  	v60 =	vmul.f32 v31, v29;
	v2 =	vadd.f32 v50, v2;
	v3 =	vadd.f32 v52, v3  }
0xd4: {  	v61 =	vmul.f32 v37, v33;
	v5 =	vadd.f32 v54, v5;
	v6 =	vadd.f32 v55, v6  }
0xd5: {  	v62 =	vmul.f32 v51, v41;
	v2 =	vadd.f32 v4, v2;
	v3 =	vadd.f32 v57, v3  }
0xd6: {  	v63 =	vmul.f32 v56, v53;
	v5 =	vadd.f32 v58, v5;
	v4 =	vadd.f32 v59, v6  }
0xd7: {  	v2 =	vadd.f32 v60, v2;
	v3 =	vadd.f32 v61, v3  }
0xd8: {  	v5 =	vadd.f32 v62, v5;
	v4 =	vadd.f32 v63, v4  }
0xd9: {  	p1 =	sne.s32 s7, $0x7000  }
.Ltmp1:
0xda: {  	v2 =	vadd.f32 v3, v2;
	v3 =	vadd.f32 v4, v5;
	(pc) =	sbr.rel @p1 .LBB2_5-.Ltmp1, $3  }
0xdb: {  	_ = 	snop  }
0xdc: {  	v2 =	vadd.f32 v3, v2;
	_ =	sdelay $0x1  }
0xdd: {  	s7 =	sadd.s32 $0x1000, s7;
	[tilespmem:s16+$0x0] =	vst v2;
	s16 =	sadd.s32 $0x20, s16  }
0xde: {  	s7 =	sand.u32 $0x70, s0;
	s8 =	sand.u32 $0x1F80, s0  }
0xdf: {  	s0 =	sor.u32 s7, s8  }
0xe0: {  	v2 =	vld [tilespmem:s0+$0x1400];
	_ =	sdelay $0x3  }
0xe1: {  	s16 =	smin.u32 s14, $0x4FD  }
0xe2: {  	s7 =	sadd.s32 $0x2, s16  }
0xe3: {  	s8 =	sshll.u32 s7, $0x2  }
0xe4: {  	s8 =	sand.u32 $0x3FF0, s8  }
0xe5: {  	[spmem:s1] =	stream.indirect_vreg.scatter.add.f32 [tilespmem:s19], [sflag:$0x5], $0x10, v2, vm0, $0xb8;
	[tilespmem:$0xF840] =	vst v63  }
0xe6: {  	v2 =	vld [tilespmem:s8+$0x0];
	_ =	sdelay $0x1  }
0xe7: {  	v3 =	vld [tilespmem:s8+$0x1400];
	_ =	sdelay $0x2  }
0xe8: {  	s7 =	sand.u32 $0x3, s7;
	v2 =	vshll.u32 v2, $0x2  }
0xe9: {  	v2 =	vor.u32 s7, v2  }
0xea: {  	v3 =	vshll.u32 v3, $0x2  }
0xeb: {  	v3 =	vor.u32 s7, v3;
	_ =	sdelay $0x1  }
0xec: {  	s14 =	simm.s32 $0x0  }
0xed: {  	[tilespmem:s17], [sflag:$0x1] =	stream.indirect_vreg.gather [hbm4b:s3+s14], $0x200, v2, vm0, $0xb8;
	[tilespmem:$0xF840] =	vst v63  }
0xee: {  	_ = 	snop  }
0xef: {  	[tilespmem:s18], [sflag:$0x3] =	stream.indirect_vreg.gather [hbm4b:s4+s14], $0x200, v3, vm0, $0xb8;
	[tilespmem:$0xF840] =	vst v63  }
0xf0: {  	_ =	swait.ge [sflag:s26], $0x2000  }
0xf1: {  	[sflag:s26] =	ssyncset.done $0x0  }
0xf2: {  	[sflag:s26] =	ssyncadd.s32 $0xFFFFE000  }
0xf3: {  	_ =	swait.ge [sflag:s28], $0x2000  }
0xf4: {  	[sflag:s28] =	ssyncset.done $0x0  }
0xf5: {  	[sflag:s28] =	ssyncadd.s32 $0xFFFFE000  }
0xf6: {  	_ =	swait.ge [sflag:s29], $0x100  }
0xf7: {  	[sflag:s29] =	ssyncset.done $0x0  }
0xf8: {  	s7 =	simm.s32 $0xA910;
	[sflag:s29] =	ssyncadd.s32 $0xFFFFFF00  }
.LBB2_7:
0xf9: {  	s8 =	sshra.s32 s14, $0x2  }
0xfa: {  	v2 =	vld [tilespmem:s8+$0x4800]  }
0xfb: {  	v3 =	vld [tilespmem:s8+$0x8800]  }
0xfc: {  	v4 =	vld [tilespmem:s8+$0x4810]  }
0xfd: {  	v5 =	vld [tilespmem:s8+$0x8810]  }
0xfe: {  	v6 =	vld [tilespmem:s8+$0x4820]  }
0xff: {  	v7 =	vld [tilespmem:s8+$0x8820]  }
0x100: {  	v8 =	vld [tilespmem:s8+$0x4830]  }
0x101: {  	v9 =	vld [tilespmem:s8+$0x8830]  }
0x102: {  	v10 =	vld [tilespmem:s8+$0x4840]  }
0x103: {  	v11 =	vld [tilespmem:s8+$0x8840]  }
0x104: {  	v12 =	vld [tilespmem:s8+$0x4850]  }
0x105: {  	v13 =	vld [tilespmem:s8+$0x8850]  }
0x106: {  	v14 =	vld [tilespmem:s8+$0x4860]  }
0x107: {  	v15 =	vld [tilespmem:s8+$0x8860]  }
0x108: {  	v16 =	vld [tilespmem:s8+$0x4870]  }
0x109: {  	v17 =	vld [tilespmem:s8+$0x8870]  }
0x10a: {  	v18 =	vld [tilespmem:s8+$0x4880]  }
0x10b: {  	v19 =	vld [tilespmem:s8+$0x8880]  }
0x10c: {  	v20 =	vld [tilespmem:s8+$0x4890]  }
0x10d: {  	v21 =	vld [tilespmem:s8+$0x8890]  }
0x10e: {  	v22 =	vld [tilespmem:s8+$0x48A0]  }
0x10f: {  	v23 =	vld [tilespmem:s8+$0x88A0]  }
0x110: {  	v24 =	vld [tilespmem:s8+$0x48B0]  }
0x111: {  	v25 =	vld [tilespmem:s8+$0x88B0]  }
0x112: {  	v26 =	vld [tilespmem:s8+$0x48C0]  }
0x113: {  	v27 =	vld [tilespmem:s8+$0x88C0]  }
0x114: {  	v28 =	vld [tilespmem:s8+$0x48D0]  }
0x115: {  	v29 =	vld [tilespmem:s8+$0x88D0]  }
0x116: {  	v30 =	vld [tilespmem:s8+$0x48E0]  }
0x117: {  	v31 =	vld [tilespmem:s8+$0x88E0]  }
0x118: {  	v32 =	vld [tilespmem:s8+$0x48F0]  }
0x119: {  	v33 =	vld [tilespmem:s8+$0x88F0]  }
0x11a: {  	v34 =	vld [tilespmem:s8+$0x4900]  }
0x11b: {  	v35 =	vld [tilespmem:s8+$0x8900]  }
0x11c: {  	v36 =	vld [tilespmem:s8+$0x4910]  }
0x11d: {  	v37 =	vld [tilespmem:s8+$0x8910]  }
0x11e: {  	v38 =	vld [tilespmem:s8+$0x4920]  }
0x11f: {  	v39 =	vld [tilespmem:s8+$0x8920]  }
0x120: {  	v40 =	vld [tilespmem:s8+$0x4930]  }
0x121: {  	v41 =	vld [tilespmem:s8+$0x8930]  }
0x122: {  	v42 =	vld [tilespmem:s8+$0x4940]  }
0x123: {  	v43 =	vld [tilespmem:s8+$0x8940]  }
0x124: {  	v44 =	vld [tilespmem:s8+$0x4950]  }
0x125: {  	v45 =	vld [tilespmem:s8+$0x8950]  }
0x126: {  	v46 =	vld [tilespmem:s8+$0x4960]  }
0x127: {  	v47 =	vld [tilespmem:s8+$0x8960]  }
0x128: {  	v48 =	vld [tilespmem:s8+$0x4970]  }
0x129: {  	v49 =	vld [tilespmem:s8+$0x8970];
	v2 =	vmul.f32 v3, v2  }
0x12a: {  	v50 =	vld [tilespmem:s8+$0x8990];
	v3 =	vmul.f32 v5, v4;
	v60 =	vmul.f32 v7, v6  }
0x12b: {  	v53 =	vld [tilespmem:s8+$0x49A0];
	v61 =	vmul.f32 v9, v8;
	v62 =	vmul.f32 v11, v10  }
0x12c: {  	v55 =	vld [tilespmem:s8+$0x89A0];
	v63 =	vmul.f32 v13, v12;
	v51 =	vmul.f32 v15, v14  }
0x12d: {  	v57 =	vld [tilespmem:s8+$0x49B0];
	v52 =	vmul.f32 v17, v16;
	v54 =	vmul.f32 v19, v18  }
0x12e: {  	v4 =	vld [tilespmem:s8+$0x4980];
	v56 =	vmul.f32 v21, v20;
	v58 =	vmul.f32 v23, v22;
	v2 =	vadd.f32 $0.0e+00, v2  }
0x12f: {  	v6 =	vld [tilespmem:s8+$0x8980];
	v59 =	vmul.f32 v25, v24;
	v3 =	vadd.f32 $0.0e+00, v3;
	v7 =	vadd.f32 $0.0e+00, v61  }
0x130: {  	v8 =	vld [tilespmem:s8+$0x4990];
	v61 =	vmul.f32 v27, v26;
	v2 =	vadd.f32 v62, v2;
	v62 =	vmul.f32 v29, v28  }
0x131: {  	v5 =	vadd.f32 $0.0e+00, v60;
	v60 =	vld [tilespmem:s8+$0x89B0];
	v28 =	vmul.f32 v31, v30;
	v30 =	vmul.f32 v33, v32  }
0x132: {  	v3 =	vadd.f32 v63, v3;
	v63 =	vld [tilespmem:s8+$0x49C0];
	v32 =	vmul.f32 v35, v34;
	v33 =	vmul.f32 v37, v36  }
0x133: {  	v5 =	vadd.f32 v51, v5;
	v29 =	vld [tilespmem:s8+$0x89C0];
	v35 =	vmul.f32 v39, v38;
	v36 =	vmul.f32 v41, v40  }
0x134: {  	v7 =	vadd.f32 v52, v7;
	v31 =	vld [tilespmem:s8+$0x49D0];
	v38 =	vmul.f32 v43, v42;
	v40 =	vmul.f32 v45, v44  }
0x135: {  	v34 =	vld [tilespmem:s8+$0x89D0];
	v42 =	vmul.f32 v47, v46;
	v2 =	vadd.f32 v54, v2;
	v3 =	vadd.f32 v56, v3  }
0x136: {  	v37 =	vld [tilespmem:s8+$0x49E0];
	v43 =	vmul.f32 v49, v48;
	v5 =	vadd.f32 v58, v5;
	v7 =	vadd.f32 v59, v7  }
0x137: {  	v39 =	vld [tilespmem:s8+$0x89E0];
	v46 =	vmul.f32 v55, v53;
	v2 =	vadd.f32 v61, v2;
	v3 =	vadd.f32 v62, v3  }
0x138: {  	v41 =	vld [tilespmem:s8+$0x49F0];
	v4 =	vmul.f32 v6, v4;
	v5 =	vadd.f32 v28, v5;
	v7 =	vadd.f32 v30, v7  }
0x139: {  	v44 =	vld [tilespmem:s8+$0x89F0];
	v45 =	vmul.f32 v50, v8;
	v2 =	vadd.f32 v32, v2;
	v3 =	vadd.f32 v33, v3  }
0x13a: {  	v47 =	vmul.f32 v60, v57;
	v5 =	vadd.f32 v35, v5;
	v7 =	vadd.f32 v36, v7  }
0x13b: {  	v48 =	vmul.f32 v29, v63;
	v2 =	vadd.f32 v38, v2;
	v3 =	vadd.f32 v40, v3  }
0x13c: {  	v49 =	vmul.f32 v34, v31;
	v5 =	vadd.f32 v42, v5;
	v7 =	vadd.f32 v43, v7  }
0x13d: {  	v50 =	vmul.f32 v39, v37;
	v2 =	vadd.f32 v4, v2;
	v3 =	vadd.f32 v45, v3  }
0x13e: {  	v51 =	vmul.f32 v44, v41;
	v5 =	vadd.f32 v46, v5;
	v4 =	vadd.f32 v47, v7  }
0x13f: {  	v2 =	vadd.f32 v48, v2;
	v3 =	vadd.f32 v49, v3  }
0x140: {  	v5 =	vadd.f32 v50, v5;
	v4 =	vadd.f32 v51, v4;
	_ =	sdelay $0x1  }
0x141: {  	v2 =	vadd.f32 v3, v2;
	v3 =	vadd.f32 v4, v5;
	_ =	sdelay $0x1  }
0x142: {  	v2 =	vadd.f32 v3, v2;
	_ =	sdelay $0x1  }
0x143: {  	[tilespmem:s7+$0xFFFFFFF0] =	vst v2  }
0x144: {  	v2 =	vld [tilespmem:s8+$0x4A00]  }
0x145: {  	v3 =	vld [tilespmem:s8+$0x8A00]  }
0x146: {  	v4 =	vld [tilespmem:s8+$0x4A10]  }
0x147: {  	v5 =	vld [tilespmem:s8+$0x8A10]  }
0x148: {  	v6 =	vld [tilespmem:s8+$0x4A20]  }
0x149: {  	v7 =	vld [tilespmem:s8+$0x8A20]  }
0x14a: {  	v8 =	vld [tilespmem:s8+$0x4A30]  }
0x14b: {  	v52 =	vld [tilespmem:s8+$0x8A30]  }
0x14c: {  	v10 =	vld [tilespmem:s8+$0x4A40]  }
0x14d: {  	v53 =	vld [tilespmem:s8+$0x8A40]  }
0x14e: {  	v12 =	vld [tilespmem:s8+$0x4A50]  }
0x14f: {  	v54 =	vld [tilespmem:s8+$0x8A50]  }
0x150: {  	v14 =	vld [tilespmem:s8+$0x4A60]  }
0x151: {  	v55 =	vld [tilespmem:s8+$0x8A60]  }
0x152: {  	v16 =	vld [tilespmem:s8+$0x4A70]  }
0x153: {  	v56 =	vld [tilespmem:s8+$0x8A70]  }
0x154: {  	v57 =	vld [tilespmem:s8+$0x4A80]  }
0x155: {  	v58 =	vld [tilespmem:s8+$0x8A80]  }
0x156: {  	v59 =	vld [tilespmem:s8+$0x4A90]  }
0x157: {  	v60 =	vld [tilespmem:s8+$0x8A90]  }
0x158: {  	v22 =	vld [tilespmem:s8+$0x4AA0]  }
0x159: {  	v61 =	vld [tilespmem:s8+$0x8AA0]  }
0x15a: {  	v62 =	vld [tilespmem:s8+$0x4AB0]  }
0x15b: {  	v63 =	vld [tilespmem:s8+$0x8AB0]  }
0x15c: {  	v26 =	vld [tilespmem:s8+$0x4AC0]  }
0x15d: {  	v27 =	vld [tilespmem:s8+$0x8AC0]  }
0x15e: {  	v28 =	vld [tilespmem:s8+$0x4AD0]  }
0x15f: {  	v29 =	vld [tilespmem:s8+$0x8AD0]  }
0x160: {  	v30 =	vld [tilespmem:s8+$0x4AE0]  }
0x161: {  	v31 =	vld [tilespmem:s8+$0x8AE0]  }
0x162: {  	v32 =	vld [tilespmem:s8+$0x4AF0]  }
0x163: {  	v33 =	vld [tilespmem:s8+$0x8AF0]  }
0x164: {  	v34 =	vld [tilespmem:s8+$0x4B00]  }
0x165: {  	v35 =	vld [tilespmem:s8+$0x8B00]  }
0x166: {  	v36 =	vld [tilespmem:s8+$0x4B10]  }
0x167: {  	v37 =	vld [tilespmem:s8+$0x8B10]  }
0x168: {  	v38 =	vld [tilespmem:s8+$0x4B20]  }
0x169: {  	v39 =	vld [tilespmem:s8+$0x8B20]  }
0x16a: {  	v40 =	vld [tilespmem:s8+$0x4B30]  }
0x16b: {  	v41 =	vld [tilespmem:s8+$0x8B30]  }
0x16c: {  	v42 =	vld [tilespmem:s8+$0x4B40]  }
0x16d: {  	v43 =	vld [tilespmem:s8+$0x8B40]  }
0x16e: {  	v44 =	vld [tilespmem:s8+$0x4B50]  }
0x16f: {  	v45 =	vld [tilespmem:s8+$0x8B50]  }
0x170: {  	v46 =	vld [tilespmem:s8+$0x4B60]  }
0x171: {  	v47 =	vld [tilespmem:s8+$0x8B60]  }
0x172: {  	v48 =	vld [tilespmem:s8+$0x4B70];
	v2 =	vmul.f32 v3, v2;
	v3 =	vmul.f32 v5, v4  }
0x173: {  	v49 =	vld [tilespmem:s8+$0x8B70];
	v51 =	vmul.f32 v7, v6;
	v52 =	vmul.f32 v52, v8  }
0x174: {  	v4 =	vld [tilespmem:s8+$0x4B80];
	v53 =	vmul.f32 v53, v10;
	v54 =	vmul.f32 v54, v12  }
0x175: {  	v7 =	vld [tilespmem:s8+$0x8B80];
	v55 =	vmul.f32 v55, v14;
	v56 =	vmul.f32 v56, v16  }
0x176: {  	v10 =	vld [tilespmem:s8+$0x4B90];
	v57 =	vmul.f32 v58, v57;
	v59 =	vmul.f32 v60, v59  }
0x177: {  	v12 =	vld [tilespmem:s8+$0x8B90];
	v61 =	vmul.f32 v61, v22;
	v62 =	vmul.f32 v63, v62  }
0x178: {  	v14 =	vld [tilespmem:s8+$0x4BA0];
	v27 =	vmul.f32 v27, v26;
	v28 =	vmul.f32 v29, v28  }
0x179: {  	v58 =	vld [tilespmem:s8+$0x8BA0];
	v30 =	vmul.f32 v31, v30;
	v32 =	vmul.f32 v33, v32  }
0x17a: {  	v60 =	vld [tilespmem:s8+$0x4BB0];
	v35 =	vmul.f32 v35, v34;
	v36 =	vmul.f32 v37, v36  }
0x17b: {  	v63 =	vld [tilespmem:s8+$0x8BB0];
	v39 =	vmul.f32 v39, v38;
	v2 =	vadd.f32 $0.0e+00, v2;
	v3 =	vadd.f32 $0.0e+00, v3  }
0x17c: {  	v29 =	vld [tilespmem:s8+$0x4BC0];
	v40 =	vmul.f32 v41, v40;
	v5 =	vadd.f32 $0.0e+00, v51;
	v6 =	vadd.f32 $0.0e+00, v52  }
0x17d: {  	v31 =	vld [tilespmem:s8+$0x8BC0];
	v50 =	vmul.f32 v43, v42;
	v2 =	vadd.f32 v53, v2;
	v3 =	vadd.f32 v54, v3  }
0x17e: {  	v33 =	vld [tilespmem:s8+$0x4BD0];
	v52 =	vmul.f32 v45, v44;
	v5 =	vadd.f32 v55, v5;
	v6 =	vadd.f32 v56, v6  }
0x17f: {  	v37 =	vld [tilespmem:s8+$0x8BD0];
	v54 =	vmul.f32 v47, v46;
	v2 =	vadd.f32 v57, v2;
	v3 =	vadd.f32 v59, v3  }
0x180: {  	v41 =	vld [tilespmem:s8+$0x4BE0];
	v55 =	vmul.f32 v49, v48;
	v5 =	vadd.f32 v61, v5;
	v6 =	vadd.f32 v62, v6  }
0x181: {  	v51 =	vld [tilespmem:s8+$0x8BE0];
	v4 =	vmul.f32 v7, v4;
	v2 =	vadd.f32 v27, v2;
	v3 =	vadd.f32 v28, v3  }
0x182: {  	v53 =	vld [tilespmem:s8+$0x4BF0];
	v58 =	vmul.f32 v58, v14;
	v5 =	vadd.f32 v30, v5;
	v6 =	vadd.f32 v32, v6  }
0x183: {  	v56 =	vld [tilespmem:s8+$0x8BF0];
	v57 =	vmul.f32 v12, v10;
	v2 =	vadd.f32 v35, v2;
	v3 =	vadd.f32 v36, v3  }
0x184: {  	v59 =	vmul.f32 v63, v60;
	v5 =	vadd.f32 v39, v5;
	v6 =	vadd.f32 v40, v6  }
0x185: {  	v60 =	vmul.f32 v31, v29;
	v2 =	vadd.f32 v50, v2;
	v3 =	vadd.f32 v52, v3  }
0x186: {  	v61 =	vmul.f32 v37, v33;
	v5 =	vadd.f32 v54, v5;
	v6 =	vadd.f32 v55, v6  }
0x187: {  	v62 =	vmul.f32 v51, v41;
	v2 =	vadd.f32 v4, v2;
	v3 =	vadd.f32 v57, v3  }
0x188: {  	v63 =	vmul.f32 v56, v53;
	v5 =	vadd.f32 v58, v5;
	v4 =	vadd.f32 v59, v6  }
0x189: {  	v2 =	vadd.f32 v60, v2;
	v3 =	vadd.f32 v61, v3  }
0x18a: {  	v5 =	vadd.f32 v62, v5;
	v4 =	vadd.f32 v63, v4  }
0x18b: {  	p1 =	sne.s32 s14, $0x7000  }
.Ltmp2:
0x18c: {  	v2 =	vadd.f32 v3, v2;
	v3 =	vadd.f32 v4, v5;
	(pc) =	sbr.rel @p1 .LBB2_7-.Ltmp2, $3  }
0x18d: {  	_ = 	snop  }
0x18e: {  	v2 =	vadd.f32 v3, v2;
	_ =	sdelay $0x1  }
0x18f: {  	s14 =	sadd.s32 $0x1000, s14;
	[tilespmem:s7+$0x0] =	vst v2;
	s7 =	sadd.s32 $0x20, s7  }
0x190: {  	v2 =	vld [tilespmem:s0+$0x1400];
	_ =	sdelay $0x1  }
0x191: {  	s31 =	sadd.s32 $0x1, s31  }
0x192: {  	p1 =	sne.s32 s31, $0x280  }
.Ltmp3:
0x193: {  	_ = 	snop;
	(pc) =	sbr.rel @p1 .LBB2_4-.Ltmp3, $2  }
0x194: {  	_ =	sdelay $0x2  }
0x195: {  	[spmem:s1] =	stream.indirect_vreg.scatter.add.f32 [tilespmem:s20], [sflag:$0x6], $0x10, v2, vm0, $0xb8;
	[tilespmem:$0xF840] =	vst v63  }
0x196: {  	_ =	swait.ge [sflag:s25], $0x100  }
0x197: {  	[sflag:s25] =	ssyncset.done $0x0  }
0x198: {  	[sflag:s25] =	ssyncadd.s32 $0xFFFFFF00  }
0x199: {  	_ =	swait.ge [sflag:s29], $0x100  }
0x19a: {  	[sflag:s29] =	ssyncset.done $0x0  }
0x19b: {  	[sflag:s29] =	ssyncadd.s32 $0xFFFFFF00  }
0x19c: {  	_ =	swait.ge [sflag:s23], $0x2000  }
0x19d: {  	[sflag:s23] =	ssyncset.done $0x0  }
0x19e: {  	[sflag:s23] =	ssyncadd.s32 $0xFFFFE000  }
0x19f: {  	_ =	swait.ge [sflag:s24], $0x2000  }
0x1a0: {  	[sflag:s24] =	ssyncset.done $0x0  }
0x1a1: {  	s30 =	simm.s32 $0x0;
	[sflag:s24] =	ssyncadd.s32 $0xFFFFE000  }
0x1a2: {  	[tilespmem:s30], [sflag:$0x7] =	stream.linear.gather [hbm4b:s10+s30], $0x1400, $0x38;
	[tilespmem:$0xF840] =	vst v63  }
0x1a3: {  	_ =	swait.ge [sflag:s15], $0x1400  }
0x1a4: {  	[sflag:s15] =	ssyncset.done $0x0  }
0x1a5: {  	[sflag:s15] =	ssyncadd.s32 $0xFFFFEC00  }
0x1a6: {  	[tilespmem:s9], [sflag:$0x7] =	stream.linear.gather [hbm4b:s11+s30], $0x1400, $0x38;
	[tilespmem:$0xF840] =	vst v63  }
0x1a7: {  	_ =	swait.ge [sflag:s15], $0x1400  }
0x1a8: {  	[sflag:s15] =	ssyncset.done $0x0  }
0x1a9: {  	[sflag:s15] =	ssyncadd.s32 $0xFFFFEC00  }
0x1aa: {  	v2 =	vld [tilespmem:$0x0];
	_ =	sdelay $0x1  }
0x1ab: {  	v3 =	vld [tilespmem:$0x1400];
	_ =	sdelay $0x5  }
0x1ac: {  	[tilespmem:s17], [sflag:$0x1] =	stream.indirect_vreg.gather [hbm4b:s5+s30], $0x200, v2, vm0, $0xb8;
	[tilespmem:$0xF840] =	vst v63  }
0x1ad: {  	_ = 	snop  }
0x1ae: {  	[tilespmem:s18], [sflag:$0x3] =	stream.indirect_vreg.gather [hbm4b:s6+s30], $0x200, v3, vm0, $0xb8;
	[tilespmem:$0xF840] =	vst v63  }
0x1af: {  	_ = 	snop  }
0x1b0: {  	[spmem:s1] =	stream.indirect_vreg.scatter.add.f32 [tilespmem:s19], [sflag:$0x5], $0x10, v1, vm0, $0xb8;
	[tilespmem:$0xF840] =	vst v63  }
0x1b1: {  	s31 =	simm.s32 $0x0  }
0x1b2: {  	[spmem:s1] =	stream.indirect_vreg.scatter.add.f32 [tilespmem:s20], [sflag:$0x6], $0x10, v1, vm0, $0xb8;
	[tilespmem:$0xF840] =	vst v63  }
.LBB2_10:
0x1b3: {  	s14 =	sshll.u32 s31, $0x5  }
0x1b4: {  	v2 =	vld [tilespmem:s14+$0x10];
	_ =	sdelay $0x1  }
0x1b5: {  	v3 =	vld [tilespmem:s14+$0x1410];
	_ =	sdelay $0x5  }
0x1b6: {  	[tilespmem:s21], [sflag:$0x2] =	stream.indirect_vreg.gather [hbm4b:s5+s30], $0x200, v2, vm0, $0xb8;
	[tilespmem:$0xF840] =	vst v63  }
0x1b7: {  	_ = 	snop  }
0x1b8: {  	[tilespmem:s22], [sflag:$0x4] =	stream.indirect_vreg.gather [hbm4b:s6+s30], $0x200, v3, vm0, $0xb8;
	[tilespmem:$0xF840] =	vst v63  }
0x1b9: {  	_ =	swait.ge [sflag:s23], $0x2000  }
0x1ba: {  	[sflag:s23] =	ssyncset.done $0x0  }
0x1bb: {  	[sflag:s23] =	ssyncadd.s32 $0xFFFFE000  }
0x1bc: {  	_ =	swait.ge [sflag:s24], $0x2000  }
0x1bd: {  	[sflag:s24] =	ssyncset.done $0x0  }
0x1be: {  	[sflag:s24] =	ssyncadd.s32 $0xFFFFE000  }
0x1bf: {  	_ =	swait.ge [sflag:s25], $0x100  }
0x1c0: {  	s16 =	sshll.u32 s31, $0x1;
	s7 =	simm.s32 $0xA810;
	[sflag:s25] =	ssyncset.done $0x0  }
0x1c1: {  	s8 =	simm.s32 $0x0;
	s0 =	sor.u32 $0x10, s14;
	[sflag:s25] =	ssyncadd.s32 $0xFFFFFF00  }
.LBB2_11:
0x1c2: {  	s9 =	sshra.s32 s8, $0x2  }
0x1c3: {  	v2 =	vld [tilespmem:s9+$0x2800]  }
0x1c4: {  	v3 =	vld [tilespmem:s9+$0x6800]  }
0x1c5: {  	v4 =	vld [tilespmem:s9+$0x2810]  }
0x1c6: {  	v5 =	vld [tilespmem:s9+$0x6810]  }
0x1c7: {  	v6 =	vld [tilespmem:s9+$0x2820]  }
0x1c8: {  	v7 =	vld [tilespmem:s9+$0x6820]  }
0x1c9: {  	v8 =	vld [tilespmem:s9+$0x2830]  }
0x1ca: {  	v9 =	vld [tilespmem:s9+$0x6830]  }
0x1cb: {  	v10 =	vld [tilespmem:s9+$0x2840]  }
0x1cc: {  	v11 =	vld [tilespmem:s9+$0x6840]  }
0x1cd: {  	v12 =	vld [tilespmem:s9+$0x2850]  }
0x1ce: {  	v13 =	vld [tilespmem:s9+$0x6850]  }
0x1cf: {  	v14 =	vld [tilespmem:s9+$0x2860]  }
0x1d0: {  	v15 =	vld [tilespmem:s9+$0x6860]  }
0x1d1: {  	v16 =	vld [tilespmem:s9+$0x2870]  }
0x1d2: {  	v17 =	vld [tilespmem:s9+$0x6870]  }
0x1d3: {  	v18 =	vld [tilespmem:s9+$0x2880]  }
0x1d4: {  	v19 =	vld [tilespmem:s9+$0x6880]  }
0x1d5: {  	v20 =	vld [tilespmem:s9+$0x2890]  }
0x1d6: {  	v21 =	vld [tilespmem:s9+$0x6890]  }
0x1d7: {  	v22 =	vld [tilespmem:s9+$0x28A0]  }
0x1d8: {  	v23 =	vld [tilespmem:s9+$0x68A0]  }
0x1d9: {  	v24 =	vld [tilespmem:s9+$0x28B0]  }
0x1da: {  	v25 =	vld [tilespmem:s9+$0x68B0]  }
0x1db: {  	v26 =	vld [tilespmem:s9+$0x28C0]  }
0x1dc: {  	v27 =	vld [tilespmem:s9+$0x68C0]  }
0x1dd: {  	v28 =	vld [tilespmem:s9+$0x28D0]  }
0x1de: {  	v29 =	vld [tilespmem:s9+$0x68D0]  }
0x1df: {  	v30 =	vld [tilespmem:s9+$0x28E0]  }
0x1e0: {  	v31 =	vld [tilespmem:s9+$0x68E0]  }
0x1e1: {  	v32 =	vld [tilespmem:s9+$0x28F0]  }
0x1e2: {  	v33 =	vld [tilespmem:s9+$0x68F0]  }
0x1e3: {  	v34 =	vld [tilespmem:s9+$0x2900]  }
0x1e4: {  	v35 =	vld [tilespmem:s9+$0x6900]  }
0x1e5: {  	v36 =	vld [tilespmem:s9+$0x2910]  }
0x1e6: {  	v37 =	vld [tilespmem:s9+$0x6910]  }
0x1e7: {  	v38 =	vld [tilespmem:s9+$0x2920]  }
0x1e8: {  	v39 =	vld [tilespmem:s9+$0x6920]  }
0x1e9: {  	v40 =	vld [tilespmem:s9+$0x2930]  }
0x1ea: {  	v41 =	vld [tilespmem:s9+$0x6930]  }
0x1eb: {  	v42 =	vld [tilespmem:s9+$0x2940]  }
0x1ec: {  	v43 =	vld [tilespmem:s9+$0x6940]  }
0x1ed: {  	v44 =	vld [tilespmem:s9+$0x2950]  }
0x1ee: {  	v45 =	vld [tilespmem:s9+$0x6950]  }
0x1ef: {  	v46 =	vld [tilespmem:s9+$0x2960]  }
0x1f0: {  	v47 =	vld [tilespmem:s9+$0x6960]  }
0x1f1: {  	v48 =	vld [tilespmem:s9+$0x2970]  }
0x1f2: {  	v49 =	vld [tilespmem:s9+$0x6970];
	v2 =	vmul.f32 v3, v2  }
0x1f3: {  	v50 =	vld [tilespmem:s9+$0x6990];
	v3 =	vmul.f32 v5, v4;
	v60 =	vmul.f32 v7, v6  }
0x1f4: {  	v53 =	vld [tilespmem:s9+$0x29A0];
	v61 =	vmul.f32 v9, v8;
	v62 =	vmul.f32 v11, v10  }
0x1f5: {  	v55 =	vld [tilespmem:s9+$0x69A0];
	v63 =	vmul.f32 v13, v12;
	v51 =	vmul.f32 v15, v14  }
0x1f6: {  	v57 =	vld [tilespmem:s9+$0x29B0];
	v52 =	vmul.f32 v17, v16;
	v54 =	vmul.f32 v19, v18  }
0x1f7: {  	v4 =	vld [tilespmem:s9+$0x2980];
	v56 =	vmul.f32 v21, v20;
	v58 =	vmul.f32 v23, v22;
	v2 =	vadd.f32 $0.0e+00, v2  }
0x1f8: {  	v6 =	vld [tilespmem:s9+$0x6980];
	v59 =	vmul.f32 v25, v24;
	v3 =	vadd.f32 $0.0e+00, v3;
	v7 =	vadd.f32 $0.0e+00, v61  }
0x1f9: {  	v8 =	vld [tilespmem:s9+$0x2990];
	v61 =	vmul.f32 v27, v26;
	v2 =	vadd.f32 v62, v2;
	v62 =	vmul.f32 v29, v28  }
0x1fa: {  	v5 =	vadd.f32 $0.0e+00, v60;
	v60 =	vld [tilespmem:s9+$0x69B0];
	v28 =	vmul.f32 v31, v30;
	v30 =	vmul.f32 v33, v32  }
0x1fb: {  	v3 =	vadd.f32 v63, v3;
	v63 =	vld [tilespmem:s9+$0x29C0];
	v32 =	vmul.f32 v35, v34;
	v33 =	vmul.f32 v37, v36  }
0x1fc: {  	v5 =	vadd.f32 v51, v5;
	v29 =	vld [tilespmem:s9+$0x69C0];
	v35 =	vmul.f32 v39, v38;
	v36 =	vmul.f32 v41, v40  }
0x1fd: {  	v7 =	vadd.f32 v52, v7;
	v31 =	vld [tilespmem:s9+$0x29D0];
	v38 =	vmul.f32 v43, v42;
	v40 =	vmul.f32 v45, v44  }
0x1fe: {  	v34 =	vld [tilespmem:s9+$0x69D0];
	v42 =	vmul.f32 v47, v46;
	v2 =	vadd.f32 v54, v2;
	v3 =	vadd.f32 v56, v3  }
0x1ff: {  	v37 =	vld [tilespmem:s9+$0x29E0];
	v43 =	vmul.f32 v49, v48;
	v5 =	vadd.f32 v58, v5;
	v7 =	vadd.f32 v59, v7  }
0x200: {  	v39 =	vld [tilespmem:s9+$0x69E0];
	v46 =	vmul.f32 v55, v53;
	v2 =	vadd.f32 v61, v2;
	v3 =	vadd.f32 v62, v3  }
0x201: {  	v41 =	vld [tilespmem:s9+$0x29F0];
	v4 =	vmul.f32 v6, v4;
	v5 =	vadd.f32 v28, v5;
	v7 =	vadd.f32 v30, v7  }
0x202: {  	v44 =	vld [tilespmem:s9+$0x69F0];
	v45 =	vmul.f32 v50, v8;
	v2 =	vadd.f32 v32, v2;
	v3 =	vadd.f32 v33, v3  }
0x203: {  	v47 =	vmul.f32 v60, v57;
	v5 =	vadd.f32 v35, v5;
	v7 =	vadd.f32 v36, v7  }
0x204: {  	v48 =	vmul.f32 v29, v63;
	v2 =	vadd.f32 v38, v2;
	v3 =	vadd.f32 v40, v3  }
0x205: {  	v49 =	vmul.f32 v34, v31;
	v5 =	vadd.f32 v42, v5;
	v7 =	vadd.f32 v43, v7  }
0x206: {  	v50 =	vmul.f32 v39, v37;
	v2 =	vadd.f32 v4, v2;
	v3 =	vadd.f32 v45, v3  }
0x207: {  	v51 =	vmul.f32 v44, v41;
	v5 =	vadd.f32 v46, v5;
	v4 =	vadd.f32 v47, v7  }
0x208: {  	v2 =	vadd.f32 v48, v2;
	v3 =	vadd.f32 v49, v3  }
0x209: {  	v5 =	vadd.f32 v50, v5;
	v4 =	vadd.f32 v51, v4;
	_ =	sdelay $0x1  }
0x20a: {  	v2 =	vadd.f32 v3, v2;
	v3 =	vadd.f32 v4, v5;
	_ =	sdelay $0x1  }
0x20b: {  	v2 =	vadd.f32 v3, v2;
	_ =	sdelay $0x1  }
0x20c: {  	[tilespmem:s7+$0xFFFFFFF0] =	vst v2  }
0x20d: {  	v2 =	vld [tilespmem:s9+$0x2A00]  }
0x20e: {  	v3 =	vld [tilespmem:s9+$0x6A00]  }
0x20f: {  	v4 =	vld [tilespmem:s9+$0x2A10]  }
0x210: {  	v5 =	vld [tilespmem:s9+$0x6A10]  }
0x211: {  	v6 =	vld [tilespmem:s9+$0x2A20]  }
0x212: {  	v7 =	vld [tilespmem:s9+$0x6A20]  }
0x213: {  	v8 =	vld [tilespmem:s9+$0x2A30]  }
0x214: {  	v52 =	vld [tilespmem:s9+$0x6A30]  }
0x215: {  	v10 =	vld [tilespmem:s9+$0x2A40]  }
0x216: {  	v53 =	vld [tilespmem:s9+$0x6A40]  }
0x217: {  	v12 =	vld [tilespmem:s9+$0x2A50]  }
0x218: {  	v54 =	vld [tilespmem:s9+$0x6A50]  }
0x219: {  	v14 =	vld [tilespmem:s9+$0x2A60]  }
0x21a: {  	v55 =	vld [tilespmem:s9+$0x6A60]  }
0x21b: {  	v16 =	vld [tilespmem:s9+$0x2A70]  }
0x21c: {  	v56 =	vld [tilespmem:s9+$0x6A70]  }
0x21d: {  	v57 =	vld [tilespmem:s9+$0x2A80]  }
0x21e: {  	v58 =	vld [tilespmem:s9+$0x6A80]  }
0x21f: {  	v59 =	vld [tilespmem:s9+$0x2A90]  }
0x220: {  	v60 =	vld [tilespmem:s9+$0x6A90]  }
0x221: {  	v22 =	vld [tilespmem:s9+$0x2AA0]  }
0x222: {  	v61 =	vld [tilespmem:s9+$0x6AA0]  }
0x223: {  	v62 =	vld [tilespmem:s9+$0x2AB0]  }
0x224: {  	v63 =	vld [tilespmem:s9+$0x6AB0]  }
0x225: {  	v26 =	vld [tilespmem:s9+$0x2AC0]  }
0x226: {  	v27 =	vld [tilespmem:s9+$0x6AC0]  }
0x227: {  	v28 =	vld [tilespmem:s9+$0x2AD0]  }
0x228: {  	v29 =	vld [tilespmem:s9+$0x6AD0]  }
0x229: {  	v30 =	vld [tilespmem:s9+$0x2AE0]  }
0x22a: {  	v31 =	vld [tilespmem:s9+$0x6AE0]  }
0x22b: {  	v32 =	vld [tilespmem:s9+$0x2AF0]  }
0x22c: {  	v33 =	vld [tilespmem:s9+$0x6AF0]  }
0x22d: {  	v34 =	vld [tilespmem:s9+$0x2B00]  }
0x22e: {  	v35 =	vld [tilespmem:s9+$0x6B00]  }
0x22f: {  	v36 =	vld [tilespmem:s9+$0x2B10]  }
0x230: {  	v37 =	vld [tilespmem:s9+$0x6B10]  }
0x231: {  	v38 =	vld [tilespmem:s9+$0x2B20]  }
0x232: {  	v39 =	vld [tilespmem:s9+$0x6B20]  }
0x233: {  	v40 =	vld [tilespmem:s9+$0x2B30]  }
0x234: {  	v41 =	vld [tilespmem:s9+$0x6B30]  }
0x235: {  	v42 =	vld [tilespmem:s9+$0x2B40]  }
0x236: {  	v43 =	vld [tilespmem:s9+$0x6B40]  }
0x237: {  	v44 =	vld [tilespmem:s9+$0x2B50]  }
0x238: {  	v45 =	vld [tilespmem:s9+$0x6B50]  }
0x239: {  	v46 =	vld [tilespmem:s9+$0x2B60]  }
0x23a: {  	v47 =	vld [tilespmem:s9+$0x6B60]  }
0x23b: {  	v48 =	vld [tilespmem:s9+$0x2B70];
	v2 =	vmul.f32 v3, v2;
	v3 =	vmul.f32 v5, v4  }
0x23c: {  	v49 =	vld [tilespmem:s9+$0x6B70];
	v51 =	vmul.f32 v7, v6;
	v52 =	vmul.f32 v52, v8  }
0x23d: {  	v4 =	vld [tilespmem:s9+$0x2B80];
	v53 =	vmul.f32 v53, v10;
	v54 =	vmul.f32 v54, v12  }
0x23e: {  	v7 =	vld [tilespmem:s9+$0x6B80];
	v55 =	vmul.f32 v55, v14;
	v56 =	vmul.f32 v56, v16  }
0x23f: {  	v10 =	vld [tilespmem:s9+$0x2B90];
	v57 =	vmul.f32 v58, v57;
	v59 =	vmul.f32 v60, v59  }
0x240: {  	v12 =	vld [tilespmem:s9+$0x6B90];
	v61 =	vmul.f32 v61, v22;
	v62 =	vmul.f32 v63, v62  }
0x241: {  	v14 =	vld [tilespmem:s9+$0x2BA0];
	v27 =	vmul.f32 v27, v26;
	v28 =	vmul.f32 v29, v28  }
0x242: {  	v58 =	vld [tilespmem:s9+$0x6BA0];
	v30 =	vmul.f32 v31, v30;
	v32 =	vmul.f32 v33, v32  }
0x243: {  	v60 =	vld [tilespmem:s9+$0x2BB0];
	v35 =	vmul.f32 v35, v34;
	v36 =	vmul.f32 v37, v36  }
0x244: {  	v63 =	vld [tilespmem:s9+$0x6BB0];
	v39 =	vmul.f32 v39, v38;
	v2 =	vadd.f32 $0.0e+00, v2;
	v3 =	vadd.f32 $0.0e+00, v3  }
0x245: {  	v29 =	vld [tilespmem:s9+$0x2BC0];
	v40 =	vmul.f32 v41, v40;
	v5 =	vadd.f32 $0.0e+00, v51;
	v6 =	vadd.f32 $0.0e+00, v52  }
0x246: {  	v31 =	vld [tilespmem:s9+$0x6BC0];
	v50 =	vmul.f32 v43, v42;
	v2 =	vadd.f32 v53, v2;
	v3 =	vadd.f32 v54, v3  }
0x247: {  	v33 =	vld [tilespmem:s9+$0x2BD0];
	v52 =	vmul.f32 v45, v44;
	v5 =	vadd.f32 v55, v5;
	v6 =	vadd.f32 v56, v6  }
0x248: {  	v37 =	vld [tilespmem:s9+$0x6BD0];
	v54 =	vmul.f32 v47, v46;
	v2 =	vadd.f32 v57, v2;
	v3 =	vadd.f32 v59, v3  }
0x249: {  	v41 =	vld [tilespmem:s9+$0x2BE0];
	v55 =	vmul.f32 v49, v48;
	v5 =	vadd.f32 v61, v5;
	v6 =	vadd.f32 v62, v6  }
0x24a: {  	v51 =	vld [tilespmem:s9+$0x6BE0];
	v4 =	vmul.f32 v7, v4;
	v2 =	vadd.f32 v27, v2;
	v3 =	vadd.f32 v28, v3  }
0x24b: {  	v53 =	vld [tilespmem:s9+$0x2BF0];
	v58 =	vmul.f32 v58, v14;
	v5 =	vadd.f32 v30, v5;
	v6 =	vadd.f32 v32, v6  }
0x24c: {  	v56 =	vld [tilespmem:s9+$0x6BF0];
	v57 =	vmul.f32 v12, v10;
	v2 =	vadd.f32 v35, v2;
	v3 =	vadd.f32 v36, v3  }
0x24d: {  	v59 =	vmul.f32 v63, v60;
	v5 =	vadd.f32 v39, v5;
	v6 =	vadd.f32 v40, v6  }
0x24e: {  	v60 =	vmul.f32 v31, v29;
	v2 =	vadd.f32 v50, v2;
	v3 =	vadd.f32 v52, v3  }
0x24f: {  	v61 =	vmul.f32 v37, v33;
	v5 =	vadd.f32 v54, v5;
	v6 =	vadd.f32 v55, v6  }
0x250: {  	v62 =	vmul.f32 v51, v41;
	v2 =	vadd.f32 v4, v2;
	v3 =	vadd.f32 v57, v3  }
0x251: {  	v63 =	vmul.f32 v56, v53;
	v5 =	vadd.f32 v58, v5;
	v4 =	vadd.f32 v59, v6  }
0x252: {  	v2 =	vadd.f32 v60, v2;
	v3 =	vadd.f32 v61, v3  }
0x253: {  	v5 =	vadd.f32 v62, v5;
	v4 =	vadd.f32 v63, v4  }
0x254: {  	p1 =	sne.s32 s8, $0x7000  }
.Ltmp4:
0x255: {  	v2 =	vadd.f32 v3, v2;
	v3 =	vadd.f32 v4, v5;
	(pc) =	sbr.rel @p1 .LBB2_11-.Ltmp4, $3  }
0x256: {  	_ = 	snop  }
0x257: {  	v2 =	vadd.f32 v3, v2;
	_ =	sdelay $0x1  }
0x258: {  	s8 =	sadd.s32 $0x1000, s8;
	[tilespmem:s7+$0x0] =	vst v2;
	s7 =	sadd.s32 $0x20, s7  }
0x259: {  	s7 =	sand.u32 $0x1F80, s14  }
0x25a: {  	s8 =	sand.u32 $0x60, s14;
	s14 =	sadd.s32 $0x1400, s7  }
0x25b: {  	s7 =	sor.u32 s8, s14  }
0x25c: {  	v2 =	vld [tilespmem:s7+$0x0];
	_ =	sdelay $0x5  }
0x25d: {  	s16 =	smin.u32 s16, $0x13D  }
0x25e: {  	s7 =	sshll.u32 s16, $0x4  }
0x25f: {  	[spmem:s1] =	stream.indirect_vreg.scatter.add.f32 [tilespmem:s19], [sflag:$0x5], $0x10, v2, vm0, $0xb8;
	[tilespmem:$0xF840] =	vst v63  }
0x260: {  	v2 =	vld [tilespmem:s7+$0x20];
	_ =	sdelay $0x1  }
0x261: {  	v3 =	vld [tilespmem:s7+$0x1420];
	_ =	sdelay $0x4  }
0x262: {  	s16 =	simm.s32 $0x0  }
0x263: {  	[tilespmem:s17], [sflag:$0x1] =	stream.indirect_vreg.gather [hbm4b:s5+s16], $0x200, v2, vm0, $0xb8;
	[tilespmem:$0xF840] =	vst v63  }
0x264: {  	_ = 	snop  }
0x265: {  	[tilespmem:s18], [sflag:$0x3] =	stream.indirect_vreg.gather [hbm4b:s6+s16], $0x200, v3, vm0, $0xb8;
	[tilespmem:$0xF840] =	vst v63  }
0x266: {  	_ =	swait.ge [sflag:s26], $0x2000  }
0x267: {  	[sflag:s26] =	ssyncset.done $0x0  }
0x268: {  	[sflag:s26] =	ssyncadd.s32 $0xFFFFE000  }
0x269: {  	_ =	swait.ge [sflag:s28], $0x2000  }
0x26a: {  	[sflag:s28] =	ssyncset.done $0x0  }
0x26b: {  	[sflag:s28] =	ssyncadd.s32 $0xFFFFE000  }
0x26c: {  	_ =	swait.ge [sflag:s29], $0x100  }
0x26d: {  	[sflag:s29] =	ssyncset.done $0x0  }
0x26e: {  	s7 =	simm.s32 $0xA910;
	[sflag:s29] =	ssyncadd.s32 $0xFFFFFF00  }
.LBB2_13:
0x26f: {  	s8 =	sshra.s32 s16, $0x2  }
0x270: {  	v2 =	vld [tilespmem:s8+$0x4800]  }
0x271: {  	v3 =	vld [tilespmem:s8+$0x8800]  }
0x272: {  	v4 =	vld [tilespmem:s8+$0x4810]  }
0x273: {  	v5 =	vld [tilespmem:s8+$0x8810]  }
0x274: {  	v6 =	vld [tilespmem:s8+$0x4820]  }
0x275: {  	v7 =	vld [tilespmem:s8+$0x8820]  }
0x276: {  	v8 =	vld [tilespmem:s8+$0x4830]  }
0x277: {  	v9 =	vld [tilespmem:s8+$0x8830]  }
0x278: {  	v10 =	vld [tilespmem:s8+$0x4840]  }
0x279: {  	v11 =	vld [tilespmem:s8+$0x8840]  }
0x27a: {  	v12 =	vld [tilespmem:s8+$0x4850]  }
0x27b: {  	v13 =	vld [tilespmem:s8+$0x8850]  }
0x27c: {  	v14 =	vld [tilespmem:s8+$0x4860]  }
0x27d: {  	v15 =	vld [tilespmem:s8+$0x8860]  }
0x27e: {  	v16 =	vld [tilespmem:s8+$0x4870]  }
0x27f: {  	v17 =	vld [tilespmem:s8+$0x8870]  }
0x280: {  	v18 =	vld [tilespmem:s8+$0x4880]  }
0x281: {  	v19 =	vld [tilespmem:s8+$0x8880]  }
0x282: {  	v20 =	vld [tilespmem:s8+$0x4890]  }
0x283: {  	v21 =	vld [tilespmem:s8+$0x8890]  }
0x284: {  	v22 =	vld [tilespmem:s8+$0x48A0]  }
0x285: {  	v23 =	vld [tilespmem:s8+$0x88A0]  }
0x286: {  	v24 =	vld [tilespmem:s8+$0x48B0]  }
0x287: {  	v25 =	vld [tilespmem:s8+$0x88B0]  }
0x288: {  	v26 =	vld [tilespmem:s8+$0x48C0]  }
0x289: {  	v27 =	vld [tilespmem:s8+$0x88C0]  }
0x28a: {  	v28 =	vld [tilespmem:s8+$0x48D0]  }
0x28b: {  	v29 =	vld [tilespmem:s8+$0x88D0]  }
0x28c: {  	v30 =	vld [tilespmem:s8+$0x48E0]  }
0x28d: {  	v31 =	vld [tilespmem:s8+$0x88E0]  }
0x28e: {  	v32 =	vld [tilespmem:s8+$0x48F0]  }
0x28f: {  	v33 =	vld [tilespmem:s8+$0x88F0]  }
0x290: {  	v34 =	vld [tilespmem:s8+$0x4900]  }
0x291: {  	v35 =	vld [tilespmem:s8+$0x8900]  }
0x292: {  	v36 =	vld [tilespmem:s8+$0x4910]  }
0x293: {  	v37 =	vld [tilespmem:s8+$0x8910]  }
0x294: {  	v38 =	vld [tilespmem:s8+$0x4920]  }
0x295: {  	v39 =	vld [tilespmem:s8+$0x8920]  }
0x296: {  	v40 =	vld [tilespmem:s8+$0x4930]  }
0x297: {  	v41 =	vld [tilespmem:s8+$0x8930]  }
0x298: {  	v42 =	vld [tilespmem:s8+$0x4940]  }
0x299: {  	v43 =	vld [tilespmem:s8+$0x8940]  }
0x29a: {  	v44 =	vld [tilespmem:s8+$0x4950]  }
0x29b: {  	v45 =	vld [tilespmem:s8+$0x8950]  }
0x29c: {  	v46 =	vld [tilespmem:s8+$0x4960]  }
0x29d: {  	v47 =	vld [tilespmem:s8+$0x8960]  }
0x29e: {  	v48 =	vld [tilespmem:s8+$0x4970]  }
0x29f: {  	v49 =	vld [tilespmem:s8+$0x8970];
	v2 =	vmul.f32 v3, v2  }
0x2a0: {  	v50 =	vld [tilespmem:s8+$0x8990];
	v3 =	vmul.f32 v5, v4;
	v60 =	vmul.f32 v7, v6  }
0x2a1: {  	v53 =	vld [tilespmem:s8+$0x49A0];
	v61 =	vmul.f32 v9, v8;
	v62 =	vmul.f32 v11, v10  }
0x2a2: {  	v55 =	vld [tilespmem:s8+$0x89A0];
	v63 =	vmul.f32 v13, v12;
	v51 =	vmul.f32 v15, v14  }
0x2a3: {  	v57 =	vld [tilespmem:s8+$0x49B0];
	v52 =	vmul.f32 v17, v16;
	v54 =	vmul.f32 v19, v18  }
0x2a4: {  	v4 =	vld [tilespmem:s8+$0x4980];
	v56 =	vmul.f32 v21, v20;
	v58 =	vmul.f32 v23, v22;
	v2 =	vadd.f32 $0.0e+00, v2  }
0x2a5: {  	v6 =	vld [tilespmem:s8+$0x8980];
	v59 =	vmul.f32 v25, v24;
	v3 =	vadd.f32 $0.0e+00, v3;
	v7 =	vadd.f32 $0.0e+00, v61  }
0x2a6: {  	v8 =	vld [tilespmem:s8+$0x4990];
	v61 =	vmul.f32 v27, v26;
	v2 =	vadd.f32 v62, v2;
	v62 =	vmul.f32 v29, v28  }
0x2a7: {  	v5 =	vadd.f32 $0.0e+00, v60;
	v60 =	vld [tilespmem:s8+$0x89B0];
	v28 =	vmul.f32 v31, v30;
	v30 =	vmul.f32 v33, v32  }
0x2a8: {  	v3 =	vadd.f32 v63, v3;
	v63 =	vld [tilespmem:s8+$0x49C0];
	v32 =	vmul.f32 v35, v34;
	v33 =	vmul.f32 v37, v36  }
0x2a9: {  	v5 =	vadd.f32 v51, v5;
	v29 =	vld [tilespmem:s8+$0x89C0];
	v35 =	vmul.f32 v39, v38;
	v36 =	vmul.f32 v41, v40  }
0x2aa: {  	v7 =	vadd.f32 v52, v7;
	v31 =	vld [tilespmem:s8+$0x49D0];
	v38 =	vmul.f32 v43, v42;
	v40 =	vmul.f32 v45, v44  }
0x2ab: {  	v34 =	vld [tilespmem:s8+$0x89D0];
	v42 =	vmul.f32 v47, v46;
	v2 =	vadd.f32 v54, v2;
	v3 =	vadd.f32 v56, v3  }
0x2ac: {  	v37 =	vld [tilespmem:s8+$0x49E0];
	v43 =	vmul.f32 v49, v48;
	v5 =	vadd.f32 v58, v5;
	v7 =	vadd.f32 v59, v7  }
0x2ad: {  	v39 =	vld [tilespmem:s8+$0x89E0];
	v46 =	vmul.f32 v55, v53;
	v2 =	vadd.f32 v61, v2;
	v3 =	vadd.f32 v62, v3  }
0x2ae: {  	v41 =	vld [tilespmem:s8+$0x49F0];
	v4 =	vmul.f32 v6, v4;
	v5 =	vadd.f32 v28, v5;
	v7 =	vadd.f32 v30, v7  }
0x2af: {  	v44 =	vld [tilespmem:s8+$0x89F0];
	v45 =	vmul.f32 v50, v8;
	v2 =	vadd.f32 v32, v2;
	v3 =	vadd.f32 v33, v3  }
0x2b0: {  	v47 =	vmul.f32 v60, v57;
	v5 =	vadd.f32 v35, v5;
	v7 =	vadd.f32 v36, v7  }
0x2b1: {  	v48 =	vmul.f32 v29, v63;
	v2 =	vadd.f32 v38, v2;
	v3 =	vadd.f32 v40, v3  }
0x2b2: {  	v49 =	vmul.f32 v34, v31;
	v5 =	vadd.f32 v42, v5;
	v7 =	vadd.f32 v43, v7  }
0x2b3: {  	v50 =	vmul.f32 v39, v37;
	v2 =	vadd.f32 v4, v2;
	v3 =	vadd.f32 v45, v3  }
0x2b4: {  	v51 =	vmul.f32 v44, v41;
	v5 =	vadd.f32 v46, v5;
	v4 =	vadd.f32 v47, v7  }
0x2b5: {  	v2 =	vadd.f32 v48, v2;
	v3 =	vadd.f32 v49, v3  }
0x2b6: {  	v5 =	vadd.f32 v50, v5;
	v4 =	vadd.f32 v51, v4;
	_ =	sdelay $0x1  }
0x2b7: {  	v2 =	vadd.f32 v3, v2;
	v3 =	vadd.f32 v4, v5;
	_ =	sdelay $0x1  }
0x2b8: {  	v2 =	vadd.f32 v3, v2;
	_ =	sdelay $0x1  }
0x2b9: {  	[tilespmem:s7+$0xFFFFFFF0] =	vst v2  }
0x2ba: {  	v2 =	vld [tilespmem:s8+$0x4A00]  }
0x2bb: {  	v3 =	vld [tilespmem:s8+$0x8A00]  }
0x2bc: {  	v4 =	vld [tilespmem:s8+$0x4A10]  }
0x2bd: {  	v5 =	vld [tilespmem:s8+$0x8A10]  }
0x2be: {  	v6 =	vld [tilespmem:s8+$0x4A20]  }
0x2bf: {  	v7 =	vld [tilespmem:s8+$0x8A20]  }
0x2c0: {  	v8 =	vld [tilespmem:s8+$0x4A30]  }
0x2c1: {  	v52 =	vld [tilespmem:s8+$0x8A30]  }
0x2c2: {  	v10 =	vld [tilespmem:s8+$0x4A40]  }
0x2c3: {  	v53 =	vld [tilespmem:s8+$0x8A40]  }
0x2c4: {  	v12 =	vld [tilespmem:s8+$0x4A50]  }
0x2c5: {  	v54 =	vld [tilespmem:s8+$0x8A50]  }
0x2c6: {  	v14 =	vld [tilespmem:s8+$0x4A60]  }
0x2c7: {  	v55 =	vld [tilespmem:s8+$0x8A60]  }
0x2c8: {  	v16 =	vld [tilespmem:s8+$0x4A70]  }
0x2c9: {  	v56 =	vld [tilespmem:s8+$0x8A70]  }
0x2ca: {  	v57 =	vld [tilespmem:s8+$0x4A80]  }
0x2cb: {  	v58 =	vld [tilespmem:s8+$0x8A80]  }
0x2cc: {  	v59 =	vld [tilespmem:s8+$0x4A90]  }
0x2cd: {  	v60 =	vld [tilespmem:s8+$0x8A90]  }
0x2ce: {  	v22 =	vld [tilespmem:s8+$0x4AA0]  }
0x2cf: {  	v61 =	vld [tilespmem:s8+$0x8AA0]  }
0x2d0: {  	v62 =	vld [tilespmem:s8+$0x4AB0]  }
0x2d1: {  	v63 =	vld [tilespmem:s8+$0x8AB0]  }
0x2d2: {  	v26 =	vld [tilespmem:s8+$0x4AC0]  }
0x2d3: {  	v27 =	vld [tilespmem:s8+$0x8AC0]  }
0x2d4: {  	v28 =	vld [tilespmem:s8+$0x4AD0]  }
0x2d5: {  	v29 =	vld [tilespmem:s8+$0x8AD0]  }
0x2d6: {  	v30 =	vld [tilespmem:s8+$0x4AE0]  }
0x2d7: {  	v31 =	vld [tilespmem:s8+$0x8AE0]  }
0x2d8: {  	v32 =	vld [tilespmem:s8+$0x4AF0]  }
0x2d9: {  	v33 =	vld [tilespmem:s8+$0x8AF0]  }
0x2da: {  	v34 =	vld [tilespmem:s8+$0x4B00]  }
0x2db: {  	v35 =	vld [tilespmem:s8+$0x8B00]  }
0x2dc: {  	v36 =	vld [tilespmem:s8+$0x4B10]  }
0x2dd: {  	v37 =	vld [tilespmem:s8+$0x8B10]  }
0x2de: {  	v38 =	vld [tilespmem:s8+$0x4B20]  }
0x2df: {  	v39 =	vld [tilespmem:s8+$0x8B20]  }
0x2e0: {  	v40 =	vld [tilespmem:s8+$0x4B30]  }
0x2e1: {  	v41 =	vld [tilespmem:s8+$0x8B30]  }
0x2e2: {  	v42 =	vld [tilespmem:s8+$0x4B40]  }
0x2e3: {  	v43 =	vld [tilespmem:s8+$0x8B40]  }
0x2e4: {  	v44 =	vld [tilespmem:s8+$0x4B50]  }
0x2e5: {  	v45 =	vld [tilespmem:s8+$0x8B50]  }
0x2e6: {  	v46 =	vld [tilespmem:s8+$0x4B60]  }
0x2e7: {  	v47 =	vld [tilespmem:s8+$0x8B60]  }
0x2e8: {  	v48 =	vld [tilespmem:s8+$0x4B70];
	v2 =	vmul.f32 v3, v2;
	v3 =	vmul.f32 v5, v4  }
0x2e9: {  	v49 =	vld [tilespmem:s8+$0x8B70];
	v51 =	vmul.f32 v7, v6;
	v52 =	vmul.f32 v52, v8  }
0x2ea: {  	v4 =	vld [tilespmem:s8+$0x4B80];
	v53 =	vmul.f32 v53, v10;
	v54 =	vmul.f32 v54, v12  }
0x2eb: {  	v7 =	vld [tilespmem:s8+$0x8B80];
	v55 =	vmul.f32 v55, v14;
	v56 =	vmul.f32 v56, v16  }
0x2ec: {  	v10 =	vld [tilespmem:s8+$0x4B90];
	v57 =	vmul.f32 v58, v57;
	v59 =	vmul.f32 v60, v59  }
0x2ed: {  	v12 =	vld [tilespmem:s8+$0x8B90];
	v61 =	vmul.f32 v61, v22;
	v62 =	vmul.f32 v63, v62  }
0x2ee: {  	v14 =	vld [tilespmem:s8+$0x4BA0];
	v27 =	vmul.f32 v27, v26;
	v28 =	vmul.f32 v29, v28  }
0x2ef: {  	v58 =	vld [tilespmem:s8+$0x8BA0];
	v30 =	vmul.f32 v31, v30;
	v32 =	vmul.f32 v33, v32  }
0x2f0: {  	v60 =	vld [tilespmem:s8+$0x4BB0];
	v35 =	vmul.f32 v35, v34;
	v36 =	vmul.f32 v37, v36  }
0x2f1: {  	v63 =	vld [tilespmem:s8+$0x8BB0];
	v39 =	vmul.f32 v39, v38;
	v2 =	vadd.f32 $0.0e+00, v2;
	v3 =	vadd.f32 $0.0e+00, v3  }
0x2f2: {  	v29 =	vld [tilespmem:s8+$0x4BC0];
	v40 =	vmul.f32 v41, v40;
	v5 =	vadd.f32 $0.0e+00, v51;
	v6 =	vadd.f32 $0.0e+00, v52  }
0x2f3: {  	v31 =	vld [tilespmem:s8+$0x8BC0];
	v50 =	vmul.f32 v43, v42;
	v2 =	vadd.f32 v53, v2;
	v3 =	vadd.f32 v54, v3  }
0x2f4: {  	v33 =	vld [tilespmem:s8+$0x4BD0];
	v52 =	vmul.f32 v45, v44;
	v5 =	vadd.f32 v55, v5;
	v6 =	vadd.f32 v56, v6  }
0x2f5: {  	v37 =	vld [tilespmem:s8+$0x8BD0];
	v54 =	vmul.f32 v47, v46;
	v2 =	vadd.f32 v57, v2;
	v3 =	vadd.f32 v59, v3  }
0x2f6: {  	v41 =	vld [tilespmem:s8+$0x4BE0];
	v55 =	vmul.f32 v49, v48;
	v5 =	vadd.f32 v61, v5;
	v6 =	vadd.f32 v62, v6  }
0x2f7: {  	v51 =	vld [tilespmem:s8+$0x8BE0];
	v4 =	vmul.f32 v7, v4;
	v2 =	vadd.f32 v27, v2;
	v3 =	vadd.f32 v28, v3  }
0x2f8: {  	v53 =	vld [tilespmem:s8+$0x4BF0];
	v58 =	vmul.f32 v58, v14;
	v5 =	vadd.f32 v30, v5;
	v6 =	vadd.f32 v32, v6  }
0x2f9: {  	v56 =	vld [tilespmem:s8+$0x8BF0];
	v57 =	vmul.f32 v12, v10;
	v2 =	vadd.f32 v35, v2;
	v3 =	vadd.f32 v36, v3  }
0x2fa: {  	v59 =	vmul.f32 v63, v60;
	v5 =	vadd.f32 v39, v5;
	v6 =	vadd.f32 v40, v6  }
0x2fb: {  	v60 =	vmul.f32 v31, v29;
	v2 =	vadd.f32 v50, v2;
	v3 =	vadd.f32 v52, v3  }
0x2fc: {  	v61 =	vmul.f32 v37, v33;
	v5 =	vadd.f32 v54, v5;
	v6 =	vadd.f32 v55, v6  }
0x2fd: {  	v62 =	vmul.f32 v51, v41;
	v2 =	vadd.f32 v4, v2;
	v3 =	vadd.f32 v57, v3  }
0x2fe: {  	v63 =	vmul.f32 v56, v53;
	v5 =	vadd.f32 v58, v5;
	v4 =	vadd.f32 v59, v6  }
0x2ff: {  	v2 =	vadd.f32 v60, v2;
	v3 =	vadd.f32 v61, v3  }
0x300: {  	v5 =	vadd.f32 v62, v5;
	v4 =	vadd.f32 v63, v4  }
0x301: {  	p1 =	sne.s32 s16, $0x7000  }
.Ltmp5:
0x302: {  	v2 =	vadd.f32 v3, v2;
	v3 =	vadd.f32 v4, v5;
	(pc) =	sbr.rel @p1 .LBB2_13-.Ltmp5, $3  }
0x303: {  	_ = 	snop  }
0x304: {  	v2 =	vadd.f32 v3, v2;
	_ =	sdelay $0x1  }
0x305: {  	s16 =	sadd.s32 $0x1000, s16;
	[tilespmem:s7+$0x0] =	vst v2;
	s7 =	sadd.s32 $0x20, s7  }
0x306: {  	s0 =	sand.u32 $0x70, s0  }
0x307: {  	s0 =	sadd.s32 s0, s14  }
0x308: {  	v2 =	vld [tilespmem:s0+$0x0];
	_ =	sdelay $0x1  }
0x309: {  	s31 =	sadd.s32 $0x1, s31  }
0x30a: {  	p1 =	sne.s32 s31, $0xA0  }
.Ltmp6:
0x30b: {  	_ = 	snop;
	(pc) =	sbr.rel @p1 .LBB2_10-.Ltmp6, $2  }
0x30c: {  	_ =	sdelay $0x2  }
0x30d: {  	[spmem:s1] =	stream.indirect_vreg.scatter.add.f32 [tilespmem:s20], [sflag:$0x6], $0x10, v2, vm0, $0xb8;
	[tilespmem:$0xF840] =	vst v63  }
0x30e: {  	_ =	swait.ge [sflag:s25], $0x100  }
0x30f: {  	[sflag:s25] =	ssyncset.done $0x0  }
0x310: {  	[sflag:s25] =	ssyncadd.s32 $0xFFFFFF00  }
0x311: {  	_ =	swait.ge [sflag:s29], $0x100  }
0x312: {  	[sflag:s29] =	ssyncset.done $0x0  }
0x313: {  	[sflag:s29] =	ssyncadd.s32 $0xFFFFFF00  }
0x314: {  	_ =	swait.ge [sflag:s23], $0x2000  }
0x315: {  	[sflag:s23] =	ssyncset.done $0x0  }
0x316: {  	[sflag:s23] =	ssyncadd.s32 $0xFFFFE000  }
0x317: {  	_ =	swait.ge [sflag:s24], $0x2000  }
0x318: {  	[sflag:s24] =	ssyncset.done $0x0  }
0x319: {  	s0 =	sshrl.u32 @!p0 s1, $0x3;
	s2 =	sadd.s32 $0x1, s2;
	[sflag:s24] =	ssyncadd.s32 $0xFFFFE000  }
0x31a: {  	s7 =	simm.s32 @!p0 $0x1C07;
	p1 =	sne.s32 s2, s13;
	[bflag:$0x0] =	sbarrier.arrive $0xFFFF  }
0x31b: {  	[hbm:s12], [sflag:s7] =	dma.local @!p0 [spmem:s0], $0x4E40  }
.Ltmp7:
0x31c: {  	_ = 	snop;
	(pc) =	sbr.rel @p1 .LBB2_1-.Ltmp7, $4  }
0x31d: {  	s0 =	simm.s32 @!p0 $0x7  }
0x31e: {  	_ =	swait.ge @!p0 [sflag:s0], $0x4E40  }
0x31f: {  	[sflag:s0] =	ssyncset.done @!p0 $0x0  }
0x320: {  	s9 =	simm.s32 $0x1400;
	[sflag:s0] =	ssyncadd.s32 @!p0 $0xFFFFB1C0  }
0x321: {  	_ =	sfence.sel $0x180000  }
0x322: {  	[bflag:$0x0] =	sbarrier.arrive $0xFFFF  }
0x323: {  	_ =	strace $0x9000004D  }
0x324: {  	[bflag:$0x2] =	sbarrier.arrive $0xFFFF  }
0x325: {  	s0 =	rddreg [dreg:$0x2]  }
0x326: {  	s0 =	sadd.s32 @!p0 $0x100000, s0  }
0x327: {  	[sflag:s0] =	ssyncadd.tile.s32 @!p0 $0x1;
	_ =	shalt  }
.Lfunc_end2:
_tile_overlayer_lowered:
.L_overlay_start_2:
0x328: {  	(tag) =	ssettag $0x2  }
0x329: {  	s0 =	rddreg [dreg:$0x0];
	s2 =	stileid.u32  }
0x32a: {  	s1 =	rddreg [dreg:$0x1];
	p0 =	sne.s32 s2, $0x0  }
0x32b: {  	s3 =	rddreg [dreg:$0x2];
	[bflag:$0x3] =	sbarrier.arrive $0xFFFF;
	s2 =	simm.s32 @!p0 $0x1C07  }
0x32c: {  	[timem:s3], [sflag:s2] =	dma.local @!p0 [hbm:s0], s1  }
0x32d: {  	s0 =	simm.s32 @!p0 $0x7  }
0x32e: {  	_ =	swait.ge @!p0 [sflag:s0], s1  }
0x32f: {  	s1 =	ssub.s32 @!p0 $0x0, s1;
	[sflag:s0] =	ssyncset.done @!p0 $0x0  }
0x330: {  	[sflag:s0] =	ssyncadd.s32 @!p0 s1  }
0x331: {  	[bflag:$0x3] =	sbarrier.arrive $0xFFFF  }
0x332: {  	_ =	shalt  }

// kernel: sparse-core-data-format-call.1.cloned.1.call-start
scs
called_computation.1_lowered:
.L_overlay_start_0:
0x0: {  	s2 =	sld [smem:$0x3FD9]  }
0x1: {  	s3 =	sld [smem:$0x3FFE];
	_ =	sdelay $0x1  }
0x2: {  	s1 =	srdreg.scid  }
0x3: {  	s0 =	sand.u32 $0x1, s1  }
0x4: {  	s18 =	sshll.u32 s0, $0xA;
	s2 =	sadd.s32 s3, s2  }
0x5: {  	s2 =	sadd.s32 s2, s18  }
0x6: {  	[smem:$0x3FB4] =	sst s2  }
0x7: {  	_ = 	snop  }
0x8: {  	(tm) =	ssettm $0x1  }
0x9: {  	s19 =	sld [smem:$0x3FFB];
	_ =	sdelay $0x3  }
0xa: {  	_ =	strace s19  }
0xb: {  	s2 =	sld [smem:$0x3FFC];
	_ =	sdelay $0x3  }
0xc: {  	_ =	strace s2  }
0xd: {  	s2 =	sld [smem:$0x3FFD];
	_ =	sdelay $0x3  }
0xe: {  	_ =	strace s2  }
0xf: {  	_ =	strace $0x8FFFFFFF  }
0x10: {  	s20 =	sld [smem:$0x3FDB];
	_ =	sdelay $0x1  }
0x11: {  	s21 =	simm.s32 $_scs_section_size  }
0x12: {  	s4 =	simm.s32 $_size__tile_overlayer_lowered;
	s5 =	simm.s32 $_tile_overlayer_lowered  }
0x13: {  	s6 =	simm.s32 $0x1BFF;
	s22 =	sshll.u32 s5, $0x1;
	s3 =	sadd.s32 s21, s20  }
0x14: {  	s23 =	simm.s32 $0x0;
	s4 =	sshll.u32 s4, $0x1;
	s5 =	sadd.s32 s22, s3  }
0x15: {  	[timem:s23], [sflag:s6] =	dma.local [hbm:s5], s4  }
0x16: {  	_ =	swait.ge [sflag:s6], s4  }
0x17: {  	s4 =	ssub.s32 $0x0, s4;
	[sflag:s6] =	ssyncset.done $0x0  }
0x18: {  	[sflag:s6] =	ssyncadd.s32 s4;
	_ =	sdelay $0x1  }
0x19: {  	s24 =	simm.s32 $0x1B8B  }
0x1a: {  	_ =	swait.ge [sflag:s24], $0x1  }
0x1b: {  	[sflag:s24] =	ssyncset.done $0x0  }
0x1c: {  	[sflag:s24] =	ssyncadd.s32 $0xFFFFFFFF  }
0x1d: {  	s4 =	sld [smem:$0x0]  }
0x1e: {  	s5 =	sand.u32 $0xFFFFFFFE, s1  }
0x1f: {  	p0 =	sne.s32 s1, s5  }
0x20: {  	s5 =	sshll.u32 @p0 s5, $0xE  }
0x21: {  	s5 =	sadd.s32 @p0 $0x11B8D, s5;
	s6 =	sshll.u32 @p0 s4, $0x11  }
0x22: {  	s5 =	sor.u32 @p0 s6, s5  }
0x23: {  	[sflag:s5] =	ssyncadd.remote.s32 @p0 $0x1;
	_ =	sdelay $0x1  }
0x24: {  	s5 =	simm.s32 @p0 $0x1B8D  }
0x25: {  	_ =	swait.eq @p0 [sflag:s5], $0x1  }
0x26: {  	[sflag:s5] =	ssyncadd.s32 @p0 $0xFFFFFFFF  }
0x27: {  	s6 =	sshll.u32 @!p0 s1, $0xE  }
0x28: {  	s6 =	sor.u32 @!p0 $0x4000, s6;
	s5 =	simm.s32 @!p0 $0x1B8D  }
0x29: {  	s4 =	sshll.u32 @!p0 s4, $0x11;
	s6 =	sadd.s32 @!p0 $0x11B8D, s6;
	_ =	swait.eq @!p0 [sflag:s5], $0x1  }
0x2a: {  	s4 =	sor.u32 @!p0 s4, s6;
	[sflag:s5] =	ssyncadd.s32 @!p0 $0xFFFFFFFF  }
0x2b: {  	s26 =	simm.s32 $0x1B8E;
	s25 =	sld [smem:$0x3FFE];
	[sflag:s4] =	ssyncadd.remote.s32 @!p0 $0x1  }
0x2c: {  	s27 =	simm.s32 $execute0_lowered;
	[smem:$0x3FD2] =	sst s26  }
0x2d: {  	s5 =	sshll.u32 s27, $0x1;
	_ =	strace $0x80000049;
	[dreg:$0x1] =	wrdreg $0xFFFFFFFF  }
0x2e: {  	s28 =	simm.s32 $_size_execute0_lowered;
	s3 =	sadd.s32 s3, s5;
	[dreg:$0x0] =	wrdreg $0x0  }
0x2f: {  	s5 =	sshll.u32 s28, $0x1;
	[dreg:$0x2] =	wrdreg s3  }
0x30: {  	[dreg:$0x3] =	wrdreg s5  }
0x31: {  	[dreg:$0x4] =	wrdreg $0xC0  }
0x32: {  	_ =	task [dreg:s23], $0x5FFFF  }
0x33: {  	[dreg:$0x1] =	wrdreg $0xFFFFFFFF  }
0x34: {  	[dreg:$0x0] =	wrdreg $0x60  }
0x35: {  	[dreg:$0x2] =	wrdreg s25  }
0x36: {  	[dreg:$0x3] =	wrdreg $0xA  }
0x37: {  	_ =	task.clear_ibuf [dreg:s23], $0x4FFFF;
	_ =	strace $0x90000049  }
0x38: {  	s29 =	simm.s32 $0xA;
	_ =	strace $0x8000004B  }
0x39: {  	_ =	swait.ge [sflag:s29], $0x1  }
0x3a: {  	[sflag:s29] =	ssyncadd.s32 $0xFFFFFFFF  }
0x3b: {  	_ =	strace $0x9000004B  }
0x3c: {  	_ =	sfence  }
0x3d: {  	s30 =	sld [smem:$0x0];
	_ =	sdelay $0x2  }
0x3e: {  	s31 =	sshll.u32 s1, $0xD;
	s1 =	sshrl.u32 s1, $0x2  }
0x3f: {  	s4 =	sand.u32 $0x4000, s31;
	s1 =	sadd.s32 s1, s30  }
0x40: {  	s0 =	sor.u32 s4, s0;
	s1 =	sshll.u32 s1, $0x11  }
0x41: {  	s0 =	sor.u32 s1, s0  }
0x42: {  	s0 =	sadd.s32 $0x8F2B, s0  }
0x43: {  	[sflag:s0] =	ssyncadd.remote.s32 $0x1  }
0x44: {  	_ =	sfence.sel $0xFFFF  }
0x45: {  	[dreg:$0x0] =	wrdreg $0xFFFFFFFF;
	(pc) =	sbr.abs _section_cstart, $3  }
0x46: {  	[dreg:$0x1] =	wrdreg $0xFFFFFFFF  }
0x47: {  	_ =	task.clear_ibuf [dreg:s23], $0x2FFFF;
	_ =	strace $0x9FFFFFFF  }
0x48: {  	(tm) =	ssettm $0x7FFFFFFF  }
0x49: {  	_ =	shalt  }
tec
execute0_lowered:
.L_overlay_start_1:
0x0: {  	(tag) =	ssettag $0x1  }
0x1: {  	s0 =	srdreg.scid;
	s4 =	rddreg [dreg:$0x0]  }
0x2: {  	s1 =	stileid.u32;
	s5 =	simm.s32 $0x1;
	s7 =	simm.s32 $0x2  }
0x3: {  	s8 =	simm.s32 $0x0;
	s9 =	simm.s32 $0x0;
	s2 =	sshll.u32 s0, $0x4  }
.Ltmp0:
0x4: {  	s12 =	simm.s32 $0x0;
	s3 =	sand.u32 $0x10, s2;
	(pc) =	sbr.rel .LBB1_1-.Ltmp0, $4  }
0x5: {  	s0 =	rddreg [dreg:$0x1];
	_ =	strace $0x8000004A;
	s3 =	sor.u32 s1, s3  }
0x6: {  	s11 =	simm.s32 $0x0;
	s2 =	sadd.s32 $0x3A9A00, s4;
	s6 =	ssub.s32 $0x501, s3  }
0x7: {  	s4 =	sadd.s32 $0x88BA00, s4;
	[sflag:s5] =	ssyncpa.u1 $0x0;
	s6 =	sshrl.u32 s6, $0x5  }
0x8: {  	[sflag:s7] =	ssyncpa.u1 $0x0;
	s10 =	smov.u32 s3;
	s7 =	sadd.s32 $0x1, s6  }
.LBB1_7:
0x9: {  	s14 =	sadd.s32 $0x20, s10  }
0xa: {  	p1 =	sgt.s32 s14, $0x4E1  }
0xb: {  	s14 =	smov.u32 @p1 s3;
	p1 =	sne.s32 s11, s7  }
.Ltmp1:
0xc: {  	p0 =	slt.u32 s11, $0x2;
	(pc) =	sbr.rel @!p1 .LBB1_8-.Ltmp1, $4  }
0xd: {  	s13 =	simm.s32 @!p0 $0x2  }
0xe: {  	s15 =	sadd.s32 $0x1, s11;
	_ =	swait.ge @!p0 [sflag:s13], $0x4000  }
0xf: {  	s12 =	smov.u32 s10;
	s9 =	sadd.s32 $0x4000, s9;
	[sflag:s13] =	ssyncset.done @!p0 $0x0  }
0x10: {  	s11 =	smov.u32 s15;
	s10 =	smov.u32 s14;
	[sflag:s13] =	ssyncadd.s32 @!p0 $0xFFFFC000  }
.LBB1_1:
0x11: {  	p0 =	sge.u32 s11, s6  }
0x12: {  	s13 =	sxor.u32 @!p0 $0xFFFFFFFF, s11  }
0x13: {  	s31 =	sadd.s32 $0xFFFFFFFF, s11;
	s14 =	sshll.u32 @!p0 s10, $0xB;
	s13 =	sshll.u32 @!p0 s13, $0xE  }
0x14: {  	s15 =	simm.s32 @!p0 $0x0;
	s14 =	sadd.s32 @!p0 s2, s14;
	s13 =	sand.u32 @!p0 $0x4000, s13  }
0x15: {  	[tilespmem:s13], [sflag:$0x1] =	stream.linear.gather @!p0 [hbm4b:s14+s15], $0x4000, $0x38;
	[tilespmem:$0x10000] =	vst v63  }
0x16: {  	p0 =	sge.u32 s31, s6  }
.Ltmp2:
0x17: {  	_ = 	snop;
	(pc) =	sbr.rel @p0 .LBB1_7-.Ltmp2, $1  }
0x18: {  	_ =	sdelay $0x3  }
0x19: {  	s14 =	sand.u32 $0x4000, s9  }
0x1a: {  	_ =	swait.ge [sflag:s5], $0x4000;
	s15 =	sshll.u32 s11, $0xE;
	s16 =	simm.s32 $0x0  }
0x1b: {  	s13 =	sor.u32 $0x8040, s14;
	[sflag:s5] =	ssyncset.done $0x0;
	s15 =	sand.u32 $0x4000, s15  }
0x1c: {  	s14 =	sor.u32 $0x40, s14;
	[sflag:s5] =	ssyncadd.s32 $0xFFFFC000;
	s15 =	sor.u32 $0x8000, s15  }
.LBB1_3:
0x1d: {  	v0 =	vmov s14;
	_ =	sdelay $0x3  }
0x1e: {  	s18 =	simm.s32 $0x0  }
0x1f: {  	v6 =	vld.idx.msk [tilespmem:v0+s18+$0x30 ss:$0x1], $0xffff  }
0x20: {  	v7 =	vld.idx.msk [tilespmem:v0+s18+$0xFFFFFFC0 ss:$0x1], $0xffff  }
0x21: {  	v5 =	vld.idx.msk [tilespmem:v0+s18+$0xFFFFFFD0 ss:$0x1], $0xffff  }
0x22: {  	v4 =	vld.idx.msk [tilespmem:v0+s18+$0xFFFFFFE0 ss:$0x1], $0xffff  }
0x23: {  	v3 =	vld.idx.msk [tilespmem:v0+s18+$0xFFFFFFF0 ss:$0x1], $0xffff  }
0x24: {  	v1 =	vld.idx.msk [tilespmem:v0+s18+$0x0 ss:$0x1], $0xffff  }
0x25: {  	v2 =	vld.idx.msk [tilespmem:v0+s18+$0x10 ss:$0x1], $0xffff;
	[tilespmem:s13+$0x30] =	vst v6  }
0x26: {  	s17 =	simm.s32 $0x80;
	s19 =	simm.s32 $0x400;
	[tilespmem:s13+$0xFFFFFFC0] =	vst v7;
	v6 =	vld.idx.msk [tilespmem:v0+s18+$0x20 ss:$0x1], $0xffff;
	s18 =	smov.u32 s13  }
.LBB1_4:
0x27: {  	p0 =	sne.s32 s19, $0xE00;
	v7 =	vld.idx.msk [tilespmem:v0+s17+$0x30 ss:$0x1], $0xffff;
	[tilespmem:s18+$0xFFFFFFD0] =	vst v5  }
0x28: {  	v8 =	vld.idx.msk [tilespmem:v0+s17+$0xFFFFFFC0 ss:$0x1], $0xffff;
	[tilespmem:s18+$0xFFFFFFE0] =	vst v4  }
0x29: {  	v5 =	vld.idx.msk [tilespmem:v0+s17+$0xFFFFFFD0 ss:$0x1], $0xffff;
	[tilespmem:s18+$0xFFFFFFF0] =	vst v3  }
.Ltmp3:
0x2a: {  	v4 =	vld.idx.msk [tilespmem:v0+s17+$0xFFFFFFE0 ss:$0x1], $0xffff;
	[tilespmem:s18+$0x0] =	vst v1;
	(pc) =	sbr.rel @p0 .LBB1_4-.Ltmp3, $4  }
0x2b: {  	v3 =	vld.idx.msk [tilespmem:v0+s17+$0xFFFFFFF0 ss:$0x1], $0xffff;
	[tilespmem:s18+$0x10] =	vst v2  }
0x2c: {  	v1 =	vld.idx.msk [tilespmem:v0+s17+$0x0 ss:$0x1], $0xffff;
	[tilespmem:s18+$0x20] =	vst v6;
	s18 =	sadd.s32 $0x800, s18  }
0x2d: {  	v2 =	vld.idx.msk [tilespmem:v0+s17+$0x10 ss:$0x1], $0xffff;
	[tilespmem:s18+$0x30] =	vst v7  }
0x2e: {  	[tilespmem:s18+$0xFFFFFFC0] =	vst v8;
	v6 =	vld.idx.msk [tilespmem:v0+s17+$0x20 ss:$0x1], $0xffff;
	s17 =	sshra.s32 s19, $0x2;
	s19 =	sadd.s32 $0x200, s19  }
0x2f: {  	_ =	sdelay $0x2  }
0x30: {  	[tilespmem:s18+$0xFFFFFFD0] =	vst v5  }
0x31: {  	v56 =	vld.idx.msk [tilespmem:v0+s17+$0x30 ss:$0x1], $0xffff;
	[tilespmem:s18+$0xFFFFFFE0] =	vst v4  }
0x32: {  	v57 =	vld.idx.msk [tilespmem:v0+s17+$0xFFFFFFC0 ss:$0x1], $0xffff;
	[tilespmem:s18+$0xFFFFFFF0] =	vst v3  }
0x33: {  	v58 =	vld.idx.msk [tilespmem:v0+s17+$0xFFFFFFD0 ss:$0x1], $0xffff;
	[tilespmem:s18+$0x0] =	vst v1  }
0x34: {  	v59 =	vld.idx.msk [tilespmem:v0+s17+$0xFFFFFFE0 ss:$0x1], $0xffff;
	[tilespmem:s18+$0x10] =	vst v2  }
0x35: {  	v60 =	vld.idx.msk [tilespmem:v0+s17+$0xFFFFFFF0 ss:$0x1], $0xffff;
	s31 =	sadd.s32 $0x800, s18;
	[tilespmem:s18+$0x20] =	vst v6  }
0x36: {  	v61 =	vld.idx.msk [tilespmem:v0+s17+$0x0 ss:$0x1], $0xffff;
	[tilespmem:s31+$0x30] =	vst v56  }
0x37: {  	v62 =	vld.idx.msk [tilespmem:v0+s17+$0x10 ss:$0x1], $0xffff;
	s16 =	sadd.s32 $0x1, s16;
	[tilespmem:s31+$0xFFFFFFC0] =	vst v57  }
0x38: {  	v63 =	vld.idx.msk [tilespmem:v0+s17+$0x20 ss:$0x1], $0xffff;
	p0 =	sne.s32 s16, $0x10;
	[tilespmem:s31+$0xFFFFFFD0] =	vst v58  }
.Ltmp4:
0x39: {  	[tilespmem:s31+$0xFFFFFFE0] =	vst v59;
	(pc) =	sbr.rel @p0 .LBB1_3-.Ltmp4, $4  }
0x3a: {  	[tilespmem:s31+$0xFFFFFFF0] =	vst v60  }
0x3b: {  	[tilespmem:s31+$0x0] =	vst v61  }
0x3c: {  	[tilespmem:s31+$0x10] =	vst v62  }
0x3d: {  	s13 =	sadd.s32 $0x80, s13;
	s14 =	sadd.s32 $0x400, s14;
	[tilespmem:s31+$0x20] =	vst v63  }
.Ltmp5:
0x3e: {  	(pc) =	sbr.rel .LBB1_7-.Ltmp5, $4  }
0x3f: {  	_ = 	snop  }
0x40: {  	s12 =	sshll.u32 s12, $0xB  }
0x41: {  	s12 =	sadd.s32 s4, s12  }
0x42: {  	[hbm4b:s12+s8] =	stream.linear.scatter [tilespmem:s15], [sflag:$0x2], $0x4000, $0x38;
	[tilespmem:$0x10000] =	vst v63  }
.LBB1_8:
0x43: {  	_ =	sfence.sel $0x180000  }
0x44: {  	s2 =	simm.s32 $0x1;
	[bflag:$0x0] =	sbarrier.arrive $0xFFFF  }
0x45: {  	s31 =	simm.s32 $0x2;
	[sflag:s2] =	ssyncpa.u1 $0x1  }
0x46: {  	[sflag:s31] =	ssyncpa.u1 $0x1  }
0x47: {  	p0 =	sne.s32 s1, $0x0;
	_ =	strace $0x9000004A  }
0x48: {  	s0 =	sadd.s32 @!p0 $0x100000, s0;
	[bflag:$0x2] =	sbarrier.arrive $0xFFFF  }
0x49: {  	[sflag:s0] =	ssyncadd.tile.s32 @!p0 $0x1;
	_ =	shalt  }
.Lfunc_end1:
_tile_overlayer_lowered:
.L_overlay_start_2:
0x4a: {  	(tag) =	ssettag $0x2  }
0x4b: {  	s0 =	rddreg [dreg:$0x0];
	s2 =	stileid.u32  }
0x4c: {  	s1 =	rddreg [dreg:$0x1];
	p0 =	sne.s32 s2, $0x0  }
0x4d: {  	s3 =	rddreg [dreg:$0x2];
	[bflag:$0x3] =	sbarrier.arrive $0xFFFF;
	s2 =	simm.s32 @!p0 $0x1C01  }
0x4e: {  	[timem:s3], [sflag:s2] =	dma.local @!p0 [hbm:s0], s1  }
0x4f: {  	s0 =	simm.s32 @!p0 $0x1  }
0x50: {  	_ =	swait.ge @!p0 [sflag:s0], s1  }
0x51: {  	s1 =	ssub.s32 @!p0 $0x0, s1;
	[sflag:s0] =	ssyncset.done @!p0 $0x0  }
0x52: {  	[sflag:s0] =	ssyncadd.s32 @!p0 s1  }
0x53: {  	[bflag:$0x3] =	sbarrier.arrive $0xFFFF  }
0x54: {  	_ =	shalt  }

// kernel: sparse-core-data-format-call.cloned.1.call-start
scs
called_computation_lowered:
.L_overlay_start_0:
0x0: {  	s1 =	sld [smem:$0x3FD9]  }
0x1: {  	s2 =	sld [smem:$0x3FFE];
	_ =	sdelay $0x1  }
0x2: {  	s3 =	srdreg.scid  }
0x3: {  	s0 =	sand.u32 $0x1, s3  }
0x4: {  	s17 =	sshll.u32 s0, $0xA;
	s1 =	sadd.s32 s2, s1  }
0x5: {  	s1 =	sadd.s32 s1, s17  }
0x6: {  	[smem:$0x3FB4] =	sst s1  }
0x7: {  	_ = 	snop  }
0x8: {  	(tm) =	ssettm $0x1  }
0x9: {  	s18 =	sld [smem:$0x3FFB];
	_ =	sdelay $0x3  }
0xa: {  	_ =	strace s18  }
0xb: {  	s1 =	sld [smem:$0x3FFC];
	_ =	sdelay $0x3  }
0xc: {  	_ =	strace s1  }
0xd: {  	s1 =	sld [smem:$0x3FFD];
	_ =	sdelay $0x3  }
0xe: {  	_ =	strace s1  }
0xf: {  	_ =	strace $0x8FFFFFFF  }
0x10: {  	s19 =	sld [smem:$0x3FDB];
	_ =	sdelay $0x1  }
0x11: {  	s20 =	simm.s32 $_scs_section_size  }
0x12: {  	s4 =	simm.s32 $_size__tile_overlayer_lowered;
	s5 =	simm.s32 $_tile_overlayer_lowered  }
0x13: {  	s23 =	simm.s32 $0x1BFF;
	s22 =	sshll.u32 s5, $0x1;
	s1 =	sadd.s32 s20, s19  }
0x14: {  	s6 =	simm.s32 $0x0;
	s21 =	sshll.u32 s4, $0x1;
	s4 =	sadd.s32 s22, s1  }
0x15: {  	[timem:s6], [sflag:s23] =	dma.local [hbm:s4], s21  }
0x16: {  	_ =	swait.ge [sflag:s23], s21  }
0x17: {  	s2 =	ssub.s32 $0x0, s21;
	[sflag:s23] =	ssyncset.done $0x0  }
0x18: {  	[sflag:s23] =	ssyncadd.s32 s2;
	_ =	sdelay $0x1  }
0x19: {  	s24 =	simm.s32 $0x1B8B  }
0x1a: {  	_ =	swait.ge [sflag:s24], $0x1  }
0x1b: {  	[sflag:s24] =	ssyncset.done $0x0  }
0x1c: {  	s26 =	simm.s32 $0x1B8E;
	s25 =	sld [smem:$0x3FFE];
	[sflag:s24] =	ssyncadd.s32 $0xFFFFFFFF  }
0x1d: {  	s27 =	simm.s32 $execute0_lowered;
	[smem:$0x3FD2] =	sst s26  }
0x1e: {  	s4 =	sshll.u32 s27, $0x1;
	_ =	strace $0x80000046;
	[dreg:$0x1] =	wrdreg $0xFFFFFFFF  }
0x1f: {  	s28 =	simm.s32 $_size_execute0_lowered;
	s1 =	sadd.s32 s1, s4;
	[dreg:$0x0] =	wrdreg $0x0  }
0x20: {  	s4 =	sshll.u32 s28, $0x1;
	[dreg:$0x2] =	wrdreg s1  }
0x21: {  	[dreg:$0x3] =	wrdreg s4  }
0x22: {  	[dreg:$0x4] =	wrdreg $0xC0  }
0x23: {  	_ =	task [dreg:s6], $0x5FFFF  }
0x24: {  	[dreg:$0x1] =	wrdreg $0xFFFFFFFF  }
0x25: {  	[dreg:$0x0] =	wrdreg $0x60  }
0x26: {  	[dreg:$0x2] =	wrdreg s25  }
0x27: {  	[dreg:$0x3] =	wrdreg $0x9  }
0x28: {  	_ =	task.clear_ibuf [dreg:s6], $0x4FFFF;
	_ =	strace $0x90000046  }
0x29: {  	s29 =	simm.s32 $0x9;
	_ =	strace $0x80000048  }
0x2a: {  	_ =	swait.ge [sflag:s29], $0x1  }
0x2b: {  	[sflag:s29] =	ssyncadd.s32 $0xFFFFFFFF  }
0x2c: {  	_ =	strace $0x90000048  }
0x2d: {  	_ =	sfence  }
0x2e: {  	s30 =	sld [smem:$0x0];
	_ =	sdelay $0x2  }
0x2f: {  	s31 =	sshll.u32 s3, $0xD;
	s3 =	sshrl.u32 s3, $0x2  }
0x30: {  	s2 =	sand.u32 $0x4000, s31;
	s1 =	sadd.s32 s3, s30  }
0x31: {  	s0 =	sor.u32 s2, s0;
	s1 =	sshll.u32 s1, $0x11  }
0x32: {  	s0 =	sor.u32 s1, s0  }
0x33: {  	s0 =	sadd.s32 $0x8F2B, s0  }
0x34: {  	[sflag:s0] =	ssyncadd.remote.s32 $0x1  }
0x35: {  	_ =	sfence.sel $0xFFFF  }
0x36: {  	[dreg:$0x0] =	wrdreg $0xFFFFFFFF;
	(pc) =	sbr.abs _section_cstart, $3  }
0x37: {  	[dreg:$0x1] =	wrdreg $0xFFFFFFFF  }
0x38: {  	_ =	task.clear_ibuf [dreg:s6], $0x2FFFF;
	_ =	strace $0x9FFFFFFF  }
0x39: {  	(tm) =	ssettm $0x7FFFFFFF  }
tec
execute0_lowered:
.L_overlay_start_1:
0x0: {  	(tag) =	ssettag $0x1  }
0x1: {  	s0 =	srdreg.scid;
	s4 =	rddreg [dreg:$0x0]  }
0x2: {  	s1 =	stileid.u32;
	s5 =	simm.s32 $0x1;
	s7 =	simm.s32 $0x2  }
0x3: {  	s8 =	simm.s32 $0x0;
	s9 =	simm.s32 $0x0;
	s2 =	sshll.u32 s0, $0x4  }
.Ltmp0:
0x4: {  	s12 =	simm.s32 $0x0;
	s3 =	sand.u32 $0x10, s2;
	(pc) =	sbr.rel .LBB1_1-.Ltmp0, $4  }
0x5: {  	s0 =	rddreg [dreg:$0x1];
	_ =	strace $0x80000047;
	s3 =	sor.u32 s1, s3  }
0x6: {  	s11 =	simm.s32 $0x0;
	s2 =	sadd.s32 $0x138A00, s4;
	s6 =	ssub.s32 $0x501, s3  }
0x7: {  	s4 =	sadd.s32 $0x61AA00, s4;
	[sflag:s5] =	ssyncpa.u1 $0x0;
	s6 =	sshrl.u32 s6, $0x5  }
0x8: {  	[sflag:s7] =	ssyncpa.u1 $0x0;
	s10 =	smov.u32 s3;
	s7 =	sadd.s32 $0x1, s6  }
.LBB1_7:
0x9: {  	s14 =	sadd.s32 $0x20, s10  }
0xa: {  	p1 =	sgt.s32 s14, $0x4E1  }
0xb: {  	s14 =	smov.u32 @p1 s3;
	p1 =	sne.s32 s11, s7  }
.Ltmp1:
0xc: {  	p0 =	slt.u32 s11, $0x2;
	(pc) =	sbr.rel @!p1 .LBB1_8-.Ltmp1, $4  }
0xd: {  	s13 =	simm.s32 @!p0 $0x2  }
0xe: {  	s15 =	sadd.s32 $0x1, s11;
	_ =	swait.ge @!p0 [sflag:s13], $0x4000  }
0xf: {  	s12 =	smov.u32 s10;
	s9 =	sadd.s32 $0x4000, s9;
	[sflag:s13] =	ssyncset.done @!p0 $0x0  }
0x10: {  	s11 =	smov.u32 s15;
	s10 =	smov.u32 s14;
	[sflag:s13] =	ssyncadd.s32 @!p0 $0xFFFFC000  }
.LBB1_1:
0x11: {  	p0 =	sge.u32 s11, s6  }
0x12: {  	s13 =	sxor.u32 @!p0 $0xFFFFFFFF, s11  }
0x13: {  	s31 =	sadd.s32 $0xFFFFFFFF, s11;
	s14 =	sshll.u32 @!p0 s10, $0xB;
	s13 =	sshll.u32 @!p0 s13, $0xE  }
0x14: {  	s15 =	simm.s32 @!p0 $0x0;
	s14 =	sadd.s32 @!p0 s2, s14;
	s13 =	sand.u32 @!p0 $0x4000, s13  }
0x15: {  	[tilespmem:s13], [sflag:$0x1] =	stream.linear.gather @!p0 [hbm4b:s14+s15], $0x4000, $0x38;
	[tilespmem:$0x10000] =	vst v63  }
0x16: {  	p0 =	sge.u32 s31, s6  }
.Ltmp2:
0x17: {  	_ = 	snop;
	(pc) =	sbr.rel @p0 .LBB1_7-.Ltmp2, $1  }
0x18: {  	_ =	sdelay $0x3  }
0x19: {  	s14 =	sand.u32 $0x4000, s9  }
0x1a: {  	_ =	swait.ge [sflag:s5], $0x4000;
	s15 =	sshll.u32 s11, $0xE;
	s16 =	simm.s32 $0x0  }
0x1b: {  	s13 =	sor.u32 $0x8040, s14;
	[sflag:s5] =	ssyncset.done $0x0;
	s15 =	sand.u32 $0x4000, s15  }
0x1c: {  	s14 =	sor.u32 $0x40, s14;
	[sflag:s5] =	ssyncadd.s32 $0xFFFFC000;
	s15 =	sor.u32 $0x8000, s15  }
.LBB1_3:
0x1d: {  	v0 =	vmov s14;
	_ =	sdelay $0x3  }
0x1e: {  	s18 =	simm.s32 $0x0  }
0x1f: {  	v6 =	vld.idx.msk [tilespmem:v0+s18+$0x30 ss:$0x1], $0xffff  }
0x20: {  	v7 =	vld.idx.msk [tilespmem:v0+s18+$0xFFFFFFC0 ss:$0x1], $0xffff  }
0x21: {  	v5 =	vld.idx.msk [tilespmem:v0+s18+$0xFFFFFFD0 ss:$0x1], $0xffff  }
0x22: {  	v4 =	vld.idx.msk [tilespmem:v0+s18+$0xFFFFFFE0 ss:$0x1], $0xffff  }
0x23: {  	v3 =	vld.idx.msk [tilespmem:v0+s18+$0xFFFFFFF0 ss:$0x1], $0xffff  }
0x24: {  	v1 =	vld.idx.msk [tilespmem:v0+s18+$0x0 ss:$0x1], $0xffff  }
0x25: {  	v2 =	vld.idx.msk [tilespmem:v0+s18+$0x10 ss:$0x1], $0xffff;
	[tilespmem:s13+$0x30] =	vst v6  }
0x26: {  	s17 =	simm.s32 $0x80;
	s19 =	simm.s32 $0x400;
	[tilespmem:s13+$0xFFFFFFC0] =	vst v7;
	v6 =	vld.idx.msk [tilespmem:v0+s18+$0x20 ss:$0x1], $0xffff;
	s18 =	smov.u32 s13  }
.LBB1_4:
0x27: {  	p0 =	sne.s32 s19, $0xE00;
	v7 =	vld.idx.msk [tilespmem:v0+s17+$0x30 ss:$0x1], $0xffff;
	[tilespmem:s18+$0xFFFFFFD0] =	vst v5  }
0x28: {  	v8 =	vld.idx.msk [tilespmem:v0+s17+$0xFFFFFFC0 ss:$0x1], $0xffff;
	[tilespmem:s18+$0xFFFFFFE0] =	vst v4  }
0x29: {  	v5 =	vld.idx.msk [tilespmem:v0+s17+$0xFFFFFFD0 ss:$0x1], $0xffff;
	[tilespmem:s18+$0xFFFFFFF0] =	vst v3  }
.Ltmp3:
0x2a: {  	v4 =	vld.idx.msk [tilespmem:v0+s17+$0xFFFFFFE0 ss:$0x1], $0xffff;
	[tilespmem:s18+$0x0] =	vst v1;
	(pc) =	sbr.rel @p0 .LBB1_4-.Ltmp3, $4  }
0x2b: {  	v3 =	vld.idx.msk [tilespmem:v0+s17+$0xFFFFFFF0 ss:$0x1], $0xffff;
	[tilespmem:s18+$0x10] =	vst v2  }
0x2c: {  	v1 =	vld.idx.msk [tilespmem:v0+s17+$0x0 ss:$0x1], $0xffff;
	[tilespmem:s18+$0x20] =	vst v6;
	s18 =	sadd.s32 $0x800, s18  }
0x2d: {  	v2 =	vld.idx.msk [tilespmem:v0+s17+$0x10 ss:$0x1], $0xffff;
	[tilespmem:s18+$0x30] =	vst v7  }
0x2e: {  	[tilespmem:s18+$0xFFFFFFC0] =	vst v8;
	v6 =	vld.idx.msk [tilespmem:v0+s17+$0x20 ss:$0x1], $0xffff;
	s17 =	sshra.s32 s19, $0x2;
	s19 =	sadd.s32 $0x200, s19  }
0x2f: {  	_ =	sdelay $0x2  }
0x30: {  	[tilespmem:s18+$0xFFFFFFD0] =	vst v5  }
0x31: {  	v56 =	vld.idx.msk [tilespmem:v0+s17+$0x30 ss:$0x1], $0xffff;
	[tilespmem:s18+$0xFFFFFFE0] =	vst v4  }
0x32: {  	v57 =	vld.idx.msk [tilespmem:v0+s17+$0xFFFFFFC0 ss:$0x1], $0xffff;
	[tilespmem:s18+$0xFFFFFFF0] =	vst v3  }
0x33: {  	v58 =	vld.idx.msk [tilespmem:v0+s17+$0xFFFFFFD0 ss:$0x1], $0xffff;
	[tilespmem:s18+$0x0] =	vst v1  }
0x34: {  	v59 =	vld.idx.msk [tilespmem:v0+s17+$0xFFFFFFE0 ss:$0x1], $0xffff;
	[tilespmem:s18+$0x10] =	vst v2  }
0x35: {  	v60 =	vld.idx.msk [tilespmem:v0+s17+$0xFFFFFFF0 ss:$0x1], $0xffff;
	s31 =	sadd.s32 $0x800, s18;
	[tilespmem:s18+$0x20] =	vst v6  }
0x36: {  	v61 =	vld.idx.msk [tilespmem:v0+s17+$0x0 ss:$0x1], $0xffff;
	[tilespmem:s31+$0x30] =	vst v56  }
0x37: {  	v62 =	vld.idx.msk [tilespmem:v0+s17+$0x10 ss:$0x1], $0xffff;
	s16 =	sadd.s32 $0x1, s16;
	[tilespmem:s31+$0xFFFFFFC0] =	vst v57  }
0x38: {  	v63 =	vld.idx.msk [tilespmem:v0+s17+$0x20 ss:$0x1], $0xffff;
	p0 =	sne.s32 s16, $0x10;
	[tilespmem:s31+$0xFFFFFFD0] =	vst v58  }
.Ltmp4:
0x39: {  	[tilespmem:s31+$0xFFFFFFE0] =	vst v59;
	(pc) =	sbr.rel @p0 .LBB1_3-.Ltmp4, $4  }
0x3a: {  	[tilespmem:s31+$0xFFFFFFF0] =	vst v60  }
0x3b: {  	[tilespmem:s31+$0x0] =	vst v61  }
0x3c: {  	[tilespmem:s31+$0x10] =	vst v62  }
0x3d: {  	s13 =	sadd.s32 $0x80, s13;
	s14 =	sadd.s32 $0x400, s14;
	[tilespmem:s31+$0x20] =	vst v63  }
.Ltmp5:
0x3e: {  	(pc) =	sbr.rel .LBB1_7-.Ltmp5, $4  }
0x3f: {  	_ = 	snop  }
0x40: {  	s12 =	sshll.u32 s12, $0xB  }
0x41: {  	s12 =	sadd.s32 s4, s12  }
0x42: {  	[hbm4b:s12+s8] =	stream.linear.scatter [tilespmem:s15], [sflag:$0x2], $0x4000, $0x38;
	[tilespmem:$0x10000] =	vst v63  }
.LBB1_8:
0x43: {  	_ =	sfence.sel $0x180000  }
0x44: {  	s2 =	simm.s32 $0x1;
	[bflag:$0x0] =	sbarrier.arrive $0xFFFF  }
0x45: {  	s31 =	simm.s32 $0x2;
	[sflag:s2] =	ssyncpa.u1 $0x1  }
0x46: {  	[sflag:s31] =	ssyncpa.u1 $0x1  }
0x47: {  	p0 =	sne.s32 s1, $0x0;
	_ =	strace $0x90000047  }
0x48: {  	s0 =	sadd.s32 @!p0 $0x100000, s0;
	[bflag:$0x2] =	sbarrier.arrive $0xFFFF  }
0x49: {  	[sflag:s0] =	ssyncadd.tile.s32 @!p0 $0x1;
	_ =	shalt  }
.Lfunc_end1:
_tile_overlayer_lowered:
.L_overlay_start_2:
0x4a: {  	(tag) =	ssettag $0x2  }
0x4b: {  	s0 =	rddreg [dreg:$0x0];
	s2 =	stileid.u32  }
0x4c: {  	s1 =	rddreg [dreg:$0x1];
	p0 =	sne.s32 s2, $0x0  }
0x4d: {  	s3 =	rddreg [dreg:$0x2];
	[bflag:$0x3] =	sbarrier.arrive $0xFFFF;
	s2 =	simm.s32 @!p0 $0x1C01  }
0x4e: {  	[timem:s3], [sflag:s2] =	dma.local @!p0 [hbm:s0], s1  }
0x4f: {  	s0 =	simm.s32 @!p0 $0x1  }
0x50: {  	_ =	swait.ge @!p0 [sflag:s0], s1  }
0x51: {  	s1 =	ssub.s32 @!p0 $0x0, s1;
	[sflag:s0] =	ssyncset.done @!p0 $0x0  }
0x52: {  	[sflag:s0] =	ssyncadd.s32 @!p0 s1  }
0x53: {  	[bflag:$0x3] =	sbarrier.arrive $0xFFFF  }
0x54: {  	_ =	shalt  }

</sc_bundles>
